<compile_context>
chip_gen: v7x
topology: tpu7x:2x2x1
jax: 0.10.2.dev20260603
libtpu: 0.0.44.dev20260713+nightly
codegen_flags: <defaults>
</compile_context>

<pallas_src>
import functools

import jax
import jax.numpy as jnp
from jax import lax
from jax.experimental import pallas as pl
from jax.experimental.pallas import tpu as pltpu
from jax.experimental.pallas import tpu_sc as plsc

N = 10000
D = 256
H = 256
C = 64
E = 160000

NC = 2
NS = 16
EB = 128
E_PAD = 163840
NB32 = E_PAD // (NC * NS) // EB
NB16 = E_PAD // NS // EB
ACCR = 10112
ZSTRIPE = ACCR // NS
DSTRIPE = 624
BN = 1000
KB = 2

@functools.lru_cache(maxsize=1)
def _mesh():
    return plsc.VectorSubcoreMesh(core_axis_name="c", subcore_axis_name="s",
                                  num_cores=NC, num_subcores=NS)
_F32 = jnp.float32


def _dot(a, b):
    return lax.dot_general(a, b, (((1,), (0,)), ((), ())),
                           preferred_element_type=_F32)



def _fill_buf(buf, nrows, width, value):
    v = jnp.full((16,), value, _F32)

    @pl.loop(0, nrows)
    def _(i):
        for k in range(width // 16):
            buf[i, pl.ds(k * 16, 16)] = v


def _zero_stripe(buf, acc, s):
    base = s * ZSTRIPE
    for b in range(ZSTRIPE // 128):
        pltpu.sync_copy(buf, acc.at[pl.ds(base + b * 128, 128)])
    rem = ZSTRIPE % 128
    if rem:
        pltpu.sync_copy(buf.at[pl.ds(0, rem)],
                        acc.at[pl.ds(base + (ZSTRIPE // 128) * 128, rem)])


def _drain(acc, out_h, c, s):
    pltpu.sync_copy(acc.at[pl.ds(s * DSTRIPE, DSTRIPE)],
                    out_h.at[pl.ds(c * N + s * DSTRIPE, DSTRIPE)])
    tail = N - NS * DSTRIPE

    @pl.when(s == NS - 1)
    def _():
        pltpu.sync_copy(acc.at[pl.ds(NS * DSTRIPE, tail)],
                        out_h.at[pl.ds(c * N + NS * DSTRIPE, tail)])


def _sc_degree(dstf):
    out_t = jax.ShapeDtypeStruct((2 * N, 128), _F32)

    @functools.partial(
        pl.kernel, out_type=out_t, mesh=_mesh(),
        scratch_types=[
            pltpu.VMEM((NB32, EB), jnp.int32),
            pltpu.VMEM((128, 128), _F32),
            pltpu.VMEM_SHARED((ACCR, 128), _F32),
            pltpu.SemaphoreType.DMA,
        ],
    )
    def k(dst_h, out_h, dstv, buf, acc, sem):
        c = lax.axis_index("c")
        s = lax.axis_index("s")
        gid = c * NS + s
        pltpu.sync_copy(dst_h.at[pl.ds(gid * NB32, NB32)], dstv)
        _fill_buf(buf, 128, 128, 0.0)
        _zero_stripe(buf, acc, s)
        _fill_buf(buf, 128, 128, 1.0)
        plsc.subcore_barrier()

        @pl.loop(0, NB32)
        def _(j):
            pltpu.async_copy(buf, acc.at[dstv.at[j]], sem, add=True)

        @pl.loop(0, NB32)
        def _(j):
            pltpu.make_async_copy(buf, acc.at[dstv.at[0]], sem).wait()

        plsc.subcore_barrier()
        _drain(acc, out_h, c, s)

    return k(dstf)


def _pipelined_propagate(z_h, acc, srcv, dstv, bufs, gs, ss, nb):
    for b in range(KB):
        pltpu.async_copy(z_h.at[srcv.at[b]], bufs[b], gs[b])

    @pl.loop(0, nb // KB - 1)
    def _(r):
        j0 = r * KB
        for b in range(KB):
            pltpu.make_async_copy(z_h.at[srcv.at[j0 + b]], bufs[b], gs[b]).wait()
            pltpu.async_copy(bufs[b], acc.at[dstv.at[j0 + b]], ss[b], add=True)
        for b in range(KB):
            pltpu.make_async_copy(bufs[b], acc.at[dstv.at[j0 + b]], ss[b]).wait()
            pltpu.async_copy(z_h.at[srcv.at[j0 + KB + b]], bufs[b], gs[b])

    for b in range(KB):
        j = nb - KB + b
        pltpu.make_async_copy(z_h.at[srcv.at[j]], bufs[b], gs[b]).wait()
        pltpu.async_copy(bufs[b], acc.at[dstv.at[j]], ss[b], add=True)
    for b in range(KB):
        j = nb - KB + b
        pltpu.make_async_copy(bufs[b], acc.at[dstv.at[j]], ss[b]).wait()


def _sc_prop256(src2f, dstf, z):
    out_t = jax.ShapeDtypeStruct((2 * N, 128), _F32)

    @functools.partial(
        pl.kernel, out_type=out_t, mesh=_mesh(),
        scratch_types=(
            [pltpu.VMEM((NB16 // 2, EB), jnp.int32),
             pltpu.VMEM((NB16 // 2, EB), jnp.int32)]
            + [pltpu.VMEM((EB, 128), _F32)] * KB
            + [pltpu.VMEM_SHARED((ACCR, 128), _F32)]
            + [pltpu.SemaphoreType.DMA] * (2 * KB)
        ),
    )
    def k(src_h, dst_h, z_h, out_h, srcv, dstv, *rest):
        bufs, acc, gs, ss = rest[:KB], rest[KB], rest[KB + 1:KB + 1 + KB], rest[KB + 1 + KB:]
        c = lax.axis_index("c")
        s = lax.axis_index("s")
        nrow = E_PAD // EB
        hb = NB16 // 2
        _fill_buf(bufs[0], EB, 128, 0.0)
        _zero_stripe(bufs[0], acc, s)
        plsc.subcore_barrier()
        for h in range(2):
            pltpu.sync_copy(src_h.at[pl.ds(c * nrow + s * NB16 + h * hb, hb)], srcv)
            pltpu.sync_copy(dst_h.at[pl.ds(s * NB16 + h * hb, hb)], dstv)
            _pipelined_propagate(z_h, acc, srcv, dstv, bufs, gs, ss, hb)
        plsc.subcore_barrier()
        _drain(acc, out_h, c, s)

    return k(src2f, dstf, z)


def _sc_prop64(srcf, dstf, z2):
    out_t = jax.ShapeDtypeStruct((2 * N, 128), _F32)

    @functools.partial(
        pl.kernel, out_type=out_t, mesh=_mesh(),
        scratch_types=(
            [pltpu.VMEM((NB32, EB), jnp.int32),
             pltpu.VMEM((NB32, EB), jnp.int32)]
            + [pltpu.VMEM((EB, 128), _F32)] * KB
            + [pltpu.VMEM_SHARED((ACCR, 128), _F32)]
            + [pltpu.SemaphoreType.DMA] * (2 * KB)
        ),
    )
    def k(src_h, dst_h, z_h, out_h, srcv, dstv, *rest):
        bufs, acc, gs, ss = rest[:KB], rest[KB], rest[KB + 1:KB + 1 + KB], rest[KB + 1 + KB:]
        c = lax.axis_index("c")
        s = lax.axis_index("s")
        gid = c * NS + s
        pltpu.sync_copy(src_h.at[pl.ds(gid * NB32, NB32)], srcv)
        pltpu.sync_copy(dst_h.at[pl.ds(gid * NB32, NB32)], dstv)
        _fill_buf(bufs[0], EB, 128, 0.0)
        _zero_stripe(bufs[0], acc, s)
        plsc.subcore_barrier()
        _pipelined_propagate(z_h, acc, srcv, dstv, bufs, gs, ss, NB32)
        plsc.subcore_barrier()
        _drain(acc, out_h, c, s)

    return k(srcf, dstf, z2)



def _tc_xw0(x, W0):
    def body(x_b, w_b, o_b):
        o_b[...] = _dot(x_b[...], w_b[...])

    return pl.pallas_call(
        body,
        grid=(N // BN, 2),
        in_specs=[
            pl.BlockSpec((BN, D), lambda i, h: (i, 0)),
            pl.BlockSpec((D, 128), lambda i, h: (0, h)),
        ],
        out_specs=pl.BlockSpec((BN, 128), lambda i, h: (h * (N // BN) + i, 0)),
        out_shape=jax.ShapeDtypeStruct((2 * N, 128), _F32),
    )(x, W0)


def _tc_scale0(h0, hist):
    def body(h_b, ha_b, hb_b, z_b, dv_b):
        dv = lax.rsqrt(ha_b[...] + hb_b[...] + 1.0)
        z_b[...] = h_b[...] * dv[:, 0:1]
        dv_b[...] = dv[:, :16]

    return pl.pallas_call(
        body,
        grid=(N // BN, 2),
        in_specs=[
            pl.BlockSpec((BN, 128), lambda i, h: (h * (N // BN) + i, 0)),
            pl.BlockSpec((BN, 128), lambda i, h: (i, 0)),
            pl.BlockSpec((BN, 128), lambda i, h: (N // BN + i, 0)),
        ],
        out_specs=[
            pl.BlockSpec((BN, 128), lambda i, h: (h * (N // BN) + i, 0)),
            pl.BlockSpec((BN, 16), lambda i, h: (i, 0)),
        ],
        out_shape=[
            jax.ShapeDtypeStruct((2 * N, 128), _F32),
            jax.ShapeDtypeStruct((N, 16), _F32),
        ],
    )(h0, hist, hist)


def _tc_mid(acc0, z0, dinv, bR, W):
    def body(aA, aB, zA, zB, dv_b, bA, bB, wA, wB, out_b):
        dv = dv_b[...][:, 0:1]
        hA = jnp.maximum(dv * (aA[...] + zA[...]) + bA[0], 0.0)
        hB = jnp.maximum(dv * (aB[...] + zB[...]) + bB[0], 0.0)
        out_b[...] = (_dot(hA, wA[...]) + _dot(hB, wB[...])) * dv

    nb = N // BN
    return pl.pallas_call(
        body,
        grid=(nb, 2),
        in_specs=[
            pl.BlockSpec((BN, 128), lambda i, h: (i, 0)),
            pl.BlockSpec((BN, 128), lambda i, h: (nb + i, 0)),
            pl.BlockSpec((BN, 128), lambda i, h: (i, 0)),
            pl.BlockSpec((BN, 128), lambda i, h: (nb + i, 0)),
            pl.BlockSpec((BN, 16), lambda i, h: (i, 0)),
            pl.BlockSpec((1, 1, 128), lambda i, h: (0, 0, 0)),
            pl.BlockSpec((1, 1, 128), lambda i, h: (1, 0, 0)),
            pl.BlockSpec((128, 128), lambda i, h: (0, h)),
            pl.BlockSpec((128, 128), lambda i, h: (1, h)),
        ],
        out_specs=pl.BlockSpec((BN, 128), lambda i, h: (h * nb + i, 0)),
        out_shape=jax.ShapeDtypeStruct((2 * N, 128), _F32),
    )(acc0, acc0, z0, z0, dinv, bR, bR, W, W)


def _tc_final_lin(acc1, z1, dinv, bR, W2p):
    def body(aA, aB, zA, zB, dv_b, bA, bB, wA, wB, out_b):
        dv = dv_b[...][:, 0:1]
        hA = jnp.maximum(dv * (aA[...] + zA[...]) + bA[0], 0.0)
        hB = jnp.maximum(dv * (aB[...] + zB[...]) + bB[0], 0.0)
        out_b[...] = (_dot(hA, wA[...]) + _dot(hB, wB[...])) * dv

    nb = N // BN
    return pl.pallas_call(
        body,
        grid=(nb,),
        in_specs=[
            pl.BlockSpec((BN, 128), lambda i: (i, 0)),
            pl.BlockSpec((BN, 128), lambda i: (nb + i, 0)),
            pl.BlockSpec((BN, 128), lambda i: (i, 0)),
            pl.BlockSpec((BN, 128), lambda i: (nb + i, 0)),
            pl.BlockSpec((BN, 16), lambda i: (i, 0)),
            pl.BlockSpec((1, 1, 128), lambda i: (0, 0, 0)),
            pl.BlockSpec((1, 1, 128), lambda i: (1, 0, 0)),
            pl.BlockSpec((128, 128), lambda i: (0, 0)),
            pl.BlockSpec((128, 128), lambda i: (1, 0)),
        ],
        out_specs=pl.BlockSpec((BN, 128), lambda i: (i, 0)),
        out_shape=jax.ShapeDtypeStruct((N, 128), _F32),
    )(acc1, acc1, z1, z1, dinv, bR, bR, W2p, W2p)


def _tc_out(acc2, z2, dinv, b2R):
    def body(aA, aB, z_b, dv_b, b_b, out_b):
        dv = dv_b[...][:, 0:1]
        out_b[...] = (dv * (aA[...] + aB[...] + z_b[...]))[:, :C] + b_b[0]

    nb = N // BN
    return pl.pallas_call(
        body,
        grid=(nb,),
        in_specs=[
            pl.BlockSpec((BN, 128), lambda i: (i, 0)),
            pl.BlockSpec((BN, 128), lambda i: (nb + i, 0)),
            pl.BlockSpec((BN, 128), lambda i: (i, 0)),
            pl.BlockSpec((BN, 16), lambda i: (i, 0)),
            pl.BlockSpec((1, 1, C), lambda i: (0, 0, 0)),
        ],
        out_specs=pl.BlockSpec((BN, C), lambda i: (i, 0)),
        out_shape=jax.ShapeDtypeStruct((N, C), _F32),
    )(acc2, acc2, z2, dinv, b2R)



def _block_perm():
    import numpy as np
    nreal = E // EB
    npad = (E_PAD - E) // EB
    perm = np.empty(E_PAD // EB, np.int64)
    for g in range(npad):
        perm[g * 40:g * 40 + 39] = np.arange(g * 39, g * 39 + 39)
        perm[g * 40 + 39] = nreal + g
    perm[npad * 40:] = np.arange(npad * 39, nreal)
    return perm


_PERM = _block_perm()


def kernel(x, adj, W0, b0, W1, b1, W2, b2):
    src = adj[0]
    dst = adj[1]
    pad = E_PAD - E
    npad = pad // EB
    psrc = jnp.arange(pad, dtype=jnp.int32) % N
    pdst = N + jnp.repeat(jnp.arange(npad, dtype=jnp.int32), EB)
    src_pad = jnp.concatenate([src, psrc]).reshape(E_PAD // EB, EB)[_PERM]
    dstf = jnp.concatenate([dst, pdst]).reshape(E_PAD // EB, EB)[_PERM]
    src2f = jnp.concatenate([src_pad, src_pad + N]).reshape(2 * E_PAD // EB, EB)
    srcf = src_pad
    b0R = b0.reshape(2, 1, 128)
    b1R = b1.reshape(2, 1, 128)
    b2R = b2.reshape(1, 1, C)
    W2p = jnp.pad(W2, ((0, 0), (0, 128 - C)))

    hist = _sc_degree(dstf)
    h0 = _tc_xw0(x, W0)
    z0, dinv = _tc_scale0(h0, hist)
    acc0 = _sc_prop256(src2f, dstf, z0)
    z1 = _tc_mid(acc0, z0, dinv, b0R, W1)
    acc1 = _sc_prop256(src2f, dstf, z1)
    z2 = _tc_final_lin(acc1, z1, dinv, b1R, W2p)
    acc2 = _sc_prop64(srcf, dstf, z2)
    return _tc_out(acc2, z2, dinv, b2R)

# --- scband reference (transcript-rebuilt; emitter-appended) ---
"""Pipeline reference for scband-gcn-39256001085806 (READ-ONLY COPY).

The authoritative reference and input builder live on the scoring server;
editing this copy changes nothing except your own understanding.
"""

import jax, jax.numpy as jnp
import numpy as np

N = 10000
E = 160000
D = 256
H = 256
C = 64


def gcn_conv(x, src, dst, W, b, num_nodes):
    # Linear transform first (PyG GCNConv applies lin before propagate)
    h = x @ W
    # Add self loops
    loop = jnp.arange(num_nodes, dtype=src.dtype)
    src_sl = jnp.concatenate([src, loop])
    dst_sl = jnp.concatenate([dst, loop])
    # Symmetric normalization: deg computed on destination index with unit edge weights
    deg = jnp.zeros((num_nodes,), dtype=h.dtype).at[dst_sl].add(1.0)
    dinv = jnp.where(deg > 0, deg ** -0.5, 0.0)
    norm = dinv[src_sl] * dinv[dst_sl]
    # Gather messages from source nodes, scale, scatter-add to destination
    msg = h[src_sl] * norm[:, None]
    out = jnp.zeros((num_nodes, h.shape[1]), dtype=h.dtype).at[dst_sl].add(msg)
    return out + b


def setup_inputs(seed: int = 0) -> dict:
    key = jax.random.key(seed)
    ks = jax.random.split(key, 8)
    x = jax.random.normal(ks[0], (N, D), dtype=jnp.float32)
    adj = jax.random.randint(ks[1], (2, E), 0, N, dtype=jnp.int32)
    W0 = jax.random.normal(ks[2], (D, H), dtype=jnp.float32) * (1.0 / np.sqrt(D))
    b0 = jnp.zeros((H,), dtype=jnp.float32)
    W1 = jax.random.normal(ks[3], (H, H), dtype=jnp.float32) * (1.0 / np.sqrt(H))
    b1 = jnp.zeros((H,), dtype=jnp.float32)
    W2 = jax.random.normal(ks[4], (H, C), dtype=jnp.float32) * (1.0 / np.sqrt(H))
    b2 = jnp.zeros((C,), dtype=jnp.float32)
    return {"x": x, "adj": adj, "W0": W0, "b0": b0, "W1": W1, "b1": b1, "W2": W2, "b2": b2}


def reference(x, adj, W0, b0, W1, b1, W2, b2):
    src, dst = adj[0], adj[1]
    # Layer 0 + ReLU
    h = jax.nn.relu(gcn_conv(x, src, dst, W0, b0, N))
    # Middle layers: dropout (identity in eval mode) + conv + ReLU
    h = jax.nn.relu(gcn_conv(h, src, dst, W1, b1, N))
    # Final layer, no activation
    out = gcn_conv(h, src, dst, W2, b2, N)
    return out

if __name__ == "__main__":
    import jax
    _d = setup_inputs()
    print(jax.jit(kernel)(*tuple(_d.values())))

</pallas_src>

<mosaic_0001>
#map = affine_map<(d0, d1) -> (0, 0)>
module attributes {stable_mosaic.version = 14 : i64} {
  func.func @k(%arg0: i32, %arg1: i32, %arg2: memref<2560x128xi32, #tpu.memory_space<hbm>>, %arg3: memref<1280x128xi32, #tpu.memory_space<hbm>>, %arg4: memref<20000x128xf32, #tpu.memory_space<hbm>>, %arg5: memref<20000x128xf32, #tpu.memory_space<hbm>>, %arg6: memref<40x128xi32, #tpu.memory_space<vmem>>, %arg7: memref<40x128xi32, #tpu.memory_space<vmem>>, %arg8: memref<128x128xf32, #tpu.memory_space<vmem>>, %arg9: memref<128x128xf32, #tpu.memory_space<vmem>>, %arg10: memref<10112x128xf32, #tpu.memory_space<vmem_shared>>, %arg11: memref<!tpu.dma_semaphore, #tpu.memory_space<semaphore_mem>>, %arg12: memref<!tpu.dma_semaphore, #tpu.memory_space<semaphore_mem>>, %arg13: memref<!tpu.dma_semaphore, #tpu.memory_space<semaphore_mem>>, %arg14: memref<!tpu.dma_semaphore, #tpu.memory_space<semaphore_mem>>) attributes {dimension_semantics = [#tpu.dimension_semantics<core_parallel>, #tpu.dimension_semantics<subcore_parallel>], iteration_bounds = array<i64: 2, 16>, scalar_prefetch = 0 : i64, scratch_operands = 9 : i64, tpu.core_type = #tpu.core_type<sc_vector_subcore>, window_params = [{transform_indices = #map}, {transform_indices = #map}, {transform_indices = #map}, {transform_indices = #map}]} {
    %broadcast_in_dim3A = arith.constant 0.000000e+00 : f32
    %broadcast_in_dim3A_0 = vector.broadcast %broadcast_in_dim3A : f32 to vector<16xf32>
    %scan3A = arith.constant 0 : i32
    %scan3A_1 = arith.constant 128 : i32
    %scan3A_2 = arith.addi %scan3A, %scan3A_1 : i32
    %scan3A_3 = arith.constant 1 : i32
    scf.for %scan3A_167 = %scan3A to %scan3A_2 step %scan3A_3  : i32 {
      %mul3A_168 = arith.constant 1 : i32
      %mul3A_169 = arith.muli %scan3A_167, %mul3A_168 : i32
      %add3A_170 = arith.constant 0 : i32
      %add3A_171 = arith.addi %add3A_170, %mul3A_169 : i32
      %swap3A = arith.index_cast %add3A_171 : i32 to index
      %swap3A_172 = arith.constant 0 : index
      %swap3A_173 = tpu.vector_load %arg8[%swap3A, %swap3A_172] {strides = array<i32>} : memref<128x128xf32, #tpu.memory_space<vmem>>, vector<1x16xf32>,
      %swap3A_174 = vector.shape_cast %swap3A_173 : vector<1x16xf32> to vector<16xf32>
      %swap3A_175 = vector.shape_cast %broadcast_in_dim3A_0 : vector<16xf32> to vector<1x16xf32>
      tpu.vector_store %arg8[%swap3A, %swap3A_172], %swap3A_175 {strides = array<i32>} : memref<128x128xf32, #tpu.memory_space<vmem>>, vector<1x16xf32>,
      %swap3A_176 = arith.index_cast %add3A_171 : i32 to index
      %swap3A_177 = arith.constant 16 : index
      %swap3A_178 = tpu.vector_load %arg8[%swap3A_176, %swap3A_177] {strides = array<i32>} : memref<128x128xf32, #tpu.memory_space<vmem>>, vector<1x16xf32>,
      %swap3A_179 = vector.shape_cast %swap3A_178 : vector<1x16xf32> to vector<16xf32>
      %swap3A_180 = vector.shape_cast %broadcast_in_dim3A_0 : vector<16xf32> to vector<1x16xf32>
      tpu.vector_store %arg8[%swap3A_176, %swap3A_177], %swap3A_180 {strides = array<i32>} : memref<128x128xf32, #tpu.memory_space<vmem>>, vector<1x16xf32>,
      %swap3A_181 = arith.index_cast %add3A_171 : i32 to index
      %swap3A_182 = arith.constant 32 : index
      %swap3A_183 = tpu.vector_load %arg8[%swap3A_181, %swap3A_182] {strides = array<i32>} : memref<128x128xf32, #tpu.memory_space<vmem>>, vector<1x16xf32>,
      %swap3A_184 = vector.shape_cast %swap3A_183 : vector<1x16xf32> to vector<16xf32>
      %swap3A_185 = vector.shape_cast %broadcast_in_dim3A_0 : vector<16xf32> to vector<1x16xf32>
      tpu.vector_store %arg8[%swap3A_181, %swap3A_182], %swap3A_185 {strides = array<i32>} : memref<128x128xf32, #tpu.memory_space<vmem>>, vector<1x16xf32>,
      %swap3A_186 = arith.index_cast %add3A_171 : i32 to index
      %swap3A_187 = arith.constant 48 : index
      %swap3A_188 = tpu.vector_load %arg8[%swap3A_186, %swap3A_187] {strides = array<i32>} : memref<128x128xf32, #tpu.memory_space<vmem>>, vector<1x16xf32>,
      %swap3A_189 = vector.shape_cast %swap3A_188 : vector<1x16xf32> to vector<16xf32>
      %swap3A_190 = vector.shape_cast %broadcast_in_dim3A_0 : vector<16xf32> to vector<1x16xf32>
      tpu.vector_store %arg8[%swap3A_186, %swap3A_187], %swap3A_190 {strides = array<i32>} : memref<128x128xf32, #tpu.memory_space<vmem>>, vector<1x16xf32>,
      %swap3A_191 = arith.index_cast %add3A_171 : i32 to index
      %swap3A_192 = arith.constant 64 : index
      %swap3A_193 = tpu.vector_load %arg8[%swap3A_191, %swap3A_192] {strides = array<i32>} : memref<128x128xf32, #tpu.memory_space<vmem>>, vector<1x16xf32>,
      %swap3A_194 = vector.shape_cast %swap3A_193 : vector<1x16xf32> to vector<16xf32>
      %swap3A_195 = vector.shape_cast %broadcast_in_dim3A_0 : vector<16xf32> to vector<1x16xf32>
      tpu.vector_store %arg8[%swap3A_191, %swap3A_192], %swap3A_195 {strides = array<i32>} : memref<128x128xf32, #tpu.memory_space<vmem>>, vector<1x16xf32>,
      %swap3A_196 = arith.index_cast %add3A_171 : i32 to index
      %swap3A_197 = arith.constant 80 : index
      %swap3A_198 = tpu.vector_load %arg8[%swap3A_196, %swap3A_197] {strides = array<i32>} : memref<128x128xf32, #tpu.memory_space<vmem>>, vector<1x16xf32>,
      %swap3A_199 = vector.shape_cast %swap3A_198 : vector<1x16xf32> to vector<16xf32>
      %swap3A_200 = vector.shape_cast %broadcast_in_dim3A_0 : vector<16xf32> to vector<1x16xf32>
      tpu.vector_store %arg8[%swap3A_196, %swap3A_197], %swap3A_200 {strides = array<i32>} : memref<128x128xf32, #tpu.memory_space<vmem>>, vector<1x16xf32>,
      %swap3A_201 = arith.index_cast %add3A_171 : i32 to index
      %swap3A_202 = arith.constant 96 : index
      %swap3A_203 = tpu.vector_load %arg8[%swap3A_201, %swap3A_202] {strides = array<i32>} : memref<128x128xf32, #tpu.memory_space<vmem>>, vector<1x16xf32>,
      %swap3A_204 = vector.shape_cast %swap3A_203 : vector<1x16xf32> to vector<16xf32>
      %swap3A_205 = vector.shape_cast %broadcast_in_dim3A_0 : vector<16xf32> to vector<1x16xf32>
      tpu.vector_store %arg8[%swap3A_201, %swap3A_202], %swap3A_205 {strides = array<i32>} : memref<128x128xf32, #tpu.memory_space<vmem>>, vector<1x16xf32>,
      %swap3A_206 = arith.index_cast %add3A_171 : i32 to index
      %swap3A_207 = arith.constant 112 : index
      %swap3A_208 = tpu.vector_load %arg8[%swap3A_206, %swap3A_207] {strides = array<i32>} : memref<128x128xf32, #tpu.memory_space<vmem>>, vector<1x16xf32>,
      %swap3A_209 = vector.shape_cast %swap3A_208 : vector<1x16xf32> to vector<16xf32>
      %swap3A_210 = vector.shape_cast %broadcast_in_dim3A_0 : vector<16xf32> to vector<1x16xf32>
      tpu.vector_store %arg8[%swap3A_206, %swap3A_207], %swap3A_210 {strides = array<i32>} : memref<128x128xf32, #tpu.memory_space<vmem>>, vector<1x16xf32>,
    }
    %scan3A_4 = arith.constant 128 : i32
    %mul3A = arith.constant 632 : i32
    %mul3A_5 = arith.muli %arg1, %mul3A : i32
    %add3A = arith.constant 0 : i32
    %add3A_6 = arith.addi %mul3A_5, %add3A : i32
    "tpu.region"() ({
      %run_scoped3A = tpu.sem_alloc : memref<!tpu.dma_semaphore, #tpu.memory_space<semaphore_mem>>
      %dma_start3A_167 = arith.constant 0 : i32
      %dma_start3A_168 = tpu.memref_slice %arg10[%add3A_6, %dma_start3A_167] : memref<10112x128xf32, #tpu.memory_space<vmem_shared>> -> memref<128x128xf32, #tpu.memory_space<vmem_shared>>
      %dma_start3A_169 = arith.constant 0 : i32
      %dma_start3A_170 = tpu.memref_slice %arg10[%add3A_6, %dma_start3A_169] : memref<10112x128xf32, #tpu.memory_space<vmem_shared>> -> memref<128x128xf32, #tpu.memory_space<vmem_shared>>
      tpu.enqueue_dma source(%arg8 : memref<128x128xf32, #tpu.memory_space<vmem>>) target(%dma_start3A_170 : memref<128x128xf32, #tpu.memory_space<vmem_shared>>) target_semaphore(%run_scoped3A : memref<!tpu.dma_semaphore, #tpu.memory_space<semaphore_mem>>)
      %dma_wait3A_171 = arith.constant 0 : i32
      %dma_wait3A_172 = tpu.memref_slice %arg10[%add3A_6, %dma_wait3A_171] : memref<10112x128xf32, #tpu.memory_space<vmem_shared>> -> memref<128x128xf32, #tpu.memory_space<vmem_shared>>
      %dma_wait3A_173 = arith.constant 0 : i32
      %dma_wait3A_174 = tpu.memref_slice %arg10[%add3A_6, %dma_wait3A_173] : memref<10112x128xf32, #tpu.memory_space<vmem_shared>> -> memref<128x128xf32, #tpu.memory_space<vmem_shared>>
      tpu.wait_dma2 semaphore(%run_scoped3A : memref<!tpu.dma_semaphore, #tpu.memory_space<semaphore_mem>>) src(%arg8 : memref<128x128xf32, #tpu.memory_space<vmem>>) dst(%dma_wait3A_174 : memref<128x128xf32, #tpu.memory_space<vmem_shared>>)
      tpu.yield
    }) : () -> ()
    %add3A_7 = arith.constant 128 : i32
    %add3A_8 = arith.addi %mul3A_5, %add3A_7 : i32
    "tpu.region"() ({
      %run_scoped3A = tpu.sem_alloc : memref<!tpu.dma_semaphore, #tpu.memory_space<semaphore_mem>>
      %dma_start3A_167 = arith.constant 0 : i32
      %dma_start3A_168 = tpu.memref_slice %arg10[%add3A_8, %dma_start3A_167] : memref<10112x128xf32, #tpu.memory_space<vmem_shared>> -> memref<128x128xf32, #tpu.memory_space<vmem_shared>>
      %dma_start3A_169 = arith.constant 0 : i32
      %dma_start3A_170 = tpu.memref_slice %arg10[%add3A_8, %dma_start3A_169] : memref<10112x128xf32, #tpu.memory_space<vmem_shared>> -> memref<128x128xf32, #tpu.memory_space<vmem_shared>>
      tpu.enqueue_dma source(%arg8 : memref<128x128xf32, #tpu.memory_space<vmem>>) target(%dma_start3A_170 : memref<128x128xf32, #tpu.memory_space<vmem_shared>>) target_semaphore(%run_scoped3A : memref<!tpu.dma_semaphore, #tpu.memory_space<semaphore_mem>>)
      %dma_wait3A_171 = arith.constant 0 : i32
      %dma_wait3A_172 = tpu.memref_slice %arg10[%add3A_8, %dma_wait3A_171] : memref<10112x128xf32, #tpu.memory_space<vmem_shared>> -> memref<128x128xf32, #tpu.memory_space<vmem_shared>>
      %dma_wait3A_173 = arith.constant 0 : i32
      %dma_wait3A_174 = tpu.memref_slice %arg10[%add3A_8, %dma_wait3A_173] : memref<10112x128xf32, #tpu.memory_space<vmem_shared>> -> memref<128x128xf32, #tpu.memory_space<vmem_shared>>
      tpu.wait_dma2 semaphore(%run_scoped3A : memref<!tpu.dma_semaphore, #tpu.memory_space<semaphore_mem>>) src(%arg8 : memref<128x128xf32, #tpu.memory_space<vmem>>) dst(%dma_wait3A_174 : memref<128x128xf32, #tpu.memory_space<vmem_shared>>)
      tpu.yield
    }) : () -> ()
    %add3A_9 = arith.constant 256 : i32
    %add3A_10 = arith.addi %mul3A_5, %add3A_9 : i32
    "tpu.region"() ({
      %run_scoped3A = tpu.sem_alloc : memref<!tpu.dma_semaphore, #tpu.memory_space<semaphore_mem>>
      %dma_start3A_167 = arith.constant 0 : i32
      %dma_start3A_168 = tpu.memref_slice %arg10[%add3A_10, %dma_start3A_167] : memref<10112x128xf32, #tpu.memory_space<vmem_shared>> -> memref<128x128xf32, #tpu.memory_space<vmem_shared>>
      %dma_start3A_169 = arith.constant 0 : i32
      %dma_start3A_170 = tpu.memref_slice %arg10[%add3A_10, %dma_start3A_169] : memref<10112x128xf32, #tpu.memory_space<vmem_shared>> -> memref<128x128xf32, #tpu.memory_space<vmem_shared>>
      tpu.enqueue_dma source(%arg8 : memref<128x128xf32, #tpu.memory_space<vmem>>) target(%dma_start3A_170 : memref<128x128xf32, #tpu.memory_space<vmem_shared>>) target_semaphore(%run_scoped3A : memref<!tpu.dma_semaphore, #tpu.memory_space<semaphore_mem>>)
      %dma_wait3A_171 = arith.constant 0 : i32
      %dma_wait3A_172 = tpu.memref_slice %arg10[%add3A_10, %dma_wait3A_171] : memref<10112x128xf32, #tpu.memory_space<vmem_shared>> -> memref<128x128xf32, #tpu.memory_space<vmem_shared>>
      %dma_wait3A_173 = arith.constant 0 : i32
      %dma_wait3A_174 = tpu.memref_slice %arg10[%add3A_10, %dma_wait3A_173] : memref<10112x128xf32, #tpu.memory_space<vmem_shared>> -> memref<128x128xf32, #tpu.memory_space<vmem_shared>>
      tpu.wait_dma2 semaphore(%run_scoped3A : memref<!tpu.dma_semaphore, #tpu.memory_space<semaphore_mem>>) src(%arg8 : memref<128x128xf32, #tpu.memory_space<vmem>>) dst(%dma_wait3A_174 : memref<128x128xf32, #tpu.memory_space<vmem_shared>>)
      tpu.yield
    }) : () -> ()
    %add3A_11 = arith.constant 384 : i32
    %add3A_12 = arith.addi %mul3A_5, %add3A_11 : i32
    "tpu.region"() ({
      %run_scoped3A = tpu.sem_alloc : memref<!tpu.dma_semaphore, #tpu.memory_space<semaphore_mem>>
      %dma_start3A_167 = arith.constant 0 : i32
      %dma_start3A_168 = tpu.memref_slice %arg10[%add3A_12, %dma_start3A_167] : memref<10112x128xf32, #tpu.memory_space<vmem_shared>> -> memref<128x128xf32, #tpu.memory_space<vmem_shared>>
      %dma_start3A_169 = arith.constant 0 : i32
      %dma_start3A_170 = tpu.memref_slice %arg10[%add3A_12, %dma_start3A_169] : memref<10112x128xf32, #tpu.memory_space<vmem_shared>> -> memref<128x128xf32, #tpu.memory_space<vmem_shared>>
      tpu.enqueue_dma source(%arg8 : memref<128x128xf32, #tpu.memory_space<vmem>>) target(%dma_start3A_170 : memref<128x128xf32, #tpu.memory_space<vmem_shared>>) target_semaphore(%run_scoped3A : memref<!tpu.dma_semaphore, #tpu.memory_space<semaphore_mem>>)
      %dma_wait3A_171 = arith.constant 0 : i32
      %dma_wait3A_172 = tpu.memref_slice %arg10[%add3A_12, %dma_wait3A_171] : memref<10112x128xf32, #tpu.memory_space<vmem_shared>> -> memref<128x128xf32, #tpu.memory_space<vmem_shared>>
      %dma_wait3A_173 = arith.constant 0 : i32
      %dma_wait3A_174 = tpu.memref_slice %arg10[%add3A_12, %dma_wait3A_173] : memref<10112x128xf32, #tpu.memory_space<vmem_shared>> -> memref<128x128xf32, #tpu.memory_space<vmem_shared>>
      tpu.wait_dma2 semaphore(%run_scoped3A : memref<!tpu.dma_semaphore, #tpu.memory_space<semaphore_mem>>) src(%arg8 : memref<128x128xf32, #tpu.memory_space<vmem>>) dst(%dma_wait3A_174 : memref<128x128xf32, #tpu.memory_space<vmem_shared>>)
      tpu.yield
    }) : () -> ()
    %add3A_13 = arith.constant 512 : i32
    %add3A_14 = arith.addi %mul3A_5, %add3A_13 : i32
    "tpu.region"() ({
      %run_scoped3A = tpu.sem_alloc : memref<!tpu.dma_semaphore, #tpu.memory_space<semaphore_mem>>
      %dma_start3A_167 = arith.constant 0 : i32
      %dma_start3A_168 = arith.constant 0 : i32
      %dma_start3A_169 = tpu.memref_slice %arg8[%dma_start3A_167, %dma_start3A_168] : memref<128x128xf32, #tpu.memory_space<vmem>> -> memref<120x128xf32, #tpu.memory_space<vmem>>
      %dma_start3A_170 = arith.constant 0 : i32
      %dma_start3A_171 = tpu.memref_slice %arg10[%add3A_14, %dma_start3A_170] : memref<10112x128xf32, #tpu.memory_space<vmem_shared>> -> memref<120x128xf32, #tpu.memory_space<vmem_shared>>
      %dma_start3A_172 = arith.constant 0 : i32
      %dma_start3A_173 = tpu.memref_slice %arg10[%add3A_14, %dma_start3A_172] : memref<10112x128xf32, #tpu.memory_space<vmem_shared>> -> memref<120x128xf32, #tpu.memory_space<vmem_shared>>
      %dma_start3A_174 = arith.constant 0 : i32
      %dma_start3A_175 = arith.constant 0 : i32
      %dma_start3A_176 = tpu.memref_slice %arg8[%dma_start3A_174, %dma_start3A_175] : memref<128x128xf32, #tpu.memory_space<vmem>> -> memref<120x128xf32, #tpu.memory_space<vmem>>
      tpu.enqueue_dma source(%dma_start3A_176 : memref<120x128xf32, #tpu.memory_space<vmem>>) target(%dma_start3A_173 : memref<120x128xf32, #tpu.memory_space<vmem_shared>>) target_semaphore(%run_scoped3A : memref<!tpu.dma_semaphore, #tpu.memory_space<semaphore_mem>>)
      %dma_wait3A_177 = arith.constant 0 : i32
      %dma_wait3A_178 = arith.constant 0 : i32
      %dma_wait3A_179 = tpu.memref_slice %arg8[%dma_wait3A_177, %dma_wait3A_178] : memref<128x128xf32, #tpu.memory_space<vmem>> -> memref<120x128xf32, #tpu.memory_space<vmem>>
      %dma_wait3A_180 = arith.constant 0 : i32
      %dma_wait3A_181 = tpu.memref_slice %arg10[%add3A_14, %dma_wait3A_180] : memref<10112x128xf32, #tpu.memory_space<vmem_shared>> -> memref<120x128xf32, #tpu.memory_space<vmem_shared>>
      %dma_wait3A_182 = arith.constant 0 : i32
      %dma_wait3A_183 = tpu.memref_slice %arg10[%add3A_14, %dma_wait3A_182] : memref<10112x128xf32, #tpu.memory_space<vmem_shared>> -> memref<120x128xf32, #tpu.memory_space<vmem_shared>>
      %dma_wait3A_184 = arith.constant 0 : i32
      %dma_wait3A_185 = arith.constant 0 : i32
      %dma_wait3A_186 = tpu.memref_slice %arg8[%dma_wait3A_184, %dma_wait3A_185] : memref<128x128xf32, #tpu.memory_space<vmem>> -> memref<120x128xf32, #tpu.memory_space<vmem>>
      tpu.wait_dma2 semaphore(%run_scoped3A : memref<!tpu.dma_semaphore, #tpu.memory_space<semaphore_mem>>) src(%dma_wait3A_186 : memref<120x128xf32, #tpu.memory_space<vmem>>) dst(%dma_wait3A_183 : memref<120x128xf32, #tpu.memory_space<vmem_shared>>)
      tpu.yield
    }) : () -> ()
    %barrier3A = arith.constant 0 : index
    tpu.barrier barrier_id(%barrier3A)
    %mul3A_15 = arith.constant 1280 : i32
    %mul3A_16 = arith.muli %arg0, %mul3A_15 : i32
    %mul3A_17 = arith.constant 80 : i32
    %mul3A_18 = arith.muli %arg1, %mul3A_17 : i32
    %add3A_19 = arith.addi %mul3A_16, %mul3A_18 : i32
    %add3A_20 = arith.constant 0 : i32
    %add3A_21 = arith.addi %add3A_19, %add3A_20 : i32
    "tpu.region"() ({
      %run_scoped3A = tpu.sem_alloc : memref<!tpu.dma_semaphore, #tpu.memory_space<semaphore_mem>>
      %dma_start3A_167 = arith.constant 0 : i32
      %dma_start3A_168 = tpu.memref_slice %arg2[%add3A_21, %dma_start3A_167] : memref<2560x128xi32, #tpu.memory_space<hbm>> -> memref<40x128xi32, #tpu.memory_space<hbm>>
      %dma_start3A_169 = arith.constant 0 : i32
      %dma_start3A_170 = tpu.memref_slice %arg2[%add3A_21, %dma_start3A_169] : memref<2560x128xi32, #tpu.memory_space<hbm>> -> memref<40x128xi32, #tpu.memory_space<hbm>>
      tpu.enqueue_dma source(%dma_start3A_170 : memref<40x128xi32, #tpu.memory_space<hbm>>) target(%arg6 : memref<40x128xi32, #tpu.memory_space<vmem>>) target_semaphore(%run_scoped3A : memref<!tpu.dma_semaphore, #tpu.memory_space<semaphore_mem>>)
      %dma_wait3A_171 = arith.constant 0 : i32
      %dma_wait3A_172 = tpu.memref_slice %arg2[%add3A_21, %dma_wait3A_171] : memref<2560x128xi32, #tpu.memory_space<hbm>> -> memref<40x128xi32, #tpu.memory_space<hbm>>
      %dma_wait3A_173 = arith.constant 0 : i32
      %dma_wait3A_174 = tpu.memref_slice %arg2[%add3A_21, %dma_wait3A_173] : memref<2560x128xi32, #tpu.memory_space<hbm>> -> memref<40x128xi32, #tpu.memory_space<hbm>>
      tpu.wait_dma2 semaphore(%run_scoped3A : memref<!tpu.dma_semaphore, #tpu.memory_space<semaphore_mem>>) src(%dma_wait3A_174 : memref<40x128xi32, #tpu.memory_space<hbm>>) dst(%arg6 : memref<40x128xi32, #tpu.memory_space<vmem>>)
      tpu.yield
    }) : () -> ()
    %mul3A_22 = arith.constant 80 : i32
    %mul3A_23 = arith.muli %arg1, %mul3A_22 : i32
    %add3A_24 = arith.constant 0 : i32
    %add3A_25 = arith.addi %mul3A_23, %add3A_24 : i32
    "tpu.region"() ({
      %run_scoped3A = tpu.sem_alloc : memref<!tpu.dma_semaphore, #tpu.memory_space<semaphore_mem>>
      %dma_start3A_167 = arith.constant 0 : i32
      %dma_start3A_168 = tpu.memref_slice %arg3[%add3A_25, %dma_start3A_167] : memref<1280x128xi32, #tpu.memory_space<hbm>> -> memref<40x128xi32, #tpu.memory_space<hbm>>
      %dma_start3A_169 = arith.constant 0 : i32
      %dma_start3A_170 = tpu.memref_slice %arg3[%add3A_25, %dma_start3A_169] : memref<1280x128xi32, #tpu.memory_space<hbm>> -> memref<40x128xi32, #tpu.memory_space<hbm>>
      tpu.enqueue_dma source(%dma_start3A_170 : memref<40x128xi32, #tpu.memory_space<hbm>>) target(%arg7 : memref<40x128xi32, #tpu.memory_space<vmem>>) target_semaphore(%run_scoped3A : memref<!tpu.dma_semaphore, #tpu.memory_space<semaphore_mem>>)
      %dma_wait3A_171 = arith.constant 0 : i32
      %dma_wait3A_172 = tpu.memref_slice %arg3[%add3A_25, %dma_wait3A_171] : memref<1280x128xi32, #tpu.memory_space<hbm>> -> memref<40x128xi32, #tpu.memory_space<hbm>>
      %dma_wait3A_173 = arith.constant 0 : i32
      %dma_wait3A_174 = tpu.memref_slice %arg3[%add3A_25, %dma_wait3A_173] : memref<1280x128xi32, #tpu.memory_space<hbm>> -> memref<40x128xi32, #tpu.memory_space<hbm>>
      tpu.wait_dma2 semaphore(%run_scoped3A : memref<!tpu.dma_semaphore, #tpu.memory_space<semaphore_mem>>) src(%dma_wait3A_174 : memref<40x128xi32, #tpu.memory_space<hbm>>) dst(%arg7 : memref<40x128xi32, #tpu.memory_space<vmem>>)
      tpu.yield
    }) : () -> ()
    %dma_start3A = arith.constant 0 : i32
    %dma_start3A_26 = arith.constant 0 : i32
    %dma_start3A_27 = tpu.memref_slice %arg6[%dma_start3A, %dma_start3A_26] : memref<40x128xi32, #tpu.memory_space<vmem>> -> memref<1x128xi32, #tpu.memory_space<vmem>>
    %dma_start3A_28 = tpu.memref_squeeze %dma_start3A_27 : memref<1x128xi32, #tpu.memory_space<vmem>> -> memref<128xi32, #tpu.memory_space<vmem>>
    %dma_start3A_29 = arith.constant 0 : i32
    %dma_start3A_30 = arith.constant 0 : i32
    %dma_start3A_31 = tpu.memref_slice %arg4[%dma_start3A_29, %dma_start3A_30] : memref<20000x128xf32, #tpu.memory_space<hbm>> -> memref<20000x128xf32, #tpu.memory_space<hbm>>
    tpu.enqueue_indirect_dma source(%dma_start3A_31 : memref<20000x128xf32, #tpu.memory_space<hbm>>) target(%arg8 : memref<128x128xf32, #tpu.memory_space<vmem>>) offsets(%dma_start3A_28 : memref<128xi32, #tpu.memory_space<vmem>>) semaphore(%arg11 : memref<!tpu.dma_semaphore, #tpu.memory_space<semaphore_mem>>)
    %dma_start3A_32 = arith.constant 1 : i32
    %dma_start3A_33 = arith.constant 0 : i32
    %dma_start3A_34 = tpu.memref_slice %arg6[%dma_start3A_32, %dma_start3A_33] : memref<40x128xi32, #tpu.memory_space<vmem>> -> memref<1x128xi32, #tpu.memory_space<vmem>>
    %dma_start3A_35 = tpu.memref_squeeze %dma_start3A_34 : memref<1x128xi32, #tpu.memory_space<vmem>> -> memref<128xi32, #tpu.memory_space<vmem>>
    %dma_start3A_36 = arith.constant 0 : i32
    %dma_start3A_37 = arith.constant 0 : i32
    %dma_start3A_38 = tpu.memref_slice %arg4[%dma_start3A_36, %dma_start3A_37] : memref<20000x128xf32, #tpu.memory_space<hbm>> -> memref<20000x128xf32, #tpu.memory_space<hbm>>
    tpu.enqueue_indirect_dma source(%dma_start3A_38 : memref<20000x128xf32, #tpu.memory_space<hbm>>) target(%arg9 : memref<128x128xf32, #tpu.memory_space<vmem>>) offsets(%dma_start3A_35 : memref<128xi32, #tpu.memory_space<vmem>>) semaphore(%arg12 : memref<!tpu.dma_semaphore, #tpu.memory_space<semaphore_mem>>)
    %scan3A_39 = arith.constant 0 : i32
    %scan3A_40 = arith.constant 19 : i32
    %scan3A_41 = arith.addi %scan3A_39, %scan3A_40 : i32
    %scan3A_42 = arith.constant 1 : i32
    scf.for %scan3A_167 = %scan3A_39 to %scan3A_41 step %scan3A_42  : i32 {
      %mul3A_168 = arith.constant 1 : i32
      %mul3A_169 = arith.muli %scan3A_167, %mul3A_168 : i32
      %add3A_170 = arith.constant 0 : i32
      %add3A_171 = arith.addi %add3A_170, %mul3A_169 : i32
      %mul3A_172 = arith.constant 2 : i32
      %mul3A_173 = arith.muli %add3A_171, %mul3A_172 : i32
      %add3A_174 = arith.constant 0 : i32
      %add3A_175 = arith.addi %mul3A_173, %add3A_174 : i32
      %dma_wait3A_176 = arith.constant 0 : i32
      %dma_wait3A_177 = tpu.memref_slice %arg6[%add3A_175, %dma_wait3A_176] : memref<40x128xi32, #tpu.memory_space<vmem>> -> memref<1x128xi32, #tpu.memory_space<vmem>>
      %dma_wait3A_178 = tpu.memref_squeeze %dma_wait3A_177 : memref<1x128xi32, #tpu.memory_space<vmem>> -> memref<128xi32, #tpu.memory_space<vmem>>
      %dma_wait3A_179 = arith.constant 0 : i32
      %dma_wait3A_180 = arith.constant 0 : i32
      %dma_wait3A_181 = tpu.memref_slice %arg4[%dma_wait3A_179, %dma_wait3A_180] : memref<20000x128xf32, #tpu.memory_space<hbm>> -> memref<20000x128xf32, #tpu.memory_space<hbm>>
      tpu.wait_indirect_dma semaphore(%arg11 : memref<!tpu.dma_semaphore, #tpu.memory_space<semaphore_mem>>) src(%dma_wait3A_181 : memref<20000x128xf32, #tpu.memory_space<hbm>>) dst(%arg8 : memref<128x128xf32, #tpu.memory_space<vmem>>)
      %add3A_182 = arith.constant 0 : i32
      %add3A_183 = arith.addi %mul3A_173, %add3A_182 : i32
      %dma_start3A_184 = arith.constant 0 : i32
      %dma_start3A_185 = tpu.memref_slice %arg7[%add3A_183, %dma_start3A_184] : memref<40x128xi32, #tpu.memory_space<vmem>> -> memref<1x128xi32, #tpu.memory_space<vmem>>
      %dma_start3A_186 = tpu.memref_squeeze %dma_start3A_185 : memref<1x128xi32, #tpu.memory_space<vmem>> -> memref<128xi32, #tpu.memory_space<vmem>>
      %dma_start3A_187 = arith.constant 0 : i32
      %dma_start3A_188 = arith.constant 0 : i32
      %dma_start3A_189 = tpu.memref_slice %arg10[%dma_start3A_187, %dma_start3A_188] : memref<10112x128xf32, #tpu.memory_space<vmem_shared>> -> memref<10112x128xf32, #tpu.memory_space<vmem_shared>>
      tpu.enqueue_indirect_dma source(%arg8 : memref<128x128xf32, #tpu.memory_space<vmem>>) target(%dma_start3A_189 : memref<10112x128xf32, #tpu.memory_space<vmem_shared>>) offsets(%dma_start3A_186 : memref<128xi32, #tpu.memory_space<vmem>>) semaphore(%arg13 : memref<!tpu.dma_semaphore, #tpu.memory_space<semaphore_mem>>) {add = true}
      %add3A_190 = arith.constant 1 : i32
      %add3A_191 = arith.addi %mul3A_173, %add3A_190 : i32
      %dma_wait3A_192 = arith.constant 0 : i32
      %dma_wait3A_193 = tpu.memref_slice %arg6[%add3A_191, %dma_wait3A_192] : memref<40x128xi32, #tpu.memory_space<vmem>> -> memref<1x128xi32, #tpu.memory_space<vmem>>
      %dma_wait3A_194 = tpu.memref_squeeze %dma_wait3A_193 : memref<1x128xi32, #tpu.memory_space<vmem>> -> memref<128xi32, #tpu.memory_space<vmem>>
      %dma_wait3A_195 = arith.constant 0 : i32
      %dma_wait3A_196 = arith.constant 0 : i32
      %dma_wait3A_197 = tpu.memref_slice %arg4[%dma_wait3A_195, %dma_wait3A_196] : memref<20000x128xf32, #tpu.memory_space<hbm>> -> memref<20000x128xf32, #tpu.memory_space<hbm>>
      tpu.wait_indirect_dma semaphore(%arg12 : memref<!tpu.dma_semaphore, #tpu.memory_space<semaphore_mem>>) src(%dma_wait3A_197 : memref<20000x128xf32, #tpu.memory_space<hbm>>) dst(%arg9 : memref<128x128xf32, #tpu.memory_space<vmem>>)
      %add3A_198 = arith.constant 1 : i32
      %add3A_199 = arith.addi %mul3A_173, %add3A_198 : i32
      %dma_start3A_200 = arith.constant 0 : i32
      %dma_start3A_201 = tpu.memref_slice %arg7[%add3A_199, %dma_start3A_200] : memref<40x128xi32, #tpu.memory_space<vmem>> -> memref<1x128xi32, #tpu.memory_space<vmem>>
      %dma_start3A_202 = tpu.memref_squeeze %dma_start3A_201 : memref<1x128xi32, #tpu.memory_space<vmem>> -> memref<128xi32, #tpu.memory_space<vmem>>
      %dma_start3A_203 = arith.constant 0 : i32
      %dma_start3A_204 = arith.constant 0 : i32
      %dma_start3A_205 = tpu.memref_slice %arg10[%dma_start3A_203, %dma_start3A_204] : memref<10112x128xf32, #tpu.memory_space<vmem_shared>> -> memref<10112x128xf32, #tpu.memory_space<vmem_shared>>
      tpu.enqueue_indirect_dma source(%arg9 : memref<128x128xf32, #tpu.memory_space<vmem>>) target(%dma_start3A_205 : memref<10112x128xf32, #tpu.memory_space<vmem_shared>>) offsets(%dma_start3A_202 : memref<128xi32, #tpu.memory_space<vmem>>) semaphore(%arg14 : memref<!tpu.dma_semaphore, #tpu.memory_space<semaphore_mem>>) {add = true}
      %add3A_206 = arith.constant 0 : i32
      %add3A_207 = arith.addi %mul3A_173, %add3A_206 : i32
      %dma_wait3A_208 = arith.constant 0 : i32
      %dma_wait3A_209 = tpu.memref_slice %arg7[%add3A_207, %dma_wait3A_208] : memref<40x128xi32, #tpu.memory_space<vmem>> -> memref<1x128xi32, #tpu.memory_space<vmem>>
      %dma_wait3A_210 = tpu.memref_squeeze %dma_wait3A_209 : memref<1x128xi32, #tpu.memory_space<vmem>> -> memref<128xi32, #tpu.memory_space<vmem>>
      %dma_wait3A_211 = arith.constant 0 : i32
      %dma_wait3A_212 = arith.constant 0 : i32
      %dma_wait3A_213 = tpu.memref_slice %arg10[%dma_wait3A_211, %dma_wait3A_212] : memref<10112x128xf32, #tpu.memory_space<vmem_shared>> -> memref<10112x128xf32, #tpu.memory_space<vmem_shared>>
      tpu.wait_indirect_dma semaphore(%arg13 : memref<!tpu.dma_semaphore, #tpu.memory_space<semaphore_mem>>) src(%arg8 : memref<128x128xf32, #tpu.memory_space<vmem>>) dst(%dma_wait3A_213 : memref<10112x128xf32, #tpu.memory_space<vmem_shared>>)
      %add3A_214 = arith.constant 2 : i32
      %add3A_215 = arith.addi %mul3A_173, %add3A_214 : i32
      %add3A_216 = arith.constant 0 : i32
      %add3A_217 = arith.addi %add3A_215, %add3A_216 : i32
      %dma_start3A_218 = arith.constant 0 : i32
      %dma_start3A_219 = tpu.memref_slice %arg6[%add3A_217, %dma_start3A_218] : memref<40x128xi32, #tpu.memory_space<vmem>> -> memref<1x128xi32, #tpu.memory_space<vmem>>
      %dma_start3A_220 = tpu.memref_squeeze %dma_start3A_219 : memref<1x128xi32, #tpu.memory_space<vmem>> -> memref<128xi32, #tpu.memory_space<vmem>>
      %dma_start3A_221 = arith.constant 0 : i32
      %dma_start3A_222 = arith.constant 0 : i32
      %dma_start3A_223 = tpu.memref_slice %arg4[%dma_start3A_221, %dma_start3A_222] : memref<20000x128xf32, #tpu.memory_space<hbm>> -> memref<20000x128xf32, #tpu.memory_space<hbm>>
      tpu.enqueue_indirect_dma source(%dma_start3A_223 : memref<20000x128xf32, #tpu.memory_space<hbm>>) target(%arg8 : memref<128x128xf32, #tpu.memory_space<vmem>>) offsets(%dma_start3A_220 : memref<128xi32, #tpu.memory_space<vmem>>) semaphore(%arg11 : memref<!tpu.dma_semaphore, #tpu.memory_space<semaphore_mem>>)
      %add3A_224 = arith.constant 1 : i32
      %add3A_225 = arith.addi %mul3A_173, %add3A_224 : i32
      %dma_wait3A_226 = arith.constant 0 : i32
      %dma_wait3A_227 = tpu.memref_slice %arg7[%add3A_225, %dma_wait3A_226] : memref<40x128xi32, #tpu.memory_space<vmem>> -> memref<1x128xi32, #tpu.memory_space<vmem>>
      %dma_wait3A_228 = tpu.memref_squeeze %dma_wait3A_227 : memref<1x128xi32, #tpu.memory_space<vmem>> -> memref<128xi32, #tpu.memory_space<vmem>>
      %dma_wait3A_229 = arith.constant 0 : i32
      %dma_wait3A_230 = arith.constant 0 : i32
      %dma_wait3A_231 = tpu.memref_slice %arg10[%dma_wait3A_229, %dma_wait3A_230] : memref<10112x128xf32, #tpu.memory_space<vmem_shared>> -> memref<10112x128xf32, #tpu.memory_space<vmem_shared>>
      tpu.wait_indirect_dma semaphore(%arg14 : memref<!tpu.dma_semaphore, #tpu.memory_space<semaphore_mem>>) src(%arg9 : memref<128x128xf32, #tpu.memory_space<vmem>>) dst(%dma_wait3A_231 : memref<10112x128xf32, #tpu.memory_space<vmem_shared>>)
      %add3A_232 = arith.constant 2 : i32
      %add3A_233 = arith.addi %mul3A_173, %add3A_232 : i32
      %add3A_234 = arith.constant 1 : i32
      %add3A_235 = arith.addi %add3A_233, %add3A_234 : i32
      %dma_start3A_236 = arith.constant 0 : i32
      %dma_start3A_237 = tpu.memref_slice %arg6[%add3A_235, %dma_start3A_236] : memref<40x128xi32, #tpu.memory_space<vmem>> -> memref<1x128xi32, #tpu.memory_space<vmem>>
      %dma_start3A_238 = tpu.memref_squeeze %dma_start3A_237 : memref<1x128xi32, #tpu.memory_space<vmem>> -> memref<128xi32, #tpu.memory_space<vmem>>
      %dma_start3A_239 = arith.constant 0 : i32
      %dma_start3A_240 = arith.constant 0 : i32
      %dma_start3A_241 = tpu.memref_slice %arg4[%dma_start3A_239, %dma_start3A_240] : memref<20000x128xf32, #tpu.memory_space<hbm>> -> memref<20000x128xf32, #tpu.memory_space<hbm>>
      tpu.enqueue_indirect_dma source(%dma_start3A_241 : memref<20000x128xf32, #tpu.memory_space<hbm>>) target(%arg9 : memref<128x128xf32, #tpu.memory_space<vmem>>) offsets(%dma_start3A_238 : memref<128xi32, #tpu.memory_space<vmem>>) semaphore(%arg12 : memref<!tpu.dma_semaphore, #tpu.memory_space<semaphore_mem>>)
    }
    %scan3A_43 = arith.constant 19 : i32
    %dma_wait3A = arith.constant 38 : i32
    %dma_wait3A_44 = arith.constant 0 : i32
    %dma_wait3A_45 = tpu.memref_slice %arg6[%dma_wait3A, %dma_wait3A_44] : memref<40x128xi32, #tpu.memory_space<vmem>> -> memref<1x128xi32, #tpu.memory_space<vmem>>
    %dma_wait3A_46 = tpu.memref_squeeze %dma_wait3A_45 : memref<1x128xi32, #tpu.memory_space<vmem>> -> memref<128xi32, #tpu.memory_space<vmem>>
    %dma_wait3A_47 = arith.constant 0 : i32
    %dma_wait3A_48 = arith.constant 0 : i32
    %dma_wait3A_49 = tpu.memref_slice %arg4[%dma_wait3A_47, %dma_wait3A_48] : memref<20000x128xf32, #tpu.memory_space<hbm>> -> memref<20000x128xf32, #tpu.memory_space<hbm>>
    tpu.wait_indirect_dma semaphore(%arg11 : memref<!tpu.dma_semaphore, #tpu.memory_space<semaphore_mem>>) src(%dma_wait3A_49 : memref<20000x128xf32, #tpu.memory_space<hbm>>) dst(%arg8 : memref<128x128xf32, #tpu.memory_space<vmem>>)
    %dma_start3A_50 = arith.constant 38 : i32
    %dma_start3A_51 = arith.constant 0 : i32
    %dma_start3A_52 = tpu.memref_slice %arg7[%dma_start3A_50, %dma_start3A_51] : memref<40x128xi32, #tpu.memory_space<vmem>> -> memref<1x128xi32, #tpu.memory_space<vmem>>
    %dma_start3A_53 = tpu.memref_squeeze %dma_start3A_52 : memref<1x128xi32, #tpu.memory_space<vmem>> -> memref<128xi32, #tpu.memory_space<vmem>>
    %dma_start3A_54 = arith.constant 0 : i32
    %dma_start3A_55 = arith.constant 0 : i32
    %dma_start3A_56 = tpu.memref_slice %arg10[%dma_start3A_54, %dma_start3A_55] : memref<10112x128xf32, #tpu.memory_space<vmem_shared>> -> memref<10112x128xf32, #tpu.memory_space<vmem_shared>>
    tpu.enqueue_indirect_dma source(%arg8 : memref<128x128xf32, #tpu.memory_space<vmem>>) target(%dma_start3A_56 : memref<10112x128xf32, #tpu.memory_space<vmem_shared>>) offsets(%dma_start3A_53 : memref<128xi32, #tpu.memory_space<vmem>>) semaphore(%arg13 : memref<!tpu.dma_semaphore, #tpu.memory_space<semaphore_mem>>) {add = true}
    %dma_wait3A_57 = arith.constant 39 : i32
    %dma_wait3A_58 = arith.constant 0 : i32
    %dma_wait3A_59 = tpu.memref_slice %arg6[%dma_wait3A_57, %dma_wait3A_58] : memref<40x128xi32, #tpu.memory_space<vmem>> -> memref<1x128xi32, #tpu.memory_space<vmem>>
    %dma_wait3A_60 = tpu.memref_squeeze %dma_wait3A_59 : memref<1x128xi32, #tpu.memory_space<vmem>> -> memref<128xi32, #tpu.memory_space<vmem>>
    %dma_wait3A_61 = arith.constant 0 : i32
    %dma_wait3A_62 = arith.constant 0 : i32
    %dma_wait3A_63 = tpu.memref_slice %arg4[%dma_wait3A_61, %dma_wait3A_62] : memref<20000x128xf32, #tpu.memory_space<hbm>> -> memref<20000x128xf32, #tpu.memory_space<hbm>>
    tpu.wait_indirect_dma semaphore(%arg12 : memref<!tpu.dma_semaphore, #tpu.memory_space<semaphore_mem>>) src(%dma_wait3A_63 : memref<20000x128xf32, #tpu.memory_space<hbm>>) dst(%arg9 : memref<128x128xf32, #tpu.memory_space<vmem>>)
    %dma_start3A_64 = arith.constant 39 : i32
    %dma_start3A_65 = arith.constant 0 : i32
    %dma_start3A_66 = tpu.memref_slice %arg7[%dma_start3A_64, %dma_start3A_65] : memref<40x128xi32, #tpu.memory_space<vmem>> -> memref<1x128xi32, #tpu.memory_space<vmem>>
    %dma_start3A_67 = tpu.memref_squeeze %dma_start3A_66 : memref<1x128xi32, #tpu.memory_space<vmem>> -> memref<128xi32, #tpu.memory_space<vmem>>
    %dma_start3A_68 = arith.constant 0 : i32
    %dma_start3A_69 = arith.constant 0 : i32
    %dma_start3A_70 = tpu.memref_slice %arg10[%dma_start3A_68, %dma_start3A_69] : memref<10112x128xf32, #tpu.memory_space<vmem_shared>> -> memref<10112x128xf32, #tpu.memory_space<vmem_shared>>
    tpu.enqueue_indirect_dma source(%arg9 : memref<128x128xf32, #tpu.memory_space<vmem>>) target(%dma_start3A_70 : memref<10112x128xf32, #tpu.memory_space<vmem_shared>>) offsets(%dma_start3A_67 : memref<128xi32, #tpu.memory_space<vmem>>) semaphore(%arg14 : memref<!tpu.dma_semaphore, #tpu.memory_space<semaphore_mem>>) {add = true}
    %dma_wait3A_71 = arith.constant 38 : i32
    %dma_wait3A_72 = arith.constant 0 : i32
    %dma_wait3A_73 = tpu.memref_slice %arg7[%dma_wait3A_71, %dma_wait3A_72] : memref<40x128xi32, #tpu.memory_space<vmem>> -> memref<1x128xi32, #tpu.memory_space<vmem>>
    %dma_wait3A_74 = tpu.memref_squeeze %dma_wait3A_73 : memref<1x128xi32, #tpu.memory_space<vmem>> -> memref<128xi32, #tpu.memory_space<vmem>>
    %dma_wait3A_75 = arith.constant 0 : i32
    %dma_wait3A_76 = arith.constant 0 : i32
    %dma_wait3A_77 = tpu.memref_slice %arg10[%dma_wait3A_75, %dma_wait3A_76] : memref<10112x128xf32, #tpu.memory_space<vmem_shared>> -> memref<10112x128xf32, #tpu.memory_space<vmem_shared>>
    tpu.wait_indirect_dma semaphore(%arg13 : memref<!tpu.dma_semaphore, #tpu.memory_space<semaphore_mem>>) src(%arg8 : memref<128x128xf32, #tpu.memory_space<vmem>>) dst(%dma_wait3A_77 : memref<10112x128xf32, #tpu.memory_space<vmem_shared>>)
    %dma_wait3A_78 = arith.constant 39 : i32
    %dma_wait3A_79 = arith.constant 0 : i32
    %dma_wait3A_80 = tpu.memref_slice %arg7[%dma_wait3A_78, %dma_wait3A_79] : memref<40x128xi32, #tpu.memory_space<vmem>> -> memref<1x128xi32, #tpu.memory_space<vmem>>
    %dma_wait3A_81 = tpu.memref_squeeze %dma_wait3A_80 : memref<1x128xi32, #tpu.memory_space<vmem>> -> memref<128xi32, #tpu.memory_space<vmem>>
    %dma_wait3A_82 = arith.constant 0 : i32
    %dma_wait3A_83 = arith.constant 0 : i32
    %dma_wait3A_84 = tpu.memref_slice %arg10[%dma_wait3A_82, %dma_wait3A_83] : memref<10112x128xf32, #tpu.memory_space<vmem_shared>> -> memref<10112x128xf32, #tpu.memory_space<vmem_shared>>
    tpu.wait_indirect_dma semaphore(%arg14 : memref<!tpu.dma_semaphore, #tpu.memory_space<semaphore_mem>>) src(%arg9 : memref<128x128xf32, #tpu.memory_space<vmem>>) dst(%dma_wait3A_84 : memref<10112x128xf32, #tpu.memory_space<vmem_shared>>)
    %mul3A_85 = arith.constant 1280 : i32
    %mul3A_86 = arith.muli %arg0, %mul3A_85 : i32
    %mul3A_87 = arith.constant 80 : i32
    %mul3A_88 = arith.muli %arg1, %mul3A_87 : i32
    %add3A_89 = arith.addi %mul3A_86, %mul3A_88 : i32
    %add3A_90 = arith.constant 40 : i32
    %add3A_91 = arith.addi %add3A_89, %add3A_90 : i32
    "tpu.region"() ({
      %run_scoped3A = tpu.sem_alloc : memref<!tpu.dma_semaphore, #tpu.memory_space<semaphore_mem>>
      %dma_start3A_167 = arith.constant 0 : i32
      %dma_start3A_168 = tpu.memref_slice %arg2[%add3A_91, %dma_start3A_167] : memref<2560x128xi32, #tpu.memory_space<hbm>> -> memref<40x128xi32, #tpu.memory_space<hbm>>
      %dma_start3A_169 = arith.constant 0 : i32
      %dma_start3A_170 = tpu.memref_slice %arg2[%add3A_91, %dma_start3A_169] : memref<2560x128xi32, #tpu.memory_space<hbm>> -> memref<40x128xi32, #tpu.memory_space<hbm>>
      tpu.enqueue_dma source(%dma_start3A_170 : memref<40x128xi32, #tpu.memory_space<hbm>>) target(%arg6 : memref<40x128xi32, #tpu.memory_space<vmem>>) target_semaphore(%run_scoped3A : memref<!tpu.dma_semaphore, #tpu.memory_space<semaphore_mem>>)
      %dma_wait3A_171 = arith.constant 0 : i32
      %dma_wait3A_172 = tpu.memref_slice %arg2[%add3A_91, %dma_wait3A_171] : memref<2560x128xi32, #tpu.memory_space<hbm>> -> memref<40x128xi32, #tpu.memory_space<hbm>>
      %dma_wait3A_173 = arith.constant 0 : i32
      %dma_wait3A_174 = tpu.memref_slice %arg2[%add3A_91, %dma_wait3A_173] : memref<2560x128xi32, #tpu.memory_space<hbm>> -> memref<40x128xi32, #tpu.memory_space<hbm>>
      tpu.wait_dma2 semaphore(%run_scoped3A : memref<!tpu.dma_semaphore, #tpu.memory_space<semaphore_mem>>) src(%dma_wait3A_174 : memref<40x128xi32, #tpu.memory_space<hbm>>) dst(%arg6 : memref<40x128xi32, #tpu.memory_space<vmem>>)
      tpu.yield
    }) : () -> ()
    %mul3A_92 = arith.constant 80 : i32
    %mul3A_93 = arith.muli %arg1, %mul3A_92 : i32
    %add3A_94 = arith.constant 40 : i32
    %add3A_95 = arith.addi %mul3A_93, %add3A_94 : i32
    "tpu.region"() ({
      %run_scoped3A = tpu.sem_alloc : memref<!tpu.dma_semaphore, #tpu.memory_space<semaphore_mem>>
      %dma_start3A_167 = arith.constant 0 : i32
      %dma_start3A_168 = tpu.memref_slice %arg3[%add3A_95, %dma_start3A_167] : memref<1280x128xi32, #tpu.memory_space<hbm>> -> memref<40x128xi32, #tpu.memory_space<hbm>>
      %dma_start3A_169 = arith.constant 0 : i32
      %dma_start3A_170 = tpu.memref_slice %arg3[%add3A_95, %dma_start3A_169] : memref<1280x128xi32, #tpu.memory_space<hbm>> -> memref<40x128xi32, #tpu.memory_space<hbm>>
      tpu.enqueue_dma source(%dma_start3A_170 : memref<40x128xi32, #tpu.memory_space<hbm>>) target(%arg7 : memref<40x128xi32, #tpu.memory_space<vmem>>) target_semaphore(%run_scoped3A : memref<!tpu.dma_semaphore, #tpu.memory_space<semaphore_mem>>)
      %dma_wait3A_171 = arith.constant 0 : i32
      %dma_wait3A_172 = tpu.memref_slice %arg3[%add3A_95, %dma_wait3A_171] : memref<1280x128xi32, #tpu.memory_space<hbm>> -> memref<40x128xi32, #tpu.memory_space<hbm>>
      %dma_wait3A_173 = arith.constant 0 : i32
      %dma_wait3A_174 = tpu.memref_slice %arg3[%add3A_95, %dma_wait3A_173] : memref<1280x128xi32, #tpu.memory_space<hbm>> -> memref<40x128xi32, #tpu.memory_space<hbm>>
      tpu.wait_dma2 semaphore(%run_scoped3A : memref<!tpu.dma_semaphore, #tpu.memory_space<semaphore_mem>>) src(%dma_wait3A_174 : memref<40x128xi32, #tpu.memory_space<hbm>>) dst(%arg7 : memref<40x128xi32, #tpu.memory_space<vmem>>)
      tpu.yield
    }) : () -> ()
    %dma_start3A_96 = arith.constant 0 : i32
    %dma_start3A_97 = arith.constant 0 : i32
    %dma_start3A_98 = tpu.memref_slice %arg6[%dma_start3A_96, %dma_start3A_97] : memref<40x128xi32, #tpu.memory_space<vmem>> -> memref<1x128xi32, #tpu.memory_space<vmem>>
    %dma_start3A_99 = tpu.memref_squeeze %dma_start3A_98 : memref<1x128xi32, #tpu.memory_space<vmem>> -> memref<128xi32, #tpu.memory_space<vmem>>
    %dma_start3A_100 = arith.constant 0 : i32
    %dma_start3A_101 = arith.constant 0 : i32
    %dma_start3A_102 = tpu.memref_slice %arg4[%dma_start3A_100, %dma_start3A_101] : memref<20000x128xf32, #tpu.memory_space<hbm>> -> memref<20000x128xf32, #tpu.memory_space<hbm>>
    tpu.enqueue_indirect_dma source(%dma_start3A_102 : memref<20000x128xf32, #tpu.memory_space<hbm>>) target(%arg8 : memref<128x128xf32, #tpu.memory_space<vmem>>) offsets(%dma_start3A_99 : memref<128xi32, #tpu.memory_space<vmem>>) semaphore(%arg11 : memref<!tpu.dma_semaphore, #tpu.memory_space<semaphore_mem>>)
    %dma_start3A_103 = arith.constant 1 : i32
    %dma_start3A_104 = arith.constant 0 : i32
    %dma_start3A_105 = tpu.memref_slice %arg6[%dma_start3A_103, %dma_start3A_104] : memref<40x128xi32, #tpu.memory_space<vmem>> -> memref<1x128xi32, #tpu.memory_space<vmem>>
    %dma_start3A_106 = tpu.memref_squeeze %dma_start3A_105 : memref<1x128xi32, #tpu.memory_space<vmem>> -> memref<128xi32, #tpu.memory_space<vmem>>
    %dma_start3A_107 = arith.constant 0 : i32
    %dma_start3A_108 = arith.constant 0 : i32
    %dma_start3A_109 = tpu.memref_slice %arg4[%dma_start3A_107, %dma_start3A_108] : memref<20000x128xf32, #tpu.memory_space<hbm>> -> memref<20000x128xf32, #tpu.memory_space<hbm>>
    tpu.enqueue_indirect_dma source(%dma_start3A_109 : memref<20000x128xf32, #tpu.memory_space<hbm>>) target(%arg9 : memref<128x128xf32, #tpu.memory_space<vmem>>) offsets(%dma_start3A_106 : memref<128xi32, #tpu.memory_space<vmem>>) semaphore(%arg12 : memref<!tpu.dma_semaphore, #tpu.memory_space<semaphore_mem>>)
    %scan3A_110 = arith.constant 0 : i32
    %scan3A_111 = arith.constant 19 : i32
    %scan3A_112 = arith.addi %scan3A_110, %scan3A_111 : i32
    %scan3A_113 = arith.constant 1 : i32
    scf.for %scan3A_167 = %scan3A_110 to %scan3A_112 step %scan3A_113  : i32 {
      %mul3A_168 = arith.constant 1 : i32
      %mul3A_169 = arith.muli %scan3A_167, %mul3A_168 : i32
      %add3A_170 = arith.constant 0 : i32
      %add3A_171 = arith.addi %add3A_170, %mul3A_169 : i32
      %mul3A_172 = arith.constant 2 : i32
      %mul3A_173 = arith.muli %add3A_171, %mul3A_172 : i32
      %add3A_174 = arith.constant 0 : i32
      %add3A_175 = arith.addi %mul3A_173, %add3A_174 : i32
      %dma_wait3A_176 = arith.constant 0 : i32
      %dma_wait3A_177 = tpu.memref_slice %arg6[%add3A_175, %dma_wait3A_176] : memref<40x128xi32, #tpu.memory_space<vmem>> -> memref<1x128xi32, #tpu.memory_space<vmem>>
      %dma_wait3A_178 = tpu.memref_squeeze %dma_wait3A_177 : memref<1x128xi32, #tpu.memory_space<vmem>> -> memref<128xi32, #tpu.memory_space<vmem>>
      %dma_wait3A_179 = arith.constant 0 : i32
      %dma_wait3A_180 = arith.constant 0 : i32
      %dma_wait3A_181 = tpu.memref_slice %arg4[%dma_wait3A_179, %dma_wait3A_180] : memref<20000x128xf32, #tpu.memory_space<hbm>> -> memref<20000x128xf32, #tpu.memory_space<hbm>>
      tpu.wait_indirect_dma semaphore(%arg11 : memref<!tpu.dma_semaphore, #tpu.memory_space<semaphore_mem>>) src(%dma_wait3A_181 : memref<20000x128xf32, #tpu.memory_space<hbm>>) dst(%arg8 : memref<128x128xf32, #tpu.memory_space<vmem>>)
      %add3A_182 = arith.constant 0 : i32
      %add3A_183 = arith.addi %mul3A_173, %add3A_182 : i32
      %dma_start3A_184 = arith.constant 0 : i32
      %dma_start3A_185 = tpu.memref_slice %arg7[%add3A_183, %dma_start3A_184] : memref<40x128xi32, #tpu.memory_space<vmem>> -> memref<1x128xi32, #tpu.memory_space<vmem>>
      %dma_start3A_186 = tpu.memref_squeeze %dma_start3A_185 : memref<1x128xi32, #tpu.memory_space<vmem>> -> memref<128xi32, #tpu.memory_space<vmem>>
      %dma_start3A_187 = arith.constant 0 : i32
      %dma_start3A_188 = arith.constant 0 : i32
      %dma_start3A_189 = tpu.memref_slice %arg10[%dma_start3A_187, %dma_start3A_188] : memref<10112x128xf32, #tpu.memory_space<vmem_shared>> -> memref<10112x128xf32, #tpu.memory_space<vmem_shared>>
      tpu.enqueue_indirect_dma source(%arg8 : memref<128x128xf32, #tpu.memory_space<vmem>>) target(%dma_start3A_189 : memref<10112x128xf32, #tpu.memory_space<vmem_shared>>) offsets(%dma_start3A_186 : memref<128xi32, #tpu.memory_space<vmem>>) semaphore(%arg13 : memref<!tpu.dma_semaphore, #tpu.memory_space<semaphore_mem>>) {add = true}
      %add3A_190 = arith.constant 1 : i32
      %add3A_191 = arith.addi %mul3A_173, %add3A_190 : i32
      %dma_wait3A_192 = arith.constant 0 : i32
      %dma_wait3A_193 = tpu.memref_slice %arg6[%add3A_191, %dma_wait3A_192] : memref<40x128xi32, #tpu.memory_space<vmem>> -> memref<1x128xi32, #tpu.memory_space<vmem>>
      %dma_wait3A_194 = tpu.memref_squeeze %dma_wait3A_193 : memref<1x128xi32, #tpu.memory_space<vmem>> -> memref<128xi32, #tpu.memory_space<vmem>>
      %dma_wait3A_195 = arith.constant 0 : i32
      %dma_wait3A_196 = arith.constant 0 : i32
      %dma_wait3A_197 = tpu.memref_slice %arg4[%dma_wait3A_195, %dma_wait3A_196] : memref<20000x128xf32, #tpu.memory_space<hbm>> -> memref<20000x128xf32, #tpu.memory_space<hbm>>
      tpu.wait_indirect_dma semaphore(%arg12 : memref<!tpu.dma_semaphore, #tpu.memory_space<semaphore_mem>>) src(%dma_wait3A_197 : memref<20000x128xf32, #tpu.memory_space<hbm>>) dst(%arg9 : memref<128x128xf32, #tpu.memory_space<vmem>>)
      %add3A_198 = arith.constant 1 : i32
      %add3A_199 = arith.addi %mul3A_173, %add3A_198 : i32
      %dma_start3A_200 = arith.constant 0 : i32
      %dma_start3A_201 = tpu.memref_slice %arg7[%add3A_199, %dma_start3A_200] : memref<40x128xi32, #tpu.memory_space<vmem>> -> memref<1x128xi32, #tpu.memory_space<vmem>>
      %dma_start3A_202 = tpu.memref_squeeze %dma_start3A_201 : memref<1x128xi32, #tpu.memory_space<vmem>> -> memref<128xi32, #tpu.memory_space<vmem>>
      %dma_start3A_203 = arith.constant 0 : i32
      %dma_start3A_204 = arith.constant 0 : i32
      %dma_start3A_205 = tpu.memref_slice %arg10[%dma_start3A_203, %dma_start3A_204] : memref<10112x128xf32, #tpu.memory_space<vmem_shared>> -> memref<10112x128xf32, #tpu.memory_space<vmem_shared>>
      tpu.enqueue_indirect_dma source(%arg9 : memref<128x128xf32, #tpu.memory_space<vmem>>) target(%dma_start3A_205 : memref<10112x128xf32, #tpu.memory_space<vmem_shared>>) offsets(%dma_start3A_202 : memref<128xi32, #tpu.memory_space<vmem>>) semaphore(%arg14 : memref<!tpu.dma_semaphore, #tpu.memory_space<semaphore_mem>>) {add = true}
      %add3A_206 = arith.constant 0 : i32
      %add3A_207 = arith.addi %mul3A_173, %add3A_206 : i32
      %dma_wait3A_208 = arith.constant 0 : i32
      %dma_wait3A_209 = tpu.memref_slice %arg7[%add3A_207, %dma_wait3A_208] : memref<40x128xi32, #tpu.memory_space<vmem>> -> memref<1x128xi32, #tpu.memory_space<vmem>>
      %dma_wait3A_210 = tpu.memref_squeeze %dma_wait3A_209 : memref<1x128xi32, #tpu.memory_space<vmem>> -> memref<128xi32, #tpu.memory_space<vmem>>
      %dma_wait3A_211 = arith.constant 0 : i32
      %dma_wait3A_212 = arith.constant 0 : i32
      %dma_wait3A_213 = tpu.memref_slice %arg10[%dma_wait3A_211, %dma_wait3A_212] : memref<10112x128xf32, #tpu.memory_space<vmem_shared>> -> memref<10112x128xf32, #tpu.memory_space<vmem_shared>>
      tpu.wait_indirect_dma semaphore(%arg13 : memref<!tpu.dma_semaphore, #tpu.memory_space<semaphore_mem>>) src(%arg8 : memref<128x128xf32, #tpu.memory_space<vmem>>) dst(%dma_wait3A_213 : memref<10112x128xf32, #tpu.memory_space<vmem_shared>>)
      %add3A_214 = arith.constant 2 : i32
      %add3A_215 = arith.addi %mul3A_173, %add3A_214 : i32
      %add3A_216 = arith.constant 0 : i32
      %add3A_217 = arith.addi %add3A_215, %add3A_216 : i32
      %dma_start3A_218 = arith.constant 0 : i32
      %dma_start3A_219 = tpu.memref_slice %arg6[%add3A_217, %dma_start3A_218] : memref<40x128xi32, #tpu.memory_space<vmem>> -> memref<1x128xi32, #tpu.memory_space<vmem>>
      %dma_start3A_220 = tpu.memref_squeeze %dma_start3A_219 : memref<1x128xi32, #tpu.memory_space<vmem>> -> memref<128xi32, #tpu.memory_space<vmem>>
      %dma_start3A_221 = arith.constant 0 : i32
      %dma_start3A_222 = arith.constant 0 : i32
      %dma_start3A_223 = tpu.memref_slice %arg4[%dma_start3A_221, %dma_start3A_222] : memref<20000x128xf32, #tpu.memory_space<hbm>> -> memref<20000x128xf32, #tpu.memory_space<hbm>>
      tpu.enqueue_indirect_dma source(%dma_start3A_223 : memref<20000x128xf32, #tpu.memory_space<hbm>>) target(%arg8 : memref<128x128xf32, #tpu.memory_space<vmem>>) offsets(%dma_start3A_220 : memref<128xi32, #tpu.memory_space<vmem>>) semaphore(%arg11 : memref<!tpu.dma_semaphore, #tpu.memory_space<semaphore_mem>>)
      %add3A_224 = arith.constant 1 : i32
      %add3A_225 = arith.addi %mul3A_173, %add3A_224 : i32
      %dma_wait3A_226 = arith.constant 0 : i32
      %dma_wait3A_227 = tpu.memref_slice %arg7[%add3A_225, %dma_wait3A_226] : memref<40x128xi32, #tpu.memory_space<vmem>> -> memref<1x128xi32, #tpu.memory_space<vmem>>
      %dma_wait3A_228 = tpu.memref_squeeze %dma_wait3A_227 : memref<1x128xi32, #tpu.memory_space<vmem>> -> memref<128xi32, #tpu.memory_space<vmem>>
      %dma_wait3A_229 = arith.constant 0 : i32
      %dma_wait3A_230 = arith.constant 0 : i32
      %dma_wait3A_231 = tpu.memref_slice %arg10[%dma_wait3A_229, %dma_wait3A_230] : memref<10112x128xf32, #tpu.memory_space<vmem_shared>> -> memref<10112x128xf32, #tpu.memory_space<vmem_shared>>
      tpu.wait_indirect_dma semaphore(%arg14 : memref<!tpu.dma_semaphore, #tpu.memory_space<semaphore_mem>>) src(%arg9 : memref<128x128xf32, #tpu.memory_space<vmem>>) dst(%dma_wait3A_231 : memref<10112x128xf32, #tpu.memory_space<vmem_shared>>)
      %add3A_232 = arith.constant 2 : i32
      %add3A_233 = arith.addi %mul3A_173, %add3A_232 : i32
      %add3A_234 = arith.constant 1 : i32
      %add3A_235 = arith.addi %add3A_233, %add3A_234 : i32
      %dma_start3A_236 = arith.constant 0 : i32
      %dma_start3A_237 = tpu.memref_slice %arg6[%add3A_235, %dma_start3A_236] : memref<40x128xi32, #tpu.memory_space<vmem>> -> memref<1x128xi32, #tpu.memory_space<vmem>>
      %dma_start3A_238 = tpu.memref_squeeze %dma_start3A_237 : memref<1x128xi32, #tpu.memory_space<vmem>> -> memref<128xi32, #tpu.memory_space<vmem>>
      %dma_start3A_239 = arith.constant 0 : i32
      %dma_start3A_240 = arith.constant 0 : i32
      %dma_start3A_241 = tpu.memref_slice %arg4[%dma_start3A_239, %dma_start3A_240] : memref<20000x128xf32, #tpu.memory_space<hbm>> -> memref<20000x128xf32, #tpu.memory_space<hbm>>
      tpu.enqueue_indirect_dma source(%dma_start3A_241 : memref<20000x128xf32, #tpu.memory_space<hbm>>) target(%arg9 : memref<128x128xf32, #tpu.memory_space<vmem>>) offsets(%dma_start3A_238 : memref<128xi32, #tpu.memory_space<vmem>>) semaphore(%arg12 : memref<!tpu.dma_semaphore, #tpu.memory_space<semaphore_mem>>)
    }
    %scan3A_114 = arith.constant 19 : i32
    %dma_wait3A_115 = arith.constant 38 : i32
    %dma_wait3A_116 = arith.constant 0 : i32
    %dma_wait3A_117 = tpu.memref_slice %arg6[%dma_wait3A_115, %dma_wait3A_116] : memref<40x128xi32, #tpu.memory_space<vmem>> -> memref<1x128xi32, #tpu.memory_space<vmem>>
    %dma_wait3A_118 = tpu.memref_squeeze %dma_wait3A_117 : memref<1x128xi32, #tpu.memory_space<vmem>> -> memref<128xi32, #tpu.memory_space<vmem>>
    %dma_wait3A_119 = arith.constant 0 : i32
    %dma_wait3A_120 = arith.constant 0 : i32
    %dma_wait3A_121 = tpu.memref_slice %arg4[%dma_wait3A_119, %dma_wait3A_120] : memref<20000x128xf32, #tpu.memory_space<hbm>> -> memref<20000x128xf32, #tpu.memory_space<hbm>>
    tpu.wait_indirect_dma semaphore(%arg11 : memref<!tpu.dma_semaphore, #tpu.memory_space<semaphore_mem>>) src(%dma_wait3A_121 : memref<20000x128xf32, #tpu.memory_space<hbm>>) dst(%arg8 : memref<128x128xf32, #tpu.memory_space<vmem>>)
    %dma_start3A_122 = arith.constant 38 : i32
    %dma_start3A_123 = arith.constant 0 : i32
    %dma_start3A_124 = tpu.memref_slice %arg7[%dma_start3A_122, %dma_start3A_123] : memref<40x128xi32, #tpu.memory_space<vmem>> -> memref<1x128xi32, #tpu.memory_space<vmem>>
    %dma_start3A_125 = tpu.memref_squeeze %dma_start3A_124 : memref<1x128xi32, #tpu.memory_space<vmem>> -> memref<128xi32, #tpu.memory_space<vmem>>
    %dma_start3A_126 = arith.constant 0 : i32
    %dma_start3A_127 = arith.constant 0 : i32
    %dma_start3A_128 = tpu.memref_slice %arg10[%dma_start3A_126, %dma_start3A_127] : memref<10112x128xf32, #tpu.memory_space<vmem_shared>> -> memref<10112x128xf32, #tpu.memory_space<vmem_shared>>
    tpu.enqueue_indirect_dma source(%arg8 : memref<128x128xf32, #tpu.memory_space<vmem>>) target(%dma_start3A_128 : memref<10112x128xf32, #tpu.memory_space<vmem_shared>>) offsets(%dma_start3A_125 : memref<128xi32, #tpu.memory_space<vmem>>) semaphore(%arg13 : memref<!tpu.dma_semaphore, #tpu.memory_space<semaphore_mem>>) {add = true}
    %dma_wait3A_129 = arith.constant 39 : i32
    %dma_wait3A_130 = arith.constant 0 : i32
    %dma_wait3A_131 = tpu.memref_slice %arg6[%dma_wait3A_129, %dma_wait3A_130] : memref<40x128xi32, #tpu.memory_space<vmem>> -> memref<1x128xi32, #tpu.memory_space<vmem>>
    %dma_wait3A_132 = tpu.memref_squeeze %dma_wait3A_131 : memref<1x128xi32, #tpu.memory_space<vmem>> -> memref<128xi32, #tpu.memory_space<vmem>>
    %dma_wait3A_133 = arith.constant 0 : i32
    %dma_wait3A_134 = arith.constant 0 : i32
    %dma_wait3A_135 = tpu.memref_slice %arg4[%dma_wait3A_133, %dma_wait3A_134] : memref<20000x128xf32, #tpu.memory_space<hbm>> -> memref<20000x128xf32, #tpu.memory_space<hbm>>
    tpu.wait_indirect_dma semaphore(%arg12 : memref<!tpu.dma_semaphore, #tpu.memory_space<semaphore_mem>>) src(%dma_wait3A_135 : memref<20000x128xf32, #tpu.memory_space<hbm>>) dst(%arg9 : memref<128x128xf32, #tpu.memory_space<vmem>>)
    %dma_start3A_136 = arith.constant 39 : i32
    %dma_start3A_137 = arith.constant 0 : i32
    %dma_start3A_138 = tpu.memref_slice %arg7[%dma_start3A_136, %dma_start3A_137] : memref<40x128xi32, #tpu.memory_space<vmem>> -> memref<1x128xi32, #tpu.memory_space<vmem>>
    %dma_start3A_139 = tpu.memref_squeeze %dma_start3A_138 : memref<1x128xi32, #tpu.memory_space<vmem>> -> memref<128xi32, #tpu.memory_space<vmem>>
    %dma_start3A_140 = arith.constant 0 : i32
    %dma_start3A_141 = arith.constant 0 : i32
    %dma_start3A_142 = tpu.memref_slice %arg10[%dma_start3A_140, %dma_start3A_141] : memref<10112x128xf32, #tpu.memory_space<vmem_shared>> -> memref<10112x128xf32, #tpu.memory_space<vmem_shared>>
    tpu.enqueue_indirect_dma source(%arg9 : memref<128x128xf32, #tpu.memory_space<vmem>>) target(%dma_start3A_142 : memref<10112x128xf32, #tpu.memory_space<vmem_shared>>) offsets(%dma_start3A_139 : memref<128xi32, #tpu.memory_space<vmem>>) semaphore(%arg14 : memref<!tpu.dma_semaphore, #tpu.memory_space<semaphore_mem>>) {add = true}
    %dma_wait3A_143 = arith.constant 38 : i32
    %dma_wait3A_144 = arith.constant 0 : i32
    %dma_wait3A_145 = tpu.memref_slice %arg7[%dma_wait3A_143, %dma_wait3A_144] : memref<40x128xi32, #tpu.memory_space<vmem>> -> memref<1x128xi32, #tpu.memory_space<vmem>>
    %dma_wait3A_146 = tpu.memref_squeeze %dma_wait3A_145 : memref<1x128xi32, #tpu.memory_space<vmem>> -> memref<128xi32, #tpu.memory_space<vmem>>
    %dma_wait3A_147 = arith.constant 0 : i32
    %dma_wait3A_148 = arith.constant 0 : i32
    %dma_wait3A_149 = tpu.memref_slice %arg10[%dma_wait3A_147, %dma_wait3A_148] : memref<10112x128xf32, #tpu.memory_space<vmem_shared>> -> memref<10112x128xf32, #tpu.memory_space<vmem_shared>>
    tpu.wait_indirect_dma semaphore(%arg13 : memref<!tpu.dma_semaphore, #tpu.memory_space<semaphore_mem>>) src(%arg8 : memref<128x128xf32, #tpu.memory_space<vmem>>) dst(%dma_wait3A_149 : memref<10112x128xf32, #tpu.memory_space<vmem_shared>>)
    %dma_wait3A_150 = arith.constant 39 : i32
    %dma_wait3A_151 = arith.constant 0 : i32
    %dma_wait3A_152 = tpu.memref_slice %arg7[%dma_wait3A_150, %dma_wait3A_151] : memref<40x128xi32, #tpu.memory_space<vmem>> -> memref<1x128xi32, #tpu.memory_space<vmem>>
    %dma_wait3A_153 = tpu.memref_squeeze %dma_wait3A_152 : memref<1x128xi32, #tpu.memory_space<vmem>> -> memref<128xi32, #tpu.memory_space<vmem>>
    %dma_wait3A_154 = arith.constant 0 : i32
    %dma_wait3A_155 = arith.constant 0 : i32
    %dma_wait3A_156 = tpu.memref_slice %arg10[%dma_wait3A_154, %dma_wait3A_155] : memref<10112x128xf32, #tpu.memory_space<vmem_shared>> -> memref<10112x128xf32, #tpu.memory_space<vmem_shared>>
    tpu.wait_indirect_dma semaphore(%arg14 : memref<!tpu.dma_semaphore, #tpu.memory_space<semaphore_mem>>) src(%arg9 : memref<128x128xf32, #tpu.memory_space<vmem>>) dst(%dma_wait3A_156 : memref<10112x128xf32, #tpu.memory_space<vmem_shared>>)
    %barrier3A_157 = arith.constant 0 : index
    tpu.barrier barrier_id(%barrier3A_157)
    %mul3A_158 = arith.constant 624 : i32
    %mul3A_159 = arith.muli %arg1, %mul3A_158 : i32
    %mul3A_160 = arith.constant 10000 : i32
    %mul3A_161 = arith.muli %arg0, %mul3A_160 : i32
    %mul3A_162 = arith.constant 624 : i32
    %mul3A_163 = arith.muli %arg1, %mul3A_162 : i32
    %add3A_164 = arith.addi %mul3A_161, %mul3A_163 : i32
    "tpu.region"() ({
      %run_scoped3A = tpu.sem_alloc : memref<!tpu.dma_semaphore, #tpu.memory_space<semaphore_mem>>
      %dma_start3A_167 = arith.constant 0 : i32
      %dma_start3A_168 = tpu.memref_slice %arg5[%add3A_164, %dma_start3A_167] : memref<20000x128xf32, #tpu.memory_space<hbm>> -> memref<624x128xf32, #tpu.memory_space<hbm>>
      %dma_start3A_169 = arith.constant 0 : i32
      %dma_start3A_170 = tpu.memref_slice %arg10[%mul3A_159, %dma_start3A_169] : memref<10112x128xf32, #tpu.memory_space<vmem_shared>> -> memref<624x128xf32, #tpu.memory_space<vmem_shared>>
      tpu.enqueue_dma source(%dma_start3A_170 : memref<624x128xf32, #tpu.memory_space<vmem_shared>>) target(%dma_start3A_168 : memref<624x128xf32, #tpu.memory_space<hbm>>) target_semaphore(%run_scoped3A : memref<!tpu.dma_semaphore, #tpu.memory_space<semaphore_mem>>)
      %dma_wait3A_171 = arith.constant 0 : i32
      %dma_wait3A_172 = tpu.memref_slice %arg5[%add3A_164, %dma_wait3A_171] : memref<20000x128xf32, #tpu.memory_space<hbm>> -> memref<624x128xf32, #tpu.memory_space<hbm>>
      %dma_wait3A_173 = arith.constant 0 : i32
      %dma_wait3A_174 = tpu.memref_slice %arg10[%mul3A_159, %dma_wait3A_173] : memref<10112x128xf32, #tpu.memory_space<vmem_shared>> -> memref<624x128xf32, #tpu.memory_space<vmem_shared>>
      tpu.wait_dma2 semaphore(%run_scoped3A : memref<!tpu.dma_semaphore, #tpu.memory_space<semaphore_mem>>) src(%dma_wait3A_174 : memref<624x128xf32, #tpu.memory_space<vmem_shared>>) dst(%dma_wait3A_172 : memref<624x128xf32, #tpu.memory_space<hbm>>)
      tpu.yield
    }) : () -> ()
    %eq3A = arith.constant 15 : i32
    %eq3A_165 = arith.cmpi eq, %arg1, %eq3A : i32
    %convert_element_type3A = arith.extui %eq3A_165 : i1 to i32
    %cond3A = arith.constant 0 : i32
    %cond3A_166 = arith.cmpi ne, %convert_element_type3A, %cond3A : i32
    scf.if %cond3A_166 {
      %mul3A_167 = arith.constant 10000 : i32
      %mul3A_168 = arith.muli %arg0, %mul3A_167 : i32
      %add3A_169 = arith.constant 9984 : i32
      %add3A_170 = arith.addi %mul3A_168, %add3A_169 : i32
      "tpu.region"() ({
        %run_scoped3A = tpu.sem_alloc : memref<!tpu.dma_semaphore, #tpu.memory_space<semaphore_mem>>
        %dma_start3A_171 = arith.constant 0 : i32
        %dma_start3A_172 = tpu.memref_slice %arg5[%add3A_170, %dma_start3A_171] : memref<20000x128xf32, #tpu.memory_space<hbm>> -> memref<16x128xf32, #tpu.memory_space<hbm>>
        %dma_start3A_173 = arith.constant 9984 : i32
        %dma_start3A_174 = arith.constant 0 : i32
        %dma_start3A_175 = tpu.memref_slice %arg10[%dma_start3A_173, %dma_start3A_174] : memref<10112x128xf32, #tpu.memory_space<vmem_shared>> -> memref<16x128xf32, #tpu.memory_space<vmem_shared>>
        tpu.enqueue_dma source(%dma_start3A_175 : memref<16x128xf32, #tpu.memory_space<vmem_shared>>) target(%dma_start3A_172 : memref<16x128xf32, #tpu.memory_space<hbm>>) target_semaphore(%run_scoped3A : memref<!tpu.dma_semaphore, #tpu.memory_space<semaphore_mem>>)
        %dma_wait3A_176 = arith.constant 0 : i32
        %dma_wait3A_177 = tpu.memref_slice %arg5[%add3A_170, %dma_wait3A_176] : memref<20000x128xf32, #tpu.memory_space<hbm>> -> memref<16x128xf32, #tpu.memory_space<hbm>>
        %dma_wait3A_178 = arith.constant 9984 : i32
        %dma_wait3A_179 = arith.constant 0 : i32
        %dma_wait3A_180 = tpu.memref_slice %arg10[%dma_wait3A_178, %dma_wait3A_179] : memref<10112x128xf32, #tpu.memory_space<vmem_shared>> -> memref<16x128xf32, #tpu.memory_space<vmem_shared>>
        tpu.wait_dma2 semaphore(%run_scoped3A : memref<!tpu.dma_semaphore, #tpu.memory_space<semaphore_mem>>) src(%dma_wait3A_180 : memref<16x128xf32, #tpu.memory_space<vmem_shared>>) dst(%dma_wait3A_177 : memref<16x128xf32, #tpu.memory_space<hbm>>)
        tpu.yield
      }) : () -> ()
    } else {
    }
    return
  }
}

#map = affine_map<(d0, d1) -> (0, 0)>
module attributes {stable_mosaic.version = 14 : i64} {
  func.func @k(%arg0: i32, %arg1: i32, %arg2: memref<1280x128xi32, #tpu.memory_space<hbm>>, %arg3: memref<20000x128xf32, #tpu.memory_space<hbm>>, %arg4: memref<40x128xi32, #tpu.memory_space<vmem>>, %arg5: memref<128x128xf32, #tpu.memory_space<vmem>>, %arg6: memref<10112x128xf32, #tpu.memory_space<vmem_shared>>, %arg7: memref<!tpu.dma_semaphore, #tpu.memory_space<semaphore_mem>>) attributes {dimension_semantics = [#tpu.dimension_semantics<core_parallel>, #tpu.dimension_semantics<subcore_parallel>], iteration_bounds = array<i64: 2, 16>, scalar_prefetch = 0 : i64, scratch_operands = 4 : i64, tpu.core_type = #tpu.core_type<sc_vector_subcore>, window_params = [{transform_indices = #map}, {transform_indices = #map}]} {
    %mul3A = arith.constant 16 : i32
    %mul3A_0 = arith.muli %arg0, %mul3A : i32
    %add3A = arith.addi %mul3A_0, %arg1 : i32
    %mul3A_1 = arith.constant 40 : i32
    %mul3A_2 = arith.muli %add3A, %mul3A_1 : i32
    "tpu.region"() ({
      %run_scoped3A = tpu.sem_alloc : memref<!tpu.dma_semaphore, #tpu.memory_space<semaphore_mem>>
      %dma_start3A = arith.constant 0 : i32
      %dma_start3A_47 = tpu.memref_slice %arg2[%mul3A_2, %dma_start3A] : memref<1280x128xi32, #tpu.memory_space<hbm>> -> memref<40x128xi32, #tpu.memory_space<hbm>>
      %dma_start3A_48 = arith.constant 0 : i32
      %dma_start3A_49 = tpu.memref_slice %arg2[%mul3A_2, %dma_start3A_48] : memref<1280x128xi32, #tpu.memory_space<hbm>> -> memref<40x128xi32, #tpu.memory_space<hbm>>
      tpu.enqueue_dma source(%dma_start3A_49 : memref<40x128xi32, #tpu.memory_space<hbm>>) target(%arg4 : memref<40x128xi32, #tpu.memory_space<vmem>>) target_semaphore(%run_scoped3A : memref<!tpu.dma_semaphore, #tpu.memory_space<semaphore_mem>>)
      %dma_wait3A = arith.constant 0 : i32
      %dma_wait3A_50 = tpu.memref_slice %arg2[%mul3A_2, %dma_wait3A] : memref<1280x128xi32, #tpu.memory_space<hbm>> -> memref<40x128xi32, #tpu.memory_space<hbm>>
      %dma_wait3A_51 = arith.constant 0 : i32
      %dma_wait3A_52 = tpu.memref_slice %arg2[%mul3A_2, %dma_wait3A_51] : memref<1280x128xi32, #tpu.memory_space<hbm>> -> memref<40x128xi32, #tpu.memory_space<hbm>>
      tpu.wait_dma2 semaphore(%run_scoped3A : memref<!tpu.dma_semaphore, #tpu.memory_space<semaphore_mem>>) src(%dma_wait3A_52 : memref<40x128xi32, #tpu.memory_space<hbm>>) dst(%arg4 : memref<40x128xi32, #tpu.memory_space<vmem>>)
      tpu.yield
    }) : () -> ()
    %broadcast_in_dim3A = arith.constant 0.000000e+00 : f32
    %broadcast_in_dim3A_3 = vector.broadcast %broadcast_in_dim3A : f32 to vector<16xf32>
    %scan3A = arith.constant 0 : i32
    %scan3A_4 = arith.constant 128 : i32
    %scan3A_5 = arith.addi %scan3A, %scan3A_4 : i32
    %scan3A_6 = arith.constant 1 : i32
    scf.for %scan3A_47 = %scan3A to %scan3A_5 step %scan3A_6  : i32 {
      %mul3A_48 = arith.constant 1 : i32
      %mul3A_49 = arith.muli %scan3A_47, %mul3A_48 : i32
      %add3A_50 = arith.constant 0 : i32
      %add3A_51 = arith.addi %add3A_50, %mul3A_49 : i32
      %swap3A = arith.index_cast %add3A_51 : i32 to index
      %swap3A_52 = arith.constant 0 : index
      %swap3A_53 = tpu.vector_load %arg5[%swap3A, %swap3A_52] {strides = array<i32>} : memref<128x128xf32, #tpu.memory_space<vmem>>, vector<1x16xf32>,
      %swap3A_54 = vector.shape_cast %swap3A_53 : vector<1x16xf32> to vector<16xf32>
      %swap3A_55 = vector.shape_cast %broadcast_in_dim3A_3 : vector<16xf32> to vector<1x16xf32>
      tpu.vector_store %arg5[%swap3A, %swap3A_52], %swap3A_55 {strides = array<i32>} : memref<128x128xf32, #tpu.memory_space<vmem>>, vector<1x16xf32>,
      %swap3A_56 = arith.index_cast %add3A_51 : i32 to index
      %swap3A_57 = arith.constant 16 : index
      %swap3A_58 = tpu.vector_load %arg5[%swap3A_56, %swap3A_57] {strides = array<i32>} : memref<128x128xf32, #tpu.memory_space<vmem>>, vector<1x16xf32>,
      %swap3A_59 = vector.shape_cast %swap3A_58 : vector<1x16xf32> to vector<16xf32>
      %swap3A_60 = vector.shape_cast %broadcast_in_dim3A_3 : vector<16xf32> to vector<1x16xf32>
      tpu.vector_store %arg5[%swap3A_56, %swap3A_57], %swap3A_60 {strides = array<i32>} : memref<128x128xf32, #tpu.memory_space<vmem>>, vector<1x16xf32>,
      %swap3A_61 = arith.index_cast %add3A_51 : i32 to index
      %swap3A_62 = arith.constant 32 : index
      %swap3A_63 = tpu.vector_load %arg5[%swap3A_61, %swap3A_62] {strides = array<i32>} : memref<128x128xf32, #tpu.memory_space<vmem>>, vector<1x16xf32>,
      %swap3A_64 = vector.shape_cast %swap3A_63 : vector<1x16xf32> to vector<16xf32>
      %swap3A_65 = vector.shape_cast %broadcast_in_dim3A_3 : vector<16xf32> to vector<1x16xf32>
      tpu.vector_store %arg5[%swap3A_61, %swap3A_62], %swap3A_65 {strides = array<i32>} : memref<128x128xf32, #tpu.memory_space<vmem>>, vector<1x16xf32>,
      %swap3A_66 = arith.index_cast %add3A_51 : i32 to index
      %swap3A_67 = arith.constant 48 : index
      %swap3A_68 = tpu.vector_load %arg5[%swap3A_66, %swap3A_67] {strides = array<i32>} : memref<128x128xf32, #tpu.memory_space<vmem>>, vector<1x16xf32>,
      %swap3A_69 = vector.shape_cast %swap3A_68 : vector<1x16xf32> to vector<16xf32>
      %swap3A_70 = vector.shape_cast %broadcast_in_dim3A_3 : vector<16xf32> to vector<1x16xf32>
      tpu.vector_store %arg5[%swap3A_66, %swap3A_67], %swap3A_70 {strides = array<i32>} : memref<128x128xf32, #tpu.memory_space<vmem>>, vector<1x16xf32>,
      %swap3A_71 = arith.index_cast %add3A_51 : i32 to index
      %swap3A_72 = arith.constant 64 : index
      %swap3A_73 = tpu.vector_load %arg5[%swap3A_71, %swap3A_72] {strides = array<i32>} : memref<128x128xf32, #tpu.memory_space<vmem>>, vector<1x16xf32>,
      %swap3A_74 = vector.shape_cast %swap3A_73 : vector<1x16xf32> to vector<16xf32>
      %swap3A_75 = vector.shape_cast %broadcast_in_dim3A_3 : vector<16xf32> to vector<1x16xf32>
      tpu.vector_store %arg5[%swap3A_71, %swap3A_72], %swap3A_75 {strides = array<i32>} : memref<128x128xf32, #tpu.memory_space<vmem>>, vector<1x16xf32>,
      %swap3A_76 = arith.index_cast %add3A_51 : i32 to index
      %swap3A_77 = arith.constant 80 : index
      %swap3A_78 = tpu.vector_load %arg5[%swap3A_76, %swap3A_77] {strides = array<i32>} : memref<128x128xf32, #tpu.memory_space<vmem>>, vector<1x16xf32>,
      %swap3A_79 = vector.shape_cast %swap3A_78 : vector<1x16xf32> to vector<16xf32>
      %swap3A_80 = vector.shape_cast %broadcast_in_dim3A_3 : vector<16xf32> to vector<1x16xf32>
      tpu.vector_store %arg5[%swap3A_76, %swap3A_77], %swap3A_80 {strides = array<i32>} : memref<128x128xf32, #tpu.memory_space<vmem>>, vector<1x16xf32>,
      %swap3A_81 = arith.index_cast %add3A_51 : i32 to index
      %swap3A_82 = arith.constant 96 : index
      %swap3A_83 = tpu.vector_load %arg5[%swap3A_81, %swap3A_82] {strides = array<i32>} : memref<128x128xf32, #tpu.memory_space<vmem>>, vector<1x16xf32>,
      %swap3A_84 = vector.shape_cast %swap3A_83 : vector<1x16xf32> to vector<16xf32>
      %swap3A_85 = vector.shape_cast %broadcast_in_dim3A_3 : vector<16xf32> to vector<1x16xf32>
      tpu.vector_store %arg5[%swap3A_81, %swap3A_82], %swap3A_85 {strides = array<i32>} : memref<128x128xf32, #tpu.memory_space<vmem>>, vector<1x16xf32>,
      %swap3A_86 = arith.index_cast %add3A_51 : i32 to index
      %swap3A_87 = arith.constant 112 : index
      %swap3A_88 = tpu.vector_load %arg5[%swap3A_86, %swap3A_87] {strides = array<i32>} : memref<128x128xf32, #tpu.memory_space<vmem>>, vector<1x16xf32>,
      %swap3A_89 = vector.shape_cast %swap3A_88 : vector<1x16xf32> to vector<16xf32>
      %swap3A_90 = vector.shape_cast %broadcast_in_dim3A_3 : vector<16xf32> to vector<1x16xf32>
      tpu.vector_store %arg5[%swap3A_86, %swap3A_87], %swap3A_90 {strides = array<i32>} : memref<128x128xf32, #tpu.memory_space<vmem>>, vector<1x16xf32>,
    }
    %scan3A_7 = arith.constant 128 : i32
    %mul3A_8 = arith.constant 632 : i32
    %mul3A_9 = arith.muli %arg1, %mul3A_8 : i32
    %add3A_10 = arith.constant 0 : i32
    %add3A_11 = arith.addi %mul3A_9, %add3A_10 : i32
    "tpu.region"() ({
      %run_scoped3A = tpu.sem_alloc : memref<!tpu.dma_semaphore, #tpu.memory_space<semaphore_mem>>
      %dma_start3A = arith.constant 0 : i32
      %dma_start3A_47 = tpu.memref_slice %arg6[%add3A_11, %dma_start3A] : memref<10112x128xf32, #tpu.memory_space<vmem_shared>> -> memref<128x128xf32, #tpu.memory_space<vmem_shared>>
      %dma_start3A_48 = arith.constant 0 : i32
      %dma_start3A_49 = tpu.memref_slice %arg6[%add3A_11, %dma_start3A_48] : memref<10112x128xf32, #tpu.memory_space<vmem_shared>> -> memref<128x128xf32, #tpu.memory_space<vmem_shared>>
      tpu.enqueue_dma source(%arg5 : memref<128x128xf32, #tpu.memory_space<vmem>>) target(%dma_start3A_49 : memref<128x128xf32, #tpu.memory_space<vmem_shared>>) target_semaphore(%run_scoped3A : memref<!tpu.dma_semaphore, #tpu.memory_space<semaphore_mem>>)
      %dma_wait3A = arith.constant 0 : i32
      %dma_wait3A_50 = tpu.memref_slice %arg6[%add3A_11, %dma_wait3A] : memref<10112x128xf32, #tpu.memory_space<vmem_shared>> -> memref<128x128xf32, #tpu.memory_space<vmem_shared>>
      %dma_wait3A_51 = arith.constant 0 : i32
      %dma_wait3A_52 = tpu.memref_slice %arg6[%add3A_11, %dma_wait3A_51] : memref<10112x128xf32, #tpu.memory_space<vmem_shared>> -> memref<128x128xf32, #tpu.memory_space<vmem_shared>>
      tpu.wait_dma2 semaphore(%run_scoped3A : memref<!tpu.dma_semaphore, #tpu.memory_space<semaphore_mem>>) src(%arg5 : memref<128x128xf32, #tpu.memory_space<vmem>>) dst(%dma_wait3A_52 : memref<128x128xf32, #tpu.memory_space<vmem_shared>>)
      tpu.yield
    }) : () -> ()
    %add3A_12 = arith.constant 128 : i32
    %add3A_13 = arith.addi %mul3A_9, %add3A_12 : i32
    "tpu.region"() ({
      %run_scoped3A = tpu.sem_alloc : memref<!tpu.dma_semaphore, #tpu.memory_space<semaphore_mem>>
      %dma_start3A = arith.constant 0 : i32
      %dma_start3A_47 = tpu.memref_slice %arg6[%add3A_13, %dma_start3A] : memref<10112x128xf32, #tpu.memory_space<vmem_shared>> -> memref<128x128xf32, #tpu.memory_space<vmem_shared>>
      %dma_start3A_48 = arith.constant 0 : i32
      %dma_start3A_49 = tpu.memref_slice %arg6[%add3A_13, %dma_start3A_48] : memref<10112x128xf32, #tpu.memory_space<vmem_shared>> -> memref<128x128xf32, #tpu.memory_space<vmem_shared>>
      tpu.enqueue_dma source(%arg5 : memref<128x128xf32, #tpu.memory_space<vmem>>) target(%dma_start3A_49 : memref<128x128xf32, #tpu.memory_space<vmem_shared>>) target_semaphore(%run_scoped3A : memref<!tpu.dma_semaphore, #tpu.memory_space<semaphore_mem>>)
      %dma_wait3A = arith.constant 0 : i32
      %dma_wait3A_50 = tpu.memref_slice %arg6[%add3A_13, %dma_wait3A] : memref<10112x128xf32, #tpu.memory_space<vmem_shared>> -> memref<128x128xf32, #tpu.memory_space<vmem_shared>>
      %dma_wait3A_51 = arith.constant 0 : i32
      %dma_wait3A_52 = tpu.memref_slice %arg6[%add3A_13, %dma_wait3A_51] : memref<10112x128xf32, #tpu.memory_space<vmem_shared>> -> memref<128x128xf32, #tpu.memory_space<vmem_shared>>
      tpu.wait_dma2 semaphore(%run_scoped3A : memref<!tpu.dma_semaphore, #tpu.memory_space<semaphore_mem>>) src(%arg5 : memref<128x128xf32, #tpu.memory_space<vmem>>) dst(%dma_wait3A_52 : memref<128x128xf32, #tpu.memory_space<vmem_shared>>)
      tpu.yield
    }) : () -> ()
    %add3A_14 = arith.constant 256 : i32
    %add3A_15 = arith.addi %mul3A_9, %add3A_14 : i32
    "tpu.region"() ({
      %run_scoped3A = tpu.sem_alloc : memref<!tpu.dma_semaphore, #tpu.memory_space<semaphore_mem>>
      %dma_start3A = arith.constant 0 : i32
      %dma_start3A_47 = tpu.memref_slice %arg6[%add3A_15, %dma_start3A] : memref<10112x128xf32, #tpu.memory_space<vmem_shared>> -> memref<128x128xf32, #tpu.memory_space<vmem_shared>>
      %dma_start3A_48 = arith.constant 0 : i32
      %dma_start3A_49 = tpu.memref_slice %arg6[%add3A_15, %dma_start3A_48] : memref<10112x128xf32, #tpu.memory_space<vmem_shared>> -> memref<128x128xf32, #tpu.memory_space<vmem_shared>>
      tpu.enqueue_dma source(%arg5 : memref<128x128xf32, #tpu.memory_space<vmem>>) target(%dma_start3A_49 : memref<128x128xf32, #tpu.memory_space<vmem_shared>>) target_semaphore(%run_scoped3A : memref<!tpu.dma_semaphore, #tpu.memory_space<semaphore_mem>>)
      %dma_wait3A = arith.constant 0 : i32
      %dma_wait3A_50 = tpu.memref_slice %arg6[%add3A_15, %dma_wait3A] : memref<10112x128xf32, #tpu.memory_space<vmem_shared>> -> memref<128x128xf32, #tpu.memory_space<vmem_shared>>
      %dma_wait3A_51 = arith.constant 0 : i32
      %dma_wait3A_52 = tpu.memref_slice %arg6[%add3A_15, %dma_wait3A_51] : memref<10112x128xf32, #tpu.memory_space<vmem_shared>> -> memref<128x128xf32, #tpu.memory_space<vmem_shared>>
      tpu.wait_dma2 semaphore(%run_scoped3A : memref<!tpu.dma_semaphore, #tpu.memory_space<semaphore_mem>>) src(%arg5 : memref<128x128xf32, #tpu.memory_space<vmem>>) dst(%dma_wait3A_52 : memref<128x128xf32, #tpu.memory_space<vmem_shared>>)
      tpu.yield
    }) : () -> ()
    %add3A_16 = arith.constant 384 : i32
    %add3A_17 = arith.addi %mul3A_9, %add3A_16 : i32
    "tpu.region"() ({
      %run_scoped3A = tpu.sem_alloc : memref<!tpu.dma_semaphore, #tpu.memory_space<semaphore_mem>>
      %dma_start3A = arith.constant 0 : i32
      %dma_start3A_47 = tpu.memref_slice %arg6[%add3A_17, %dma_start3A] : memref<10112x128xf32, #tpu.memory_space<vmem_shared>> -> memref<128x128xf32, #tpu.memory_space<vmem_shared>>
      %dma_start3A_48 = arith.constant 0 : i32
      %dma_start3A_49 = tpu.memref_slice %arg6[%add3A_17, %dma_start3A_48] : memref<10112x128xf32, #tpu.memory_space<vmem_shared>> -> memref<128x128xf32, #tpu.memory_space<vmem_shared>>
      tpu.enqueue_dma source(%arg5 : memref<128x128xf32, #tpu.memory_space<vmem>>) target(%dma_start3A_49 : memref<128x128xf32, #tpu.memory_space<vmem_shared>>) target_semaphore(%run_scoped3A : memref<!tpu.dma_semaphore, #tpu.memory_space<semaphore_mem>>)
      %dma_wait3A = arith.constant 0 : i32
      %dma_wait3A_50 = tpu.memref_slice %arg6[%add3A_17, %dma_wait3A] : memref<10112x128xf32, #tpu.memory_space<vmem_shared>> -> memref<128x128xf32, #tpu.memory_space<vmem_shared>>
      %dma_wait3A_51 = arith.constant 0 : i32
      %dma_wait3A_52 = tpu.memref_slice %arg6[%add3A_17, %dma_wait3A_51] : memref<10112x128xf32, #tpu.memory_space<vmem_shared>> -> memref<128x128xf32, #tpu.memory_space<vmem_shared>>
      tpu.wait_dma2 semaphore(%run_scoped3A : memref<!tpu.dma_semaphore, #tpu.memory_space<semaphore_mem>>) src(%arg5 : memref<128x128xf32, #tpu.memory_space<vmem>>) dst(%dma_wait3A_52 : memref<128x128xf32, #tpu.memory_space<vmem_shared>>)
      tpu.yield
    }) : () -> ()
    %add3A_18 = arith.constant 512 : i32
    %add3A_19 = arith.addi %mul3A_9, %add3A_18 : i32
    "tpu.region"() ({
      %run_scoped3A = tpu.sem_alloc : memref<!tpu.dma_semaphore, #tpu.memory_space<semaphore_mem>>
      %dma_start3A = arith.constant 0 : i32
      %dma_start3A_47 = arith.constant 0 : i32
      %dma_start3A_48 = tpu.memref_slice %arg5[%dma_start3A, %dma_start3A_47] : memref<128x128xf32, #tpu.memory_space<vmem>> -> memref<120x128xf32, #tpu.memory_space<vmem>>
      %dma_start3A_49 = arith.constant 0 : i32
      %dma_start3A_50 = tpu.memref_slice %arg6[%add3A_19, %dma_start3A_49] : memref<10112x128xf32, #tpu.memory_space<vmem_shared>> -> memref<120x128xf32, #tpu.memory_space<vmem_shared>>
      %dma_start3A_51 = arith.constant 0 : i32
      %dma_start3A_52 = tpu.memref_slice %arg6[%add3A_19, %dma_start3A_51] : memref<10112x128xf32, #tpu.memory_space<vmem_shared>> -> memref<120x128xf32, #tpu.memory_space<vmem_shared>>
      %dma_start3A_53 = arith.constant 0 : i32
      %dma_start3A_54 = arith.constant 0 : i32
      %dma_start3A_55 = tpu.memref_slice %arg5[%dma_start3A_53, %dma_start3A_54] : memref<128x128xf32, #tpu.memory_space<vmem>> -> memref<120x128xf32, #tpu.memory_space<vmem>>
      tpu.enqueue_dma source(%dma_start3A_55 : memref<120x128xf32, #tpu.memory_space<vmem>>) target(%dma_start3A_52 : memref<120x128xf32, #tpu.memory_space<vmem_shared>>) target_semaphore(%run_scoped3A : memref<!tpu.dma_semaphore, #tpu.memory_space<semaphore_mem>>)
      %dma_wait3A = arith.constant 0 : i32
      %dma_wait3A_56 = arith.constant 0 : i32
      %dma_wait3A_57 = tpu.memref_slice %arg5[%dma_wait3A, %dma_wait3A_56] : memref<128x128xf32, #tpu.memory_space<vmem>> -> memref<120x128xf32, #tpu.memory_space<vmem>>
      %dma_wait3A_58 = arith.constant 0 : i32
      %dma_wait3A_59 = tpu.memref_slice %arg6[%add3A_19, %dma_wait3A_58] : memref<10112x128xf32, #tpu.memory_space<vmem_shared>> -> memref<120x128xf32, #tpu.memory_space<vmem_shared>>
      %dma_wait3A_60 = arith.constant 0 : i32
      %dma_wait3A_61 = tpu.memref_slice %arg6[%add3A_19, %dma_wait3A_60] : memref<10112x128xf32, #tpu.memory_space<vmem_shared>> -> memref<120x128xf32, #tpu.memory_space<vmem_shared>>
      %dma_wait3A_62 = arith.constant 0 : i32
      %dma_wait3A_63 = arith.constant 0 : i32
      %dma_wait3A_64 = tpu.memref_slice %arg5[%dma_wait3A_62, %dma_wait3A_63] : memref<128x128xf32, #tpu.memory_space<vmem>> -> memref<120x128xf32, #tpu.memory_space<vmem>>
      tpu.wait_dma2 semaphore(%run_scoped3A : memref<!tpu.dma_semaphore, #tpu.memory_space<semaphore_mem>>) src(%dma_wait3A_64 : memref<120x128xf32, #tpu.memory_space<vmem>>) dst(%dma_wait3A_61 : memref<120x128xf32, #tpu.memory_space<vmem_shared>>)
      tpu.yield
    }) : () -> ()
    %broadcast_in_dim3A_20 = arith.constant 1.000000e+00 : f32
    %broadcast_in_dim3A_21 = vector.broadcast %broadcast_in_dim3A_20 : f32 to vector<16xf32>
    %scan3A_22 = arith.constant 0 : i32
    %scan3A_23 = arith.constant 128 : i32
    %scan3A_24 = arith.addi %scan3A_22, %scan3A_23 : i32
    %scan3A_25 = arith.constant 1 : i32
    scf.for %scan3A_47 = %scan3A_22 to %scan3A_24 step %scan3A_25  : i32 {
      %mul3A_48 = arith.constant 1 : i32
      %mul3A_49 = arith.muli %scan3A_47, %mul3A_48 : i32
      %add3A_50 = arith.constant 0 : i32
      %add3A_51 = arith.addi %add3A_50, %mul3A_49 : i32
      %swap3A = arith.index_cast %add3A_51 : i32 to index
      %swap3A_52 = arith.constant 0 : index
      %swap3A_53 = tpu.vector_load %arg5[%swap3A, %swap3A_52] {strides = array<i32>} : memref<128x128xf32, #tpu.memory_space<vmem>>, vector<1x16xf32>,
      %swap3A_54 = vector.shape_cast %swap3A_53 : vector<1x16xf32> to vector<16xf32>
      %swap3A_55 = vector.shape_cast %broadcast_in_dim3A_21 : vector<16xf32> to vector<1x16xf32>
      tpu.vector_store %arg5[%swap3A, %swap3A_52], %swap3A_55 {strides = array<i32>} : memref<128x128xf32, #tpu.memory_space<vmem>>, vector<1x16xf32>,
      %swap3A_56 = arith.index_cast %add3A_51 : i32 to index
      %swap3A_57 = arith.constant 16 : index
      %swap3A_58 = tpu.vector_load %arg5[%swap3A_56, %swap3A_57] {strides = array<i32>} : memref<128x128xf32, #tpu.memory_space<vmem>>, vector<1x16xf32>,
      %swap3A_59 = vector.shape_cast %swap3A_58 : vector<1x16xf32> to vector<16xf32>
      %swap3A_60 = vector.shape_cast %broadcast_in_dim3A_21 : vector<16xf32> to vector<1x16xf32>
      tpu.vector_store %arg5[%swap3A_56, %swap3A_57], %swap3A_60 {strides = array<i32>} : memref<128x128xf32, #tpu.memory_space<vmem>>, vector<1x16xf32>,
      %swap3A_61 = arith.index_cast %add3A_51 : i32 to index
      %swap3A_62 = arith.constant 32 : index
      %swap3A_63 = tpu.vector_load %arg5[%swap3A_61, %swap3A_62] {strides = array<i32>} : memref<128x128xf32, #tpu.memory_space<vmem>>, vector<1x16xf32>,
      %swap3A_64 = vector.shape_cast %swap3A_63 : vector<1x16xf32> to vector<16xf32>
      %swap3A_65 = vector.shape_cast %broadcast_in_dim3A_21 : vector<16xf32> to vector<1x16xf32>
      tpu.vector_store %arg5[%swap3A_61, %swap3A_62], %swap3A_65 {strides = array<i32>} : memref<128x128xf32, #tpu.memory_space<vmem>>, vector<1x16xf32>,
      %swap3A_66 = arith.index_cast %add3A_51 : i32 to index
      %swap3A_67 = arith.constant 48 : index
      %swap3A_68 = tpu.vector_load %arg5[%swap3A_66, %swap3A_67] {strides = array<i32>} : memref<128x128xf32, #tpu.memory_space<vmem>>, vector<1x16xf32>,
      %swap3A_69 = vector.shape_cast %swap3A_68 : vector<1x16xf32> to vector<16xf32>
      %swap3A_70 = vector.shape_cast %broadcast_in_dim3A_21 : vector<16xf32> to vector<1x16xf32>
      tpu.vector_store %arg5[%swap3A_66, %swap3A_67], %swap3A_70 {strides = array<i32>} : memref<128x128xf32, #tpu.memory_space<vmem>>, vector<1x16xf32>,
      %swap3A_71 = arith.index_cast %add3A_51 : i32 to index
      %swap3A_72 = arith.constant 64 : index
      %swap3A_73 = tpu.vector_load %arg5[%swap3A_71, %swap3A_72] {strides = array<i32>} : memref<128x128xf32, #tpu.memory_space<vmem>>, vector<1x16xf32>,
      %swap3A_74 = vector.shape_cast %swap3A_73 : vector<1x16xf32> to vector<16xf32>
      %swap3A_75 = vector.shape_cast %broadcast_in_dim3A_21 : vector<16xf32> to vector<1x16xf32>
      tpu.vector_store %arg5[%swap3A_71, %swap3A_72], %swap3A_75 {strides = array<i32>} : memref<128x128xf32, #tpu.memory_space<vmem>>, vector<1x16xf32>,
      %swap3A_76 = arith.index_cast %add3A_51 : i32 to index
      %swap3A_77 = arith.constant 80 : index
      %swap3A_78 = tpu.vector_load %arg5[%swap3A_76, %swap3A_77] {strides = array<i32>} : memref<128x128xf32, #tpu.memory_space<vmem>>, vector<1x16xf32>,
      %swap3A_79 = vector.shape_cast %swap3A_78 : vector<1x16xf32> to vector<16xf32>
      %swap3A_80 = vector.shape_cast %broadcast_in_dim3A_21 : vector<16xf32> to vector<1x16xf32>
      tpu.vector_store %arg5[%swap3A_76, %swap3A_77], %swap3A_80 {strides = array<i32>} : memref<128x128xf32, #tpu.memory_space<vmem>>, vector<1x16xf32>,
      %swap3A_81 = arith.index_cast %add3A_51 : i32 to index
      %swap3A_82 = arith.constant 96 : index
      %swap3A_83 = tpu.vector_load %arg5[%swap3A_81, %swap3A_82] {strides = array<i32>} : memref<128x128xf32, #tpu.memory_space<vmem>>, vector<1x16xf32>,
      %swap3A_84 = vector.shape_cast %swap3A_83 : vector<1x16xf32> to vector<16xf32>
      %swap3A_85 = vector.shape_cast %broadcast_in_dim3A_21 : vector<16xf32> to vector<1x16xf32>
      tpu.vector_store %arg5[%swap3A_81, %swap3A_82], %swap3A_85 {strides = array<i32>} : memref<128x128xf32, #tpu.memory_space<vmem>>, vector<1x16xf32>,
      %swap3A_86 = arith.index_cast %add3A_51 : i32 to index
      %swap3A_87 = arith.constant 112 : index
      %swap3A_88 = tpu.vector_load %arg5[%swap3A_86, %swap3A_87] {strides = array<i32>} : memref<128x128xf32, #tpu.memory_space<vmem>>, vector<1x16xf32>,
      %swap3A_89 = vector.shape_cast %swap3A_88 : vector<1x16xf32> to vector<16xf32>
      %swap3A_90 = vector.shape_cast %broadcast_in_dim3A_21 : vector<16xf32> to vector<1x16xf32>
      tpu.vector_store %arg5[%swap3A_86, %swap3A_87], %swap3A_90 {strides = array<i32>} : memref<128x128xf32, #tpu.memory_space<vmem>>, vector<1x16xf32>,
    }
    %scan3A_26 = arith.constant 128 : i32
    %barrier3A = arith.constant 0 : index
    tpu.barrier barrier_id(%barrier3A)
    %scan3A_27 = arith.constant 0 : i32
    %scan3A_28 = arith.constant 40 : i32
    %scan3A_29 = arith.addi %scan3A_27, %scan3A_28 : i32
    %scan3A_30 = arith.constant 1 : i32
    scf.for %scan3A_47 = %scan3A_27 to %scan3A_29 step %scan3A_30  : i32 {
      %mul3A_48 = arith.constant 1 : i32
      %mul3A_49 = arith.muli %scan3A_47, %mul3A_48 : i32
      %add3A_50 = arith.constant 0 : i32
      %add3A_51 = arith.addi %add3A_50, %mul3A_49 : i32
      %dma_start3A = arith.constant 0 : i32
      %dma_start3A_52 = tpu.memref_slice %arg4[%add3A_51, %dma_start3A] : memref<40x128xi32, #tpu.memory_space<vmem>> -> memref<1x128xi32, #tpu.memory_space<vmem>>
      %dma_start3A_53 = tpu.memref_squeeze %dma_start3A_52 : memref<1x128xi32, #tpu.memory_space<vmem>> -> memref<128xi32, #tpu.memory_space<vmem>>
      %dma_start3A_54 = arith.constant 0 : i32
      %dma_start3A_55 = arith.constant 0 : i32
      %dma_start3A_56 = tpu.memref_slice %arg6[%dma_start3A_54, %dma_start3A_55] : memref<10112x128xf32, #tpu.memory_space<vmem_shared>> -> memref<10112x128xf32, #tpu.memory_space<vmem_shared>>
      tpu.enqueue_indirect_dma source(%arg5 : memref<128x128xf32, #tpu.memory_space<vmem>>) target(%dma_start3A_56 : memref<10112x128xf32, #tpu.memory_space<vmem_shared>>) offsets(%dma_start3A_53 : memref<128xi32, #tpu.memory_space<vmem>>) semaphore(%arg7 : memref<!tpu.dma_semaphore, #tpu.memory_space<semaphore_mem>>) {add = true}
    }
    %scan3A_31 = arith.constant 40 : i32
    %scan3A_32 = arith.constant 0 : i32
    %scan3A_33 = arith.constant 40 : i32
    %scan3A_34 = arith.addi %scan3A_32, %scan3A_33 : i32
    %scan3A_35 = arith.constant 1 : i32
    scf.for %scan3A_47 = %scan3A_32 to %scan3A_34 step %scan3A_35  : i32 {
      %mul3A_48 = arith.constant 1 : i32
      %mul3A_49 = arith.muli %scan3A_47, %mul3A_48 : i32
      %add3A_50 = arith.constant 0 : i32
      %add3A_51 = arith.addi %add3A_50, %mul3A_49 : i32
      %dma_wait3A = arith.constant 0 : i32
      %dma_wait3A_52 = arith.constant 0 : i32
      %dma_wait3A_53 = tpu.memref_slice %arg4[%dma_wait3A, %dma_wait3A_52] : memref<40x128xi32, #tpu.memory_space<vmem>> -> memref<1x128xi32, #tpu.memory_space<vmem>>
      %dma_wait3A_54 = tpu.memref_squeeze %dma_wait3A_53 : memref<1x128xi32, #tpu.memory_space<vmem>> -> memref<128xi32, #tpu.memory_space<vmem>>
      %dma_wait3A_55 = arith.constant 0 : i32
      %dma_wait3A_56 = arith.constant 0 : i32
      %dma_wait3A_57 = tpu.memref_slice %arg6[%dma_wait3A_55, %dma_wait3A_56] : memref<10112x128xf32, #tpu.memory_space<vmem_shared>> -> memref<10112x128xf32, #tpu.memory_space<vmem_shared>>
      tpu.wait_indirect_dma semaphore(%arg7 : memref<!tpu.dma_semaphore, #tpu.memory_space<semaphore_mem>>) src(%arg5 : memref<128x128xf32, #tpu.memory_space<vmem>>) dst(%dma_wait3A_57 : memref<10112x128xf32, #tpu.memory_space<vmem_shared>>)
    }
    %scan3A_36 = arith.constant 40 : i32
    %barrier3A_37 = arith.constant 0 : index
    tpu.barrier barrier_id(%barrier3A_37)
    %mul3A_38 = arith.constant 624 : i32
    %mul3A_39 = arith.muli %arg1, %mul3A_38 : i32
    %mul3A_40 = arith.constant 10000 : i32
    %mul3A_41 = arith.muli %arg0, %mul3A_40 : i32
    %mul3A_42 = arith.constant 624 : i32
    %mul3A_43 = arith.muli %arg1, %mul3A_42 : i32
    %add3A_44 = arith.addi %mul3A_41, %mul3A_43 : i32
    "tpu.region"() ({
      %run_scoped3A = tpu.sem_alloc : memref<!tpu.dma_semaphore, #tpu.memory_space<semaphore_mem>>
      %dma_start3A = arith.constant 0 : i32
      %dma_start3A_47 = tpu.memref_slice %arg3[%add3A_44, %dma_start3A] : memref<20000x128xf32, #tpu.memory_space<hbm>> -> memref<624x128xf32, #tpu.memory_space<hbm>>
      %dma_start3A_48 = arith.constant 0 : i32
      %dma_start3A_49 = tpu.memref_slice %arg6[%mul3A_39, %dma_start3A_48] : memref<10112x128xf32, #tpu.memory_space<vmem_shared>> -> memref<624x128xf32, #tpu.memory_space<vmem_shared>>
      tpu.enqueue_dma source(%dma_start3A_49 : memref<624x128xf32, #tpu.memory_space<vmem_shared>>) target(%dma_start3A_47 : memref<624x128xf32, #tpu.memory_space<hbm>>) target_semaphore(%run_scoped3A : memref<!tpu.dma_semaphore, #tpu.memory_space<semaphore_mem>>)
      %dma_wait3A = arith.constant 0 : i32
      %dma_wait3A_50 = tpu.memref_slice %arg3[%add3A_44, %dma_wait3A] : memref<20000x128xf32, #tpu.memory_space<hbm>> -> memref<624x128xf32, #tpu.memory_space<hbm>>
      %dma_wait3A_51 = arith.constant 0 : i32
      %dma_wait3A_52 = tpu.memref_slice %arg6[%mul3A_39, %dma_wait3A_51] : memref<10112x128xf32, #tpu.memory_space<vmem_shared>> -> memref<624x128xf32, #tpu.memory_space<vmem_shared>>
      tpu.wait_dma2 semaphore(%run_scoped3A : memref<!tpu.dma_semaphore, #tpu.memory_space<semaphore_mem>>) src(%dma_wait3A_52 : memref<624x128xf32, #tpu.memory_space<vmem_shared>>) dst(%dma_wait3A_50 : memref<624x128xf32, #tpu.memory_space<hbm>>)
      tpu.yield
    }) : () -> ()
    %eq3A = arith.constant 15 : i32
    %eq3A_45 = arith.cmpi eq, %arg1, %eq3A : i32
    %convert_element_type3A = arith.extui %eq3A_45 : i1 to i32
    %cond3A = arith.constant 0 : i32
    %cond3A_46 = arith.cmpi ne, %convert_element_type3A, %cond3A : i32
    scf.if %cond3A_46 {
      %mul3A_47 = arith.constant 10000 : i32
      %mul3A_48 = arith.muli %arg0, %mul3A_47 : i32
      %add3A_49 = arith.constant 9984 : i32
      %add3A_50 = arith.addi %mul3A_48, %add3A_49 : i32
      "tpu.region"() ({
        %run_scoped3A = tpu.sem_alloc : memref<!tpu.dma_semaphore, #tpu.memory_space<semaphore_mem>>
        %dma_start3A = arith.constant 0 : i32
        %dma_start3A_51 = tpu.memref_slice %arg3[%add3A_50, %dma_start3A] : memref<20000x128xf32, #tpu.memory_space<hbm>> -> memref<16x128xf32, #tpu.memory_space<hbm>>
        %dma_start3A_52 = arith.constant 9984 : i32
        %dma_start3A_53 = arith.constant 0 : i32
        %dma_start3A_54 = tpu.memref_slice %arg6[%dma_start3A_52, %dma_start3A_53] : memref<10112x128xf32, #tpu.memory_space<vmem_shared>> -> memref<16x128xf32, #tpu.memory_space<vmem_shared>>
        tpu.enqueue_dma source(%dma_start3A_54 : memref<16x128xf32, #tpu.memory_space<vmem_shared>>) target(%dma_start3A_51 : memref<16x128xf32, #tpu.memory_space<hbm>>) target_semaphore(%run_scoped3A : memref<!tpu.dma_semaphore, #tpu.memory_space<semaphore_mem>>)
        %dma_wait3A = arith.constant 0 : i32
        %dma_wait3A_55 = tpu.memref_slice %arg3[%add3A_50, %dma_wait3A] : memref<20000x128xf32, #tpu.memory_space<hbm>> -> memref<16x128xf32, #tpu.memory_space<hbm>>
        %dma_wait3A_56 = arith.constant 9984 : i32
        %dma_wait3A_57 = arith.constant 0 : i32
        %dma_wait3A_58 = tpu.memref_slice %arg6[%dma_wait3A_56, %dma_wait3A_57] : memref<10112x128xf32, #tpu.memory_space<vmem_shared>> -> memref<16x128xf32, #tpu.memory_space<vmem_shared>>
        tpu.wait_dma2 semaphore(%run_scoped3A : memref<!tpu.dma_semaphore, #tpu.memory_space<semaphore_mem>>) src(%dma_wait3A_58 : memref<16x128xf32, #tpu.memory_space<vmem_shared>>) dst(%dma_wait3A_55 : memref<16x128xf32, #tpu.memory_space<hbm>>)
        tpu.yield
      }) : () -> ()
    } else {
    }
    return
  }
}

#map = affine_map<(d0, d1) -> (0, 0)>
module attributes {stable_mosaic.version = 14 : i64} {
  func.func @k(%arg0: i32, %arg1: i32, %arg2: memref<2560x128xi32, #tpu.memory_space<hbm>>, %arg3: memref<1280x128xi32, #tpu.memory_space<hbm>>, %arg4: memref<20000x128xf32, #tpu.memory_space<hbm>>, %arg5: memref<20000x128xf32, #tpu.memory_space<hbm>>, %arg6: memref<40x128xi32, #tpu.memory_space<vmem>>, %arg7: memref<40x128xi32, #tpu.memory_space<vmem>>, %arg8: memref<128x128xf32, #tpu.memory_space<vmem>>, %arg9: memref<128x128xf32, #tpu.memory_space<vmem>>, %arg10: memref<10112x128xf32, #tpu.memory_space<vmem_shared>>, %arg11: memref<!tpu.dma_semaphore, #tpu.memory_space<semaphore_mem>>, %arg12: memref<!tpu.dma_semaphore, #tpu.memory_space<semaphore_mem>>, %arg13: memref<!tpu.dma_semaphore, #tpu.memory_space<semaphore_mem>>, %arg14: memref<!tpu.dma_semaphore, #tpu.memory_space<semaphore_mem>>) attributes {dimension_semantics = [#tpu.dimension_semantics<core_parallel>, #tpu.dimension_semantics<subcore_parallel>], iteration_bounds = array<i64: 2, 16>, scalar_prefetch = 0 : i64, scratch_operands = 9 : i64, tpu.core_type = #tpu.core_type<sc_vector_subcore>, window_params = [{transform_indices = #map}, {transform_indices = #map}, {transform_indices = #map}, {transform_indices = #map}]} {
    %broadcast_in_dim3A = arith.constant 0.000000e+00 : f32
    %broadcast_in_dim3A_0 = vector.broadcast %broadcast_in_dim3A : f32 to vector<16xf32>
    %scan3A = arith.constant 0 : i32
    %scan3A_1 = arith.constant 128 : i32
    %scan3A_2 = arith.addi %scan3A, %scan3A_1 : i32
    %scan3A_3 = arith.constant 1 : i32
    scf.for %scan3A_167 = %scan3A to %scan3A_2 step %scan3A_3  : i32 {
      %mul3A_168 = arith.constant 1 : i32
      %mul3A_169 = arith.muli %scan3A_167, %mul3A_168 : i32
      %add3A_170 = arith.constant 0 : i32
      %add3A_171 = arith.addi %add3A_170, %mul3A_169 : i32
      %swap3A = arith.index_cast %add3A_171 : i32 to index
      %swap3A_172 = arith.constant 0 : index
      %swap3A_173 = tpu.vector_load %arg8[%swap3A, %swap3A_172] {strides = array<i32>} : memref<128x128xf32, #tpu.memory_space<vmem>>, vector<1x16xf32>,
      %swap3A_174 = vector.shape_cast %swap3A_173 : vector<1x16xf32> to vector<16xf32>
      %swap3A_175 = vector.shape_cast %broadcast_in_dim3A_0 : vector<16xf32> to vector<1x16xf32>
      tpu.vector_store %arg8[%swap3A, %swap3A_172], %swap3A_175 {strides = array<i32>} : memref<128x128xf32, #tpu.memory_space<vmem>>, vector<1x16xf32>,
      %swap3A_176 = arith.index_cast %add3A_171 : i32 to index
      %swap3A_177 = arith.constant 16 : index
      %swap3A_178 = tpu.vector_load %arg8[%swap3A_176, %swap3A_177] {strides = array<i32>} : memref<128x128xf32, #tpu.memory_space<vmem>>, vector<1x16xf32>,
      %swap3A_179 = vector.shape_cast %swap3A_178 : vector<1x16xf32> to vector<16xf32>
      %swap3A_180 = vector.shape_cast %broadcast_in_dim3A_0 : vector<16xf32> to vector<1x16xf32>
      tpu.vector_store %arg8[%swap3A_176, %swap3A_177], %swap3A_180 {strides = array<i32>} : memref<128x128xf32, #tpu.memory_space<vmem>>, vector<1x16xf32>,
      %swap3A_181 = arith.index_cast %add3A_171 : i32 to index
      %swap3A_182 = arith.constant 32 : index
      %swap3A_183 = tpu.vector_load %arg8[%swap3A_181, %swap3A_182] {strides = array<i32>} : memref<128x128xf32, #tpu.memory_space<vmem>>, vector<1x16xf32>,
      %swap3A_184 = vector.shape_cast %swap3A_183 : vector<1x16xf32> to vector<16xf32>
      %swap3A_185 = vector.shape_cast %broadcast_in_dim3A_0 : vector<16xf32> to vector<1x16xf32>
      tpu.vector_store %arg8[%swap3A_181, %swap3A_182], %swap3A_185 {strides = array<i32>} : memref<128x128xf32, #tpu.memory_space<vmem>>, vector<1x16xf32>,
      %swap3A_186 = arith.index_cast %add3A_171 : i32 to index
      %swap3A_187 = arith.constant 48 : index
      %swap3A_188 = tpu.vector_load %arg8[%swap3A_186, %swap3A_187] {strides = array<i32>} : memref<128x128xf32, #tpu.memory_space<vmem>>, vector<1x16xf32>,
      %swap3A_189 = vector.shape_cast %swap3A_188 : vector<1x16xf32> to vector<16xf32>
      %swap3A_190 = vector.shape_cast %broadcast_in_dim3A_0 : vector<16xf32> to vector<1x16xf32>
      tpu.vector_store %arg8[%swap3A_186, %swap3A_187], %swap3A_190 {strides = array<i32>} : memref<128x128xf32, #tpu.memory_space<vmem>>, vector<1x16xf32>,
      %swap3A_191 = arith.index_cast %add3A_171 : i32 to index
      %swap3A_192 = arith.constant 64 : index
      %swap3A_193 = tpu.vector_load %arg8[%swap3A_191, %swap3A_192] {strides = array<i32>} : memref<128x128xf32, #tpu.memory_space<vmem>>, vector<1x16xf32>,
      %swap3A_194 = vector.shape_cast %swap3A_193 : vector<1x16xf32> to vector<16xf32>
      %swap3A_195 = vector.shape_cast %broadcast_in_dim3A_0 : vector<16xf32> to vector<1x16xf32>
      tpu.vector_store %arg8[%swap3A_191, %swap3A_192], %swap3A_195 {strides = array<i32>} : memref<128x128xf32, #tpu.memory_space<vmem>>, vector<1x16xf32>,
      %swap3A_196 = arith.index_cast %add3A_171 : i32 to index
      %swap3A_197 = arith.constant 80 : index
      %swap3A_198 = tpu.vector_load %arg8[%swap3A_196, %swap3A_197] {strides = array<i32>} : memref<128x128xf32, #tpu.memory_space<vmem>>, vector<1x16xf32>,
      %swap3A_199 = vector.shape_cast %swap3A_198 : vector<1x16xf32> to vector<16xf32>
      %swap3A_200 = vector.shape_cast %broadcast_in_dim3A_0 : vector<16xf32> to vector<1x16xf32>
      tpu.vector_store %arg8[%swap3A_196, %swap3A_197], %swap3A_200 {strides = array<i32>} : memref<128x128xf32, #tpu.memory_space<vmem>>, vector<1x16xf32>,
      %swap3A_201 = arith.index_cast %add3A_171 : i32 to index
      %swap3A_202 = arith.constant 96 : index
      %swap3A_203 = tpu.vector_load %arg8[%swap3A_201, %swap3A_202] {strides = array<i32>} : memref<128x128xf32, #tpu.memory_space<vmem>>, vector<1x16xf32>,
      %swap3A_204 = vector.shape_cast %swap3A_203 : vector<1x16xf32> to vector<16xf32>
      %swap3A_205 = vector.shape_cast %broadcast_in_dim3A_0 : vector<16xf32> to vector<1x16xf32>
      tpu.vector_store %arg8[%swap3A_201, %swap3A_202], %swap3A_205 {strides = array<i32>} : memref<128x128xf32, #tpu.memory_space<vmem>>, vector<1x16xf32>,
      %swap3A_206 = arith.index_cast %add3A_171 : i32 to index
      %swap3A_207 = arith.constant 112 : index
      %swap3A_208 = tpu.vector_load %arg8[%swap3A_206, %swap3A_207] {strides = array<i32>} : memref<128x128xf32, #tpu.memory_space<vmem>>, vector<1x16xf32>,
      %swap3A_209 = vector.shape_cast %swap3A_208 : vector<1x16xf32> to vector<16xf32>
      %swap3A_210 = vector.shape_cast %broadcast_in_dim3A_0 : vector<16xf32> to vector<1x16xf32>
      tpu.vector_store %arg8[%swap3A_206, %swap3A_207], %swap3A_210 {strides = array<i32>} : memref<128x128xf32, #tpu.memory_space<vmem>>, vector<1x16xf32>,
    }
    %scan3A_4 = arith.constant 128 : i32
    %mul3A = arith.constant 632 : i32
    %mul3A_5 = arith.muli %arg1, %mul3A : i32
    %add3A = arith.constant 0 : i32
    %add3A_6 = arith.addi %mul3A_5, %add3A : i32
    "tpu.region"() ({
      %run_scoped3A = tpu.sem_alloc : memref<!tpu.dma_semaphore, #tpu.memory_space<semaphore_mem>>
      %dma_start3A_167 = arith.constant 0 : i32
      %dma_start3A_168 = tpu.memref_slice %arg10[%add3A_6, %dma_start3A_167] : memref<10112x128xf32, #tpu.memory_space<vmem_shared>> -> memref<128x128xf32, #tpu.memory_space<vmem_shared>>
      %dma_start3A_169 = arith.constant 0 : i32
      %dma_start3A_170 = tpu.memref_slice %arg10[%add3A_6, %dma_start3A_169] : memref<10112x128xf32, #tpu.memory_space<vmem_shared>> -> memref<128x128xf32, #tpu.memory_space<vmem_shared>>
      tpu.enqueue_dma source(%arg8 : memref<128x128xf32, #tpu.memory_space<vmem>>) target(%dma_start3A_170 : memref<128x128xf32, #tpu.memory_space<vmem_shared>>) target_semaphore(%run_scoped3A : memref<!tpu.dma_semaphore, #tpu.memory_space<semaphore_mem>>)
      %dma_wait3A_171 = arith.constant 0 : i32
      %dma_wait3A_172 = tpu.memref_slice %arg10[%add3A_6, %dma_wait3A_171] : memref<10112x128xf32, #tpu.memory_space<vmem_shared>> -> memref<128x128xf32, #tpu.memory_space<vmem_shared>>
      %dma_wait3A_173 = arith.constant 0 : i32
      %dma_wait3A_174 = tpu.memref_slice %arg10[%add3A_6, %dma_wait3A_173] : memref<10112x128xf32, #tpu.memory_space<vmem_shared>> -> memref<128x128xf32, #tpu.memory_space<vmem_shared>>
      tpu.wait_dma2 semaphore(%run_scoped3A : memref<!tpu.dma_semaphore, #tpu.memory_space<semaphore_mem>>) src(%arg8 : memref<128x128xf32, #tpu.memory_space<vmem>>) dst(%dma_wait3A_174 : memref<128x128xf32, #tpu.memory_space<vmem_shared>>)
      tpu.yield
    }) : () -> ()
    %add3A_7 = arith.constant 128 : i32
    %add3A_8 = arith.addi %mul3A_5, %add3A_7 : i32
    "tpu.region"() ({
      %run_scoped3A = tpu.sem_alloc : memref<!tpu.dma_semaphore, #tpu.memory_space<semaphore_mem>>
      %dma_start3A_167 = arith.constant 0 : i32
      %dma_start3A_168 = tpu.memref_slice %arg10[%add3A_8, %dma_start3A_167] : memref<10112x128xf32, #tpu.memory_space<vmem_shared>> -> memref<128x128xf32, #tpu.memory_space<vmem_shared>>
      %dma_start3A_169 = arith.constant 0 : i32
      %dma_start3A_170 = tpu.memref_slice %arg10[%add3A_8, %dma_start3A_169] : memref<10112x128xf32, #tpu.memory_space<vmem_shared>> -> memref<128x128xf32, #tpu.memory_space<vmem_shared>>
      tpu.enqueue_dma source(%arg8 : memref<128x128xf32, #tpu.memory_space<vmem>>) target(%dma_start3A_170 : memref<128x128xf32, #tpu.memory_space<vmem_shared>>) target_semaphore(%run_scoped3A : memref<!tpu.dma_semaphore, #tpu.memory_space<semaphore_mem>>)
      %dma_wait3A_171 = arith.constant 0 : i32
      %dma_wait3A_172 = tpu.memref_slice %arg10[%add3A_8, %dma_wait3A_171] : memref<10112x128xf32, #tpu.memory_space<vmem_shared>> -> memref<128x128xf32, #tpu.memory_space<vmem_shared>>
      %dma_wait3A_173 = arith.constant 0 : i32
      %dma_wait3A_174 = tpu.memref_slice %arg10[%add3A_8, %dma_wait3A_173] : memref<10112x128xf32, #tpu.memory_space<vmem_shared>> -> memref<128x128xf32, #tpu.memory_space<vmem_shared>>
      tpu.wait_dma2 semaphore(%run_scoped3A : memref<!tpu.dma_semaphore, #tpu.memory_space<semaphore_mem>>) src(%arg8 : memref<128x128xf32, #tpu.memory_space<vmem>>) dst(%dma_wait3A_174 : memref<128x128xf32, #tpu.memory_space<vmem_shared>>)
      tpu.yield
    }) : () -> ()
    %add3A_9 = arith.constant 256 : i32
    %add3A_10 = arith.addi %mul3A_5, %add3A_9 : i32
    "tpu.region"() ({
      %run_scoped3A = tpu.sem_alloc : memref<!tpu.dma_semaphore, #tpu.memory_space<semaphore_mem>>
      %dma_start3A_167 = arith.constant 0 : i32
      %dma_start3A_168 = tpu.memref_slice %arg10[%add3A_10, %dma_start3A_167] : memref<10112x128xf32, #tpu.memory_space<vmem_shared>> -> memref<128x128xf32, #tpu.memory_space<vmem_shared>>
      %dma_start3A_169 = arith.constant 0 : i32
      %dma_start3A_170 = tpu.memref_slice %arg10[%add3A_10, %dma_start3A_169] : memref<10112x128xf32, #tpu.memory_space<vmem_shared>> -> memref<128x128xf32, #tpu.memory_space<vmem_shared>>
      tpu.enqueue_dma source(%arg8 : memref<128x128xf32, #tpu.memory_space<vmem>>) target(%dma_start3A_170 : memref<128x128xf32, #tpu.memory_space<vmem_shared>>) target_semaphore(%run_scoped3A : memref<!tpu.dma_semaphore, #tpu.memory_space<semaphore_mem>>)
      %dma_wait3A_171 = arith.constant 0 : i32
      %dma_wait3A_172 = tpu.memref_slice %arg10[%add3A_10, %dma_wait3A_171] : memref<10112x128xf32, #tpu.memory_space<vmem_shared>> -> memref<128x128xf32, #tpu.memory_space<vmem_shared>>
      %dma_wait3A_173 = arith.constant 0 : i32
      %dma_wait3A_174 = tpu.memref_slice %arg10[%add3A_10, %dma_wait3A_173] : memref<10112x128xf32, #tpu.memory_space<vmem_shared>> -> memref<128x128xf32, #tpu.memory_space<vmem_shared>>
      tpu.wait_dma2 semaphore(%run_scoped3A : memref<!tpu.dma_semaphore, #tpu.memory_space<semaphore_mem>>) src(%arg8 : memref<128x128xf32, #tpu.memory_space<vmem>>) dst(%dma_wait3A_174 : memref<128x128xf32, #tpu.memory_space<vmem_shared>>)
      tpu.yield
    }) : () -> ()
    %add3A_11 = arith.constant 384 : i32
    %add3A_12 = arith.addi %mul3A_5, %add3A_11 : i32
    "tpu.region"() ({
      %run_scoped3A = tpu.sem_alloc : memref<!tpu.dma_semaphore, #tpu.memory_space<semaphore_mem>>
      %dma_start3A_167 = arith.constant 0 : i32
      %dma_start3A_168 = tpu.memref_slice %arg10[%add3A_12, %dma_start3A_167] : memref<10112x128xf32, #tpu.memory_space<vmem_shared>> -> memref<128x128xf32, #tpu.memory_space<vmem_shared>>
      %dma_start3A_169 = arith.constant 0 : i32
      %dma_start3A_170 = tpu.memref_slice %arg10[%add3A_12, %dma_start3A_169] : memref<10112x128xf32, #tpu.memory_space<vmem_shared>> -> memref<128x128xf32, #tpu.memory_space<vmem_shared>>
      tpu.enqueue_dma source(%arg8 : memref<128x128xf32, #tpu.memory_space<vmem>>) target(%dma_start3A_170 : memref<128x128xf32, #tpu.memory_space<vmem_shared>>) target_semaphore(%run_scoped3A : memref<!tpu.dma_semaphore, #tpu.memory_space<semaphore_mem>>)
      %dma_wait3A_171 = arith.constant 0 : i32
      %dma_wait3A_172 = tpu.memref_slice %arg10[%add3A_12, %dma_wait3A_171] : memref<10112x128xf32, #tpu.memory_space<vmem_shared>> -> memref<128x128xf32, #tpu.memory_space<vmem_shared>>
      %dma_wait3A_173 = arith.constant 0 : i32
      %dma_wait3A_174 = tpu.memref_slice %arg10[%add3A_12, %dma_wait3A_173] : memref<10112x128xf32, #tpu.memory_space<vmem_shared>> -> memref<128x128xf32, #tpu.memory_space<vmem_shared>>
      tpu.wait_dma2 semaphore(%run_scoped3A : memref<!tpu.dma_semaphore, #tpu.memory_space<semaphore_mem>>) src(%arg8 : memref<128x128xf32, #tpu.memory_space<vmem>>) dst(%dma_wait3A_174 : memref<128x128xf32, #tpu.memory_space<vmem_shared>>)
      tpu.yield
    }) : () -> ()
    %add3A_13 = arith.constant 512 : i32
    %add3A_14 = arith.addi %mul3A_5, %add3A_13 : i32
    "tpu.region"() ({
      %run_scoped3A = tpu.sem_alloc : memref<!tpu.dma_semaphore, #tpu.memory_space<semaphore_mem>>
      %dma_start3A_167 = arith.constant 0 : i32
      %dma_start3A_168 = arith.constant 0 : i32
      %dma_start3A_169 = tpu.memref_slice %arg8[%dma_start3A_167, %dma_start3A_168] : memref<128x128xf32, #tpu.memory_space<vmem>> -> memref<120x128xf32, #tpu.memory_space<vmem>>
      %dma_start3A_170 = arith.constant 0 : i32
      %dma_start3A_171 = tpu.memref_slice %arg10[%add3A_14, %dma_start3A_170] : memref<10112x128xf32, #tpu.memory_space<vmem_shared>> -> memref<120x128xf32, #tpu.memory_space<vmem_shared>>
      %dma_start3A_172 = arith.constant 0 : i32
      %dma_start3A_173 = tpu.memref_slice %arg10[%add3A_14, %dma_start3A_172] : memref<10112x128xf32, #tpu.memory_space<vmem_shared>> -> memref<120x128xf32, #tpu.memory_space<vmem_shared>>
      %dma_start3A_174 = arith.constant 0 : i32
      %dma_start3A_175 = arith.constant 0 : i32
      %dma_start3A_176 = tpu.memref_slice %arg8[%dma_start3A_174, %dma_start3A_175] : memref<128x128xf32, #tpu.memory_space<vmem>> -> memref<120x128xf32, #tpu.memory_space<vmem>>
      tpu.enqueue_dma source(%dma_start3A_176 : memref<120x128xf32, #tpu.memory_space<vmem>>) target(%dma_start3A_173 : memref<120x128xf32, #tpu.memory_space<vmem_shared>>) target_semaphore(%run_scoped3A : memref<!tpu.dma_semaphore, #tpu.memory_space<semaphore_mem>>)
      %dma_wait3A_177 = arith.constant 0 : i32
      %dma_wait3A_178 = arith.constant 0 : i32
      %dma_wait3A_179 = tpu.memref_slice %arg8[%dma_wait3A_177, %dma_wait3A_178] : memref<128x128xf32, #tpu.memory_space<vmem>> -> memref<120x128xf32, #tpu.memory_space<vmem>>
      %dma_wait3A_180 = arith.constant 0 : i32
      %dma_wait3A_181 = tpu.memref_slice %arg10[%add3A_14, %dma_wait3A_180] : memref<10112x128xf32, #tpu.memory_space<vmem_shared>> -> memref<120x128xf32, #tpu.memory_space<vmem_shared>>
      %dma_wait3A_182 = arith.constant 0 : i32
      %dma_wait3A_183 = tpu.memref_slice %arg10[%add3A_14, %dma_wait3A_182] : memref<10112x128xf32, #tpu.memory_space<vmem_shared>> -> memref<120x128xf32, #tpu.memory_space<vmem_shared>>
      %dma_wait3A_184 = arith.constant 0 : i32
      %dma_wait3A_185 = arith.constant 0 : i32
      %dma_wait3A_186 = tpu.memref_slice %arg8[%dma_wait3A_184, %dma_wait3A_185] : memref<128x128xf32, #tpu.memory_space<vmem>> -> memref<120x128xf32, #tpu.memory_space<vmem>>
      tpu.wait_dma2 semaphore(%run_scoped3A : memref<!tpu.dma_semaphore, #tpu.memory_space<semaphore_mem>>) src(%dma_wait3A_186 : memref<120x128xf32, #tpu.memory_space<vmem>>) dst(%dma_wait3A_183 : memref<120x128xf32, #tpu.memory_space<vmem_shared>>)
      tpu.yield
    }) : () -> ()
    %barrier3A = arith.constant 0 : index
    tpu.barrier barrier_id(%barrier3A)
    %mul3A_15 = arith.constant 1280 : i32
    %mul3A_16 = arith.muli %arg0, %mul3A_15 : i32
    %mul3A_17 = arith.constant 80 : i32
    %mul3A_18 = arith.muli %arg1, %mul3A_17 : i32
    %add3A_19 = arith.addi %mul3A_16, %mul3A_18 : i32
    %add3A_20 = arith.constant 0 : i32
    %add3A_21 = arith.addi %add3A_19, %add3A_20 : i32
    "tpu.region"() ({
      %run_scoped3A = tpu.sem_alloc : memref<!tpu.dma_semaphore, #tpu.memory_space<semaphore_mem>>
      %dma_start3A_167 = arith.constant 0 : i32
      %dma_start3A_168 = tpu.memref_slice %arg2[%add3A_21, %dma_start3A_167] : memref<2560x128xi32, #tpu.memory_space<hbm>> -> memref<40x128xi32, #tpu.memory_space<hbm>>
      %dma_start3A_169 = arith.constant 0 : i32
      %dma_start3A_170 = tpu.memref_slice %arg2[%add3A_21, %dma_start3A_169] : memref<2560x128xi32, #tpu.memory_space<hbm>> -> memref<40x128xi32, #tpu.memory_space<hbm>>
      tpu.enqueue_dma source(%dma_start3A_170 : memref<40x128xi32, #tpu.memory_space<hbm>>) target(%arg6 : memref<40x128xi32, #tpu.memory_space<vmem>>) target_semaphore(%run_scoped3A : memref<!tpu.dma_semaphore, #tpu.memory_space<semaphore_mem>>)
      %dma_wait3A_171 = arith.constant 0 : i32
      %dma_wait3A_172 = tpu.memref_slice %arg2[%add3A_21, %dma_wait3A_171] : memref<2560x128xi32, #tpu.memory_space<hbm>> -> memref<40x128xi32, #tpu.memory_space<hbm>>
      %dma_wait3A_173 = arith.constant 0 : i32
      %dma_wait3A_174 = tpu.memref_slice %arg2[%add3A_21, %dma_wait3A_173] : memref<2560x128xi32, #tpu.memory_space<hbm>> -> memref<40x128xi32, #tpu.memory_space<hbm>>
      tpu.wait_dma2 semaphore(%run_scoped3A : memref<!tpu.dma_semaphore, #tpu.memory_space<semaphore_mem>>) src(%dma_wait3A_174 : memref<40x128xi32, #tpu.memory_space<hbm>>) dst(%arg6 : memref<40x128xi32, #tpu.memory_space<vmem>>)
      tpu.yield
    }) : () -> ()
    %mul3A_22 = arith.constant 80 : i32
    %mul3A_23 = arith.muli %arg1, %mul3A_22 : i32
    %add3A_24 = arith.constant 0 : i32
    %add3A_25 = arith.addi %mul3A_23, %add3A_24 : i32
    "tpu.region"() ({
      %run_scoped3A = tpu.sem_alloc : memref<!tpu.dma_semaphore, #tpu.memory_space<semaphore_mem>>
      %dma_start3A_167 = arith.constant 0 : i32
      %dma_start3A_168 = tpu.memref_slice %arg3[%add3A_25, %dma_start3A_167] : memref<1280x128xi32, #tpu.memory_space<hbm>> -> memref<40x128xi32, #tpu.memory_space<hbm>>
      %dma_start3A_169 = arith.constant 0 : i32
      %dma_start3A_170 = tpu.memref_slice %arg3[%add3A_25, %dma_start3A_169] : memref<1280x128xi32, #tpu.memory_space<hbm>> -> memref<40x128xi32, #tpu.memory_space<hbm>>
      tpu.enqueue_dma source(%dma_start3A_170 : memref<40x128xi32, #tpu.memory_space<hbm>>) target(%arg7 : memref<40x128xi32, #tpu.memory_space<vmem>>) target_semaphore(%run_scoped3A : memref<!tpu.dma_semaphore, #tpu.memory_space<semaphore_mem>>)
      %dma_wait3A_171 = arith.constant 0 : i32
      %dma_wait3A_172 = tpu.memref_slice %arg3[%add3A_25, %dma_wait3A_171] : memref<1280x128xi32, #tpu.memory_space<hbm>> -> memref<40x128xi32, #tpu.memory_space<hbm>>
      %dma_wait3A_173 = arith.constant 0 : i32
      %dma_wait3A_174 = tpu.memref_slice %arg3[%add3A_25, %dma_wait3A_173] : memref<1280x128xi32, #tpu.memory_space<hbm>> -> memref<40x128xi32, #tpu.memory_space<hbm>>
      tpu.wait_dma2 semaphore(%run_scoped3A : memref<!tpu.dma_semaphore, #tpu.memory_space<semaphore_mem>>) src(%dma_wait3A_174 : memref<40x128xi32, #tpu.memory_space<hbm>>) dst(%arg7 : memref<40x128xi32, #tpu.memory_space<vmem>>)
      tpu.yield
    }) : () -> ()
    %dma_start3A = arith.constant 0 : i32
    %dma_start3A_26 = arith.constant 0 : i32
    %dma_start3A_27 = tpu.memref_slice %arg6[%dma_start3A, %dma_start3A_26] : memref<40x128xi32, #tpu.memory_space<vmem>> -> memref<1x128xi32, #tpu.memory_space<vmem>>
    %dma_start3A_28 = tpu.memref_squeeze %dma_start3A_27 : memref<1x128xi32, #tpu.memory_space<vmem>> -> memref<128xi32, #tpu.memory_space<vmem>>
    %dma_start3A_29 = arith.constant 0 : i32
    %dma_start3A_30 = arith.constant 0 : i32
    %dma_start3A_31 = tpu.memref_slice %arg4[%dma_start3A_29, %dma_start3A_30] : memref<20000x128xf32, #tpu.memory_space<hbm>> -> memref<20000x128xf32, #tpu.memory_space<hbm>>
    tpu.enqueue_indirect_dma source(%dma_start3A_31 : memref<20000x128xf32, #tpu.memory_space<hbm>>) target(%arg8 : memref<128x128xf32, #tpu.memory_space<vmem>>) offsets(%dma_start3A_28 : memref<128xi32, #tpu.memory_space<vmem>>) semaphore(%arg11 : memref<!tpu.dma_semaphore, #tpu.memory_space<semaphore_mem>>)
    %dma_start3A_32 = arith.constant 1 : i32
    %dma_start3A_33 = arith.constant 0 : i32
    %dma_start3A_34 = tpu.memref_slice %arg6[%dma_start3A_32, %dma_start3A_33] : memref<40x128xi32, #tpu.memory_space<vmem>> -> memref<1x128xi32, #tpu.memory_space<vmem>>
    %dma_start3A_35 = tpu.memref_squeeze %dma_start3A_34 : memref<1x128xi32, #tpu.memory_space<vmem>> -> memref<128xi32, #tpu.memory_space<vmem>>
    %dma_start3A_36 = arith.constant 0 : i32
    %dma_start3A_37 = arith.constant 0 : i32
    %dma_start3A_38 = tpu.memref_slice %arg4[%dma_start3A_36, %dma_start3A_37] : memref<20000x128xf32, #tpu.memory_space<hbm>> -> memref<20000x128xf32, #tpu.memory_space<hbm>>
    tpu.enqueue_indirect_dma source(%dma_start3A_38 : memref<20000x128xf32, #tpu.memory_space<hbm>>) target(%arg9 : memref<128x128xf32, #tpu.memory_space<vmem>>) offsets(%dma_start3A_35 : memref<128xi32, #tpu.memory_space<vmem>>) semaphore(%arg12 : memref<!tpu.dma_semaphore, #tpu.memory_space<semaphore_mem>>)
    %scan3A_39 = arith.constant 0 : i32
    %scan3A_40 = arith.constant 19 : i32
    %scan3A_41 = arith.addi %scan3A_39, %scan3A_40 : i32
    %scan3A_42 = arith.constant 1 : i32
    scf.for %scan3A_167 = %scan3A_39 to %scan3A_41 step %scan3A_42  : i32 {
      %mul3A_168 = arith.constant 1 : i32
      %mul3A_169 = arith.muli %scan3A_167, %mul3A_168 : i32
      %add3A_170 = arith.constant 0 : i32
      %add3A_171 = arith.addi %add3A_170, %mul3A_169 : i32
      %mul3A_172 = arith.constant 2 : i32
      %mul3A_173 = arith.muli %add3A_171, %mul3A_172 : i32
      %add3A_174 = arith.constant 0 : i32
      %add3A_175 = arith.addi %mul3A_173, %add3A_174 : i32
      %dma_wait3A_176 = arith.constant 0 : i32
      %dma_wait3A_177 = tpu.memref_slice %arg6[%add3A_175, %dma_wait3A_176] : memref<40x128xi32, #tpu.memory_space<vmem>> -> memref<1x128xi32, #tpu.memory_space<vmem>>
      %dma_wait3A_178 = tpu.memref_squeeze %dma_wait3A_177 : memref<1x128xi32, #tpu.memory_space<vmem>> -> memref<128xi32, #tpu.memory_space<vmem>>
      %dma_wait3A_179 = arith.constant 0 : i32
      %dma_wait3A_180 = arith.constant 0 : i32
      %dma_wait3A_181 = tpu.memref_slice %arg4[%dma_wait3A_179, %dma_wait3A_180] : memref<20000x128xf32, #tpu.memory_space<hbm>> -> memref<20000x128xf32, #tpu.memory_space<hbm>>
      tpu.wait_indirect_dma semaphore(%arg11 : memref<!tpu.dma_semaphore, #tpu.memory_space<semaphore_mem>>) src(%dma_wait3A_181 : memref<20000x128xf32, #tpu.memory_space<hbm>>) dst(%arg8 : memref<128x128xf32, #tpu.memory_space<vmem>>)
      %add3A_182 = arith.constant 0 : i32
      %add3A_183 = arith.addi %mul3A_173, %add3A_182 : i32
      %dma_start3A_184 = arith.constant 0 : i32
      %dma_start3A_185 = tpu.memref_slice %arg7[%add3A_183, %dma_start3A_184] : memref<40x128xi32, #tpu.memory_space<vmem>> -> memref<1x128xi32, #tpu.memory_space<vmem>>
      %dma_start3A_186 = tpu.memref_squeeze %dma_start3A_185 : memref<1x128xi32, #tpu.memory_space<vmem>> -> memref<128xi32, #tpu.memory_space<vmem>>
      %dma_start3A_187 = arith.constant 0 : i32
      %dma_start3A_188 = arith.constant 0 : i32
      %dma_start3A_189 = tpu.memref_slice %arg10[%dma_start3A_187, %dma_start3A_188] : memref<10112x128xf32, #tpu.memory_space<vmem_shared>> -> memref<10112x128xf32, #tpu.memory_space<vmem_shared>>
      tpu.enqueue_indirect_dma source(%arg8 : memref<128x128xf32, #tpu.memory_space<vmem>>) target(%dma_start3A_189 : memref<10112x128xf32, #tpu.memory_space<vmem_shared>>) offsets(%dma_start3A_186 : memref<128xi32, #tpu.memory_space<vmem>>) semaphore(%arg13 : memref<!tpu.dma_semaphore, #tpu.memory_space<semaphore_mem>>) {add = true}
      %add3A_190 = arith.constant 1 : i32
      %add3A_191 = arith.addi %mul3A_173, %add3A_190 : i32
      %dma_wait3A_192 = arith.constant 0 : i32
      %dma_wait3A_193 = tpu.memref_slice %arg6[%add3A_191, %dma_wait3A_192] : memref<40x128xi32, #tpu.memory_space<vmem>> -> memref<1x128xi32, #tpu.memory_space<vmem>>
      %dma_wait3A_194 = tpu.memref_squeeze %dma_wait3A_193 : memref<1x128xi32, #tpu.memory_space<vmem>> -> memref<128xi32, #tpu.memory_space<vmem>>
      %dma_wait3A_195 = arith.constant 0 : i32
      %dma_wait3A_196 = arith.constant 0 : i32
      %dma_wait3A_197 = tpu.memref_slice %arg4[%dma_wait3A_195, %dma_wait3A_196] : memref<20000x128xf32, #tpu.memory_space<hbm>> -> memref<20000x128xf32, #tpu.memory_space<hbm>>
      tpu.wait_indirect_dma semaphore(%arg12 : memref<!tpu.dma_semaphore, #tpu.memory_space<semaphore_mem>>) src(%dma_wait3A_197 : memref<20000x128xf32, #tpu.memory_space<hbm>>) dst(%arg9 : memref<128x128xf32, #tpu.memory_space<vmem>>)
      %add3A_198 = arith.constant 1 : i32
      %add3A_199 = arith.addi %mul3A_173, %add3A_198 : i32
      %dma_start3A_200 = arith.constant 0 : i32
      %dma_start3A_201 = tpu.memref_slice %arg7[%add3A_199, %dma_start3A_200] : memref<40x128xi32, #tpu.memory_space<vmem>> -> memref<1x128xi32, #tpu.memory_space<vmem>>
      %dma_start3A_202 = tpu.memref_squeeze %dma_start3A_201 : memref<1x128xi32, #tpu.memory_space<vmem>> -> memref<128xi32, #tpu.memory_space<vmem>>
      %dma_start3A_203 = arith.constant 0 : i32
      %dma_start3A_204 = arith.constant 0 : i32
      %dma_start3A_205 = tpu.memref_slice %arg10[%dma_start3A_203, %dma_start3A_204] : memref<10112x128xf32, #tpu.memory_space<vmem_shared>> -> memref<10112x128xf32, #tpu.memory_space<vmem_shared>>
      tpu.enqueue_indirect_dma source(%arg9 : memref<128x128xf32, #tpu.memory_space<vmem>>) target(%dma_start3A_205 : memref<10112x128xf32, #tpu.memory_space<vmem_shared>>) offsets(%dma_start3A_202 : memref<128xi32, #tpu.memory_space<vmem>>) semaphore(%arg14 : memref<!tpu.dma_semaphore, #tpu.memory_space<semaphore_mem>>) {add = true}
      %add3A_206 = arith.constant 0 : i32
      %add3A_207 = arith.addi %mul3A_173, %add3A_206 : i32
      %dma_wait3A_208 = arith.constant 0 : i32
      %dma_wait3A_209 = tpu.memref_slice %arg7[%add3A_207, %dma_wait3A_208] : memref<40x128xi32, #tpu.memory_space<vmem>> -> memref<1x128xi32, #tpu.memory_space<vmem>>
      %dma_wait3A_210 = tpu.memref_squeeze %dma_wait3A_209 : memref<1x128xi32, #tpu.memory_space<vmem>> -> memref<128xi32, #tpu.memory_space<vmem>>
      %dma_wait3A_211 = arith.constant 0 : i32
      %dma_wait3A_212 = arith.constant 0 : i32
      %dma_wait3A_213 = tpu.memref_slice %arg10[%dma_wait3A_211, %dma_wait3A_212] : memref<10112x128xf32, #tpu.memory_space<vmem_shared>> -> memref<10112x128xf32, #tpu.memory_space<vmem_shared>>
      tpu.wait_indirect_dma semaphore(%arg13 : memref<!tpu.dma_semaphore, #tpu.memory_space<semaphore_mem>>) src(%arg8 : memref<128x128xf32, #tpu.memory_space<vmem>>) dst(%dma_wait3A_213 : memref<10112x128xf32, #tpu.memory_space<vmem_shared>>)
      %add3A_214 = arith.constant 2 : i32
      %add3A_215 = arith.addi %mul3A_173, %add3A_214 : i32
      %add3A_216 = arith.constant 0 : i32
      %add3A_217 = arith.addi %add3A_215, %add3A_216 : i32
      %dma_start3A_218 = arith.constant 0 : i32
      %dma_start3A_219 = tpu.memref_slice %arg6[%add3A_217, %dma_start3A_218] : memref<40x128xi32, #tpu.memory_space<vmem>> -> memref<1x128xi32, #tpu.memory_space<vmem>>
      %dma_start3A_220 = tpu.memref_squeeze %dma_start3A_219 : memref<1x128xi32, #tpu.memory_space<vmem>> -> memref<128xi32, #tpu.memory_space<vmem>>
      %dma_start3A_221 = arith.constant 0 : i32
      %dma_start3A_222 = arith.constant 0 : i32
      %dma_start3A_223 = tpu.memref_slice %arg4[%dma_start3A_221, %dma_start3A_222] : memref<20000x128xf32, #tpu.memory_space<hbm>> -> memref<20000x128xf32, #tpu.memory_space<hbm>>
      tpu.enqueue_indirect_dma source(%dma_start3A_223 : memref<20000x128xf32, #tpu.memory_space<hbm>>) target(%arg8 : memref<128x128xf32, #tpu.memory_space<vmem>>) offsets(%dma_start3A_220 : memref<128xi32, #tpu.memory_space<vmem>>) semaphore(%arg11 : memref<!tpu.dma_semaphore, #tpu.memory_space<semaphore_mem>>)
      %add3A_224 = arith.constant 1 : i32
      %add3A_225 = arith.addi %mul3A_173, %add3A_224 : i32
      %dma_wait3A_226 = arith.constant 0 : i32
      %dma_wait3A_227 = tpu.memref_slice %arg7[%add3A_225, %dma_wait3A_226] : memref<40x128xi32, #tpu.memory_space<vmem>> -> memref<1x128xi32, #tpu.memory_space<vmem>>
      %dma_wait3A_228 = tpu.memref_squeeze %dma_wait3A_227 : memref<1x128xi32, #tpu.memory_space<vmem>> -> memref<128xi32, #tpu.memory_space<vmem>>
      %dma_wait3A_229 = arith.constant 0 : i32
      %dma_wait3A_230 = arith.constant 0 : i32
      %dma_wait3A_231 = tpu.memref_slice %arg10[%dma_wait3A_229, %dma_wait3A_230] : memref<10112x128xf32, #tpu.memory_space<vmem_shared>> -> memref<10112x128xf32, #tpu.memory_space<vmem_shared>>
      tpu.wait_indirect_dma semaphore(%arg14 : memref<!tpu.dma_semaphore, #tpu.memory_space<semaphore_mem>>) src(%arg9 : memref<128x128xf32, #tpu.memory_space<vmem>>) dst(%dma_wait3A_231 : memref<10112x128xf32, #tpu.memory_space<vmem_shared>>)
      %add3A_232 = arith.constant 2 : i32
      %add3A_233 = arith.addi %mul3A_173, %add3A_232 : i32
      %add3A_234 = arith.constant 1 : i32
      %add3A_235 = arith.addi %add3A_233, %add3A_234 : i32
      %dma_start3A_236 = arith.constant 0 : i32
      %dma_start3A_237 = tpu.memref_slice %arg6[%add3A_235, %dma_start3A_236] : memref<40x128xi32, #tpu.memory_space<vmem>> -> memref<1x128xi32, #tpu.memory_space<vmem>>
      %dma_start3A_238 = tpu.memref_squeeze %dma_start3A_237 : memref<1x128xi32, #tpu.memory_space<vmem>> -> memref<128xi32, #tpu.memory_space<vmem>>
      %dma_start3A_239 = arith.constant 0 : i32
      %dma_start3A_240 = arith.constant 0 : i32
      %dma_start3A_241 = tpu.memref_slice %arg4[%dma_start3A_239, %dma_start3A_240] : memref<20000x128xf32, #tpu.memory_space<hbm>> -> memref<20000x128xf32, #tpu.memory_space<hbm>>
      tpu.enqueue_indirect_dma source(%dma_start3A_241 : memref<20000x128xf32, #tpu.memory_space<hbm>>) target(%arg9 : memref<128x128xf32, #tpu.memory_space<vmem>>) offsets(%dma_start3A_238 : memref<128xi32, #tpu.memory_space<vmem>>) semaphore(%arg12 : memref<!tpu.dma_semaphore, #tpu.memory_space<semaphore_mem>>)
    }
    %scan3A_43 = arith.constant 19 : i32
    %dma_wait3A = arith.constant 38 : i32
    %dma_wait3A_44 = arith.constant 0 : i32
    %dma_wait3A_45 = tpu.memref_slice %arg6[%dma_wait3A, %dma_wait3A_44] : memref<40x128xi32, #tpu.memory_space<vmem>> -> memref<1x128xi32, #tpu.memory_space<vmem>>
    %dma_wait3A_46 = tpu.memref_squeeze %dma_wait3A_45 : memref<1x128xi32, #tpu.memory_space<vmem>> -> memref<128xi32, #tpu.memory_space<vmem>>
    %dma_wait3A_47 = arith.constant 0 : i32
    %dma_wait3A_48 = arith.constant 0 : i32
    %dma_wait3A_49 = tpu.memref_slice %arg4[%dma_wait3A_47, %dma_wait3A_48] : memref<20000x128xf32, #tpu.memory_space<hbm>> -> memref<20000x128xf32, #tpu.memory_space<hbm>>
    tpu.wait_indirect_dma semaphore(%arg11 : memref<!tpu.dma_semaphore, #tpu.memory_space<semaphore_mem>>) src(%dma_wait3A_49 : memref<20000x128xf32, #tpu.memory_space<hbm>>) dst(%arg8 : memref<128x128xf32, #tpu.memory_space<vmem>>)
    %dma_start3A_50 = arith.constant 38 : i32
    %dma_start3A_51 = arith.constant 0 : i32
    %dma_start3A_52 = tpu.memref_slice %arg7[%dma_start3A_50, %dma_start3A_51] : memref<40x128xi32, #tpu.memory_space<vmem>> -> memref<1x128xi32, #tpu.memory_space<vmem>>
    %dma_start3A_53 = tpu.memref_squeeze %dma_start3A_52 : memref<1x128xi32, #tpu.memory_space<vmem>> -> memref<128xi32, #tpu.memory_space<vmem>>
    %dma_start3A_54 = arith.constant 0 : i32
    %dma_start3A_55 = arith.constant 0 : i32
    %dma_start3A_56 = tpu.memref_slice %arg10[%dma_start3A_54, %dma_start3A_55] : memref<10112x128xf32, #tpu.memory_space<vmem_shared>> -> memref<10112x128xf32, #tpu.memory_space<vmem_shared>>
    tpu.enqueue_indirect_dma source(%arg8 : memref<128x128xf32, #tpu.memory_space<vmem>>) target(%dma_start3A_56 : memref<10112x128xf32, #tpu.memory_space<vmem_shared>>) offsets(%dma_start3A_53 : memref<128xi32, #tpu.memory_space<vmem>>) semaphore(%arg13 : memref<!tpu.dma_semaphore, #tpu.memory_space<semaphore_mem>>) {add = true}
    %dma_wait3A_57 = arith.constant 39 : i32
    %dma_wait3A_58 = arith.constant 0 : i32
    %dma_wait3A_59 = tpu.memref_slice %arg6[%dma_wait3A_57, %dma_wait3A_58] : memref<40x128xi32, #tpu.memory_space<vmem>> -> memref<1x128xi32, #tpu.memory_space<vmem>>
    %dma_wait3A_60 = tpu.memref_squeeze %dma_wait3A_59 : memref<1x128xi32, #tpu.memory_space<vmem>> -> memref<128xi32, #tpu.memory_space<vmem>>
    %dma_wait3A_61 = arith.constant 0 : i32
    %dma_wait3A_62 = arith.constant 0 : i32
    %dma_wait3A_63 = tpu.memref_slice %arg4[%dma_wait3A_61, %dma_wait3A_62] : memref<20000x128xf32, #tpu.memory_space<hbm>> -> memref<20000x128xf32, #tpu.memory_space<hbm>>
    tpu.wait_indirect_dma semaphore(%arg12 : memref<!tpu.dma_semaphore, #tpu.memory_space<semaphore_mem>>) src(%dma_wait3A_63 : memref<20000x128xf32, #tpu.memory_space<hbm>>) dst(%arg9 : memref<128x128xf32, #tpu.memory_space<vmem>>)
    %dma_start3A_64 = arith.constant 39 : i32
    %dma_start3A_65 = arith.constant 0 : i32
    %dma_start3A_66 = tpu.memref_slice %arg7[%dma_start3A_64, %dma_start3A_65] : memref<40x128xi32, #tpu.memory_space<vmem>> -> memref<1x128xi32, #tpu.memory_space<vmem>>
    %dma_start3A_67 = tpu.memref_squeeze %dma_start3A_66 : memref<1x128xi32, #tpu.memory_space<vmem>> -> memref<128xi32, #tpu.memory_space<vmem>>
    %dma_start3A_68 = arith.constant 0 : i32
    %dma_start3A_69 = arith.constant 0 : i32
    %dma_start3A_70 = tpu.memref_slice %arg10[%dma_start3A_68, %dma_start3A_69] : memref<10112x128xf32, #tpu.memory_space<vmem_shared>> -> memref<10112x128xf32, #tpu.memory_space<vmem_shared>>
    tpu.enqueue_indirect_dma source(%arg9 : memref<128x128xf32, #tpu.memory_space<vmem>>) target(%dma_start3A_70 : memref<10112x128xf32, #tpu.memory_space<vmem_shared>>) offsets(%dma_start3A_67 : memref<128xi32, #tpu.memory_space<vmem>>) semaphore(%arg14 : memref<!tpu.dma_semaphore, #tpu.memory_space<semaphore_mem>>) {add = true}
    %dma_wait3A_71 = arith.constant 38 : i32
    %dma_wait3A_72 = arith.constant 0 : i32
    %dma_wait3A_73 = tpu.memref_slice %arg7[%dma_wait3A_71, %dma_wait3A_72] : memref<40x128xi32, #tpu.memory_space<vmem>> -> memref<1x128xi32, #tpu.memory_space<vmem>>
    %dma_wait3A_74 = tpu.memref_squeeze %dma_wait3A_73 : memref<1x128xi32, #tpu.memory_space<vmem>> -> memref<128xi32, #tpu.memory_space<vmem>>
    %dma_wait3A_75 = arith.constant 0 : i32
    %dma_wait3A_76 = arith.constant 0 : i32
    %dma_wait3A_77 = tpu.memref_slice %arg10[%dma_wait3A_75, %dma_wait3A_76] : memref<10112x128xf32, #tpu.memory_space<vmem_shared>> -> memref<10112x128xf32, #tpu.memory_space<vmem_shared>>
    tpu.wait_indirect_dma semaphore(%arg13 : memref<!tpu.dma_semaphore, #tpu.memory_space<semaphore_mem>>) src(%arg8 : memref<128x128xf32, #tpu.memory_space<vmem>>) dst(%dma_wait3A_77 : memref<10112x128xf32, #tpu.memory_space<vmem_shared>>)
    %dma_wait3A_78 = arith.constant 39 : i32
    %dma_wait3A_79 = arith.constant 0 : i32
    %dma_wait3A_80 = tpu.memref_slice %arg7[%dma_wait3A_78, %dma_wait3A_79] : memref<40x128xi32, #tpu.memory_space<vmem>> -> memref<1x128xi32, #tpu.memory_space<vmem>>
    %dma_wait3A_81 = tpu.memref_squeeze %dma_wait3A_80 : memref<1x128xi32, #tpu.memory_space<vmem>> -> memref<128xi32, #tpu.memory_space<vmem>>
    %dma_wait3A_82 = arith.constant 0 : i32
    %dma_wait3A_83 = arith.constant 0 : i32
    %dma_wait3A_84 = tpu.memref_slice %arg10[%dma_wait3A_82, %dma_wait3A_83] : memref<10112x128xf32, #tpu.memory_space<vmem_shared>> -> memref<10112x128xf32, #tpu.memory_space<vmem_shared>>
    tpu.wait_indirect_dma semaphore(%arg14 : memref<!tpu.dma_semaphore, #tpu.memory_space<semaphore_mem>>) src(%arg9 : memref<128x128xf32, #tpu.memory_space<vmem>>) dst(%dma_wait3A_84 : memref<10112x128xf32, #tpu.memory_space<vmem_shared>>)
    %mul3A_85 = arith.constant 1280 : i32
    %mul3A_86 = arith.muli %arg0, %mul3A_85 : i32
    %mul3A_87 = arith.constant 80 : i32
    %mul3A_88 = arith.muli %arg1, %mul3A_87 : i32
    %add3A_89 = arith.addi %mul3A_86, %mul3A_88 : i32
    %add3A_90 = arith.constant 40 : i32
    %add3A_91 = arith.addi %add3A_89, %add3A_90 : i32
    "tpu.region"() ({
      %run_scoped3A = tpu.sem_alloc : memref<!tpu.dma_semaphore, #tpu.memory_space<semaphore_mem>>
      %dma_start3A_167 = arith.constant 0 : i32
      %dma_start3A_168 = tpu.memref_slice %arg2[%add3A_91, %dma_start3A_167] : memref<2560x128xi32, #tpu.memory_space<hbm>> -> memref<40x128xi32, #tpu.memory_space<hbm>>
      %dma_start3A_169 = arith.constant 0 : i32
      %dma_start3A_170 = tpu.memref_slice %arg2[%add3A_91, %dma_start3A_169] : memref<2560x128xi32, #tpu.memory_space<hbm>> -> memref<40x128xi32, #tpu.memory_space<hbm>>
      tpu.enqueue_dma source(%dma_start3A_170 : memref<40x128xi32, #tpu.memory_space<hbm>>) target(%arg6 : memref<40x128xi32, #tpu.memory_space<vmem>>) target_semaphore(%run_scoped3A : memref<!tpu.dma_semaphore, #tpu.memory_space<semaphore_mem>>)
      %dma_wait3A_171 = arith.constant 0 : i32
      %dma_wait3A_172 = tpu.memref_slice %arg2[%add3A_91, %dma_wait3A_171] : memref<2560x128xi32, #tpu.memory_space<hbm>> -> memref<40x128xi32, #tpu.memory_space<hbm>>
      %dma_wait3A_173 = arith.constant 0 : i32
      %dma_wait3A_174 = tpu.memref_slice %arg2[%add3A_91, %dma_wait3A_173] : memref<2560x128xi32, #tpu.memory_space<hbm>> -> memref<40x128xi32, #tpu.memory_space<hbm>>
      tpu.wait_dma2 semaphore(%run_scoped3A : memref<!tpu.dma_semaphore, #tpu.memory_space<semaphore_mem>>) src(%dma_wait3A_174 : memref<40x128xi32, #tpu.memory_space<hbm>>) dst(%arg6 : memref<40x128xi32, #tpu.memory_space<vmem>>)
      tpu.yield
    }) : () -> ()
    %mul3A_92 = arith.constant 80 : i32
    %mul3A_93 = arith.muli %arg1, %mul3A_92 : i32
    %add3A_94 = arith.constant 40 : i32
    %add3A_95 = arith.addi %mul3A_93, %add3A_94 : i32
    "tpu.region"() ({
      %run_scoped3A = tpu.sem_alloc : memref<!tpu.dma_semaphore, #tpu.memory_space<semaphore_mem>>
      %dma_start3A_167 = arith.constant 0 : i32
      %dma_start3A_168 = tpu.memref_slice %arg3[%add3A_95, %dma_start3A_167] : memref<1280x128xi32, #tpu.memory_space<hbm>> -> memref<40x128xi32, #tpu.memory_space<hbm>>
      %dma_start3A_169 = arith.constant 0 : i32
      %dma_start3A_170 = tpu.memref_slice %arg3[%add3A_95, %dma_start3A_169] : memref<1280x128xi32, #tpu.memory_space<hbm>> -> memref<40x128xi32, #tpu.memory_space<hbm>>
      tpu.enqueue_dma source(%dma_start3A_170 : memref<40x128xi32, #tpu.memory_space<hbm>>) target(%arg7 : memref<40x128xi32, #tpu.memory_space<vmem>>) target_semaphore(%run_scoped3A : memref<!tpu.dma_semaphore, #tpu.memory_space<semaphore_mem>>)
      %dma_wait3A_171 = arith.constant 0 : i32
      %dma_wait3A_172 = tpu.memref_slice %arg3[%add3A_95, %dma_wait3A_171] : memref<1280x128xi32, #tpu.memory_space<hbm>> -> memref<40x128xi32, #tpu.memory_space<hbm>>
      %dma_wait3A_173 = arith.constant 0 : i32
      %dma_wait3A_174 = tpu.memref_slice %arg3[%add3A_95, %dma_wait3A_173] : memref<1280x128xi32, #tpu.memory_space<hbm>> -> memref<40x128xi32, #tpu.memory_space<hbm>>
      tpu.wait_dma2 semaphore(%run_scoped3A : memref<!tpu.dma_semaphore, #tpu.memory_space<semaphore_mem>>) src(%dma_wait3A_174 : memref<40x128xi32, #tpu.memory_space<hbm>>) dst(%arg7 : memref<40x128xi32, #tpu.memory_space<vmem>>)
      tpu.yield
    }) : () -> ()
    %dma_start3A_96 = arith.constant 0 : i32
    %dma_start3A_97 = arith.constant 0 : i32
    %dma_start3A_98 = tpu.memref_slice %arg6[%dma_start3A_96, %dma_start3A_97] : memref<40x128xi32, #tpu.memory_space<vmem>> -> memref<1x128xi32, #tpu.memory_space<vmem>>
    %dma_start3A_99 = tpu.memref_squeeze %dma_start3A_98 : memref<1x128xi32, #tpu.memory_space<vmem>> -> memref<128xi32, #tpu.memory_space<vmem>>
    %dma_start3A_100 = arith.constant 0 : i32
    %dma_start3A_101 = arith.constant 0 : i32
    %dma_start3A_102 = tpu.memref_slice %arg4[%dma_start3A_100, %dma_start3A_101] : memref<20000x128xf32, #tpu.memory_space<hbm>> -> memref<20000x128xf32, #tpu.memory_space<hbm>>
    tpu.enqueue_indirect_dma source(%dma_start3A_102 : memref<20000x128xf32, #tpu.memory_space<hbm>>) target(%arg8 : memref<128x128xf32, #tpu.memory_space<vmem>>) offsets(%dma_start3A_99 : memref<128xi32, #tpu.memory_space<vmem>>) semaphore(%arg11 : memref<!tpu.dma_semaphore, #tpu.memory_space<semaphore_mem>>)
    %dma_start3A_103 = arith.constant 1 : i32
    %dma_start3A_104 = arith.constant 0 : i32
    %dma_start3A_105 = tpu.memref_slice %arg6[%dma_start3A_103, %dma_start3A_104] : memref<40x128xi32, #tpu.memory_space<vmem>> -> memref<1x128xi32, #tpu.memory_space<vmem>>
    %dma_start3A_106 = tpu.memref_squeeze %dma_start3A_105 : memref<1x128xi32, #tpu.memory_space<vmem>> -> memref<128xi32, #tpu.memory_space<vmem>>
    %dma_start3A_107 = arith.constant 0 : i32
    %dma_start3A_108 = arith.constant 0 : i32
    %dma_start3A_109 = tpu.memref_slice %arg4[%dma_start3A_107, %dma_start3A_108] : memref<20000x128xf32, #tpu.memory_space<hbm>> -> memref<20000x128xf32, #tpu.memory_space<hbm>>
    tpu.enqueue_indirect_dma source(%dma_start3A_109 : memref<20000x128xf32, #tpu.memory_space<hbm>>) target(%arg9 : memref<128x128xf32, #tpu.memory_space<vmem>>) offsets(%dma_start3A_106 : memref<128xi32, #tpu.memory_space<vmem>>) semaphore(%arg12 : memref<!tpu.dma_semaphore, #tpu.memory_space<semaphore_mem>>)
    %scan3A_110 = arith.constant 0 : i32
    %scan3A_111 = arith.constant 19 : i32
    %scan3A_112 = arith.addi %scan3A_110, %scan3A_111 : i32
    %scan3A_113 = arith.constant 1 : i32
    scf.for %scan3A_167 = %scan3A_110 to %scan3A_112 step %scan3A_113  : i32 {
      %mul3A_168 = arith.constant 1 : i32
      %mul3A_169 = arith.muli %scan3A_167, %mul3A_168 : i32
      %add3A_170 = arith.constant 0 : i32
      %add3A_171 = arith.addi %add3A_170, %mul3A_169 : i32
      %mul3A_172 = arith.constant 2 : i32
      %mul3A_173 = arith.muli %add3A_171, %mul3A_172 : i32
      %add3A_174 = arith.constant 0 : i32
      %add3A_175 = arith.addi %mul3A_173, %add3A_174 : i32
      %dma_wait3A_176 = arith.constant 0 : i32
      %dma_wait3A_177 = tpu.memref_slice %arg6[%add3A_175, %dma_wait3A_176] : memref<40x128xi32, #tpu.memory_space<vmem>> -> memref<1x128xi32, #tpu.memory_space<vmem>>
      %dma_wait3A_178 = tpu.memref_squeeze %dma_wait3A_177 : memref<1x128xi32, #tpu.memory_space<vmem>> -> memref<128xi32, #tpu.memory_space<vmem>>
      %dma_wait3A_179 = arith.constant 0 : i32
      %dma_wait3A_180 = arith.constant 0 : i32
      %dma_wait3A_181 = tpu.memref_slice %arg4[%dma_wait3A_179, %dma_wait3A_180] : memref<20000x128xf32, #tpu.memory_space<hbm>> -> memref<20000x128xf32, #tpu.memory_space<hbm>>
      tpu.wait_indirect_dma semaphore(%arg11 : memref<!tpu.dma_semaphore, #tpu.memory_space<semaphore_mem>>) src(%dma_wait3A_181 : memref<20000x128xf32, #tpu.memory_space<hbm>>) dst(%arg8 : memref<128x128xf32, #tpu.memory_space<vmem>>)
      %add3A_182 = arith.constant 0 : i32
      %add3A_183 = arith.addi %mul3A_173, %add3A_182 : i32
      %dma_start3A_184 = arith.constant 0 : i32
      %dma_start3A_185 = tpu.memref_slice %arg7[%add3A_183, %dma_start3A_184] : memref<40x128xi32, #tpu.memory_space<vmem>> -> memref<1x128xi32, #tpu.memory_space<vmem>>
      %dma_start3A_186 = tpu.memref_squeeze %dma_start3A_185 : memref<1x128xi32, #tpu.memory_space<vmem>> -> memref<128xi32, #tpu.memory_space<vmem>>
      %dma_start3A_187 = arith.constant 0 : i32
      %dma_start3A_188 = arith.constant 0 : i32
      %dma_start3A_189 = tpu.memref_slice %arg10[%dma_start3A_187, %dma_start3A_188] : memref<10112x128xf32, #tpu.memory_space<vmem_shared>> -> memref<10112x128xf32, #tpu.memory_space<vmem_shared>>
      tpu.enqueue_indirect_dma source(%arg8 : memref<128x128xf32, #tpu.memory_space<vmem>>) target(%dma_start3A_189 : memref<10112x128xf32, #tpu.memory_space<vmem_shared>>) offsets(%dma_start3A_186 : memref<128xi32, #tpu.memory_space<vmem>>) semaphore(%arg13 : memref<!tpu.dma_semaphore, #tpu.memory_space<semaphore_mem>>) {add = true}
      %add3A_190 = arith.constant 1 : i32
      %add3A_191 = arith.addi %mul3A_173, %add3A_190 : i32
      %dma_wait3A_192 = arith.constant 0 : i32
      %dma_wait3A_193 = tpu.memref_slice %arg6[%add3A_191, %dma_wait3A_192] : memref<40x128xi32, #tpu.memory_space<vmem>> -> memref<1x128xi32, #tpu.memory_space<vmem>>
      %dma_wait3A_194 = tpu.memref_squeeze %dma_wait3A_193 : memref<1x128xi32, #tpu.memory_space<vmem>> -> memref<128xi32, #tpu.memory_space<vmem>>
      %dma_wait3A_195 = arith.constant 0 : i32
      %dma_wait3A_196 = arith.constant 0 : i32
      %dma_wait3A_197 = tpu.memref_slice %arg4[%dma_wait3A_195, %dma_wait3A_196] : memref<20000x128xf32, #tpu.memory_space<hbm>> -> memref<20000x128xf32, #tpu.memory_space<hbm>>
      tpu.wait_indirect_dma semaphore(%arg12 : memref<!tpu.dma_semaphore, #tpu.memory_space<semaphore_mem>>) src(%dma_wait3A_197 : memref<20000x128xf32, #tpu.memory_space<hbm>>) dst(%arg9 : memref<128x128xf32, #tpu.memory_space<vmem>>)
      %add3A_198 = arith.constant 1 : i32
      %add3A_199 = arith.addi %mul3A_173, %add3A_198 : i32
      %dma_start3A_200 = arith.constant 0 : i32
      %dma_start3A_201 = tpu.memref_slice %arg7[%add3A_199, %dma_start3A_200] : memref<40x128xi32, #tpu.memory_space<vmem>> -> memref<1x128xi32, #tpu.memory_space<vmem>>
      %dma_start3A_202 = tpu.memref_squeeze %dma_start3A_201 : memref<1x128xi32, #tpu.memory_space<vmem>> -> memref<128xi32, #tpu.memory_space<vmem>>
      %dma_start3A_203 = arith.constant 0 : i32
      %dma_start3A_204 = arith.constant 0 : i32
      %dma_start3A_205 = tpu.memref_slice %arg10[%dma_start3A_203, %dma_start3A_204] : memref<10112x128xf32, #tpu.memory_space<vmem_shared>> -> memref<10112x128xf32, #tpu.memory_space<vmem_shared>>
      tpu.enqueue_indirect_dma source(%arg9 : memref<128x128xf32, #tpu.memory_space<vmem>>) target(%dma_start3A_205 : memref<10112x128xf32, #tpu.memory_space<vmem_shared>>) offsets(%dma_start3A_202 : memref<128xi32, #tpu.memory_space<vmem>>) semaphore(%arg14 : memref<!tpu.dma_semaphore, #tpu.memory_space<semaphore_mem>>) {add = true}
      %add3A_206 = arith.constant 0 : i32
      %add3A_207 = arith.addi %mul3A_173, %add3A_206 : i32
      %dma_wait3A_208 = arith.constant 0 : i32
      %dma_wait3A_209 = tpu.memref_slice %arg7[%add3A_207, %dma_wait3A_208] : memref<40x128xi32, #tpu.memory_space<vmem>> -> memref<1x128xi32, #tpu.memory_space<vmem>>
      %dma_wait3A_210 = tpu.memref_squeeze %dma_wait3A_209 : memref<1x128xi32, #tpu.memory_space<vmem>> -> memref<128xi32, #tpu.memory_space<vmem>>
      %dma_wait3A_211 = arith.constant 0 : i32
      %dma_wait3A_212 = arith.constant 0 : i32
      %dma_wait3A_213 = tpu.memref_slice %arg10[%dma_wait3A_211, %dma_wait3A_212] : memref<10112x128xf32, #tpu.memory_space<vmem_shared>> -> memref<10112x128xf32, #tpu.memory_space<vmem_shared>>
      tpu.wait_indirect_dma semaphore(%arg13 : memref<!tpu.dma_semaphore, #tpu.memory_space<semaphore_mem>>) src(%arg8 : memref<128x128xf32, #tpu.memory_space<vmem>>) dst(%dma_wait3A_213 : memref<10112x128xf32, #tpu.memory_space<vmem_shared>>)
      %add3A_214 = arith.constant 2 : i32
      %add3A_215 = arith.addi %mul3A_173, %add3A_214 : i32
      %add3A_216 = arith.constant 0 : i32
      %add3A_217 = arith.addi %add3A_215, %add3A_216 : i32
      %dma_start3A_218 = arith.constant 0 : i32
      %dma_start3A_219 = tpu.memref_slice %arg6[%add3A_217, %dma_start3A_218] : memref<40x128xi32, #tpu.memory_space<vmem>> -> memref<1x128xi32, #tpu.memory_space<vmem>>
      %dma_start3A_220 = tpu.memref_squeeze %dma_start3A_219 : memref<1x128xi32, #tpu.memory_space<vmem>> -> memref<128xi32, #tpu.memory_space<vmem>>
      %dma_start3A_221 = arith.constant 0 : i32
      %dma_start3A_222 = arith.constant 0 : i32
      %dma_start3A_223 = tpu.memref_slice %arg4[%dma_start3A_221, %dma_start3A_222] : memref<20000x128xf32, #tpu.memory_space<hbm>> -> memref<20000x128xf32, #tpu.memory_space<hbm>>
      tpu.enqueue_indirect_dma source(%dma_start3A_223 : memref<20000x128xf32, #tpu.memory_space<hbm>>) target(%arg8 : memref<128x128xf32, #tpu.memory_space<vmem>>) offsets(%dma_start3A_220 : memref<128xi32, #tpu.memory_space<vmem>>) semaphore(%arg11 : memref<!tpu.dma_semaphore, #tpu.memory_space<semaphore_mem>>)
      %add3A_224 = arith.constant 1 : i32
      %add3A_225 = arith.addi %mul3A_173, %add3A_224 : i32
      %dma_wait3A_226 = arith.constant 0 : i32
      %dma_wait3A_227 = tpu.memref_slice %arg7[%add3A_225, %dma_wait3A_226] : memref<40x128xi32, #tpu.memory_space<vmem>> -> memref<1x128xi32, #tpu.memory_space<vmem>>
      %dma_wait3A_228 = tpu.memref_squeeze %dma_wait3A_227 : memref<1x128xi32, #tpu.memory_space<vmem>> -> memref<128xi32, #tpu.memory_space<vmem>>
      %dma_wait3A_229 = arith.constant 0 : i32
      %dma_wait3A_230 = arith.constant 0 : i32
      %dma_wait3A_231 = tpu.memref_slice %arg10[%dma_wait3A_229, %dma_wait3A_230] : memref<10112x128xf32, #tpu.memory_space<vmem_shared>> -> memref<10112x128xf32, #tpu.memory_space<vmem_shared>>
      tpu.wait_indirect_dma semaphore(%arg14 : memref<!tpu.dma_semaphore, #tpu.memory_space<semaphore_mem>>) src(%arg9 : memref<128x128xf32, #tpu.memory_space<vmem>>) dst(%dma_wait3A_231 : memref<10112x128xf32, #tpu.memory_space<vmem_shared>>)
      %add3A_232 = arith.constant 2 : i32
      %add3A_233 = arith.addi %mul3A_173, %add3A_232 : i32
      %add3A_234 = arith.constant 1 : i32
      %add3A_235 = arith.addi %add3A_233, %add3A_234 : i32
      %dma_start3A_236 = arith.constant 0 : i32
      %dma_start3A_237 = tpu.memref_slice %arg6[%add3A_235, %dma_start3A_236] : memref<40x128xi32, #tpu.memory_space<vmem>> -> memref<1x128xi32, #tpu.memory_space<vmem>>
      %dma_start3A_238 = tpu.memref_squeeze %dma_start3A_237 : memref<1x128xi32, #tpu.memory_space<vmem>> -> memref<128xi32, #tpu.memory_space<vmem>>
      %dma_start3A_239 = arith.constant 0 : i32
      %dma_start3A_240 = arith.constant 0 : i32
      %dma_start3A_241 = tpu.memref_slice %arg4[%dma_start3A_239, %dma_start3A_240] : memref<20000x128xf32, #tpu.memory_space<hbm>> -> memref<20000x128xf32, #tpu.memory_space<hbm>>
      tpu.enqueue_indirect_dma source(%dma_start3A_241 : memref<20000x128xf32, #tpu.memory_space<hbm>>) target(%arg9 : memref<128x128xf32, #tpu.memory_space<vmem>>) offsets(%dma_start3A_238 : memref<128xi32, #tpu.memory_space<vmem>>) semaphore(%arg12 : memref<!tpu.dma_semaphore, #tpu.memory_space<semaphore_mem>>)
    }
    %scan3A_114 = arith.constant 19 : i32
    %dma_wait3A_115 = arith.constant 38 : i32
    %dma_wait3A_116 = arith.constant 0 : i32
    %dma_wait3A_117 = tpu.memref_slice %arg6[%dma_wait3A_115, %dma_wait3A_116] : memref<40x128xi32, #tpu.memory_space<vmem>> -> memref<1x128xi32, #tpu.memory_space<vmem>>
    %dma_wait3A_118 = tpu.memref_squeeze %dma_wait3A_117 : memref<1x128xi32, #tpu.memory_space<vmem>> -> memref<128xi32, #tpu.memory_space<vmem>>
    %dma_wait3A_119 = arith.constant 0 : i32
    %dma_wait3A_120 = arith.constant 0 : i32
    %dma_wait3A_121 = tpu.memref_slice %arg4[%dma_wait3A_119, %dma_wait3A_120] : memref<20000x128xf32, #tpu.memory_space<hbm>> -> memref<20000x128xf32, #tpu.memory_space<hbm>>
    tpu.wait_indirect_dma semaphore(%arg11 : memref<!tpu.dma_semaphore, #tpu.memory_space<semaphore_mem>>) src(%dma_wait3A_121 : memref<20000x128xf32, #tpu.memory_space<hbm>>) dst(%arg8 : memref<128x128xf32, #tpu.memory_space<vmem>>)
    %dma_start3A_122 = arith.constant 38 : i32
    %dma_start3A_123 = arith.constant 0 : i32
    %dma_start3A_124 = tpu.memref_slice %arg7[%dma_start3A_122, %dma_start3A_123] : memref<40x128xi32, #tpu.memory_space<vmem>> -> memref<1x128xi32, #tpu.memory_space<vmem>>
    %dma_start3A_125 = tpu.memref_squeeze %dma_start3A_124 : memref<1x128xi32, #tpu.memory_space<vmem>> -> memref<128xi32, #tpu.memory_space<vmem>>
    %dma_start3A_126 = arith.constant 0 : i32
    %dma_start3A_127 = arith.constant 0 : i32
    %dma_start3A_128 = tpu.memref_slice %arg10[%dma_start3A_126, %dma_start3A_127] : memref<10112x128xf32, #tpu.memory_space<vmem_shared>> -> memref<10112x128xf32, #tpu.memory_space<vmem_shared>>
    tpu.enqueue_indirect_dma source(%arg8 : memref<128x128xf32, #tpu.memory_space<vmem>>) target(%dma_start3A_128 : memref<10112x128xf32, #tpu.memory_space<vmem_shared>>) offsets(%dma_start3A_125 : memref<128xi32, #tpu.memory_space<vmem>>) semaphore(%arg13 : memref<!tpu.dma_semaphore, #tpu.memory_space<semaphore_mem>>) {add = true}
    %dma_wait3A_129 = arith.constant 39 : i32
    %dma_wait3A_130 = arith.constant 0 : i32
    %dma_wait3A_131 = tpu.memref_slice %arg6[%dma_wait3A_129, %dma_wait3A_130] : memref<40x128xi32, #tpu.memory_space<vmem>> -> memref<1x128xi32, #tpu.memory_space<vmem>>
    %dma_wait3A_132 = tpu.memref_squeeze %dma_wait3A_131 : memref<1x128xi32, #tpu.memory_space<vmem>> -> memref<128xi32, #tpu.memory_space<vmem>>
    %dma_wait3A_133 = arith.constant 0 : i32
    %dma_wait3A_134 = arith.constant 0 : i32
    %dma_wait3A_135 = tpu.memref_slice %arg4[%dma_wait3A_133, %dma_wait3A_134] : memref<20000x128xf32, #tpu.memory_space<hbm>> -> memref<20000x128xf32, #tpu.memory_space<hbm>>
    tpu.wait_indirect_dma semaphore(%arg12 : memref<!tpu.dma_semaphore, #tpu.memory_space<semaphore_mem>>) src(%dma_wait3A_135 : memref<20000x128xf32, #tpu.memory_space<hbm>>) dst(%arg9 : memref<128x128xf32, #tpu.memory_space<vmem>>)
    %dma_start3A_136 = arith.constant 39 : i32
    %dma_start3A_137 = arith.constant 0 : i32
    %dma_start3A_138 = tpu.memref_slice %arg7[%dma_start3A_136, %dma_start3A_137] : memref<40x128xi32, #tpu.memory_space<vmem>> -> memref<1x128xi32, #tpu.memory_space<vmem>>
    %dma_start3A_139 = tpu.memref_squeeze %dma_start3A_138 : memref<1x128xi32, #tpu.memory_space<vmem>> -> memref<128xi32, #tpu.memory_space<vmem>>
    %dma_start3A_140 = arith.constant 0 : i32
    %dma_start3A_141 = arith.constant 0 : i32
    %dma_start3A_142 = tpu.memref_slice %arg10[%dma_start3A_140, %dma_start3A_141] : memref<10112x128xf32, #tpu.memory_space<vmem_shared>> -> memref<10112x128xf32, #tpu.memory_space<vmem_shared>>
    tpu.enqueue_indirect_dma source(%arg9 : memref<128x128xf32, #tpu.memory_space<vmem>>) target(%dma_start3A_142 : memref<10112x128xf32, #tpu.memory_space<vmem_shared>>) offsets(%dma_start3A_139 : memref<128xi32, #tpu.memory_space<vmem>>) semaphore(%arg14 : memref<!tpu.dma_semaphore, #tpu.memory_space<semaphore_mem>>) {add = true}
    %dma_wait3A_143 = arith.constant 38 : i32
    %dma_wait3A_144 = arith.constant 0 : i32
    %dma_wait3A_145 = tpu.memref_slice %arg7[%dma_wait3A_143, %dma_wait3A_144] : memref<40x128xi32, #tpu.memory_space<vmem>> -> memref<1x128xi32, #tpu.memory_space<vmem>>
    %dma_wait3A_146 = tpu.memref_squeeze %dma_wait3A_145 : memref<1x128xi32, #tpu.memory_space<vmem>> -> memref<128xi32, #tpu.memory_space<vmem>>
    %dma_wait3A_147 = arith.constant 0 : i32
    %dma_wait3A_148 = arith.constant 0 : i32
    %dma_wait3A_149 = tpu.memref_slice %arg10[%dma_wait3A_147, %dma_wait3A_148] : memref<10112x128xf32, #tpu.memory_space<vmem_shared>> -> memref<10112x128xf32, #tpu.memory_space<vmem_shared>>
    tpu.wait_indirect_dma semaphore(%arg13 : memref<!tpu.dma_semaphore, #tpu.memory_space<semaphore_mem>>) src(%arg8 : memref<128x128xf32, #tpu.memory_space<vmem>>) dst(%dma_wait3A_149 : memref<10112x128xf32, #tpu.memory_space<vmem_shared>>)
    %dma_wait3A_150 = arith.constant 39 : i32
    %dma_wait3A_151 = arith.constant 0 : i32
    %dma_wait3A_152 = tpu.memref_slice %arg7[%dma_wait3A_150, %dma_wait3A_151] : memref<40x128xi32, #tpu.memory_space<vmem>> -> memref<1x128xi32, #tpu.memory_space<vmem>>
    %dma_wait3A_153 = tpu.memref_squeeze %dma_wait3A_152 : memref<1x128xi32, #tpu.memory_space<vmem>> -> memref<128xi32, #tpu.memory_space<vmem>>
    %dma_wait3A_154 = arith.constant 0 : i32
    %dma_wait3A_155 = arith.constant 0 : i32
    %dma_wait3A_156 = tpu.memref_slice %arg10[%dma_wait3A_154, %dma_wait3A_155] : memref<10112x128xf32, #tpu.memory_space<vmem_shared>> -> memref<10112x128xf32, #tpu.memory_space<vmem_shared>>
    tpu.wait_indirect_dma semaphore(%arg14 : memref<!tpu.dma_semaphore, #tpu.memory_space<semaphore_mem>>) src(%arg9 : memref<128x128xf32, #tpu.memory_space<vmem>>) dst(%dma_wait3A_156 : memref<10112x128xf32, #tpu.memory_space<vmem_shared>>)
    %barrier3A_157 = arith.constant 0 : index
    tpu.barrier barrier_id(%barrier3A_157)
    %mul3A_158 = arith.constant 624 : i32
    %mul3A_159 = arith.muli %arg1, %mul3A_158 : i32
    %mul3A_160 = arith.constant 10000 : i32
    %mul3A_161 = arith.muli %arg0, %mul3A_160 : i32
    %mul3A_162 = arith.constant 624 : i32
    %mul3A_163 = arith.muli %arg1, %mul3A_162 : i32
    %add3A_164 = arith.addi %mul3A_161, %mul3A_163 : i32
    "tpu.region"() ({
      %run_scoped3A = tpu.sem_alloc : memref<!tpu.dma_semaphore, #tpu.memory_space<semaphore_mem>>
      %dma_start3A_167 = arith.constant 0 : i32
      %dma_start3A_168 = tpu.memref_slice %arg5[%add3A_164, %dma_start3A_167] : memref<20000x128xf32, #tpu.memory_space<hbm>> -> memref<624x128xf32, #tpu.memory_space<hbm>>
      %dma_start3A_169 = arith.constant 0 : i32
      %dma_start3A_170 = tpu.memref_slice %arg10[%mul3A_159, %dma_start3A_169] : memref<10112x128xf32, #tpu.memory_space<vmem_shared>> -> memref<624x128xf32, #tpu.memory_space<vmem_shared>>
      tpu.enqueue_dma source(%dma_start3A_170 : memref<624x128xf32, #tpu.memory_space<vmem_shared>>) target(%dma_start3A_168 : memref<624x128xf32, #tpu.memory_space<hbm>>) target_semaphore(%run_scoped3A : memref<!tpu.dma_semaphore, #tpu.memory_space<semaphore_mem>>)
      %dma_wait3A_171 = arith.constant 0 : i32
      %dma_wait3A_172 = tpu.memref_slice %arg5[%add3A_164, %dma_wait3A_171] : memref<20000x128xf32, #tpu.memory_space<hbm>> -> memref<624x128xf32, #tpu.memory_space<hbm>>
      %dma_wait3A_173 = arith.constant 0 : i32
      %dma_wait3A_174 = tpu.memref_slice %arg10[%mul3A_159, %dma_wait3A_173] : memref<10112x128xf32, #tpu.memory_space<vmem_shared>> -> memref<624x128xf32, #tpu.memory_space<vmem_shared>>
      tpu.wait_dma2 semaphore(%run_scoped3A : memref<!tpu.dma_semaphore, #tpu.memory_space<semaphore_mem>>) src(%dma_wait3A_174 : memref<624x128xf32, #tpu.memory_space<vmem_shared>>) dst(%dma_wait3A_172 : memref<624x128xf32, #tpu.memory_space<hbm>>)
      tpu.yield
    }) : () -> ()
    %eq3A = arith.constant 15 : i32
    %eq3A_165 = arith.cmpi eq, %arg1, %eq3A : i32
    %convert_element_type3A = arith.extui %eq3A_165 : i1 to i32
    %cond3A = arith.constant 0 : i32
    %cond3A_166 = arith.cmpi ne, %convert_element_type3A, %cond3A : i32
    scf.if %cond3A_166 {
      %mul3A_167 = arith.constant 10000 : i32
      %mul3A_168 = arith.muli %arg0, %mul3A_167 : i32
      %add3A_169 = arith.constant 9984 : i32
      %add3A_170 = arith.addi %mul3A_168, %add3A_169 : i32
      "tpu.region"() ({
        %run_scoped3A = tpu.sem_alloc : memref<!tpu.dma_semaphore, #tpu.memory_space<semaphore_mem>>
        %dma_start3A_171 = arith.constant 0 : i32
        %dma_start3A_172 = tpu.memref_slice %arg5[%add3A_170, %dma_start3A_171] : memref<20000x128xf32, #tpu.memory_space<hbm>> -> memref<16x128xf32, #tpu.memory_space<hbm>>
        %dma_start3A_173 = arith.constant 9984 : i32
        %dma_start3A_174 = arith.constant 0 : i32
        %dma_start3A_175 = tpu.memref_slice %arg10[%dma_start3A_173, %dma_start3A_174] : memref<10112x128xf32, #tpu.memory_space<vmem_shared>> -> memref<16x128xf32, #tpu.memory_space<vmem_shared>>
        tpu.enqueue_dma source(%dma_start3A_175 : memref<16x128xf32, #tpu.memory_space<vmem_shared>>) target(%dma_start3A_172 : memref<16x128xf32, #tpu.memory_space<hbm>>) target_semaphore(%run_scoped3A : memref<!tpu.dma_semaphore, #tpu.memory_space<semaphore_mem>>)
        %dma_wait3A_176 = arith.constant 0 : i32
        %dma_wait3A_177 = tpu.memref_slice %arg5[%add3A_170, %dma_wait3A_176] : memref<20000x128xf32, #tpu.memory_space<hbm>> -> memref<16x128xf32, #tpu.memory_space<hbm>>
        %dma_wait3A_178 = arith.constant 9984 : i32
        %dma_wait3A_179 = arith.constant 0 : i32
        %dma_wait3A_180 = tpu.memref_slice %arg10[%dma_wait3A_178, %dma_wait3A_179] : memref<10112x128xf32, #tpu.memory_space<vmem_shared>> -> memref<16x128xf32, #tpu.memory_space<vmem_shared>>
        tpu.wait_dma2 semaphore(%run_scoped3A : memref<!tpu.dma_semaphore, #tpu.memory_space<semaphore_mem>>) src(%dma_wait3A_180 : memref<16x128xf32, #tpu.memory_space<vmem_shared>>) dst(%dma_wait3A_177 : memref<16x128xf32, #tpu.memory_space<hbm>>)
        tpu.yield
      }) : () -> ()
    } else {
    }
    return
  }
}

#map = affine_map<(d0, d1) -> (0, 0)>
module attributes {stable_mosaic.version = 14 : i64} {
  func.func @k(%arg0: i32, %arg1: i32, %arg2: memref<1280x128xi32, #tpu.memory_space<hbm>>, %arg3: memref<1280x128xi32, #tpu.memory_space<hbm>>, %arg4: memref<10000x128xf32, #tpu.memory_space<hbm>>, %arg5: memref<20000x128xf32, #tpu.memory_space<hbm>>, %arg6: memref<40x128xi32, #tpu.memory_space<vmem>>, %arg7: memref<40x128xi32, #tpu.memory_space<vmem>>, %arg8: memref<128x128xf32, #tpu.memory_space<vmem>>, %arg9: memref<128x128xf32, #tpu.memory_space<vmem>>, %arg10: memref<10112x128xf32, #tpu.memory_space<vmem_shared>>, %arg11: memref<!tpu.dma_semaphore, #tpu.memory_space<semaphore_mem>>, %arg12: memref<!tpu.dma_semaphore, #tpu.memory_space<semaphore_mem>>, %arg13: memref<!tpu.dma_semaphore, #tpu.memory_space<semaphore_mem>>, %arg14: memref<!tpu.dma_semaphore, #tpu.memory_space<semaphore_mem>>) attributes {dimension_semantics = [#tpu.dimension_semantics<core_parallel>, #tpu.dimension_semantics<subcore_parallel>], iteration_bounds = array<i64: 2, 16>, scalar_prefetch = 0 : i64, scratch_operands = 9 : i64, tpu.core_type = #tpu.core_type<sc_vector_subcore>, window_params = [{transform_indices = #map}, {transform_indices = #map}, {transform_indices = #map}, {transform_indices = #map}]} {
    %mul3A = arith.constant 16 : i32
    %mul3A_0 = arith.muli %arg0, %mul3A : i32
    %add3A = arith.addi %mul3A_0, %arg1 : i32
    %mul3A_1 = arith.constant 40 : i32
    %mul3A_2 = arith.muli %add3A, %mul3A_1 : i32
    "tpu.region"() ({
      %run_scoped3A = tpu.sem_alloc : memref<!tpu.dma_semaphore, #tpu.memory_space<semaphore_mem>>
      %dma_start3A_91 = arith.constant 0 : i32
      %dma_start3A_92 = tpu.memref_slice %arg2[%mul3A_2, %dma_start3A_91] : memref<1280x128xi32, #tpu.memory_space<hbm>> -> memref<40x128xi32, #tpu.memory_space<hbm>>
      %dma_start3A_93 = arith.constant 0 : i32
      %dma_start3A_94 = tpu.memref_slice %arg2[%mul3A_2, %dma_start3A_93] : memref<1280x128xi32, #tpu.memory_space<hbm>> -> memref<40x128xi32, #tpu.memory_space<hbm>>
      tpu.enqueue_dma source(%dma_start3A_94 : memref<40x128xi32, #tpu.memory_space<hbm>>) target(%arg6 : memref<40x128xi32, #tpu.memory_space<vmem>>) target_semaphore(%run_scoped3A : memref<!tpu.dma_semaphore, #tpu.memory_space<semaphore_mem>>)
      %dma_wait3A_95 = arith.constant 0 : i32
      %dma_wait3A_96 = tpu.memref_slice %arg2[%mul3A_2, %dma_wait3A_95] : memref<1280x128xi32, #tpu.memory_space<hbm>> -> memref<40x128xi32, #tpu.memory_space<hbm>>
      %dma_wait3A_97 = arith.constant 0 : i32
      %dma_wait3A_98 = tpu.memref_slice %arg2[%mul3A_2, %dma_wait3A_97] : memref<1280x128xi32, #tpu.memory_space<hbm>> -> memref<40x128xi32, #tpu.memory_space<hbm>>
      tpu.wait_dma2 semaphore(%run_scoped3A : memref<!tpu.dma_semaphore, #tpu.memory_space<semaphore_mem>>) src(%dma_wait3A_98 : memref<40x128xi32, #tpu.memory_space<hbm>>) dst(%arg6 : memref<40x128xi32, #tpu.memory_space<vmem>>)
      tpu.yield
    }) : () -> ()
    %mul3A_3 = arith.constant 40 : i32
    %mul3A_4 = arith.muli %add3A, %mul3A_3 : i32
    "tpu.region"() ({
      %run_scoped3A = tpu.sem_alloc : memref<!tpu.dma_semaphore, #tpu.memory_space<semaphore_mem>>
      %dma_start3A_91 = arith.constant 0 : i32
      %dma_start3A_92 = tpu.memref_slice %arg3[%mul3A_4, %dma_start3A_91] : memref<1280x128xi32, #tpu.memory_space<hbm>> -> memref<40x128xi32, #tpu.memory_space<hbm>>
      %dma_start3A_93 = arith.constant 0 : i32
      %dma_start3A_94 = tpu.memref_slice %arg3[%mul3A_4, %dma_start3A_93] : memref<1280x128xi32, #tpu.memory_space<hbm>> -> memref<40x128xi32, #tpu.memory_space<hbm>>
      tpu.enqueue_dma source(%dma_start3A_94 : memref<40x128xi32, #tpu.memory_space<hbm>>) target(%arg7 : memref<40x128xi32, #tpu.memory_space<vmem>>) target_semaphore(%run_scoped3A : memref<!tpu.dma_semaphore, #tpu.memory_space<semaphore_mem>>)
      %dma_wait3A_95 = arith.constant 0 : i32
      %dma_wait3A_96 = tpu.memref_slice %arg3[%mul3A_4, %dma_wait3A_95] : memref<1280x128xi32, #tpu.memory_space<hbm>> -> memref<40x128xi32, #tpu.memory_space<hbm>>
      %dma_wait3A_97 = arith.constant 0 : i32
      %dma_wait3A_98 = tpu.memref_slice %arg3[%mul3A_4, %dma_wait3A_97] : memref<1280x128xi32, #tpu.memory_space<hbm>> -> memref<40x128xi32, #tpu.memory_space<hbm>>
      tpu.wait_dma2 semaphore(%run_scoped3A : memref<!tpu.dma_semaphore, #tpu.memory_space<semaphore_mem>>) src(%dma_wait3A_98 : memref<40x128xi32, #tpu.memory_space<hbm>>) dst(%arg7 : memref<40x128xi32, #tpu.memory_space<vmem>>)
      tpu.yield
    }) : () -> ()
    %broadcast_in_dim3A = arith.constant 0.000000e+00 : f32
    %broadcast_in_dim3A_5 = vector.broadcast %broadcast_in_dim3A : f32 to vector<16xf32>
    %scan3A = arith.constant 0 : i32
    %scan3A_6 = arith.constant 128 : i32
    %scan3A_7 = arith.addi %scan3A, %scan3A_6 : i32
    %scan3A_8 = arith.constant 1 : i32
    scf.for %scan3A_91 = %scan3A to %scan3A_7 step %scan3A_8  : i32 {
      %mul3A_92 = arith.constant 1 : i32
      %mul3A_93 = arith.muli %scan3A_91, %mul3A_92 : i32
      %add3A_94 = arith.constant 0 : i32
      %add3A_95 = arith.addi %add3A_94, %mul3A_93 : i32
      %swap3A = arith.index_cast %add3A_95 : i32 to index
      %swap3A_96 = arith.constant 0 : index
      %swap3A_97 = tpu.vector_load %arg8[%swap3A, %swap3A_96] {strides = array<i32>} : memref<128x128xf32, #tpu.memory_space<vmem>>, vector<1x16xf32>,
      %swap3A_98 = vector.shape_cast %swap3A_97 : vector<1x16xf32> to vector<16xf32>
      %swap3A_99 = vector.shape_cast %broadcast_in_dim3A_5 : vector<16xf32> to vector<1x16xf32>
      tpu.vector_store %arg8[%swap3A, %swap3A_96], %swap3A_99 {strides = array<i32>} : memref<128x128xf32, #tpu.memory_space<vmem>>, vector<1x16xf32>,
      %swap3A_100 = arith.index_cast %add3A_95 : i32 to index
      %swap3A_101 = arith.constant 16 : index
      %swap3A_102 = tpu.vector_load %arg8[%swap3A_100, %swap3A_101] {strides = array<i32>} : memref<128x128xf32, #tpu.memory_space<vmem>>, vector<1x16xf32>,
      %swap3A_103 = vector.shape_cast %swap3A_102 : vector<1x16xf32> to vector<16xf32>
      %swap3A_104 = vector.shape_cast %broadcast_in_dim3A_5 : vector<16xf32> to vector<1x16xf32>
      tpu.vector_store %arg8[%swap3A_100, %swap3A_101], %swap3A_104 {strides = array<i32>} : memref<128x128xf32, #tpu.memory_space<vmem>>, vector<1x16xf32>,
      %swap3A_105 = arith.index_cast %add3A_95 : i32 to index
      %swap3A_106 = arith.constant 32 : index
      %swap3A_107 = tpu.vector_load %arg8[%swap3A_105, %swap3A_106] {strides = array<i32>} : memref<128x128xf32, #tpu.memory_space<vmem>>, vector<1x16xf32>,
      %swap3A_108 = vector.shape_cast %swap3A_107 : vector<1x16xf32> to vector<16xf32>
      %swap3A_109 = vector.shape_cast %broadcast_in_dim3A_5 : vector<16xf32> to vector<1x16xf32>
      tpu.vector_store %arg8[%swap3A_105, %swap3A_106], %swap3A_109 {strides = array<i32>} : memref<128x128xf32, #tpu.memory_space<vmem>>, vector<1x16xf32>,
      %swap3A_110 = arith.index_cast %add3A_95 : i32 to index
      %swap3A_111 = arith.constant 48 : index
      %swap3A_112 = tpu.vector_load %arg8[%swap3A_110, %swap3A_111] {strides = array<i32>} : memref<128x128xf32, #tpu.memory_space<vmem>>, vector<1x16xf32>,
      %swap3A_113 = vector.shape_cast %swap3A_112 : vector<1x16xf32> to vector<16xf32>
      %swap3A_114 = vector.shape_cast %broadcast_in_dim3A_5 : vector<16xf32> to vector<1x16xf32>
      tpu.vector_store %arg8[%swap3A_110, %swap3A_111], %swap3A_114 {strides = array<i32>} : memref<128x128xf32, #tpu.memory_space<vmem>>, vector<1x16xf32>,
      %swap3A_115 = arith.index_cast %add3A_95 : i32 to index
      %swap3A_116 = arith.constant 64 : index
      %swap3A_117 = tpu.vector_load %arg8[%swap3A_115, %swap3A_116] {strides = array<i32>} : memref<128x128xf32, #tpu.memory_space<vmem>>, vector<1x16xf32>,
      %swap3A_118 = vector.shape_cast %swap3A_117 : vector<1x16xf32> to vector<16xf32>
      %swap3A_119 = vector.shape_cast %broadcast_in_dim3A_5 : vector<16xf32> to vector<1x16xf32>
      tpu.vector_store %arg8[%swap3A_115, %swap3A_116], %swap3A_119 {strides = array<i32>} : memref<128x128xf32, #tpu.memory_space<vmem>>, vector<1x16xf32>,
      %swap3A_120 = arith.index_cast %add3A_95 : i32 to index
      %swap3A_121 = arith.constant 80 : index
      %swap3A_122 = tpu.vector_load %arg8[%swap3A_120, %swap3A_121] {strides = array<i32>} : memref<128x128xf32, #tpu.memory_space<vmem>>, vector<1x16xf32>,
      %swap3A_123 = vector.shape_cast %swap3A_122 : vector<1x16xf32> to vector<16xf32>
      %swap3A_124 = vector.shape_cast %broadcast_in_dim3A_5 : vector<16xf32> to vector<1x16xf32>
      tpu.vector_store %arg8[%swap3A_120, %swap3A_121], %swap3A_124 {strides = array<i32>} : memref<128x128xf32, #tpu.memory_space<vmem>>, vector<1x16xf32>,
      %swap3A_125 = arith.index_cast %add3A_95 : i32 to index
      %swap3A_126 = arith.constant 96 : index
      %swap3A_127 = tpu.vector_load %arg8[%swap3A_125, %swap3A_126] {strides = array<i32>} : memref<128x128xf32, #tpu.memory_space<vmem>>, vector<1x16xf32>,
      %swap3A_128 = vector.shape_cast %swap3A_127 : vector<1x16xf32> to vector<16xf32>
      %swap3A_129 = vector.shape_cast %broadcast_in_dim3A_5 : vector<16xf32> to vector<1x16xf32>
      tpu.vector_store %arg8[%swap3A_125, %swap3A_126], %swap3A_129 {strides = array<i32>} : memref<128x128xf32, #tpu.memory_space<vmem>>, vector<1x16xf32>,
      %swap3A_130 = arith.index_cast %add3A_95 : i32 to index
      %swap3A_131 = arith.constant 112 : index
      %swap3A_132 = tpu.vector_load %arg8[%swap3A_130, %swap3A_131] {strides = array<i32>} : memref<128x128xf32, #tpu.memory_space<vmem>>, vector<1x16xf32>,
      %swap3A_133 = vector.shape_cast %swap3A_132 : vector<1x16xf32> to vector<16xf32>
      %swap3A_134 = vector.shape_cast %broadcast_in_dim3A_5 : vector<16xf32> to vector<1x16xf32>
      tpu.vector_store %arg8[%swap3A_130, %swap3A_131], %swap3A_134 {strides = array<i32>} : memref<128x128xf32, #tpu.memory_space<vmem>>, vector<1x16xf32>,
    }
    %scan3A_9 = arith.constant 128 : i32
    %mul3A_10 = arith.constant 632 : i32
    %mul3A_11 = arith.muli %arg1, %mul3A_10 : i32
    %add3A_12 = arith.constant 0 : i32
    %add3A_13 = arith.addi %mul3A_11, %add3A_12 : i32
    "tpu.region"() ({
      %run_scoped3A = tpu.sem_alloc : memref<!tpu.dma_semaphore, #tpu.memory_space<semaphore_mem>>
      %dma_start3A_91 = arith.constant 0 : i32
      %dma_start3A_92 = tpu.memref_slice %arg10[%add3A_13, %dma_start3A_91] : memref<10112x128xf32, #tpu.memory_space<vmem_shared>> -> memref<128x128xf32, #tpu.memory_space<vmem_shared>>
      %dma_start3A_93 = arith.constant 0 : i32
      %dma_start3A_94 = tpu.memref_slice %arg10[%add3A_13, %dma_start3A_93] : memref<10112x128xf32, #tpu.memory_space<vmem_shared>> -> memref<128x128xf32, #tpu.memory_space<vmem_shared>>
      tpu.enqueue_dma source(%arg8 : memref<128x128xf32, #tpu.memory_space<vmem>>) target(%dma_start3A_94 : memref<128x128xf32, #tpu.memory_space<vmem_shared>>) target_semaphore(%run_scoped3A : memref<!tpu.dma_semaphore, #tpu.memory_space<semaphore_mem>>)
      %dma_wait3A_95 = arith.constant 0 : i32
      %dma_wait3A_96 = tpu.memref_slice %arg10[%add3A_13, %dma_wait3A_95] : memref<10112x128xf32, #tpu.memory_space<vmem_shared>> -> memref<128x128xf32, #tpu.memory_space<vmem_shared>>
      %dma_wait3A_97 = arith.constant 0 : i32
      %dma_wait3A_98 = tpu.memref_slice %arg10[%add3A_13, %dma_wait3A_97] : memref<10112x128xf32, #tpu.memory_space<vmem_shared>> -> memref<128x128xf32, #tpu.memory_space<vmem_shared>>
      tpu.wait_dma2 semaphore(%run_scoped3A : memref<!tpu.dma_semaphore, #tpu.memory_space<semaphore_mem>>) src(%arg8 : memref<128x128xf32, #tpu.memory_space<vmem>>) dst(%dma_wait3A_98 : memref<128x128xf32, #tpu.memory_space<vmem_shared>>)
      tpu.yield
    }) : () -> ()
    %add3A_14 = arith.constant 128 : i32
    %add3A_15 = arith.addi %mul3A_11, %add3A_14 : i32
    "tpu.region"() ({
      %run_scoped3A = tpu.sem_alloc : memref<!tpu.dma_semaphore, #tpu.memory_space<semaphore_mem>>
      %dma_start3A_91 = arith.constant 0 : i32
      %dma_start3A_92 = tpu.memref_slice %arg10[%add3A_15, %dma_start3A_91] : memref<10112x128xf32, #tpu.memory_space<vmem_shared>> -> memref<128x128xf32, #tpu.memory_space<vmem_shared>>
      %dma_start3A_93 = arith.constant 0 : i32
      %dma_start3A_94 = tpu.memref_slice %arg10[%add3A_15, %dma_start3A_93] : memref<10112x128xf32, #tpu.memory_space<vmem_shared>> -> memref<128x128xf32, #tpu.memory_space<vmem_shared>>
      tpu.enqueue_dma source(%arg8 : memref<128x128xf32, #tpu.memory_space<vmem>>) target(%dma_start3A_94 : memref<128x128xf32, #tpu.memory_space<vmem_shared>>) target_semaphore(%run_scoped3A : memref<!tpu.dma_semaphore, #tpu.memory_space<semaphore_mem>>)
      %dma_wait3A_95 = arith.constant 0 : i32
      %dma_wait3A_96 = tpu.memref_slice %arg10[%add3A_15, %dma_wait3A_95] : memref<10112x128xf32, #tpu.memory_space<vmem_shared>> -> memref<128x128xf32, #tpu.memory_space<vmem_shared>>
      %dma_wait3A_97 = arith.constant 0 : i32
      %dma_wait3A_98 = tpu.memref_slice %arg10[%add3A_15, %dma_wait3A_97] : memref<10112x128xf32, #tpu.memory_space<vmem_shared>> -> memref<128x128xf32, #tpu.memory_space<vmem_shared>>
      tpu.wait_dma2 semaphore(%run_scoped3A : memref<!tpu.dma_semaphore, #tpu.memory_space<semaphore_mem>>) src(%arg8 : memref<128x128xf32, #tpu.memory_space<vmem>>) dst(%dma_wait3A_98 : memref<128x128xf32, #tpu.memory_space<vmem_shared>>)
      tpu.yield
    }) : () -> ()
    %add3A_16 = arith.constant 256 : i32
    %add3A_17 = arith.addi %mul3A_11, %add3A_16 : i32
    "tpu.region"() ({
      %run_scoped3A = tpu.sem_alloc : memref<!tpu.dma_semaphore, #tpu.memory_space<semaphore_mem>>
      %dma_start3A_91 = arith.constant 0 : i32
      %dma_start3A_92 = tpu.memref_slice %arg10[%add3A_17, %dma_start3A_91] : memref<10112x128xf32, #tpu.memory_space<vmem_shared>> -> memref<128x128xf32, #tpu.memory_space<vmem_shared>>
      %dma_start3A_93 = arith.constant 0 : i32
      %dma_start3A_94 = tpu.memref_slice %arg10[%add3A_17, %dma_start3A_93] : memref<10112x128xf32, #tpu.memory_space<vmem_shared>> -> memref<128x128xf32, #tpu.memory_space<vmem_shared>>
      tpu.enqueue_dma source(%arg8 : memref<128x128xf32, #tpu.memory_space<vmem>>) target(%dma_start3A_94 : memref<128x128xf32, #tpu.memory_space<vmem_shared>>) target_semaphore(%run_scoped3A : memref<!tpu.dma_semaphore, #tpu.memory_space<semaphore_mem>>)
      %dma_wait3A_95 = arith.constant 0 : i32
      %dma_wait3A_96 = tpu.memref_slice %arg10[%add3A_17, %dma_wait3A_95] : memref<10112x128xf32, #tpu.memory_space<vmem_shared>> -> memref<128x128xf32, #tpu.memory_space<vmem_shared>>
      %dma_wait3A_97 = arith.constant 0 : i32
      %dma_wait3A_98 = tpu.memref_slice %arg10[%add3A_17, %dma_wait3A_97] : memref<10112x128xf32, #tpu.memory_space<vmem_shared>> -> memref<128x128xf32, #tpu.memory_space<vmem_shared>>
      tpu.wait_dma2 semaphore(%run_scoped3A : memref<!tpu.dma_semaphore, #tpu.memory_space<semaphore_mem>>) src(%arg8 : memref<128x128xf32, #tpu.memory_space<vmem>>) dst(%dma_wait3A_98 : memref<128x128xf32, #tpu.memory_space<vmem_shared>>)
      tpu.yield
    }) : () -> ()
    %add3A_18 = arith.constant 384 : i32
    %add3A_19 = arith.addi %mul3A_11, %add3A_18 : i32
    "tpu.region"() ({
      %run_scoped3A = tpu.sem_alloc : memref<!tpu.dma_semaphore, #tpu.memory_space<semaphore_mem>>
      %dma_start3A_91 = arith.constant 0 : i32
      %dma_start3A_92 = tpu.memref_slice %arg10[%add3A_19, %dma_start3A_91] : memref<10112x128xf32, #tpu.memory_space<vmem_shared>> -> memref<128x128xf32, #tpu.memory_space<vmem_shared>>
      %dma_start3A_93 = arith.constant 0 : i32
      %dma_start3A_94 = tpu.memref_slice %arg10[%add3A_19, %dma_start3A_93] : memref<10112x128xf32, #tpu.memory_space<vmem_shared>> -> memref<128x128xf32, #tpu.memory_space<vmem_shared>>
      tpu.enqueue_dma source(%arg8 : memref<128x128xf32, #tpu.memory_space<vmem>>) target(%dma_start3A_94 : memref<128x128xf32, #tpu.memory_space<vmem_shared>>) target_semaphore(%run_scoped3A : memref<!tpu.dma_semaphore, #tpu.memory_space<semaphore_mem>>)
      %dma_wait3A_95 = arith.constant 0 : i32
      %dma_wait3A_96 = tpu.memref_slice %arg10[%add3A_19, %dma_wait3A_95] : memref<10112x128xf32, #tpu.memory_space<vmem_shared>> -> memref<128x128xf32, #tpu.memory_space<vmem_shared>>
      %dma_wait3A_97 = arith.constant 0 : i32
      %dma_wait3A_98 = tpu.memref_slice %arg10[%add3A_19, %dma_wait3A_97] : memref<10112x128xf32, #tpu.memory_space<vmem_shared>> -> memref<128x128xf32, #tpu.memory_space<vmem_shared>>
      tpu.wait_dma2 semaphore(%run_scoped3A : memref<!tpu.dma_semaphore, #tpu.memory_space<semaphore_mem>>) src(%arg8 : memref<128x128xf32, #tpu.memory_space<vmem>>) dst(%dma_wait3A_98 : memref<128x128xf32, #tpu.memory_space<vmem_shared>>)
      tpu.yield
    }) : () -> ()
    %add3A_20 = arith.constant 512 : i32
    %add3A_21 = arith.addi %mul3A_11, %add3A_20 : i32
    "tpu.region"() ({
      %run_scoped3A = tpu.sem_alloc : memref<!tpu.dma_semaphore, #tpu.memory_space<semaphore_mem>>
      %dma_start3A_91 = arith.constant 0 : i32
      %dma_start3A_92 = arith.constant 0 : i32
      %dma_start3A_93 = tpu.memref_slice %arg8[%dma_start3A_91, %dma_start3A_92] : memref<128x128xf32, #tpu.memory_space<vmem>> -> memref<120x128xf32, #tpu.memory_space<vmem>>
      %dma_start3A_94 = arith.constant 0 : i32
      %dma_start3A_95 = tpu.memref_slice %arg10[%add3A_21, %dma_start3A_94] : memref<10112x128xf32, #tpu.memory_space<vmem_shared>> -> memref<120x128xf32, #tpu.memory_space<vmem_shared>>
      %dma_start3A_96 = arith.constant 0 : i32
      %dma_start3A_97 = tpu.memref_slice %arg10[%add3A_21, %dma_start3A_96] : memref<10112x128xf32, #tpu.memory_space<vmem_shared>> -> memref<120x128xf32, #tpu.memory_space<vmem_shared>>
      %dma_start3A_98 = arith.constant 0 : i32
      %dma_start3A_99 = arith.constant 0 : i32
      %dma_start3A_100 = tpu.memref_slice %arg8[%dma_start3A_98, %dma_start3A_99] : memref<128x128xf32, #tpu.memory_space<vmem>> -> memref<120x128xf32, #tpu.memory_space<vmem>>
      tpu.enqueue_dma source(%dma_start3A_100 : memref<120x128xf32, #tpu.memory_space<vmem>>) target(%dma_start3A_97 : memref<120x128xf32, #tpu.memory_space<vmem_shared>>) target_semaphore(%run_scoped3A : memref<!tpu.dma_semaphore, #tpu.memory_space<semaphore_mem>>)
      %dma_wait3A_101 = arith.constant 0 : i32
      %dma_wait3A_102 = arith.constant 0 : i32
      %dma_wait3A_103 = tpu.memref_slice %arg8[%dma_wait3A_101, %dma_wait3A_102] : memref<128x128xf32, #tpu.memory_space<vmem>> -> memref<120x128xf32, #tpu.memory_space<vmem>>
      %dma_wait3A_104 = arith.constant 0 : i32
      %dma_wait3A_105 = tpu.memref_slice %arg10[%add3A_21, %dma_wait3A_104] : memref<10112x128xf32, #tpu.memory_space<vmem_shared>> -> memref<120x128xf32, #tpu.memory_space<vmem_shared>>
      %dma_wait3A_106 = arith.constant 0 : i32
      %dma_wait3A_107 = tpu.memref_slice %arg10[%add3A_21, %dma_wait3A_106] : memref<10112x128xf32, #tpu.memory_space<vmem_shared>> -> memref<120x128xf32, #tpu.memory_space<vmem_shared>>
      %dma_wait3A_108 = arith.constant 0 : i32
      %dma_wait3A_109 = arith.constant 0 : i32
      %dma_wait3A_110 = tpu.memref_slice %arg8[%dma_wait3A_108, %dma_wait3A_109] : memref<128x128xf32, #tpu.memory_space<vmem>> -> memref<120x128xf32, #tpu.memory_space<vmem>>
      tpu.wait_dma2 semaphore(%run_scoped3A : memref<!tpu.dma_semaphore, #tpu.memory_space<semaphore_mem>>) src(%dma_wait3A_110 : memref<120x128xf32, #tpu.memory_space<vmem>>) dst(%dma_wait3A_107 : memref<120x128xf32, #tpu.memory_space<vmem_shared>>)
      tpu.yield
    }) : () -> ()
    %barrier3A = arith.constant 0 : index
    tpu.barrier barrier_id(%barrier3A)
    %dma_start3A = arith.constant 0 : i32
    %dma_start3A_22 = arith.constant 0 : i32
    %dma_start3A_23 = tpu.memref_slice %arg6[%dma_start3A, %dma_start3A_22] : memref<40x128xi32, #tpu.memory_space<vmem>> -> memref<1x128xi32, #tpu.memory_space<vmem>>
    %dma_start3A_24 = tpu.memref_squeeze %dma_start3A_23 : memref<1x128xi32, #tpu.memory_space<vmem>> -> memref<128xi32, #tpu.memory_space<vmem>>
    %dma_start3A_25 = arith.constant 0 : i32
    %dma_start3A_26 = arith.constant 0 : i32
    %dma_start3A_27 = tpu.memref_slice %arg4[%dma_start3A_25, %dma_start3A_26] : memref<10000x128xf32, #tpu.memory_space<hbm>> -> memref<10000x128xf32, #tpu.memory_space<hbm>>
    tpu.enqueue_indirect_dma source(%dma_start3A_27 : memref<10000x128xf32, #tpu.memory_space<hbm>>) target(%arg8 : memref<128x128xf32, #tpu.memory_space<vmem>>) offsets(%dma_start3A_24 : memref<128xi32, #tpu.memory_space<vmem>>) semaphore(%arg11 : memref<!tpu.dma_semaphore, #tpu.memory_space<semaphore_mem>>)
    %dma_start3A_28 = arith.constant 1 : i32
    %dma_start3A_29 = arith.constant 0 : i32
    %dma_start3A_30 = tpu.memref_slice %arg6[%dma_start3A_28, %dma_start3A_29] : memref<40x128xi32, #tpu.memory_space<vmem>> -> memref<1x128xi32, #tpu.memory_space<vmem>>
    %dma_start3A_31 = tpu.memref_squeeze %dma_start3A_30 : memref<1x128xi32, #tpu.memory_space<vmem>> -> memref<128xi32, #tpu.memory_space<vmem>>
    %dma_start3A_32 = arith.constant 0 : i32
    %dma_start3A_33 = arith.constant 0 : i32
    %dma_start3A_34 = tpu.memref_slice %arg4[%dma_start3A_32, %dma_start3A_33] : memref<10000x128xf32, #tpu.memory_space<hbm>> -> memref<10000x128xf32, #tpu.memory_space<hbm>>
    tpu.enqueue_indirect_dma source(%dma_start3A_34 : memref<10000x128xf32, #tpu.memory_space<hbm>>) target(%arg9 : memref<128x128xf32, #tpu.memory_space<vmem>>) offsets(%dma_start3A_31 : memref<128xi32, #tpu.memory_space<vmem>>) semaphore(%arg12 : memref<!tpu.dma_semaphore, #tpu.memory_space<semaphore_mem>>)
    %scan3A_35 = arith.constant 0 : i32
    %scan3A_36 = arith.constant 19 : i32
    %scan3A_37 = arith.addi %scan3A_35, %scan3A_36 : i32
    %scan3A_38 = arith.constant 1 : i32
    scf.for %scan3A_91 = %scan3A_35 to %scan3A_37 step %scan3A_38  : i32 {
      %mul3A_92 = arith.constant 1 : i32
      %mul3A_93 = arith.muli %scan3A_91, %mul3A_92 : i32
      %add3A_94 = arith.constant 0 : i32
      %add3A_95 = arith.addi %add3A_94, %mul3A_93 : i32
      %mul3A_96 = arith.constant 2 : i32
      %mul3A_97 = arith.muli %add3A_95, %mul3A_96 : i32
      %add3A_98 = arith.constant 0 : i32
      %add3A_99 = arith.addi %mul3A_97, %add3A_98 : i32
      %dma_wait3A_100 = arith.constant 0 : i32
      %dma_wait3A_101 = tpu.memref_slice %arg6[%add3A_99, %dma_wait3A_100] : memref<40x128xi32, #tpu.memory_space<vmem>> -> memref<1x128xi32, #tpu.memory_space<vmem>>
      %dma_wait3A_102 = tpu.memref_squeeze %dma_wait3A_101 : memref<1x128xi32, #tpu.memory_space<vmem>> -> memref<128xi32, #tpu.memory_space<vmem>>
      %dma_wait3A_103 = arith.constant 0 : i32
      %dma_wait3A_104 = arith.constant 0 : i32
      %dma_wait3A_105 = tpu.memref_slice %arg4[%dma_wait3A_103, %dma_wait3A_104] : memref<10000x128xf32, #tpu.memory_space<hbm>> -> memref<10000x128xf32, #tpu.memory_space<hbm>>
      tpu.wait_indirect_dma semaphore(%arg11 : memref<!tpu.dma_semaphore, #tpu.memory_space<semaphore_mem>>) src(%dma_wait3A_105 : memref<10000x128xf32, #tpu.memory_space<hbm>>) dst(%arg8 : memref<128x128xf32, #tpu.memory_space<vmem>>)
      %add3A_106 = arith.constant 0 : i32
      %add3A_107 = arith.addi %mul3A_97, %add3A_106 : i32
      %dma_start3A_108 = arith.constant 0 : i32
      %dma_start3A_109 = tpu.memref_slice %arg7[%add3A_107, %dma_start3A_108] : memref<40x128xi32, #tpu.memory_space<vmem>> -> memref<1x128xi32, #tpu.memory_space<vmem>>
      %dma_start3A_110 = tpu.memref_squeeze %dma_start3A_109 : memref<1x128xi32, #tpu.memory_space<vmem>> -> memref<128xi32, #tpu.memory_space<vmem>>
      %dma_start3A_111 = arith.constant 0 : i32
      %dma_start3A_112 = arith.constant 0 : i32
      %dma_start3A_113 = tpu.memref_slice %arg10[%dma_start3A_111, %dma_start3A_112] : memref<10112x128xf32, #tpu.memory_space<vmem_shared>> -> memref<10112x128xf32, #tpu.memory_space<vmem_shared>>
      tpu.enqueue_indirect_dma source(%arg8 : memref<128x128xf32, #tpu.memory_space<vmem>>) target(%dma_start3A_113 : memref<10112x128xf32, #tpu.memory_space<vmem_shared>>) offsets(%dma_start3A_110 : memref<128xi32, #tpu.memory_space<vmem>>) semaphore(%arg13 : memref<!tpu.dma_semaphore, #tpu.memory_space<semaphore_mem>>) {add = true}
      %add3A_114 = arith.constant 1 : i32
      %add3A_115 = arith.addi %mul3A_97, %add3A_114 : i32
      %dma_wait3A_116 = arith.constant 0 : i32
      %dma_wait3A_117 = tpu.memref_slice %arg6[%add3A_115, %dma_wait3A_116] : memref<40x128xi32, #tpu.memory_space<vmem>> -> memref<1x128xi32, #tpu.memory_space<vmem>>
      %dma_wait3A_118 = tpu.memref_squeeze %dma_wait3A_117 : memref<1x128xi32, #tpu.memory_space<vmem>> -> memref<128xi32, #tpu.memory_space<vmem>>
      %dma_wait3A_119 = arith.constant 0 : i32
      %dma_wait3A_120 = arith.constant 0 : i32
      %dma_wait3A_121 = tpu.memref_slice %arg4[%dma_wait3A_119, %dma_wait3A_120] : memref<10000x128xf32, #tpu.memory_space<hbm>> -> memref<10000x128xf32, #tpu.memory_space<hbm>>
      tpu.wait_indirect_dma semaphore(%arg12 : memref<!tpu.dma_semaphore, #tpu.memory_space<semaphore_mem>>) src(%dma_wait3A_121 : memref<10000x128xf32, #tpu.memory_space<hbm>>) dst(%arg9 : memref<128x128xf32, #tpu.memory_space<vmem>>)
      %add3A_122 = arith.constant 1 : i32
      %add3A_123 = arith.addi %mul3A_97, %add3A_122 : i32
      %dma_start3A_124 = arith.constant 0 : i32
      %dma_start3A_125 = tpu.memref_slice %arg7[%add3A_123, %dma_start3A_124] : memref<40x128xi32, #tpu.memory_space<vmem>> -> memref<1x128xi32, #tpu.memory_space<vmem>>
      %dma_start3A_126 = tpu.memref_squeeze %dma_start3A_125 : memref<1x128xi32, #tpu.memory_space<vmem>> -> memref<128xi32, #tpu.memory_space<vmem>>
      %dma_start3A_127 = arith.constant 0 : i32
      %dma_start3A_128 = arith.constant 0 : i32
      %dma_start3A_129 = tpu.memref_slice %arg10[%dma_start3A_127, %dma_start3A_128] : memref<10112x128xf32, #tpu.memory_space<vmem_shared>> -> memref<10112x128xf32, #tpu.memory_space<vmem_shared>>
      tpu.enqueue_indirect_dma source(%arg9 : memref<128x128xf32, #tpu.memory_space<vmem>>) target(%dma_start3A_129 : memref<10112x128xf32, #tpu.memory_space<vmem_shared>>) offsets(%dma_start3A_126 : memref<128xi32, #tpu.memory_space<vmem>>) semaphore(%arg14 : memref<!tpu.dma_semaphore, #tpu.memory_space<semaphore_mem>>) {add = true}
      %add3A_130 = arith.constant 0 : i32
      %add3A_131 = arith.addi %mul3A_97, %add3A_130 : i32
      %dma_wait3A_132 = arith.constant 0 : i32
      %dma_wait3A_133 = tpu.memref_slice %arg7[%add3A_131, %dma_wait3A_132] : memref<40x128xi32, #tpu.memory_space<vmem>> -> memref<1x128xi32, #tpu.memory_space<vmem>>
      %dma_wait3A_134 = tpu.memref_squeeze %dma_wait3A_133 : memref<1x128xi32, #tpu.memory_space<vmem>> -> memref<128xi32, #tpu.memory_space<vmem>>
      %dma_wait3A_135 = arith.constant 0 : i32
      %dma_wait3A_136 = arith.constant 0 : i32
      %dma_wait3A_137 = tpu.memref_slice %arg10[%dma_wait3A_135, %dma_wait3A_136] : memref<10112x128xf32, #tpu.memory_space<vmem_shared>> -> memref<10112x128xf32, #tpu.memory_space<vmem_shared>>
      tpu.wait_indirect_dma semaphore(%arg13 : memref<!tpu.dma_semaphore, #tpu.memory_space<semaphore_mem>>) src(%arg8 : memref<128x128xf32, #tpu.memory_space<vmem>>) dst(%dma_wait3A_137 : memref<10112x128xf32, #tpu.memory_space<vmem_shared>>)
      %add3A_138 = arith.constant 2 : i32
      %add3A_139 = arith.addi %mul3A_97, %add3A_138 : i32
      %add3A_140 = arith.constant 0 : i32
      %add3A_141 = arith.addi %add3A_139, %add3A_140 : i32
      %dma_start3A_142 = arith.constant 0 : i32
      %dma_start3A_143 = tpu.memref_slice %arg6[%add3A_141, %dma_start3A_142] : memref<40x128xi32, #tpu.memory_space<vmem>> -> memref<1x128xi32, #tpu.memory_space<vmem>>
      %dma_start3A_144 = tpu.memref_squeeze %dma_start3A_143 : memref<1x128xi32, #tpu.memory_space<vmem>> -> memref<128xi32, #tpu.memory_space<vmem>>
      %dma_start3A_145 = arith.constant 0 : i32
      %dma_start3A_146 = arith.constant 0 : i32
      %dma_start3A_147 = tpu.memref_slice %arg4[%dma_start3A_145, %dma_start3A_146] : memref<10000x128xf32, #tpu.memory_space<hbm>> -> memref<10000x128xf32, #tpu.memory_space<hbm>>
      tpu.enqueue_indirect_dma source(%dma_start3A_147 : memref<10000x128xf32, #tpu.memory_space<hbm>>) target(%arg8 : memref<128x128xf32, #tpu.memory_space<vmem>>) offsets(%dma_start3A_144 : memref<128xi32, #tpu.memory_space<vmem>>) semaphore(%arg11 : memref<!tpu.dma_semaphore, #tpu.memory_space<semaphore_mem>>)
      %add3A_148 = arith.constant 1 : i32
      %add3A_149 = arith.addi %mul3A_97, %add3A_148 : i32
      %dma_wait3A_150 = arith.constant 0 : i32
      %dma_wait3A_151 = tpu.memref_slice %arg7[%add3A_149, %dma_wait3A_150] : memref<40x128xi32, #tpu.memory_space<vmem>> -> memref<1x128xi32, #tpu.memory_space<vmem>>
      %dma_wait3A_152 = tpu.memref_squeeze %dma_wait3A_151 : memref<1x128xi32, #tpu.memory_space<vmem>> -> memref<128xi32, #tpu.memory_space<vmem>>
      %dma_wait3A_153 = arith.constant 0 : i32
      %dma_wait3A_154 = arith.constant 0 : i32
      %dma_wait3A_155 = tpu.memref_slice %arg10[%dma_wait3A_153, %dma_wait3A_154] : memref<10112x128xf32, #tpu.memory_space<vmem_shared>> -> memref<10112x128xf32, #tpu.memory_space<vmem_shared>>
      tpu.wait_indirect_dma semaphore(%arg14 : memref<!tpu.dma_semaphore, #tpu.memory_space<semaphore_mem>>) src(%arg9 : memref<128x128xf32, #tpu.memory_space<vmem>>) dst(%dma_wait3A_155 : memref<10112x128xf32, #tpu.memory_space<vmem_shared>>)
      %add3A_156 = arith.constant 2 : i32
      %add3A_157 = arith.addi %mul3A_97, %add3A_156 : i32
      %add3A_158 = arith.constant 1 : i32
      %add3A_159 = arith.addi %add3A_157, %add3A_158 : i32
      %dma_start3A_160 = arith.constant 0 : i32
      %dma_start3A_161 = tpu.memref_slice %arg6[%add3A_159, %dma_start3A_160] : memref<40x128xi32, #tpu.memory_space<vmem>> -> memref<1x128xi32, #tpu.memory_space<vmem>>
      %dma_start3A_162 = tpu.memref_squeeze %dma_start3A_161 : memref<1x128xi32, #tpu.memory_space<vmem>> -> memref<128xi32, #tpu.memory_space<vmem>>
      %dma_start3A_163 = arith.constant 0 : i32
      %dma_start3A_164 = arith.constant 0 : i32
      %dma_start3A_165 = tpu.memref_slice %arg4[%dma_start3A_163, %dma_start3A_164] : memref<10000x128xf32, #tpu.memory_space<hbm>> -> memref<10000x128xf32, #tpu.memory_space<hbm>>
      tpu.enqueue_indirect_dma source(%dma_start3A_165 : memref<10000x128xf32, #tpu.memory_space<hbm>>) target(%arg9 : memref<128x128xf32, #tpu.memory_space<vmem>>) offsets(%dma_start3A_162 : memref<128xi32, #tpu.memory_space<vmem>>) semaphore(%arg12 : memref<!tpu.dma_semaphore, #tpu.memory_space<semaphore_mem>>)
    }
    %scan3A_39 = arith.constant 19 : i32
    %dma_wait3A = arith.constant 38 : i32
    %dma_wait3A_40 = arith.constant 0 : i32
    %dma_wait3A_41 = tpu.memref_slice %arg6[%dma_wait3A, %dma_wait3A_40] : memref<40x128xi32, #tpu.memory_space<vmem>> -> memref<1x128xi32, #tpu.memory_space<vmem>>
    %dma_wait3A_42 = tpu.memref_squeeze %dma_wait3A_41 : memref<1x128xi32, #tpu.memory_space<vmem>> -> memref<128xi32, #tpu.memory_space<vmem>>
    %dma_wait3A_43 = arith.constant 0 : i32
    %dma_wait3A_44 = arith.constant 0 : i32
    %dma_wait3A_45 = tpu.memref_slice %arg4[%dma_wait3A_43, %dma_wait3A_44] : memref<10000x128xf32, #tpu.memory_space<hbm>> -> memref<10000x128xf32, #tpu.memory_space<hbm>>
    tpu.wait_indirect_dma semaphore(%arg11 : memref<!tpu.dma_semaphore, #tpu.memory_space<semaphore_mem>>) src(%dma_wait3A_45 : memref<10000x128xf32, #tpu.memory_space<hbm>>) dst(%arg8 : memref<128x128xf32, #tpu.memory_space<vmem>>)
    %dma_start3A_46 = arith.constant 38 : i32
    %dma_start3A_47 = arith.constant 0 : i32
    %dma_start3A_48 = tpu.memref_slice %arg7[%dma_start3A_46, %dma_start3A_47] : memref<40x128xi32, #tpu.memory_space<vmem>> -> memref<1x128xi32, #tpu.memory_space<vmem>>
    %dma_start3A_49 = tpu.memref_squeeze %dma_start3A_48 : memref<1x128xi32, #tpu.memory_space<vmem>> -> memref<128xi32, #tpu.memory_space<vmem>>
    %dma_start3A_50 = arith.constant 0 : i32
    %dma_start3A_51 = arith.constant 0 : i32
    %dma_start3A_52 = tpu.memref_slice %arg10[%dma_start3A_50, %dma_start3A_51] : memref<10112x128xf32, #tpu.memory_space<vmem_shared>> -> memref<10112x128xf32, #tpu.memory_space<vmem_shared>>
    tpu.enqueue_indirect_dma source(%arg8 : memref<128x128xf32, #tpu.memory_space<vmem>>) target(%dma_start3A_52 : memref<10112x128xf32, #tpu.memory_space<vmem_shared>>) offsets(%dma_start3A_49 : memref<128xi32, #tpu.memory_space<vmem>>) semaphore(%arg13 : memref<!tpu.dma_semaphore, #tpu.memory_space<semaphore_mem>>) {add = true}
    %dma_wait3A_53 = arith.constant 39 : i32
    %dma_wait3A_54 = arith.constant 0 : i32
    %dma_wait3A_55 = tpu.memref_slice %arg6[%dma_wait3A_53, %dma_wait3A_54] : memref<40x128xi32, #tpu.memory_space<vmem>> -> memref<1x128xi32, #tpu.memory_space<vmem>>
    %dma_wait3A_56 = tpu.memref_squeeze %dma_wait3A_55 : memref<1x128xi32, #tpu.memory_space<vmem>> -> memref<128xi32, #tpu.memory_space<vmem>>
    %dma_wait3A_57 = arith.constant 0 : i32
    %dma_wait3A_58 = arith.constant 0 : i32
    %dma_wait3A_59 = tpu.memref_slice %arg4[%dma_wait3A_57, %dma_wait3A_58] : memref<10000x128xf32, #tpu.memory_space<hbm>> -> memref<10000x128xf32, #tpu.memory_space<hbm>>
    tpu.wait_indirect_dma semaphore(%arg12 : memref<!tpu.dma_semaphore, #tpu.memory_space<semaphore_mem>>) src(%dma_wait3A_59 : memref<10000x128xf32, #tpu.memory_space<hbm>>) dst(%arg9 : memref<128x128xf32, #tpu.memory_space<vmem>>)
    %dma_start3A_60 = arith.constant 39 : i32
    %dma_start3A_61 = arith.constant 0 : i32
    %dma_start3A_62 = tpu.memref_slice %arg7[%dma_start3A_60, %dma_start3A_61] : memref<40x128xi32, #tpu.memory_space<vmem>> -> memref<1x128xi32, #tpu.memory_space<vmem>>
    %dma_start3A_63 = tpu.memref_squeeze %dma_start3A_62 : memref<1x128xi32, #tpu.memory_space<vmem>> -> memref<128xi32, #tpu.memory_space<vmem>>
    %dma_start3A_64 = arith.constant 0 : i32
    %dma_start3A_65 = arith.constant 0 : i32
    %dma_start3A_66 = tpu.memref_slice %arg10[%dma_start3A_64, %dma_start3A_65] : memref<10112x128xf32, #tpu.memory_space<vmem_shared>> -> memref<10112x128xf32, #tpu.memory_space<vmem_shared>>
    tpu.enqueue_indirect_dma source(%arg9 : memref<128x128xf32, #tpu.memory_space<vmem>>) target(%dma_start3A_66 : memref<10112x128xf32, #tpu.memory_space<vmem_shared>>) offsets(%dma_start3A_63 : memref<128xi32, #tpu.memory_space<vmem>>) semaphore(%arg14 : memref<!tpu.dma_semaphore, #tpu.memory_space<semaphore_mem>>) {add = true}
    %dma_wait3A_67 = arith.constant 38 : i32
    %dma_wait3A_68 = arith.constant 0 : i32
    %dma_wait3A_69 = tpu.memref_slice %arg7[%dma_wait3A_67, %dma_wait3A_68] : memref<40x128xi32, #tpu.memory_space<vmem>> -> memref<1x128xi32, #tpu.memory_space<vmem>>
    %dma_wait3A_70 = tpu.memref_squeeze %dma_wait3A_69 : memref<1x128xi32, #tpu.memory_space<vmem>> -> memref<128xi32, #tpu.memory_space<vmem>>
    %dma_wait3A_71 = arith.constant 0 : i32
    %dma_wait3A_72 = arith.constant 0 : i32
    %dma_wait3A_73 = tpu.memref_slice %arg10[%dma_wait3A_71, %dma_wait3A_72] : memref<10112x128xf32, #tpu.memory_space<vmem_shared>> -> memref<10112x128xf32, #tpu.memory_space<vmem_shared>>
    tpu.wait_indirect_dma semaphore(%arg13 : memref<!tpu.dma_semaphore, #tpu.memory_space<semaphore_mem>>) src(%arg8 : memref<128x128xf32, #tpu.memory_space<vmem>>) dst(%dma_wait3A_73 : memref<10112x128xf32, #tpu.memory_space<vmem_shared>>)
    %dma_wait3A_74 = arith.constant 39 : i32
    %dma_wait3A_75 = arith.constant 0 : i32
    %dma_wait3A_76 = tpu.memref_slice %arg7[%dma_wait3A_74, %dma_wait3A_75] : memref<40x128xi32, #tpu.memory_space<vmem>> -> memref<1x128xi32, #tpu.memory_space<vmem>>
    %dma_wait3A_77 = tpu.memref_squeeze %dma_wait3A_76 : memref<1x128xi32, #tpu.memory_space<vmem>> -> memref<128xi32, #tpu.memory_space<vmem>>
    %dma_wait3A_78 = arith.constant 0 : i32
    %dma_wait3A_79 = arith.constant 0 : i32
    %dma_wait3A_80 = tpu.memref_slice %arg10[%dma_wait3A_78, %dma_wait3A_79] : memref<10112x128xf32, #tpu.memory_space<vmem_shared>> -> memref<10112x128xf32, #tpu.memory_space<vmem_shared>>
    tpu.wait_indirect_dma semaphore(%arg14 : memref<!tpu.dma_semaphore, #tpu.memory_space<semaphore_mem>>) src(%arg9 : memref<128x128xf32, #tpu.memory_space<vmem>>) dst(%dma_wait3A_80 : memref<10112x128xf32, #tpu.memory_space<vmem_shared>>)
    %barrier3A_81 = arith.constant 0 : index
    tpu.barrier barrier_id(%barrier3A_81)
    %mul3A_82 = arith.constant 624 : i32
    %mul3A_83 = arith.muli %arg1, %mul3A_82 : i32
    %mul3A_84 = arith.constant 10000 : i32
    %mul3A_85 = arith.muli %arg0, %mul3A_84 : i32
    %mul3A_86 = arith.constant 624 : i32
    %mul3A_87 = arith.muli %arg1, %mul3A_86 : i32
    %add3A_88 = arith.addi %mul3A_85, %mul3A_87 : i32
    "tpu.region"() ({
      %run_scoped3A = tpu.sem_alloc : memref<!tpu.dma_semaphore, #tpu.memory_space<semaphore_mem>>
      %dma_start3A_91 = arith.constant 0 : i32
      %dma_start3A_92 = tpu.memref_slice %arg5[%add3A_88, %dma_start3A_91] : memref<20000x128xf32, #tpu.memory_space<hbm>> -> memref<624x128xf32, #tpu.memory_space<hbm>>
      %dma_start3A_93 = arith.constant 0 : i32
      %dma_start3A_94 = tpu.memref_slice %arg10[%mul3A_83, %dma_start3A_93] : memref<10112x128xf32, #tpu.memory_space<vmem_shared>> -> memref<624x128xf32, #tpu.memory_space<vmem_shared>>
      tpu.enqueue_dma source(%dma_start3A_94 : memref<624x128xf32, #tpu.memory_space<vmem_shared>>) target(%dma_start3A_92 : memref<624x128xf32, #tpu.memory_space<hbm>>) target_semaphore(%run_scoped3A : memref<!tpu.dma_semaphore, #tpu.memory_space<semaphore_mem>>)
      %dma_wait3A_95 = arith.constant 0 : i32
      %dma_wait3A_96 = tpu.memref_slice %arg5[%add3A_88, %dma_wait3A_95] : memref<20000x128xf32, #tpu.memory_space<hbm>> -> memref<624x128xf32, #tpu.memory_space<hbm>>
      %dma_wait3A_97 = arith.constant 0 : i32
      %dma_wait3A_98 = tpu.memref_slice %arg10[%mul3A_83, %dma_wait3A_97] : memref<10112x128xf32, #tpu.memory_space<vmem_shared>> -> memref<624x128xf32, #tpu.memory_space<vmem_shared>>
      tpu.wait_dma2 semaphore(%run_scoped3A : memref<!tpu.dma_semaphore, #tpu.memory_space<semaphore_mem>>) src(%dma_wait3A_98 : memref<624x128xf32, #tpu.memory_space<vmem_shared>>) dst(%dma_wait3A_96 : memref<624x128xf32, #tpu.memory_space<hbm>>)
      tpu.yield
    }) : () -> ()
    %eq3A = arith.constant 15 : i32
    %eq3A_89 = arith.cmpi eq, %arg1, %eq3A : i32
    %convert_element_type3A = arith.extui %eq3A_89 : i1 to i32
    %cond3A = arith.constant 0 : i32
    %cond3A_90 = arith.cmpi ne, %convert_element_type3A, %cond3A : i32
    scf.if %cond3A_90 {
      %mul3A_91 = arith.constant 10000 : i32
      %mul3A_92 = arith.muli %arg0, %mul3A_91 : i32
      %add3A_93 = arith.constant 9984 : i32
      %add3A_94 = arith.addi %mul3A_92, %add3A_93 : i32
      "tpu.region"() ({
        %run_scoped3A = tpu.sem_alloc : memref<!tpu.dma_semaphore, #tpu.memory_space<semaphore_mem>>
        %dma_start3A_95 = arith.constant 0 : i32
        %dma_start3A_96 = tpu.memref_slice %arg5[%add3A_94, %dma_start3A_95] : memref<20000x128xf32, #tpu.memory_space<hbm>> -> memref<16x128xf32, #tpu.memory_space<hbm>>
        %dma_start3A_97 = arith.constant 9984 : i32
        %dma_start3A_98 = arith.constant 0 : i32
        %dma_start3A_99 = tpu.memref_slice %arg10[%dma_start3A_97, %dma_start3A_98] : memref<10112x128xf32, #tpu.memory_space<vmem_shared>> -> memref<16x128xf32, #tpu.memory_space<vmem_shared>>
        tpu.enqueue_dma source(%dma_start3A_99 : memref<16x128xf32, #tpu.memory_space<vmem_shared>>) target(%dma_start3A_96 : memref<16x128xf32, #tpu.memory_space<hbm>>) target_semaphore(%run_scoped3A : memref<!tpu.dma_semaphore, #tpu.memory_space<semaphore_mem>>)
        %dma_wait3A_100 = arith.constant 0 : i32
        %dma_wait3A_101 = tpu.memref_slice %arg5[%add3A_94, %dma_wait3A_100] : memref<20000x128xf32, #tpu.memory_space<hbm>> -> memref<16x128xf32, #tpu.memory_space<hbm>>
        %dma_wait3A_102 = arith.constant 9984 : i32
        %dma_wait3A_103 = arith.constant 0 : i32
        %dma_wait3A_104 = tpu.memref_slice %arg10[%dma_wait3A_102, %dma_wait3A_103] : memref<10112x128xf32, #tpu.memory_space<vmem_shared>> -> memref<16x128xf32, #tpu.memory_space<vmem_shared>>
        tpu.wait_dma2 semaphore(%run_scoped3A : memref<!tpu.dma_semaphore, #tpu.memory_space<semaphore_mem>>) src(%dma_wait3A_104 : memref<16x128xf32, #tpu.memory_space<vmem_shared>>) dst(%dma_wait3A_101 : memref<16x128xf32, #tpu.memory_space<hbm>>)
        tpu.yield
      }) : () -> ()
    } else {
    }
    return
  }
}

module attributes {stable_mosaic.version = 14 : i64} {
  func.func @body(%arg0: i32, %arg1: i32, %arg2: memref<1000x256xf32, #tpu.memory_space<vmem>>, %arg3: memref<256x128xf32, #tpu.memory_space<vmem>>, %arg4: memref<1000x128xf32, #tpu.memory_space<vmem>>) attributes {dimension_semantics = [#tpu.dimension_semantics<arbitrary>, #tpu.dimension_semantics<arbitrary>], iteration_bounds = array<i64: 10, 2>, scalar_prefetch = 0 : i64, scratch_operands = 0 : i64, tpu.core_type = #tpu.core_type<tc>, window_params = [{transform_indices = @transform_0, window_bounds = array<i64: 1000, 256>}, {transform_indices = @transform_1, window_bounds = array<i64: 256, 128>}, {transform_indices = @transform_2, window_bounds = array<i64: 1000, 128>}]} {
    %get3A = arith.constant 0 : index
    %get3A_0 = arith.constant 0 : index
    %get3A_1 = vector.load %arg2[%get3A, %get3A_0] : memref<1000x256xf32, #tpu.memory_space<vmem>>, vector<1000x256xf32>
    %get3A_2 = arith.constant 0 : index
    %get3A_3 = arith.constant 0 : index
    %get3A_4 = vector.load %arg3[%get3A_2, %get3A_3] : memref<256x128xf32, #tpu.memory_space<vmem>>, vector<256x128xf32>
    %dot_general3A = arith.constant dense<0.000000e+00> : vector<1000x128xf32>
    %dot_general3A_5 = tpu.matmul %get3A_1, %get3A_4, %dot_general3A {dimension_numbers = #tpu.dot_dimension_numbers<[1], [0], [0], [1], [0, 0, 1, 1], [], []>, transpose_lhs_hint = false} : vector<1000x256xf32>, vector<256x128xf32>, vector<1000x128xf32> -> vector<1000x128xf32>
    %swap3A = arith.constant 0 : index
    %swap3A_6 = arith.constant 0 : index
    %swap3A_7 = vector.load %arg4[%swap3A, %swap3A_6] : memref<1000x128xf32, #tpu.memory_space<vmem>>, vector<1000x128xf32>
    tpu.vector_store %arg4[%swap3A, %swap3A_6], %dot_general3A_5 {strides = array<i32>} : memref<1000x128xf32, #tpu.memory_space<vmem>>, vector<1000x128xf32>,
    return
  }
  func.func @transform_0(%arg0: i32, %arg1: i32) -> (i32, i32) {
    %c0_i32 = arith.constant 0 : i32
    %c0_i32_0 = arith.constant 0 : i32
    return %arg0, %c0_i32 : i32, i32
  }
  func.func @transform_1(%arg0: i32, %arg1: i32) -> (i32, i32) {
    %c0_i32 = arith.constant 0 : i32
    %c0_i32_0 = arith.constant 0 : i32
    return %c0_i32, %arg1 : i32, i32
  }
  func.func @transform_2(%arg0: i32, %arg1: i32) -> (i32, i32) {
    %mul3A = arith.constant 10 : i32
    %mul3A_0 = arith.muli %arg1, %mul3A : i32
    %add3A = arith.addi %mul3A_0, %arg0 : i32
    %c0_i32 = arith.constant 0 : i32
    %c0_i32_1 = arith.constant 0 : i32
    return %add3A, %c0_i32 : i32, i32
  }
}

module attributes {stable_mosaic.version = 14 : i64} {
  func.func @body(%arg0: i32, %arg1: i32, %arg2: memref<1000x128xf32, #tpu.memory_space<vmem>>, %arg3: memref<1000x128xf32, #tpu.memory_space<vmem>>, %arg4: memref<1000x128xf32, #tpu.memory_space<vmem>>, %arg5: memref<1000x128xf32, #tpu.memory_space<vmem>>, %arg6: memref<1000x16xf32, #tpu.memory_space<vmem>>) attributes {dimension_semantics = [#tpu.dimension_semantics<arbitrary>, #tpu.dimension_semantics<arbitrary>], iteration_bounds = array<i64: 10, 2>, scalar_prefetch = 0 : i64, scratch_operands = 0 : i64, tpu.core_type = #tpu.core_type<tc>, window_params = [{transform_indices = @transform_0, window_bounds = array<i64: 1000, 128>}, {transform_indices = @transform_1, window_bounds = array<i64: 1000, 128>}, {transform_indices = @transform_2, window_bounds = array<i64: 1000, 128>}, {transform_indices = @transform_3, window_bounds = array<i64: 1000, 128>}, {transform_indices = @transform_4, window_bounds = array<i64: 1000, 16>}]} {
    %get3A = arith.constant 0 : index
    %get3A_0 = arith.constant 0 : index
    %get3A_1 = vector.load %arg3[%get3A, %get3A_0] : memref<1000x128xf32, #tpu.memory_space<vmem>>, vector<1000x128xf32>
    %get3A_2 = arith.constant 0 : index
    %get3A_3 = arith.constant 0 : index
    %get3A_4 = vector.load %arg4[%get3A_2, %get3A_3] : memref<1000x128xf32, #tpu.memory_space<vmem>>, vector<1000x128xf32>
    %add3A = arith.addf %get3A_1, %get3A_4 : vector<1000x128xf32>
    %add3A_5 = arith.constant 1.000000e+00 : f32
    %add3A_6 = vector.broadcast %add3A_5 : f32 to vector<1000x128xf32>
    %add3A_7 = arith.addf %add3A, %add3A_6 : vector<1000x128xf32>
    %rsqrt3A = math.rsqrt %add3A_7 : vector<1000x128xf32>
    %get3A_8 = arith.constant 0 : index
    %get3A_9 = arith.constant 0 : index
    %get3A_10 = vector.load %arg2[%get3A_8, %get3A_9] : memref<1000x128xf32, #tpu.memory_space<vmem>>, vector<1000x128xf32>
    %slice3A = vector.extract_strided_slice %rsqrt3A {offsets = [0, 0], sizes = [1000, 1], strides = [1, 1]} : vector<1000x128xf32> to vector<1000x1xf32>
    %mul3A = vector.broadcast %slice3A : vector<1000x1xf32> to vector<1000x128xf32>
    %mul3A_11 = arith.mulf %get3A_10, %mul3A : vector<1000x128xf32>
    %swap3A = arith.constant 0 : index
    %swap3A_12 = arith.constant 0 : index
    %swap3A_13 = vector.load %arg5[%swap3A, %swap3A_12] : memref<1000x128xf32, #tpu.memory_space<vmem>>, vector<1000x128xf32>
    tpu.vector_store %arg5[%swap3A, %swap3A_12], %mul3A_11 {strides = array<i32>} : memref<1000x128xf32, #tpu.memory_space<vmem>>, vector<1000x128xf32>,
    %slice3A_14 = vector.extract_strided_slice %rsqrt3A {offsets = [0, 0], sizes = [1000, 16], strides = [1, 1]} : vector<1000x128xf32> to vector<1000x16xf32>
    %swap3A_15 = arith.constant 0 : index
    %swap3A_16 = arith.constant 0 : index
    %swap3A_17 = vector.load %arg6[%swap3A_15, %swap3A_16] : memref<1000x16xf32, #tpu.memory_space<vmem>>, vector<1000x16xf32>
    tpu.vector_store %arg6[%swap3A_15, %swap3A_16], %slice3A_14 {strides = array<i32>} : memref<1000x16xf32, #tpu.memory_space<vmem>>, vector<1000x16xf32>,
    return
  }
  func.func @transform_0(%arg0: i32, %arg1: i32) -> (i32, i32) {
    %mul3A = arith.constant 10 : i32
    %mul3A_0 = arith.muli %arg1, %mul3A : i32
    %add3A = arith.addi %mul3A_0, %arg0 : i32
    %c0_i32 = arith.constant 0 : i32
    %c0_i32_1 = arith.constant 0 : i32
    return %add3A, %c0_i32 : i32, i32
  }
  func.func @transform_1(%arg0: i32, %arg1: i32) -> (i32, i32) {
    %c0_i32 = arith.constant 0 : i32
    %c0_i32_0 = arith.constant 0 : i32
    return %arg0, %c0_i32 : i32, i32
  }
  func.func @transform_2(%arg0: i32, %arg1: i32) -> (i32, i32) {
    %add3A = arith.constant 10 : i32
    %add3A_0 = arith.addi %add3A, %arg0 : i32
    %c0_i32 = arith.constant 0 : i32
    %c0_i32_1 = arith.constant 0 : i32
    return %add3A_0, %c0_i32 : i32, i32
  }
  func.func @transform_3(%arg0: i32, %arg1: i32) -> (i32, i32) {
    %mul3A = arith.constant 10 : i32
    %mul3A_0 = arith.muli %arg1, %mul3A : i32
    %add3A = arith.addi %mul3A_0, %arg0 : i32
    %c0_i32 = arith.constant 0 : i32
    %c0_i32_1 = arith.constant 0 : i32
    return %add3A, %c0_i32 : i32, i32
  }
  func.func @transform_4(%arg0: i32, %arg1: i32) -> (i32, i32) {
    %c0_i32 = arith.constant 0 : i32
    %c0_i32_0 = arith.constant 0 : i32
    return %arg0, %c0_i32 : i32, i32
  }
}

module attributes {stable_mosaic.version = 14 : i64} {
  func.func @body(%arg0: i32, %arg1: i32, %arg2: memref<1000x128xf32, #tpu.memory_space<vmem>>, %arg3: memref<1000x128xf32, #tpu.memory_space<vmem>>, %arg4: memref<1000x128xf32, #tpu.memory_space<vmem>>, %arg5: memref<1000x128xf32, #tpu.memory_space<vmem>>, %arg6: memref<1000x16xf32, #tpu.memory_space<vmem>>, %arg7: memref<1x1x128xf32, #tpu.memory_space<vmem>>, %arg8: memref<1x1x128xf32, #tpu.memory_space<vmem>>, %arg9: memref<128x128xf32, #tpu.memory_space<vmem>>, %arg10: memref<128x128xf32, #tpu.memory_space<vmem>>, %arg11: memref<1000x128xf32, #tpu.memory_space<vmem>>) attributes {dimension_semantics = [#tpu.dimension_semantics<arbitrary>, #tpu.dimension_semantics<arbitrary>], iteration_bounds = array<i64: 10, 2>, scalar_prefetch = 0 : i64, scratch_operands = 0 : i64, tpu.core_type = #tpu.core_type<tc>, window_params = [{transform_indices = @transform_0, window_bounds = array<i64: 1000, 128>}, {transform_indices = @transform_1, window_bounds = array<i64: 1000, 128>}, {transform_indices = @transform_2, window_bounds = array<i64: 1000, 128>}, {transform_indices = @transform_3, window_bounds = array<i64: 1000, 128>}, {transform_indices = @transform_4, window_bounds = array<i64: 1000, 16>}, {transform_indices = @transform_5, window_bounds = array<i64: 1, 1, 128>}, {transform_indices = @transform_6, window_bounds = array<i64: 1, 1, 128>}, {transform_indices = @transform_7, window_bounds = array<i64: 128, 128>}, {transform_indices = @transform_8, window_bounds = array<i64: 128, 128>}, {transform_indices = @transform_9, window_bounds = array<i64: 1000, 128>}]} {
    %get3A = arith.constant 0 : index
    %get3A_0 = arith.constant 0 : index
    %get3A_1 = vector.load %arg6[%get3A, %get3A_0] : memref<1000x16xf32, #tpu.memory_space<vmem>>, vector<1000x16xf32>
    %slice3A = vector.extract_strided_slice %get3A_1 {offsets = [0, 0], sizes = [1000, 1], strides = [1, 1]} : vector<1000x16xf32> to vector<1000x1xf32>
    %get3A_2 = arith.constant 0 : index
    %get3A_3 = arith.constant 0 : index
    %get3A_4 = vector.load %arg2[%get3A_2, %get3A_3] : memref<1000x128xf32, #tpu.memory_space<vmem>>, vector<1000x128xf32>
    %get3A_5 = arith.constant 0 : index
    %get3A_6 = arith.constant 0 : index
    %get3A_7 = vector.load %arg4[%get3A_5, %get3A_6] : memref<1000x128xf32, #tpu.memory_space<vmem>>, vector<1000x128xf32>
    %add3A = arith.addf %get3A_4, %get3A_7 : vector<1000x128xf32>
    %mul3A = vector.broadcast %slice3A : vector<1000x1xf32> to vector<1000x128xf32>
    %mul3A_8 = arith.mulf %mul3A, %add3A : vector<1000x128xf32>
    %get3A_9 = arith.constant 0 : index
    %get3A_10 = arith.constant 0 : index
    %get3A_11 = arith.constant 0 : index
    %get3A_12 = vector.load %arg7[%get3A_9, %get3A_10, %get3A_11] : memref<1x1x128xf32, #tpu.memory_space<vmem>>, vector<1x1x128xf32>
    %get3A_13 = vector.shape_cast %get3A_12 : vector<1x1x128xf32> to vector<1x128xf32>
    %add3A_14 = vector.broadcast %get3A_13 : vector<1x128xf32> to vector<1000x128xf32>
    %add3A_15 = arith.addf %mul3A_8, %add3A_14 : vector<1000x128xf32>
    %max3A = arith.constant 0.000000e+00 : f32
    %max3A_16 = vector.broadcast %max3A : f32 to vector<1000x128xf32>
    %max3A_17 = arith.maximumf %add3A_15, %max3A_16 : vector<1000x128xf32>
    %get3A_18 = arith.constant 0 : index
    %get3A_19 = arith.constant 0 : index
    %get3A_20 = vector.load %arg3[%get3A_18, %get3A_19] : memref<1000x128xf32, #tpu.memory_space<vmem>>, vector<1000x128xf32>
    %get3A_21 = arith.constant 0 : index
    %get3A_22 = arith.constant 0 : index
    %get3A_23 = vector.load %arg5[%get3A_21, %get3A_22] : memref<1000x128xf32, #tpu.memory_space<vmem>>, vector<1000x128xf32>
    %add3A_24 = arith.addf %get3A_20, %get3A_23 : vector<1000x128xf32>
    %mul3A_25 = vector.broadcast %slice3A : vector<1000x1xf32> to vector<1000x128xf32>
    %mul3A_26 = arith.mulf %mul3A_25, %add3A_24 : vector<1000x128xf32>
    %get3A_27 = arith.constant 0 : index
    %get3A_28 = arith.constant 0 : index
    %get3A_29 = arith.constant 0 : index
    %get3A_30 = vector.load %arg8[%get3A_27, %get3A_28, %get3A_29] : memref<1x1x128xf32, #tpu.memory_space<vmem>>, vector<1x1x128xf32>
    %get3A_31 = vector.shape_cast %get3A_30 : vector<1x1x128xf32> to vector<1x128xf32>
    %add3A_32 = vector.broadcast %get3A_31 : vector<1x128xf32> to vector<1000x128xf32>
    %add3A_33 = arith.addf %mul3A_26, %add3A_32 : vector<1000x128xf32>
    %max3A_34 = arith.constant 0.000000e+00 : f32
    %max3A_35 = vector.broadcast %max3A_34 : f32 to vector<1000x128xf32>
    %max3A_36 = arith.maximumf %add3A_33, %max3A_35 : vector<1000x128xf32>
    %get3A_37 = arith.constant 0 : index
    %get3A_38 = arith.constant 0 : index
    %get3A_39 = vector.load %arg9[%get3A_37, %get3A_38] : memref<128x128xf32, #tpu.memory_space<vmem>>, vector<128x128xf32>
    %dot_general3A = arith.constant dense<0.000000e+00> : vector<1000x128xf32>
    %dot_general3A_40 = tpu.matmul %max3A_17, %get3A_39, %dot_general3A {dimension_numbers = #tpu.dot_dimension_numbers<[1], [0], [0], [1], [0, 0, 1, 1], [], []>, transpose_lhs_hint = false} : vector<1000x128xf32>, vector<128x128xf32>, vector<1000x128xf32> -> vector<1000x128xf32>
    %get3A_41 = arith.constant 0 : index
    %get3A_42 = arith.constant 0 : index
    %get3A_43 = vector.load %arg10[%get3A_41, %get3A_42] : memref<128x128xf32, #tpu.memory_space<vmem>>, vector<128x128xf32>
    %dot_general3A_44 = arith.constant dense<0.000000e+00> : vector<1000x128xf32>
    %dot_general3A_45 = tpu.matmul %max3A_36, %get3A_43, %dot_general3A_44 {dimension_numbers = #tpu.dot_dimension_numbers<[1], [0], [0], [1], [0, 0, 1, 1], [], []>, transpose_lhs_hint = false} : vector<1000x128xf32>, vector<128x128xf32>, vector<1000x128xf32> -> vector<1000x128xf32>
    %add3A_46 = arith.addf %dot_general3A_40, %dot_general3A_45 : vector<1000x128xf32>
    %mul3A_47 = vector.broadcast %slice3A : vector<1000x1xf32> to vector<1000x128xf32>
    %mul3A_48 = arith.mulf %add3A_46, %mul3A_47 : vector<1000x128xf32>
    %swap3A = arith.constant 0 : index
    %swap3A_49 = arith.constant 0 : index
    %swap3A_50 = vector.load %arg11[%swap3A, %swap3A_49] : memref<1000x128xf32, #tpu.memory_space<vmem>>, vector<1000x128xf32>
    tpu.vector_store %arg11[%swap3A, %swap3A_49], %mul3A_48 {strides = array<i32>} : memref<1000x128xf32, #tpu.memory_space<vmem>>, vector<1000x128xf32>,
    return
  }
  func.func @transform_0(%arg0: i32, %arg1: i32) -> (i32, i32) {
    %c0_i32 = arith.constant 0 : i32
    %c0_i32_0 = arith.constant 0 : i32
    return %arg0, %c0_i32 : i32, i32
  }
  func.func @transform_1(%arg0: i32, %arg1: i32) -> (i32, i32) {
    %add3A = arith.constant 10 : i32
    %add3A_0 = arith.addi %add3A, %arg0 : i32
    %c0_i32 = arith.constant 0 : i32
    %c0_i32_1 = arith.constant 0 : i32
    return %add3A_0, %c0_i32 : i32, i32
  }
  func.func @transform_2(%arg0: i32, %arg1: i32) -> (i32, i32) {
    %c0_i32 = arith.constant 0 : i32
    %c0_i32_0 = arith.constant 0 : i32
    return %arg0, %c0_i32 : i32, i32
  }
  func.func @transform_3(%arg0: i32, %arg1: i32) -> (i32, i32) {
    %add3A = arith.constant 10 : i32
    %add3A_0 = arith.addi %add3A, %arg0 : i32
    %c0_i32 = arith.constant 0 : i32
    %c0_i32_1 = arith.constant 0 : i32
    return %add3A_0, %c0_i32 : i32, i32
  }
  func.func @transform_4(%arg0: i32, %arg1: i32) -> (i32, i32) {
    %c0_i32 = arith.constant 0 : i32
    %c0_i32_0 = arith.constant 0 : i32
    return %arg0, %c0_i32 : i32, i32
  }
  func.func @transform_5(%arg0: i32, %arg1: i32) -> (i32, i32, i32) {
    %c0_i32 = arith.constant 0 : i32
    %c0_i32_0 = arith.constant 0 : i32
    %c0_i32_1 = arith.constant 0 : i32
    %c0_i32_2 = arith.constant 0 : i32
    return %c0_i32, %c0_i32_0, %c0_i32_1 : i32, i32, i32
  }
  func.func @transform_6(%arg0: i32, %arg1: i32) -> (i32, i32, i32) {
    %c1_i32 = arith.constant 1 : i32
    %c0_i32 = arith.constant 0 : i32
    %c0_i32_0 = arith.constant 0 : i32
    %c0_i32_1 = arith.constant 0 : i32
    return %c1_i32, %c0_i32, %c0_i32_0 : i32, i32, i32
  }
  func.func @transform_7(%arg0: i32, %arg1: i32) -> (i32, i32) {
    %c0_i32 = arith.constant 0 : i32
    %c0_i32_0 = arith.constant 0 : i32
    return %c0_i32, %arg1 : i32, i32
  }
  func.func @transform_8(%arg0: i32, %arg1: i32) -> (i32, i32) {
    %c1_i32 = arith.constant 1 : i32
    %c0_i32 = arith.constant 0 : i32
    return %c1_i32, %arg1 : i32, i32
  }
  func.func @transform_9(%arg0: i32, %arg1: i32) -> (i32, i32) {
    %mul3A = arith.constant 10 : i32
    %mul3A_0 = arith.muli %arg1, %mul3A : i32
    %add3A = arith.addi %mul3A_0, %arg0 : i32
    %c0_i32 = arith.constant 0 : i32
    %c0_i32_1 = arith.constant 0 : i32
    return %add3A, %c0_i32 : i32, i32
  }
}

module attributes {stable_mosaic.version = 14 : i64} {
  func.func @body(%arg0: i32, %arg1: memref<1000x128xf32, #tpu.memory_space<vmem>>, %arg2: memref<1000x128xf32, #tpu.memory_space<vmem>>, %arg3: memref<1000x128xf32, #tpu.memory_space<vmem>>, %arg4: memref<1000x128xf32, #tpu.memory_space<vmem>>, %arg5: memref<1000x16xf32, #tpu.memory_space<vmem>>, %arg6: memref<1x1x128xf32, #tpu.memory_space<vmem>>, %arg7: memref<1x1x128xf32, #tpu.memory_space<vmem>>, %arg8: memref<128x128xf32, #tpu.memory_space<vmem>>, %arg9: memref<128x128xf32, #tpu.memory_space<vmem>>, %arg10: memref<1000x128xf32, #tpu.memory_space<vmem>>) attributes {dimension_semantics = [#tpu.dimension_semantics<arbitrary>], iteration_bounds = array<i64: 10>, scalar_prefetch = 0 : i64, scratch_operands = 0 : i64, tpu.core_type = #tpu.core_type<tc>, window_params = [{transform_indices = @transform_0, window_bounds = array<i64: 1000, 128>}, {transform_indices = @transform_1, window_bounds = array<i64: 1000, 128>}, {transform_indices = @transform_2, window_bounds = array<i64: 1000, 128>}, {transform_indices = @transform_3, window_bounds = array<i64: 1000, 128>}, {transform_indices = @transform_4, window_bounds = array<i64: 1000, 16>}, {transform_indices = @transform_5, window_bounds = array<i64: 1, 1, 128>}, {transform_indices = @transform_6, window_bounds = array<i64: 1, 1, 128>}, {transform_indices = @transform_7, window_bounds = array<i64: 128, 128>}, {transform_indices = @transform_8, window_bounds = array<i64: 128, 128>}, {transform_indices = @transform_9, window_bounds = array<i64: 1000, 128>}]} {
    %get3A = arith.constant 0 : index
    %get3A_0 = arith.constant 0 : index
    %get3A_1 = vector.load %arg5[%get3A, %get3A_0] : memref<1000x16xf32, #tpu.memory_space<vmem>>, vector<1000x16xf32>
    %slice3A = vector.extract_strided_slice %get3A_1 {offsets = [0, 0], sizes = [1000, 1], strides = [1, 1]} : vector<1000x16xf32> to vector<1000x1xf32>
    %get3A_2 = arith.constant 0 : index
    %get3A_3 = arith.constant 0 : index
    %get3A_4 = vector.load %arg1[%get3A_2, %get3A_3] : memref<1000x128xf32, #tpu.memory_space<vmem>>, vector<1000x128xf32>
    %get3A_5 = arith.constant 0 : index
    %get3A_6 = arith.constant 0 : index
    %get3A_7 = vector.load %arg3[%get3A_5, %get3A_6] : memref<1000x128xf32, #tpu.memory_space<vmem>>, vector<1000x128xf32>
    %add3A = arith.addf %get3A_4, %get3A_7 : vector<1000x128xf32>
    %mul3A = vector.broadcast %slice3A : vector<1000x1xf32> to vector<1000x128xf32>
    %mul3A_8 = arith.mulf %mul3A, %add3A : vector<1000x128xf32>
    %get3A_9 = arith.constant 0 : index
    %get3A_10 = arith.constant 0 : index
    %get3A_11 = arith.constant 0 : index
    %get3A_12 = vector.load %arg6[%get3A_9, %get3A_10, %get3A_11] : memref<1x1x128xf32, #tpu.memory_space<vmem>>, vector<1x1x128xf32>
    %get3A_13 = vector.shape_cast %get3A_12 : vector<1x1x128xf32> to vector<1x128xf32>
    %add3A_14 = vector.broadcast %get3A_13 : vector<1x128xf32> to vector<1000x128xf32>
    %add3A_15 = arith.addf %mul3A_8, %add3A_14 : vector<1000x128xf32>
    %max3A = arith.constant 0.000000e+00 : f32
    %max3A_16 = vector.broadcast %max3A : f32 to vector<1000x128xf32>
    %max3A_17 = arith.maximumf %add3A_15, %max3A_16 : vector<1000x128xf32>
    %get3A_18 = arith.constant 0 : index
    %get3A_19 = arith.constant 0 : index
    %get3A_20 = vector.load %arg2[%get3A_18, %get3A_19] : memref<1000x128xf32, #tpu.memory_space<vmem>>, vector<1000x128xf32>
    %get3A_21 = arith.constant 0 : index
    %get3A_22 = arith.constant 0 : index
    %get3A_23 = vector.load %arg4[%get3A_21, %get3A_22] : memref<1000x128xf32, #tpu.memory_space<vmem>>, vector<1000x128xf32>
    %add3A_24 = arith.addf %get3A_20, %get3A_23 : vector<1000x128xf32>
    %mul3A_25 = vector.broadcast %slice3A : vector<1000x1xf32> to vector<1000x128xf32>
    %mul3A_26 = arith.mulf %mul3A_25, %add3A_24 : vector<1000x128xf32>
    %get3A_27 = arith.constant 0 : index
    %get3A_28 = arith.constant 0 : index
    %get3A_29 = arith.constant 0 : index
    %get3A_30 = vector.load %arg7[%get3A_27, %get3A_28, %get3A_29] : memref<1x1x128xf32, #tpu.memory_space<vmem>>, vector<1x1x128xf32>
    %get3A_31 = vector.shape_cast %get3A_30 : vector<1x1x128xf32> to vector<1x128xf32>
    %add3A_32 = vector.broadcast %get3A_31 : vector<1x128xf32> to vector<1000x128xf32>
    %add3A_33 = arith.addf %mul3A_26, %add3A_32 : vector<1000x128xf32>
    %max3A_34 = arith.constant 0.000000e+00 : f32
    %max3A_35 = vector.broadcast %max3A_34 : f32 to vector<1000x128xf32>
    %max3A_36 = arith.maximumf %add3A_33, %max3A_35 : vector<1000x128xf32>
    %get3A_37 = arith.constant 0 : index
    %get3A_38 = arith.constant 0 : index
    %get3A_39 = vector.load %arg8[%get3A_37, %get3A_38] : memref<128x128xf32, #tpu.memory_space<vmem>>, vector<128x128xf32>
    %dot_general3A = arith.constant dense<0.000000e+00> : vector<1000x128xf32>
    %dot_general3A_40 = tpu.matmul %max3A_17, %get3A_39, %dot_general3A {dimension_numbers = #tpu.dot_dimension_numbers<[1], [0], [0], [1], [0, 0, 1, 1], [], []>, transpose_lhs_hint = false} : vector<1000x128xf32>, vector<128x128xf32>, vector<1000x128xf32> -> vector<1000x128xf32>
    %get3A_41 = arith.constant 0 : index
    %get3A_42 = arith.constant 0 : index
    %get3A_43 = vector.load %arg9[%get3A_41, %get3A_42] : memref<128x128xf32, #tpu.memory_space<vmem>>, vector<128x128xf32>
    %dot_general3A_44 = arith.constant dense<0.000000e+00> : vector<1000x128xf32>
    %dot_general3A_45 = tpu.matmul %max3A_36, %get3A_43, %dot_general3A_44 {dimension_numbers = #tpu.dot_dimension_numbers<[1], [0], [0], [1], [0, 0, 1, 1], [], []>, transpose_lhs_hint = false} : vector<1000x128xf32>, vector<128x128xf32>, vector<1000x128xf32> -> vector<1000x128xf32>
    %add3A_46 = arith.addf %dot_general3A_40, %dot_general3A_45 : vector<1000x128xf32>
    %mul3A_47 = vector.broadcast %slice3A : vector<1000x1xf32> to vector<1000x128xf32>
    %mul3A_48 = arith.mulf %add3A_46, %mul3A_47 : vector<1000x128xf32>
    %swap3A = arith.constant 0 : index
    %swap3A_49 = arith.constant 0 : index
    %swap3A_50 = vector.load %arg10[%swap3A, %swap3A_49] : memref<1000x128xf32, #tpu.memory_space<vmem>>, vector<1000x128xf32>
    tpu.vector_store %arg10[%swap3A, %swap3A_49], %mul3A_48 {strides = array<i32>} : memref<1000x128xf32, #tpu.memory_space<vmem>>, vector<1000x128xf32>,
    return
  }
  func.func @transform_0(%arg0: i32) -> (i32, i32) {
    %c0_i32 = arith.constant 0 : i32
    %c0_i32_0 = arith.constant 0 : i32
    return %arg0, %c0_i32 : i32, i32
  }
  func.func @transform_1(%arg0: i32) -> (i32, i32) {
    %add3A = arith.constant 10 : i32
    %add3A_0 = arith.addi %add3A, %arg0 : i32
    %c0_i32 = arith.constant 0 : i32
    %c0_i32_1 = arith.constant 0 : i32
    return %add3A_0, %c0_i32 : i32, i32
  }
  func.func @transform_2(%arg0: i32) -> (i32, i32) {
    %c0_i32 = arith.constant 0 : i32
    %c0_i32_0 = arith.constant 0 : i32
    return %arg0, %c0_i32 : i32, i32
  }
  func.func @transform_3(%arg0: i32) -> (i32, i32) {
    %add3A = arith.constant 10 : i32
    %add3A_0 = arith.addi %add3A, %arg0 : i32
    %c0_i32 = arith.constant 0 : i32
    %c0_i32_1 = arith.constant 0 : i32
    return %add3A_0, %c0_i32 : i32, i32
  }
  func.func @transform_4(%arg0: i32) -> (i32, i32) {
    %c0_i32 = arith.constant 0 : i32
    %c0_i32_0 = arith.constant 0 : i32
    return %arg0, %c0_i32 : i32, i32
  }
  func.func @transform_5(%arg0: i32) -> (i32, i32, i32) {
    %c0_i32 = arith.constant 0 : i32
    %c0_i32_0 = arith.constant 0 : i32
    %c0_i32_1 = arith.constant 0 : i32
    %c0_i32_2 = arith.constant 0 : i32
    return %c0_i32, %c0_i32_0, %c0_i32_1 : i32, i32, i32
  }
  func.func @transform_6(%arg0: i32) -> (i32, i32, i32) {
    %c1_i32 = arith.constant 1 : i32
    %c0_i32 = arith.constant 0 : i32
    %c0_i32_0 = arith.constant 0 : i32
    %c0_i32_1 = arith.constant 0 : i32
    return %c1_i32, %c0_i32, %c0_i32_0 : i32, i32, i32
  }
  func.func @transform_7(%arg0: i32) -> (i32, i32) {
    %c0_i32 = arith.constant 0 : i32
    %c0_i32_0 = arith.constant 0 : i32
    %c0_i32_1 = arith.constant 0 : i32
    return %c0_i32, %c0_i32_0 : i32, i32
  }
  func.func @transform_8(%arg0: i32) -> (i32, i32) {
    %c1_i32 = arith.constant 1 : i32
    %c0_i32 = arith.constant 0 : i32
    %c0_i32_0 = arith.constant 0 : i32
    return %c1_i32, %c0_i32 : i32, i32
  }
  func.func @transform_9(%arg0: i32) -> (i32, i32) {
    %c0_i32 = arith.constant 0 : i32
    %c0_i32_0 = arith.constant 0 : i32
    return %arg0, %c0_i32 : i32, i32
  }
}

module attributes {stable_mosaic.version = 14 : i64} {
  func.func @body(%arg0: i32, %arg1: memref<1000x128xf32, #tpu.memory_space<vmem>>, %arg2: memref<1000x128xf32, #tpu.memory_space<vmem>>, %arg3: memref<1000x128xf32, #tpu.memory_space<vmem>>, %arg4: memref<1000x16xf32, #tpu.memory_space<vmem>>, %arg5: memref<1x1x64xf32, #tpu.memory_space<vmem>>, %arg6: memref<1000x64xf32, #tpu.memory_space<vmem>>) attributes {dimension_semantics = [#tpu.dimension_semantics<arbitrary>], iteration_bounds = array<i64: 10>, scalar_prefetch = 0 : i64, scratch_operands = 0 : i64, tpu.core_type = #tpu.core_type<tc>, window_params = [{transform_indices = @transform_0, window_bounds = array<i64: 1000, 128>}, {transform_indices = @transform_1, window_bounds = array<i64: 1000, 128>}, {transform_indices = @transform_2, window_bounds = array<i64: 1000, 128>}, {transform_indices = @transform_3, window_bounds = array<i64: 1000, 16>}, {pipeline_mode = #tpu.pipeline_mode<synchronous>, transform_indices = @transform_4, window_bounds = array<i64: 1, 1, 64>}, {transform_indices = @transform_5, window_bounds = array<i64: 1000, 64>}]} {
    %get3A = arith.constant 0 : index
    %get3A_0 = arith.constant 0 : index
    %get3A_1 = vector.load %arg4[%get3A, %get3A_0] : memref<1000x16xf32, #tpu.memory_space<vmem>>, vector<1000x16xf32>
    %slice3A = vector.extract_strided_slice %get3A_1 {offsets = [0, 0], sizes = [1000, 1], strides = [1, 1]} : vector<1000x16xf32> to vector<1000x1xf32>
    %get3A_2 = arith.constant 0 : index
    %get3A_3 = arith.constant 0 : index
    %get3A_4 = vector.load %arg1[%get3A_2, %get3A_3] : memref<1000x128xf32, #tpu.memory_space<vmem>>, vector<1000x128xf32>
    %get3A_5 = arith.constant 0 : index
    %get3A_6 = arith.constant 0 : index
    %get3A_7 = vector.load %arg2[%get3A_5, %get3A_6] : memref<1000x128xf32, #tpu.memory_space<vmem>>, vector<1000x128xf32>
    %add3A = arith.addf %get3A_4, %get3A_7 : vector<1000x128xf32>
    %get3A_8 = arith.constant 0 : index
    %get3A_9 = arith.constant 0 : index
    %get3A_10 = vector.load %arg3[%get3A_8, %get3A_9] : memref<1000x128xf32, #tpu.memory_space<vmem>>, vector<1000x128xf32>
    %add3A_11 = arith.addf %add3A, %get3A_10 : vector<1000x128xf32>
    %mul3A = vector.broadcast %slice3A : vector<1000x1xf32> to vector<1000x128xf32>
    %mul3A_12 = arith.mulf %mul3A, %add3A_11 : vector<1000x128xf32>
    %slice3A_13 = vector.extract_strided_slice %mul3A_12 {offsets = [0, 0], sizes = [1000, 64], strides = [1, 1]} : vector<1000x128xf32> to vector<1000x64xf32>
    %get3A_14 = arith.constant 0 : index
    %get3A_15 = arith.constant 0 : index
    %get3A_16 = arith.constant 0 : index
    %get3A_17 = vector.load %arg5[%get3A_14, %get3A_15, %get3A_16] : memref<1x1x64xf32, #tpu.memory_space<vmem>>, vector<1x1x64xf32>
    %get3A_18 = vector.shape_cast %get3A_17 : vector<1x1x64xf32> to vector<1x64xf32>
    %add3A_19 = vector.broadcast %get3A_18 : vector<1x64xf32> to vector<1000x64xf32>
    %add3A_20 = arith.addf %slice3A_13, %add3A_19 : vector<1000x64xf32>
    %swap3A = arith.constant 0 : index
    %swap3A_21 = arith.constant 0 : index
    %swap3A_22 = vector.load %arg6[%swap3A, %swap3A_21] : memref<1000x64xf32, #tpu.memory_space<vmem>>, vector<1000x64xf32>
    tpu.vector_store %arg6[%swap3A, %swap3A_21], %add3A_20 {strides = array<i32>} : memref<1000x64xf32, #tpu.memory_space<vmem>>, vector<1000x64xf32>,
    return
  }
  func.func @transform_0(%arg0: i32) -> (i32, i32) {
    %c0_i32 = arith.constant 0 : i32
    %c0_i32_0 = arith.constant 0 : i32
    return %arg0, %c0_i32 : i32, i32
  }
  func.func @transform_1(%arg0: i32) -> (i32, i32) {
    %add3A = arith.constant 10 : i32
    %add3A_0 = arith.addi %add3A, %arg0 : i32
    %c0_i32 = arith.constant 0 : i32
    %c0_i32_1 = arith.constant 0 : i32
    return %add3A_0, %c0_i32 : i32, i32
  }
  func.func @transform_2(%arg0: i32) -> (i32, i32) {
    %c0_i32 = arith.constant 0 : i32
    %c0_i32_0 = arith.constant 0 : i32
    return %arg0, %c0_i32 : i32, i32
  }
  func.func @transform_3(%arg0: i32) -> (i32, i32) {
    %c0_i32 = arith.constant 0 : i32
    %c0_i32_0 = arith.constant 0 : i32
    return %arg0, %c0_i32 : i32, i32
  }
  func.func @transform_4(%arg0: i32) -> (i32, i32, i32) {
    %c0_i32 = arith.constant 0 : i32
    %c0_i32_0 = arith.constant 0 : i32
    %c0_i32_1 = arith.constant 0 : i32
    %c0_i32_2 = arith.constant 0 : i32
    return %c0_i32, %c0_i32_0, %c0_i32_1 : i32, i32, i32
  }
  func.func @transform_5(%arg0: i32) -> (i32, i32) {
    %c0_i32 = arith.constant 0 : i32
    %c0_i32_0 = arith.constant 0 : i32
    return %arg0, %c0_i32 : i32, i32
  }
}

</mosaic_0001>

<sc_bundles>
// kernel: gather_offload_async_start.1
scs
__scs_entry_jumppad:
0x0: {  	(pc) =	sbr.rel $0x88, $3  }
0x1: {  	(tag) =	ssettag $0x0;
	lr =	simm.s32 $0x1  }
0x2: {  	[smem:$0x3F99] =	sst lr;
	_ =	strace $0xD0000000  }
0x3: {  	_ = 	snop  }
0x4: {  	_ = 	snop  }
0x5: {  	_ = 	snop  }
0x6: {  	_ = 	snop  }
0x7: {  	_ = 	snop  }
__scs_overlays_trampoline_lowered:
0x8: {  	[smem:$0x3FA8] =	sst s0  }
0x9: {  	[smem:$0x3FA9] =	sst s1  }
0xa: {  	[smem:$0x3FAA] =	sst s2  }
0xb: {  	[smem:$0x3FAB] =	sst s3  }
0xc: {  	[smem:$0x3FAC] =	sst s4  }
0xd: {  	[smem:$0x3FAD] =	sst s5  }
0xe: {  	[smem:$0x3FAE] =	sst s6  }
0xf: {  	[smem:$0x3FAF] =	sst s7  }
0x10: {  	[smem:$0x3FB0] =	sst s8  }
0x11: {  	[smem:$0x3FB1] =	sst s9;
	s0 =	simm.s32 @!p0 $0x0  }
0x12: {  	s1 =	sld [smem:$0x3F97];
	s0 =	simm.s32 @p0 $0x1  }
0x13: {  	[smem:$0x3FB2] =	sst s0;
	s0 =	simm.s32 @!p1 $0x0  }
0x14: {  	s2 =	sld [smem:$0x3F96];
	s0 =	simm.s32 @p1 $0x1  }
0x15: {  	[smem:$0x3FB3] =	sst s0;
	s0 =	simm.s32 @!p2 $0x0  }
0x16: {  	s3 =	sld [smem:$0x3FDB];
	s0 =	simm.s32 @p2 $0x1  }
0x17: {  	s4 =	simm.s32 $0x1BF5;
	[smem:$0x3FB5] =	sst s0  }
0x18: {  	s0 =	sld [smem:$0x3F98];
	_ =	swait.ge [sflag:s4], $0x0  }
0x19: {  	s7 =	sld [smem:$0x3F99]  }
0x1a: {  	s8 =	sadd.s32 $0xFFFFE003, lr  }
0x1b: {  	s9 =	sadd.s32 $0xFFFFFEF7, lr;
	s5 =	simm.s32 $0xFFFFFFFF;
	p2 =	slt.u32 s8, $0xFFFFF086  }
0x1c: {  	p1 =	slt.u32 s9, $0xF7A;
	s5 =	simm.s32 @!p2 $0x0  }
0x1d: {  	s5 =	simm.s32 @p1 $0x1;
	p0 =	seq.s32 s7, s2  }
0x1e: {  	s7 =	smul.u32 @!p0 $0xF7A, s2;
	p2 =	seq.s32 @!p0 s5, $0x0  }
0x1f: {  	s9 =	smul.u32 $0xF7A, s1;
	s8 =	simm.s32 @!p0 $0x1BF5;
	p2 =	por !p2, p0  }
0x20: {  	[sflag:s8] =	ssyncset.s32 @!p0 $0xFFFFF086;
	s6 =	sadd.s32 @!p0 s3, s7;
	s7 =	simm.s32 @!p0 $0x108  }
0x21: {  	s3 =	sadd.s32 s3, s9;
	s6 =	sadd.s32 @!p0 $0x88, s6;
	s7 =	simm.s32 @p2 $0x1082  }
0x22: {  	[simem:s7], [sflag:s8] =	dma.local @!p0 [hbm:s6], $0xF7A  }
0x23: {  	s9 =	sor.u32 $0xD0000000, s2;
	s6 =	simm.s32 $0x108;
	_ =	swait.ge @!p0 [sflag:s8], $0x0  }
0x24: {  	s3 =	sadd.s32 $0x88, s3;
	s6 =	simm.s32 @!p1 $0x1082;
	[sflag:s4] =	ssyncset.s32 $0xFFFFF086  }
0x25: {  	[simem:s6], [sflag:s4] =	dma.local [hbm:s3], $0xF7A  }
0x26: {  	[smem:$0x3F99] =	sst s1;
	(tag) =	ssettag s2;
	_ =	strace s9  }
0x27: {  	s1 =	sld [smem:$0x3FA9]  }
0x28: {  	s2 =	sld [smem:$0x3FAA]  }
0x29: {  	s4 =	sld [smem:$0x3FAC]  }
0x2a: {  	p0 =	seq.s32 s5, $0x0;
	s5 =	sld [smem:$0x3FAD]  }
0x2b: {  	s6 =	sld [smem:$0x3FAE]  }
0x2c: {  	s7 =	sld [smem:$0x3FAF]  }
0x2d: {  	s3 =	simm.s32 $0x108;
	s8 =	sld [smem:$0x3FB0]  }
0x2e: {  	s3 =	simm.s32 @!p0 $0x1082;
	s9 =	sld [smem:$0x3FB1]  }
0x2f: {  	lr =	sadd.s32 s0, s3;
	s0 =	sld [smem:$0x3FA8]  }
0x30: {  	s3 =	sld [smem:$0x3FAB]  }
0x31: {  	[smem:$0x3FB4] =	sst s10  }
0x32: {  	s10 =	sld [smem:$0x3FB2];
	_ =	sdelay $0x3  }
0x33: {  	p0 =	seq.s32 s10, $0x1;
	s10 =	sld [smem:$0x3FB4];
	_ =	sdelay $0x3  }
0x34: {  	[smem:$0x3FB4] =	sst s10  }
0x35: {  	s10 =	sld [smem:$0x3FB3];
	_ =	sdelay $0x3  }
0x36: {  	p1 =	seq.s32 s10, $0x1;
	s10 =	sld [smem:$0x3FB4];
	_ =	sdelay $0x3  }
0x37: {  	[smem:$0x3FB4] =	sst s10  }
0x38: {  	s10 =	sld [smem:$0x3FB5]  }
0x39: {  	_ = 	snop;
	(pc) =	sbr.ind lr, $3  }
0x3a: {  	_ = 	snop  }
0x3b: {  	_ = 	snop  }
0x3c: {  	p2 =	seq.s32 s10, $0x1;
	s10 =	sld [smem:$0x3FB4]  }
0x3d: {  	_ =	shalt  }
0x3e: {  	_ =	shalt  }
0x3f: {  	_ =	shalt  }
0x40: {  	_ =	shalt  }
0x41: {  	_ =	shalt  }
0x42: {  	_ =	shalt  }
0x43: {  	_ =	shalt  }
0x44: {  	_ =	shalt  }
0x45: {  	_ =	shalt  }
0x46: {  	_ =	shalt  }
0x47: {  	_ =	shalt  }
0x48: {  	_ =	shalt  }
0x49: {  	_ =	shalt  }
0x4a: {  	_ =	shalt  }
0x4b: {  	_ =	shalt  }
0x4c: {  	_ =	shalt  }
0x4d: {  	_ =	shalt  }
0x4e: {  	_ =	shalt  }
0x4f: {  	_ =	shalt  }
0x50: {  	_ =	shalt  }
0x51: {  	_ =	shalt  }
0x52: {  	_ =	shalt  }
0x53: {  	_ =	shalt  }
0x54: {  	_ =	shalt  }
0x55: {  	_ =	shalt  }
0x56: {  	_ =	shalt  }
0x57: {  	_ =	shalt  }
0x58: {  	_ =	shalt  }
0x59: {  	_ =	shalt  }
0x5a: {  	_ =	shalt  }
0x5b: {  	_ =	shalt  }
0x5c: {  	_ =	shalt  }
0x5d: {  	_ =	shalt  }
0x5e: {  	_ =	shalt  }
0x5f: {  	_ =	shalt  }
0x60: {  	_ =	shalt  }
0x61: {  	_ =	shalt  }
0x62: {  	_ =	shalt  }
0x63: {  	_ =	shalt  }
0x64: {  	_ =	shalt  }
0x65: {  	_ =	shalt  }
0x66: {  	_ =	shalt  }
0x67: {  	_ =	shalt  }
0x68: {  	_ =	shalt  }
0x69: {  	_ =	shalt  }
0x6a: {  	_ =	shalt  }
0x6b: {  	_ =	shalt  }
0x6c: {  	_ =	shalt  }
0x6d: {  	_ =	shalt  }
0x6e: {  	_ =	shalt  }
0x6f: {  	_ =	shalt  }
0x70: {  	_ =	shalt  }
0x71: {  	_ =	shalt  }
0x72: {  	_ =	shalt  }
0x73: {  	_ =	shalt  }
0x74: {  	_ =	shalt  }
0x75: {  	_ =	shalt  }
0x76: {  	_ =	shalt  }
0x77: {  	_ =	shalt  }
0x78: {  	_ =	shalt  }
0x79: {  	_ =	shalt  }
0x7a: {  	_ =	shalt  }
0x7b: {  	_ =	shalt  }
0x7c: {  	_ =	shalt  }
0x7d: {  	_ =	shalt  }
0x7e: {  	_ =	shalt  }
0x7f: {  	_ =	shalt  }
0x80: {  	_ =	shalt  }
0x81: {  	_ =	shalt  }
0x82: {  	_ =	shalt  }
0x83: {  	_ =	shalt  }
0x84: {  	_ =	shalt  }
0x85: {  	_ =	shalt  }
0x86: {  	_ =	shalt  }
0x87: {  	_ =	shalt  }
.Lfunc_end0:
.L_simem_size_0:
called_computation.1_lowered:
.L_overlay_start_0:
0x88: {  	s2 =	sld [smem:$0x3FD9]  }
0x89: {  	s3 =	sld [smem:$0x3FFE];
	_ =	sdelay $0x1  }
0x8a: {  	s1 =	srdreg.scid  }
0x8b: {  	s0 =	sand.u32 $0x1, s1  }
0x8c: {  	s16 =	sshll.u32 s0, $0xA;
	s2 =	sadd.s32 s3, s2  }
0x8d: {  	s2 =	sadd.s32 s2, s16  }
0x8e: {  	[smem:$0x3FC0] =	sst s2  }
0x8f: {  	_ = 	snop  }
0x90: {  	(tm) =	ssettm $0x1  }
0x91: {  	s17 =	sld [smem:$0x3FFB];
	_ =	sdelay $0x3  }
0x92: {  	_ =	strace s17  }
0x93: {  	s2 =	sld [smem:$0x3FFC];
	_ =	sdelay $0x3  }
0x94: {  	_ =	strace s2  }
0x95: {  	s2 =	sld [smem:$0x3FFD];
	_ =	sdelay $0x3  }
0x96: {  	_ =	strace s2  }
0x97: {  	_ =	strace $0x8FFFFFFF  }
0x98: {  	s18 =	sld [smem:$0x3FDB];
	_ =	sdelay $0x1  }
0x99: {  	s19 =	simm.s32 $_scs_section_size  }
0x9a: {  	s4 =	simm.s32 $_size__tile_overlayer_lowered;
	s5 =	simm.s32 $_tile_overlayer_lowered  }
0x9b: {  	s22 =	simm.s32 $0x1BFF;
	s21 =	sshll.u32 s5, $0x1;
	s2 =	sadd.s32 s19, s18  }
0x9c: {  	s6 =	simm.s32 $0x0;
	s20 =	sshll.u32 s4, $0x1;
	s4 =	sadd.s32 s21, s2  }
0x9d: {  	[timem:s6], [sflag:s22] =	dma.local [hbm:s4], s20  }
0x9e: {  	_ =	swait.ge [sflag:s22], s20  }
0x9f: {  	s3 =	ssub.s32 $0x0, s20;
	[sflag:s22] =	ssyncset.done $0x0  }
0xa0: {  	[sflag:s22] =	ssyncadd.s32 s3;
	_ =	sdelay $0x1  }
0xa1: {  	s23 =	simm.s32 $0x1B8B  }
0xa2: {  	_ =	swait.ge [sflag:s23], $0x1  }
0xa3: {  	[sflag:s23] =	ssyncset.done $0x0  }
0xa4: {  	s25 =	simm.s32 $0x1B8E;
	s24 =	sld [smem:$0x3FFE];
	[sflag:s23] =	ssyncadd.s32 $0xFFFFFFFF  }
0xa5: {  	s26 =	simm.s32 $execute0_lowered;
	[smem:$0x3FD2] =	sst s25  }
0xa6: {  	s4 =	sshll.u32 s26, $0x1;
	_ =	strace $0x80000046;
	[dreg:$0x1] =	wrdreg $0xFFFFFFFF  }
0xa7: {  	s28 =	simm.s32 $_size_execute0_lowered;
	s2 =	sadd.s32 s2, s4;
	[dreg:$0x0] =	wrdreg $0x0  }
0xa8: {  	s4 =	sshll.u32 s28, $0x1;
	[dreg:$0x2] =	wrdreg s2  }
0xa9: {  	[dreg:$0x3] =	wrdreg s4  }
0xaa: {  	[dreg:$0x4] =	wrdreg $0xC0  }
0xab: {  	_ =	task [dreg:s6], $0x5FFFF  }
0xac: {  	[dreg:$0x1] =	wrdreg $0xFFFFFFFF  }
0xad: {  	[dreg:$0x0] =	wrdreg $0x60  }
0xae: {  	[dreg:$0x2] =	wrdreg s24  }
0xaf: {  	[dreg:$0x3] =	wrdreg $0xA  }
0xb0: {  	_ =	task.clear_ibuf [dreg:s6], $0x4FFFF;
	_ =	strace $0x90000046  }
0xb1: {  	s29 =	simm.s32 $0xA;
	_ =	strace $0x80000048  }
0xb2: {  	_ =	swait.ge [sflag:s29], $0x1  }
0xb3: {  	[sflag:s29] =	ssyncadd.s32 $0xFFFFFFFF  }
0xb4: {  	_ =	strace $0x90000048  }
0xb5: {  	_ =	sfence  }
0xb6: {  	s30 =	sld [smem:$0x0];
	_ =	sdelay $0x2  }
0xb7: {  	s31 =	sshll.u32 s1, $0xD;
	s1 =	sshrl.u32 s1, $0x2  }
0xb8: {  	s3 =	sand.u32 $0x4000, s31;
	s1 =	sadd.s32 s1, s30  }
0xb9: {  	s0 =	sor.u32 s3, s0;
	s1 =	sshll.u32 s1, $0x11  }
0xba: {  	s0 =	sor.u32 s1, s0  }
0xbb: {  	s0 =	sadd.s32 $0x8F2B, s0  }
0xbc: {  	[sflag:s0] =	ssyncadd.remote.s32 $0x1  }
0xbd: {  	_ =	sfence.sel $0xFFFF  }
0xbe: {  	[dreg:$0x0] =	wrdreg $0xFFFFFFFF;
	(pc) =	sbr.abs _section_cstart, $3  }
0xbf: {  	[dreg:$0x1] =	wrdreg $0xFFFFFFFF  }
0xc0: {  	_ =	task.clear_ibuf [dreg:s6], $0x2FFFF;
	_ =	strace $0x9FFFFFFF  }
0xc1: {  	(tm) =	ssettm $0x7FFFFFFF  }
tec
execute0_lowered:
.L_overlay_start_1:
0x0: {  	(tag) =	ssettag $0x1  }
0x1: {  	s0 =	srdreg.scid  }
0x2: {  	s1 =	sshll.u32 s0, $0x4  }
0x3: {  	s0 =	stileid.u32;
	s1 =	sand.u32 $0x10, s1  }
0x4: {  	s1 =	sor.u32 s0, s1  }
0x5: {  	s9 =	rddreg [dreg:$0x0];
	s6 =	simm.s32 $0x1;
	s2 =	smin.u32 s1, $0x8  }
0x6: {  	p0 =	slt.u32 s1, $0x8;
	s2 =	sadd.s32 s1, s2;
	s1 =	simm.s32 $0x40  }
0x7: {  	s7 =	simm.s32 $0x2;
	s2 =	sshll.u32 s2, $0x5;
	s1 =	simm.s32 @!p0 $0x20  }
0x8: {  	s10 =	simm.s32 $0x3;
	s13 =	simm.s32 $0x0;
	s3 =	sadd.s32 s1, s2  }
0x9: {  	s12 =	simm.s32 $0x0;
	s4 =	sadd.s32 $0x3A00, s9;
	s3 =	smin.u32 s3, $0x500  }
.Ltmp0:
0xa: {  	s5 =	sadd.s32 $0x3800, s9;
	s8 =	ssub.s32 s3, s2;
	(pc) =	sbr.rel .LBB2_1-.Ltmp0, $4  }
0xb: {  	s1 =	rddreg [dreg:$0x1];
	_ =	strace $0x80000047;
	p0 =	sgt.s32 s8, $0x0  }
0xc: {  	s9 =	sadd.s32 $0x8A00, s9;
	[sflag:s6] =	ssyncpa.u1 $0x0;
	s8 =	simm.s32 @!p0 $0x0  }
0xd: {  	s11 =	smov.u32 s2;
	[sflag:s7] =	ssyncpa.u1 $0x0;
	s8 =	sshrl.u32 s8, $0x5  }
0xe: {  	vm0 =	vmmov $0xff;
	vm1 =	vcmask $0x3F20;
	[sflag:s10] =	ssyncpa.u1 $0x0;
	p0 =	por $0x0, $0x0;
	s10 =	sadd.s32 $0x1, s8  }
.LBB2_6:
0xf: {  	[hbm:s17] =	stream.linear.scatter [tilespmem:s14], [sflag:$0x3], $0x400, $0x38;
	[tilespmem:$0x2040] =	vst v63  }
.LBB2_7:
0x10: {  	s13 =	sadd.s32 $0x20, s11  }
0x11: {  	s15 =	smov.u32 s2;
	p2 =	slt.s32 s13, s3  }
0x12: {  	s15 =	smov.u32 @p2 s13;
	p2 =	sne.s32 s12, s10  }
.Ltmp1:
0x13: {  	p1 =	slt.u32 s12, $0x2;
	(pc) =	sbr.rel @!p2 .LBB2_8-.Ltmp1, $4  }
0x14: {  	s14 =	simm.s32 @!p1 $0x3  }
0x15: {  	s16 =	sadd.s32 $0x1, s12;
	_ =	swait.ge @!p1 [sflag:s14], $0x1000  }
0x16: {  	p0 =	por !p0, !p0;
	s13 =	smov.u32 s11;
	[sflag:s14] =	ssyncset.done @!p1 $0x0  }
0x17: {  	s12 =	smov.u32 s16;
	s11 =	smov.u32 s15;
	[sflag:s14] =	ssyncadd.s32 @!p1 $0xFFFFF000  }
.LBB2_1:
0x18: {  	p1 =	sge.u32 s12, s8  }
0x19: {  	s14 =	sxor.u32 @!p1 $0xFFFFFFFF, s12  }
0x1a: {  	s31 =	sadd.s32 $0xFFFFFFFF, s12;
	s15 =	sshrl.u32 @!p1 s11, $0x3;
	s14 =	sshll.u32 @!p1 s14, $0x5  }
0x1b: {  	s16 =	sand.u32 @!p1 $0x7, s11;
	s15 =	sadd.s32 @!p1 s5, s15;
	s14 =	sand.u32 @!p1 $0x20, s14  }
0x1c: {  	[tilespmem:s14], [sflag:$0x2] =	stream.linear.gather @!p1 [hbm4b:s15+s16], $0x20, $0x38;
	[tilespmem:$0x2040] =	vst v63  }
0x1d: {  	p1 =	sge.u32 s31, s8  }
.Ltmp2:
0x1e: {  	_ = 	snop;
	(pc) =	sbr.rel @p1 .LBB2_7-.Ltmp2, $1  }
0x1f: {  	_ =	sdelay $0x3  }
0x20: {  	s14 =	simm.s32 $0x1  }
0x21: {  	_ =	swait.ge [sflag:s7], $0x20;
	s16 =	sand.u32 $0x1, s12;
	s17 =	simm.s32 $0x0  }
0x22: {  	p1 =	por $0x1, $0x1;
	s14 =	simm.s32 @!p0 $0x0;
	[sflag:s7] =	ssyncset.done $0x0  }
0x23: {  	s15 =	sshll.u32 s16, $0x5;
	s16 =	sshll.u32 s16, $0xC;
	s14 =	sshll.u32 s14, $0xC  }
0x24: {  	[sflag:s7] =	ssyncadd.s32 $0xFFFFFFE0;
	s16 =	sor.u32 $0x40, s16;
	s14 =	sor.u32 $0x40, s14  }
.LBB2_3:
0x25: {  	s18 =	sshll.u32 s17, $0x4  }
0x26: {  	s18 =	sand.u32 $0x3FFFFFF0, s18  }
0x27: {  	s18 =	sadd.s32 s18, s15  }
0x28: {  	v0 =	vld.msk [tilespmem:s18+$0x0 ss:$0x1], $0xffff;
	_ =	sdelay $0x4  }
0x29: {  	vm2 =	vgt.s32 v0, $0x0  }
0x2a: {  	v0 =	vnsel vm2, $0x0, v0  }
0x2b: {  	v0 =	vmin.u32 v0, $0x4FF  }
0x2c: {  	v0 =	vshll.u32 v0, $0x4;
	_ =	sdelay $0x1  }
0x2d: {  	s31 =	sshll.u32 s17, $0xB  }
0x2e: {  	p2 =	por p1, p1;
	s17 =	sand.u32 $0x3FFFF800, s31  }
.Ltmp3:
0x2f: {  	s17 =	sadd.s32 s17, s16;
	(pc) =	sbr.rel @p2 .LBB2_3-.Ltmp3, $4  }
0x30: {  	[tilespmem:s17], [sflag:$0x1] =	stream.indirect_vreg.gather [hbm:s4], $0x80, v0, vm0, $0x38;
	[tilespmem:$0x2040] =	vst v63  }
0x31: {  	s17 =	sadd.s32 $0x400, s17  }
0x32: {  	[tilespmem:s17], [sflag:$0x1] =	stream.indirect_vreg.gather [hbm:s4], $0x80, v0, vm1, $0x38;
	[tilespmem:$0x2040] =	vst v63  }
0x33: {  	p1 =	por $0x0, $0x0;
	s17 =	simm.s32 $0x1  }
0x34: {  	_ =	swait.ge [sflag:s6], $0x1000;
	s13 =	sshll.u32 s13, $0x4  }
0x35: {  	s15 =	simm.s32 $0x80;
	[sflag:s6] =	ssyncset.done $0x0;
	s13 =	sadd.s32 s13, s9  }
0x36: {  	s16 =	sadd.s32 $0x400, s14;
	[sflag:s6] =	ssyncadd.s32 $0xFFFFF000;
	s17 =	sadd.s32 $0x0, s13  }
.LBB2_5:
0x37: {  	[hbm:s17] =	stream.linear.scatter [tilespmem:s14], [sflag:$0x3], $0x400, $0x38;
	[tilespmem:$0x2040] =	vst v63  }
0x38: {  	s17 =	smov.u32 s15;
	s14 =	smov.u32 s16;
	p1 =	sne.s32 s15, $0x180  }
.Ltmp4:
0x39: {  	s15 =	sadd.s32 $0x80, s15;
	(pc) =	sbr.rel @p1 .LBB2_5-.Ltmp4, $2  }
0x3a: {  	_ =	sdelay $0x2  }
0x3b: {  	s16 =	sadd.s32 $0x400, s16;
	s17 =	sadd.s32 s17, s13  }
.Ltmp5:
0x3c: {  	_ = 	snop;
	(pc) =	sbr.rel .LBB2_6-.Ltmp5, $1  }
0x3d: {  	_ =	sdelay $0x3  }
.LBB2_8:
0x3e: {  	_ =	sfence.sel $0x180000  }
0x3f: {  	s2 =	simm.s32 $0x2;
	[bflag:$0x0] =	sbarrier.arrive $0xFFFF  }
0x40: {  	s30 =	simm.s32 $0x3;
	[sflag:s2] =	ssyncpa.u1 $0x1  }
0x41: {  	s31 =	simm.s32 $0x1;
	[sflag:s30] =	ssyncpa.u1 $0x1  }
0x42: {  	[sflag:s31] =	ssyncpa.u1 $0x1  }
0x43: {  	p0 =	sne.s32 s0, $0x0;
	_ =	strace $0x90000047  }
0x44: {  	s0 =	sadd.s32 @!p0 $0x100000, s1;
	[bflag:$0x2] =	sbarrier.arrive $0xFFFF  }
0x45: {  	[sflag:s0] =	ssyncadd.tile.s32 @!p0 $0x1;
	_ =	shalt  }
.Lfunc_end2:
_tile_overlayer_lowered:
.L_overlay_start_2:
0x46: {  	(tag) =	ssettag $0x2  }
0x47: {  	s0 =	rddreg [dreg:$0x0];
	s2 =	stileid.u32  }
0x48: {  	s1 =	rddreg [dreg:$0x1];
	p0 =	sne.s32 s2, $0x0  }
0x49: {  	s3 =	rddreg [dreg:$0x2];
	[bflag:$0x3] =	sbarrier.arrive $0xFFFF;
	s2 =	simm.s32 @!p0 $0x1C01  }
0x4a: {  	[timem:s3], [sflag:s2] =	dma.local @!p0 [hbm:s0], s1  }
0x4b: {  	s0 =	simm.s32 @!p0 $0x1  }
0x4c: {  	_ =	swait.ge @!p0 [sflag:s0], s1  }
0x4d: {  	s1 =	ssub.s32 @!p0 $0x0, s1;
	[sflag:s0] =	ssyncset.done @!p0 $0x0  }
0x4e: {  	[sflag:s0] =	ssyncadd.s32 @!p0 s1  }
0x4f: {  	[bflag:$0x3] =	sbarrier.arrive $0xFFFF  }
0x50: {  	_ =	shalt  }

// kernel: gather_offload_async_start
scs
__scs_entry_jumppad:
0x0: {  	(pc) =	sbr.rel $0x88, $3  }
0x1: {  	(tag) =	ssettag $0x0;
	lr =	simm.s32 $0x1  }
0x2: {  	[smem:$0x3F99] =	sst lr;
	_ =	strace $0xD0000000  }
0x3: {  	_ = 	snop  }
0x4: {  	_ = 	snop  }
0x5: {  	_ = 	snop  }
0x6: {  	_ = 	snop  }
0x7: {  	_ = 	snop  }
__scs_overlays_trampoline_lowered:
0x8: {  	[smem:$0x3FA8] =	sst s0  }
0x9: {  	[smem:$0x3FA9] =	sst s1  }
0xa: {  	[smem:$0x3FAA] =	sst s2  }
0xb: {  	[smem:$0x3FAB] =	sst s3  }
0xc: {  	[smem:$0x3FAC] =	sst s4  }
0xd: {  	[smem:$0x3FAD] =	sst s5  }
0xe: {  	[smem:$0x3FAE] =	sst s6  }
0xf: {  	[smem:$0x3FAF] =	sst s7  }
0x10: {  	[smem:$0x3FB0] =	sst s8  }
0x11: {  	[smem:$0x3FB1] =	sst s9;
	s0 =	simm.s32 @!p0 $0x0  }
0x12: {  	s1 =	sld [smem:$0x3F97];
	s0 =	simm.s32 @p0 $0x1  }
0x13: {  	[smem:$0x3FB2] =	sst s0;
	s0 =	simm.s32 @!p1 $0x0  }
0x14: {  	s2 =	sld [smem:$0x3F96];
	s0 =	simm.s32 @p1 $0x1  }
0x15: {  	[smem:$0x3FB3] =	sst s0;
	s0 =	simm.s32 @!p2 $0x0  }
0x16: {  	s3 =	sld [smem:$0x3FDB];
	s0 =	simm.s32 @p2 $0x1  }
0x17: {  	s4 =	simm.s32 $0x1BF5;
	[smem:$0x3FB5] =	sst s0  }
0x18: {  	s0 =	sld [smem:$0x3F98];
	_ =	swait.ge [sflag:s4], $0x0  }
0x19: {  	s7 =	sld [smem:$0x3F99]  }
0x1a: {  	s8 =	sadd.s32 $0xFFFFE003, lr  }
0x1b: {  	s9 =	sadd.s32 $0xFFFFFEF7, lr;
	s5 =	simm.s32 $0xFFFFFFFF;
	p2 =	slt.u32 s8, $0xFFFFF086  }
0x1c: {  	p1 =	slt.u32 s9, $0xF7A;
	s5 =	simm.s32 @!p2 $0x0  }
0x1d: {  	s5 =	simm.s32 @p1 $0x1;
	p0 =	seq.s32 s7, s2  }
0x1e: {  	s7 =	smul.u32 @!p0 $0xF7A, s2;
	p2 =	seq.s32 @!p0 s5, $0x0  }
0x1f: {  	s9 =	smul.u32 $0xF7A, s1;
	s8 =	simm.s32 @!p0 $0x1BF5;
	p2 =	por !p2, p0  }
0x20: {  	[sflag:s8] =	ssyncset.s32 @!p0 $0xFFFFF086;
	s6 =	sadd.s32 @!p0 s3, s7;
	s7 =	simm.s32 @!p0 $0x108  }
0x21: {  	s3 =	sadd.s32 s3, s9;
	s6 =	sadd.s32 @!p0 $0x88, s6;
	s7 =	simm.s32 @p2 $0x1082  }
0x22: {  	[simem:s7], [sflag:s8] =	dma.local @!p0 [hbm:s6], $0xF7A  }
0x23: {  	s9 =	sor.u32 $0xD0000000, s2;
	s6 =	simm.s32 $0x108;
	_ =	swait.ge @!p0 [sflag:s8], $0x0  }
0x24: {  	s3 =	sadd.s32 $0x88, s3;
	s6 =	simm.s32 @!p1 $0x1082;
	[sflag:s4] =	ssyncset.s32 $0xFFFFF086  }
0x25: {  	[simem:s6], [sflag:s4] =	dma.local [hbm:s3], $0xF7A  }
0x26: {  	[smem:$0x3F99] =	sst s1;
	(tag) =	ssettag s2;
	_ =	strace s9  }
0x27: {  	s1 =	sld [smem:$0x3FA9]  }
0x28: {  	s2 =	sld [smem:$0x3FAA]  }
0x29: {  	s4 =	sld [smem:$0x3FAC]  }
0x2a: {  	p0 =	seq.s32 s5, $0x0;
	s5 =	sld [smem:$0x3FAD]  }
0x2b: {  	s6 =	sld [smem:$0x3FAE]  }
0x2c: {  	s7 =	sld [smem:$0x3FAF]  }
0x2d: {  	s3 =	simm.s32 $0x108;
	s8 =	sld [smem:$0x3FB0]  }
0x2e: {  	s3 =	simm.s32 @!p0 $0x1082;
	s9 =	sld [smem:$0x3FB1]  }
0x2f: {  	lr =	sadd.s32 s0, s3;
	s0 =	sld [smem:$0x3FA8]  }
0x30: {  	s3 =	sld [smem:$0x3FAB]  }
0x31: {  	[smem:$0x3FB4] =	sst s10  }
0x32: {  	s10 =	sld [smem:$0x3FB2];
	_ =	sdelay $0x3  }
0x33: {  	p0 =	seq.s32 s10, $0x1;
	s10 =	sld [smem:$0x3FB4];
	_ =	sdelay $0x3  }
0x34: {  	[smem:$0x3FB4] =	sst s10  }
0x35: {  	s10 =	sld [smem:$0x3FB3];
	_ =	sdelay $0x3  }
0x36: {  	p1 =	seq.s32 s10, $0x1;
	s10 =	sld [smem:$0x3FB4];
	_ =	sdelay $0x3  }
0x37: {  	[smem:$0x3FB4] =	sst s10  }
0x38: {  	s10 =	sld [smem:$0x3FB5]  }
0x39: {  	_ = 	snop;
	(pc) =	sbr.ind lr, $3  }
0x3a: {  	_ = 	snop  }
0x3b: {  	_ = 	snop  }
0x3c: {  	p2 =	seq.s32 s10, $0x1;
	s10 =	sld [smem:$0x3FB4]  }
0x3d: {  	_ =	shalt  }
0x3e: {  	_ =	shalt  }
0x3f: {  	_ =	shalt  }
0x40: {  	_ =	shalt  }
0x41: {  	_ =	shalt  }
0x42: {  	_ =	shalt  }
0x43: {  	_ =	shalt  }
0x44: {  	_ =	shalt  }
0x45: {  	_ =	shalt  }
0x46: {  	_ =	shalt  }
0x47: {  	_ =	shalt  }
0x48: {  	_ =	shalt  }
0x49: {  	_ =	shalt  }
0x4a: {  	_ =	shalt  }
0x4b: {  	_ =	shalt  }
0x4c: {  	_ =	shalt  }
0x4d: {  	_ =	shalt  }
0x4e: {  	_ =	shalt  }
0x4f: {  	_ =	shalt  }
0x50: {  	_ =	shalt  }
0x51: {  	_ =	shalt  }
0x52: {  	_ =	shalt  }
0x53: {  	_ =	shalt  }
0x54: {  	_ =	shalt  }
0x55: {  	_ =	shalt  }
0x56: {  	_ =	shalt  }
0x57: {  	_ =	shalt  }
0x58: {  	_ =	shalt  }
0x59: {  	_ =	shalt  }
0x5a: {  	_ =	shalt  }
0x5b: {  	_ =	shalt  }
0x5c: {  	_ =	shalt  }
0x5d: {  	_ =	shalt  }
0x5e: {  	_ =	shalt  }
0x5f: {  	_ =	shalt  }
0x60: {  	_ =	shalt  }
0x61: {  	_ =	shalt  }
0x62: {  	_ =	shalt  }
0x63: {  	_ =	shalt  }
0x64: {  	_ =	shalt  }
0x65: {  	_ =	shalt  }
0x66: {  	_ =	shalt  }
0x67: {  	_ =	shalt  }
0x68: {  	_ =	shalt  }
0x69: {  	_ =	shalt  }
0x6a: {  	_ =	shalt  }
0x6b: {  	_ =	shalt  }
0x6c: {  	_ =	shalt  }
0x6d: {  	_ =	shalt  }
0x6e: {  	_ =	shalt  }
0x6f: {  	_ =	shalt  }
0x70: {  	_ =	shalt  }
0x71: {  	_ =	shalt  }
0x72: {  	_ =	shalt  }
0x73: {  	_ =	shalt  }
0x74: {  	_ =	shalt  }
0x75: {  	_ =	shalt  }
0x76: {  	_ =	shalt  }
0x77: {  	_ =	shalt  }
0x78: {  	_ =	shalt  }
0x79: {  	_ =	shalt  }
0x7a: {  	_ =	shalt  }
0x7b: {  	_ =	shalt  }
0x7c: {  	_ =	shalt  }
0x7d: {  	_ =	shalt  }
0x7e: {  	_ =	shalt  }
0x7f: {  	_ =	shalt  }
0x80: {  	_ =	shalt  }
0x81: {  	_ =	shalt  }
0x82: {  	_ =	shalt  }
0x83: {  	_ =	shalt  }
0x84: {  	_ =	shalt  }
0x85: {  	_ =	shalt  }
0x86: {  	_ =	shalt  }
0x87: {  	_ =	shalt  }
.Lfunc_end0:
.L_simem_size_0:
called_computation_lowered:
.L_overlay_start_0:
0x88: {  	s2 =	sld [smem:$0x3FD9]  }
0x89: {  	s3 =	sld [smem:$0x3FFE];
	_ =	sdelay $0x1  }
0x8a: {  	s1 =	srdreg.scid  }
0x8b: {  	s0 =	sand.u32 $0x1, s1  }
0x8c: {  	s17 =	sshll.u32 s0, $0xA;
	s2 =	sadd.s32 s3, s2  }
0x8d: {  	s2 =	sadd.s32 s2, s17  }
0x8e: {  	[smem:$0x3FC0] =	sst s2  }
0x8f: {  	_ = 	snop  }
0x90: {  	s18 =	sld [smem:$0x3FD0];
	(tm) =	ssettm $0x1  }
0x91: {  	s19 =	sld [smem:$0x3FFB];
	_ =	sdelay $0x3  }
0x92: {  	_ =	strace s19  }
0x93: {  	s2 =	sld [smem:$0x3FFC];
	_ =	sdelay $0x3  }
0x94: {  	_ =	strace s2  }
0x95: {  	s2 =	sld [smem:$0x3FFD];
	_ =	sdelay $0x3  }
0x96: {  	_ =	strace s2  }
0x97: {  	_ =	strace $0x8FFFFFFF  }
0x98: {  	s20 =	sld [smem:$0x3FDB];
	_ =	sdelay $0x1  }
0x99: {  	s4 =	simm.s32 $_scs_section_size  }
0x9a: {  	s5 =	simm.s32 $_size__tile_overlayer_lowered;
	s6 =	simm.s32 $_tile_overlayer_lowered  }
0x9b: {  	s7 =	simm.s32 $0x1BFF;
	s21 =	sshll.u32 s6, $0x1;
	s4 =	sadd.s32 s4, s20  }
0x9c: {  	s22 =	simm.s32 $0x0;
	s5 =	sshll.u32 s5, $0x1;
	s6 =	sadd.s32 s21, s4  }
0x9d: {  	[timem:s22], [sflag:s7] =	dma.local [hbm:s6], s5  }
0x9e: {  	_ =	swait.ge [sflag:s7], s5  }
0x9f: {  	s5 =	ssub.s32 $0x0, s5;
	[sflag:s7] =	ssyncset.done $0x0  }
0xa0: {  	[sflag:s7] =	ssyncadd.s32 s5;
	_ =	sdelay $0x1  }
0xa1: {  	s23 =	simm.s32 $0x1B8B  }
0xa2: {  	_ =	swait.ge [sflag:s23], $0x1  }
0xa3: {  	[sflag:s23] =	ssyncset.done $0x0  }
0xa4: {  	[sflag:s23] =	ssyncadd.s32 $0xFFFFFFFF  }
0xa5: {  	s5 =	sld [smem:$0x0]  }
0xa6: {  	s6 =	sand.u32 $0xFFFFFFFE, s1  }
0xa7: {  	p0 =	sne.s32 s1, s6  }
0xa8: {  	s6 =	sshll.u32 @p0 s6, $0xE  }
0xa9: {  	s6 =	sadd.s32 @p0 $0x11B8D, s6;
	s7 =	sshll.u32 @p0 s5, $0x11  }
0xaa: {  	s6 =	sor.u32 @p0 s7, s6  }
0xab: {  	[sflag:s6] =	ssyncadd.remote.s32 @p0 $0x1;
	_ =	sdelay $0x1  }
0xac: {  	s6 =	simm.s32 @p0 $0x1B8D  }
0xad: {  	_ =	swait.eq @p0 [sflag:s6], $0x1  }
0xae: {  	[sflag:s6] =	ssyncadd.s32 @p0 $0xFFFFFFFF  }
0xaf: {  	s7 =	sshll.u32 @!p0 s1, $0xE  }
0xb0: {  	s7 =	sor.u32 @!p0 $0x4000, s7;
	s6 =	simm.s32 @!p0 $0x1B8D  }
0xb1: {  	s5 =	sshll.u32 @!p0 s5, $0x11;
	s7 =	sadd.s32 @!p0 $0x11B8D, s7;
	_ =	swait.eq @!p0 [sflag:s6], $0x1  }
0xb2: {  	s5 =	sor.u32 @!p0 s5, s7;
	[sflag:s6] =	ssyncadd.s32 @!p0 $0xFFFFFFFF  }
0xb3: {  	s25 =	simm.s32 $0x1B8E;
	s24 =	sld [smem:$0x3FFE];
	[sflag:s5] =	ssyncadd.remote.s32 @!p0 $0x1  }
0xb4: {  	s26 =	simm.s32 $execute0_lowered;
	[smem:$0x3FD2] =	sst s25  }
0xb5: {  	s6 =	sshll.u32 s26, $0x1;
	_ =	strace $0x80000049;
	[dreg:$0x1] =	wrdreg $0xFFFFFFFF  }
0xb6: {  	s28 =	simm.s32 $_size_execute0_lowered;
	s4 =	sadd.s32 s4, s6;
	[dreg:$0x0] =	wrdreg $0x0  }
0xb7: {  	s6 =	sshll.u32 s28, $0x1;
	[dreg:$0x2] =	wrdreg s4  }
0xb8: {  	[dreg:$0x3] =	wrdreg s6  }
0xb9: {  	[dreg:$0x4] =	wrdreg $0xC0  }
0xba: {  	_ =	task [dreg:s22], $0x5FFFF  }
0xbb: {  	[dreg:$0x1] =	wrdreg $0xFFFFFFFF  }
0xbc: {  	[dreg:$0x0] =	wrdreg $0x60  }
0xbd: {  	[dreg:$0x2] =	wrdreg s18  }
0xbe: {  	[dreg:$0x3] =	wrdreg s24  }
0xbf: {  	[dreg:$0x4] =	wrdreg $0x9  }
0xc0: {  	_ =	task.clear_ibuf [dreg:s22], $0x5FFFF;
	_ =	strace $0x90000049  }
0xc1: {  	s29 =	simm.s32 $0x9;
	_ =	strace $0x8000004B  }
0xc2: {  	_ =	swait.ge [sflag:s29], $0x1  }
0xc3: {  	[sflag:s29] =	ssyncadd.s32 $0xFFFFFFFF  }
0xc4: {  	_ =	strace $0x9000004B  }
0xc5: {  	_ =	sfence  }
0xc6: {  	s30 =	sld [smem:$0x0];
	_ =	sdelay $0x2  }
0xc7: {  	s31 =	sshll.u32 s1, $0xD;
	s1 =	sshrl.u32 s1, $0x2  }
0xc8: {  	s4 =	sand.u32 $0x4000, s31;
	s1 =	sadd.s32 s1, s30  }
0xc9: {  	s0 =	sor.u32 s4, s0;
	s1 =	sshll.u32 s1, $0x11  }
0xca: {  	s0 =	sor.u32 s1, s0  }
0xcb: {  	s0 =	sadd.s32 $0x8F2B, s0  }
0xcc: {  	[sflag:s0] =	ssyncadd.remote.s32 $0x1  }
0xcd: {  	_ =	sfence.sel $0xFFFF  }
0xce: {  	[dreg:$0x0] =	wrdreg $0xFFFFFFFF;
	(pc) =	sbr.abs _section_cstart, $3  }
0xcf: {  	[dreg:$0x1] =	wrdreg $0xFFFFFFFF  }
0xd0: {  	_ =	task.clear_ibuf [dreg:s22], $0x2FFFF;
	_ =	strace $0x9FFFFFFF  }
0xd1: {  	(tm) =	ssettm $0x7FFFFFFF  }
tec
execute0_lowered:
.L_overlay_start_1:
0x0: {  	(tag) =	ssettag $0x1  }
0x1: {  	s0 =	srdreg.scid  }
0x2: {  	s1 =	sshll.u32 s0, $0x4  }
0x3: {  	s0 =	stileid.u32;
	s1 =	sand.u32 $0x10, s1  }
0x4: {  	s1 =	sor.u32 s0, s1  }
0x5: {  	s9 =	rddreg [dreg:$0x1];
	s6 =	simm.s32 $0x1;
	s2 =	smin.u32 s1, $0x8  }
0x6: {  	p0 =	slt.u32 s1, $0x8;
	s3 =	sadd.s32 s1, s2;
	s1 =	simm.s32 $0x40  }
0x7: {  	s7 =	simm.s32 $0x2;
	s3 =	sshll.u32 s3, $0x5;
	s1 =	simm.s32 @!p0 $0x20  }
0x8: {  	s10 =	simm.s32 $0x3;
	s13 =	simm.s32 $0x0;
	s4 =	sadd.s32 s1, s3  }
0x9: {  	s12 =	simm.s32 $0x0;
	s5 =	sadd.s32 $0x3800, s9;
	s4 =	smin.u32 s4, $0x500  }
.Ltmp0:
0xa: {  	s2 =	rddreg [dreg:$0x0];
	s8 =	ssub.s32 s4, s3;
	(pc) =	sbr.rel .LBB2_1-.Ltmp0, $4  }
0xb: {  	s1 =	rddreg [dreg:$0x2];
	_ =	strace $0x8000004A;
	p0 =	sgt.s32 s8, $0x0  }
0xc: {  	s9 =	sadd.s32 $0xDA00, s9;
	[sflag:s6] =	ssyncpa.u1 $0x0;
	s8 =	simm.s32 @!p0 $0x0  }
0xd: {  	s11 =	smov.u32 s3;
	[sflag:s7] =	ssyncpa.u1 $0x0;
	s8 =	sshrl.u32 s8, $0x5  }
0xe: {  	vm0 =	vmmov $0xff;
	vm1 =	vcmask $0x3F20;
	[sflag:s10] =	ssyncpa.u1 $0x0;
	p0 =	por $0x0, $0x0;
	s10 =	sadd.s32 $0x1, s8  }
.LBB2_6:
0xf: {  	[hbm:s17] =	stream.linear.scatter [tilespmem:s14], [sflag:$0x3], $0x400, $0x38;
	[tilespmem:$0x2040] =	vst v63  }
.LBB2_7:
0x10: {  	s13 =	sadd.s32 $0x20, s11  }
0x11: {  	s15 =	smov.u32 s3;
	p2 =	slt.s32 s13, s4  }
0x12: {  	s15 =	smov.u32 @p2 s13;
	p2 =	sne.s32 s12, s10  }
.Ltmp1:
0x13: {  	p1 =	slt.u32 s12, $0x2;
	(pc) =	sbr.rel @!p2 .LBB2_8-.Ltmp1, $4  }
0x14: {  	s14 =	simm.s32 @!p1 $0x3  }
0x15: {  	s16 =	sadd.s32 $0x1, s12;
	_ =	swait.ge @!p1 [sflag:s14], $0x1000  }
0x16: {  	p0 =	por !p0, !p0;
	s13 =	smov.u32 s11;
	[sflag:s14] =	ssyncset.done @!p1 $0x0  }
0x17: {  	s12 =	smov.u32 s16;
	s11 =	smov.u32 s15;
	[sflag:s14] =	ssyncadd.s32 @!p1 $0xFFFFF000  }
.LBB2_1:
0x18: {  	p1 =	sge.u32 s12, s8  }
0x19: {  	s14 =	sxor.u32 @!p1 $0xFFFFFFFF, s12  }
0x1a: {  	s31 =	sadd.s32 $0xFFFFFFFF, s12;
	s15 =	sshrl.u32 @!p1 s11, $0x3;
	s14 =	sshll.u32 @!p1 s14, $0x5  }
0x1b: {  	s16 =	sand.u32 @!p1 $0x7, s11;
	s15 =	sadd.s32 @!p1 s5, s15;
	s14 =	sand.u32 @!p1 $0x20, s14  }
0x1c: {  	[tilespmem:s14], [sflag:$0x2] =	stream.linear.gather @!p1 [hbm4b:s15+s16], $0x20, $0x38;
	[tilespmem:$0x2040] =	vst v63  }
0x1d: {  	p1 =	sge.u32 s31, s8  }
.Ltmp2:
0x1e: {  	_ = 	snop;
	(pc) =	sbr.rel @p1 .LBB2_7-.Ltmp2, $1  }
0x1f: {  	_ =	sdelay $0x3  }
0x20: {  	s14 =	simm.s32 $0x1  }
0x21: {  	_ =	swait.ge [sflag:s7], $0x20;
	s16 =	sand.u32 $0x1, s12;
	s17 =	simm.s32 $0x0  }
0x22: {  	p1 =	por $0x1, $0x1;
	s14 =	simm.s32 @!p0 $0x0;
	[sflag:s7] =	ssyncset.done $0x0  }
0x23: {  	s15 =	sshll.u32 s16, $0x5;
	s16 =	sshll.u32 s16, $0xC;
	s14 =	sshll.u32 s14, $0xC  }
0x24: {  	[sflag:s7] =	ssyncadd.s32 $0xFFFFFFE0;
	s16 =	sor.u32 $0x40, s16;
	s14 =	sor.u32 $0x40, s14  }
.LBB2_3:
0x25: {  	s18 =	sshll.u32 s17, $0x4  }
0x26: {  	s18 =	sand.u32 $0x3FFFFFF0, s18  }
0x27: {  	s18 =	sadd.s32 s18, s15  }
0x28: {  	v0 =	vld.msk [tilespmem:s18+$0x0 ss:$0x1], $0xffff;
	_ =	sdelay $0x4  }
0x29: {  	vm2 =	vgt.s32 v0, $0x0  }
0x2a: {  	v0 =	vnsel vm2, $0x0, v0  }
0x2b: {  	v0 =	vmin.u32 v0, $0x4FF  }
0x2c: {  	v0 =	vshll.u32 v0, $0x4;
	_ =	sdelay $0x1  }
0x2d: {  	s31 =	sshll.u32 s17, $0xB  }
0x2e: {  	p2 =	por p1, p1;
	s17 =	sand.u32 $0x3FFFF800, s31  }
.Ltmp3:
0x2f: {  	s17 =	sadd.s32 s17, s16;
	(pc) =	sbr.rel @p2 .LBB2_3-.Ltmp3, $4  }
0x30: {  	[tilespmem:s17], [sflag:$0x1] =	stream.indirect_vreg.gather [hbm:s2], $0x80, v0, vm0, $0x38;
	[tilespmem:$0x2040] =	vst v63  }
0x31: {  	s17 =	sadd.s32 $0x400, s17  }
0x32: {  	[tilespmem:s17], [sflag:$0x1] =	stream.indirect_vreg.gather [hbm:s2], $0x80, v0, vm1, $0x38;
	[tilespmem:$0x2040] =	vst v63  }
0x33: {  	p1 =	por $0x0, $0x0;
	s17 =	simm.s32 $0x1  }
0x34: {  	_ =	swait.ge [sflag:s6], $0x1000;
	s13 =	sshll.u32 s13, $0x4  }
0x35: {  	s15 =	simm.s32 $0x80;
	[sflag:s6] =	ssyncset.done $0x0;
	s13 =	sadd.s32 s13, s9  }
0x36: {  	s16 =	sadd.s32 $0x400, s14;
	[sflag:s6] =	ssyncadd.s32 $0xFFFFF000;
	s17 =	sadd.s32 $0x0, s13  }
.LBB2_5:
0x37: {  	[hbm:s17] =	stream.linear.scatter [tilespmem:s14], [sflag:$0x3], $0x400, $0x38;
	[tilespmem:$0x2040] =	vst v63  }
0x38: {  	s17 =	smov.u32 s15;
	s14 =	smov.u32 s16;
	p1 =	sne.s32 s15, $0x180  }
.Ltmp4:
0x39: {  	s15 =	sadd.s32 $0x80, s15;
	(pc) =	sbr.rel @p1 .LBB2_5-.Ltmp4, $2  }
0x3a: {  	_ =	sdelay $0x2  }
0x3b: {  	s16 =	sadd.s32 $0x400, s16;
	s17 =	sadd.s32 s17, s13  }
.Ltmp5:
0x3c: {  	_ = 	snop;
	(pc) =	sbr.rel .LBB2_6-.Ltmp5, $1  }
0x3d: {  	_ =	sdelay $0x3  }
.LBB2_8:
0x3e: {  	_ =	sfence.sel $0x180000  }
0x3f: {  	s2 =	simm.s32 $0x2;
	[bflag:$0x0] =	sbarrier.arrive $0xFFFF  }
0x40: {  	s30 =	simm.s32 $0x3;
	[sflag:s2] =	ssyncpa.u1 $0x1  }
0x41: {  	s31 =	simm.s32 $0x1;
	[sflag:s30] =	ssyncpa.u1 $0x1  }
0x42: {  	[sflag:s31] =	ssyncpa.u1 $0x1  }
0x43: {  	p0 =	sne.s32 s0, $0x0;
	_ =	strace $0x9000004A  }
0x44: {  	s0 =	sadd.s32 @!p0 $0x100000, s1;
	[bflag:$0x2] =	sbarrier.arrive $0xFFFF  }
0x45: {  	[sflag:s0] =	ssyncadd.tile.s32 @!p0 $0x1;
	_ =	shalt  }
.Lfunc_end2:
_tile_overlayer_lowered:
.L_overlay_start_2:
0x46: {  	(tag) =	ssettag $0x2  }
0x47: {  	s0 =	rddreg [dreg:$0x0];
	s2 =	stileid.u32  }
0x48: {  	s1 =	rddreg [dreg:$0x1];
	p0 =	sne.s32 s2, $0x0  }
0x49: {  	s3 =	rddreg [dreg:$0x2];
	[bflag:$0x3] =	sbarrier.arrive $0xFFFF;
	s2 =	simm.s32 @!p0 $0x1C01  }
0x4a: {  	[timem:s3], [sflag:s2] =	dma.local @!p0 [hbm:s0], s1  }
0x4b: {  	s0 =	simm.s32 @!p0 $0x1  }
0x4c: {  	_ =	swait.ge @!p0 [sflag:s0], s1  }
0x4d: {  	s1 =	ssub.s32 @!p0 $0x0, s1;
	[sflag:s0] =	ssyncset.done @!p0 $0x0  }
0x4e: {  	[sflag:s0] =	ssyncadd.s32 @!p0 s1  }
0x4f: {  	[bflag:$0x3] =	sbarrier.arrive $0xFFFF  }
0x50: {  	_ =	shalt  }

// kernel: kernel.11.cloned.1.call-start
scs
__scs_entry_jumppad:
0x0: {  	(pc) =	sbr.rel $0x88, $3  }
0x1: {  	(tag) =	ssettag $0x0;
	lr =	simm.s32 $0x1  }
0x2: {  	[smem:$0x3F99] =	sst lr;
	_ =	strace $0xD0000000  }
0x3: {  	_ = 	snop  }
0x4: {  	_ = 	snop  }
0x5: {  	_ = 	snop  }
0x6: {  	_ = 	snop  }
0x7: {  	_ = 	snop  }
__scs_overlays_trampoline_lowered:
0x8: {  	[smem:$0x3FA8] =	sst s0  }
0x9: {  	[smem:$0x3FA9] =	sst s1  }
0xa: {  	[smem:$0x3FAA] =	sst s2  }
0xb: {  	[smem:$0x3FAB] =	sst s3  }
0xc: {  	[smem:$0x3FAC] =	sst s4  }
0xd: {  	[smem:$0x3FAD] =	sst s5  }
0xe: {  	[smem:$0x3FAE] =	sst s6  }
0xf: {  	[smem:$0x3FAF] =	sst s7  }
0x10: {  	[smem:$0x3FB0] =	sst s8  }
0x11: {  	[smem:$0x3FB1] =	sst s9;
	s0 =	simm.s32 @!p0 $0x0  }
0x12: {  	s1 =	sld [smem:$0x3F97];
	s0 =	simm.s32 @p0 $0x1  }
0x13: {  	[smem:$0x3FB2] =	sst s0;
	s0 =	simm.s32 @!p1 $0x0  }
0x14: {  	s2 =	sld [smem:$0x3F96];
	s0 =	simm.s32 @p1 $0x1  }
0x15: {  	[smem:$0x3FB3] =	sst s0;
	s0 =	simm.s32 @!p2 $0x0  }
0x16: {  	s3 =	sld [smem:$0x3FDB];
	s0 =	simm.s32 @p2 $0x1  }
0x17: {  	s4 =	simm.s32 $0x1BF5;
	[smem:$0x3FB5] =	sst s0  }
0x18: {  	s0 =	sld [smem:$0x3F98];
	_ =	swait.ge [sflag:s4], $0x0  }
0x19: {  	s7 =	sld [smem:$0x3F99]  }
0x1a: {  	s8 =	sadd.s32 $0xFFFFE003, lr  }
0x1b: {  	s9 =	sadd.s32 $0xFFFFFEF7, lr;
	s5 =	simm.s32 $0xFFFFFFFF;
	p2 =	slt.u32 s8, $0xFFFFF086  }
0x1c: {  	p1 =	slt.u32 s9, $0xF7A;
	s5 =	simm.s32 @!p2 $0x0  }
0x1d: {  	s5 =	simm.s32 @p1 $0x1;
	p0 =	seq.s32 s7, s2  }
0x1e: {  	s7 =	smul.u32 @!p0 $0xF7A, s2;
	p2 =	seq.s32 @!p0 s5, $0x0  }
0x1f: {  	s9 =	smul.u32 $0xF7A, s1;
	s8 =	simm.s32 @!p0 $0x1BF5;
	p2 =	por !p2, p0  }
0x20: {  	[sflag:s8] =	ssyncset.s32 @!p0 $0xFFFFF086;
	s6 =	sadd.s32 @!p0 s3, s7;
	s7 =	simm.s32 @!p0 $0x108  }
0x21: {  	s3 =	sadd.s32 s3, s9;
	s6 =	sadd.s32 @!p0 $0x88, s6;
	s7 =	simm.s32 @p2 $0x1082  }
0x22: {  	[simem:s7], [sflag:s8] =	dma.local @!p0 [hbm:s6], $0xF7A  }
0x23: {  	s9 =	sor.u32 $0xD0000000, s2;
	s6 =	simm.s32 $0x108;
	_ =	swait.ge @!p0 [sflag:s8], $0x0  }
0x24: {  	s3 =	sadd.s32 $0x88, s3;
	s6 =	simm.s32 @!p1 $0x1082;
	[sflag:s4] =	ssyncset.s32 $0xFFFFF086  }
0x25: {  	[simem:s6], [sflag:s4] =	dma.local [hbm:s3], $0xF7A  }
0x26: {  	[smem:$0x3F99] =	sst s1;
	(tag) =	ssettag s2;
	_ =	strace s9  }
0x27: {  	s1 =	sld [smem:$0x3FA9]  }
0x28: {  	s2 =	sld [smem:$0x3FAA]  }
0x29: {  	s4 =	sld [smem:$0x3FAC]  }
0x2a: {  	p0 =	seq.s32 s5, $0x0;
	s5 =	sld [smem:$0x3FAD]  }
0x2b: {  	s6 =	sld [smem:$0x3FAE]  }
0x2c: {  	s7 =	sld [smem:$0x3FAF]  }
0x2d: {  	s3 =	simm.s32 $0x108;
	s8 =	sld [smem:$0x3FB0]  }
0x2e: {  	s3 =	simm.s32 @!p0 $0x1082;
	s9 =	sld [smem:$0x3FB1]  }
0x2f: {  	lr =	sadd.s32 s0, s3;
	s0 =	sld [smem:$0x3FA8]  }
0x30: {  	s3 =	sld [smem:$0x3FAB]  }
0x31: {  	[smem:$0x3FB4] =	sst s10  }
0x32: {  	s10 =	sld [smem:$0x3FB2];
	_ =	sdelay $0x3  }
0x33: {  	p0 =	seq.s32 s10, $0x1;
	s10 =	sld [smem:$0x3FB4];
	_ =	sdelay $0x3  }
0x34: {  	[smem:$0x3FB4] =	sst s10  }
0x35: {  	s10 =	sld [smem:$0x3FB3];
	_ =	sdelay $0x3  }
0x36: {  	p1 =	seq.s32 s10, $0x1;
	s10 =	sld [smem:$0x3FB4];
	_ =	sdelay $0x3  }
0x37: {  	[smem:$0x3FB4] =	sst s10  }
0x38: {  	s10 =	sld [smem:$0x3FB5]  }
0x39: {  	_ = 	snop;
	(pc) =	sbr.ind lr, $3  }
0x3a: {  	_ = 	snop  }
0x3b: {  	_ = 	snop  }
0x3c: {  	p2 =	seq.s32 s10, $0x1;
	s10 =	sld [smem:$0x3FB4]  }
0x3d: {  	_ =	shalt  }
0x3e: {  	_ =	shalt  }
0x3f: {  	_ =	shalt  }
0x40: {  	_ =	shalt  }
0x41: {  	_ =	shalt  }
0x42: {  	_ =	shalt  }
0x43: {  	_ =	shalt  }
0x44: {  	_ =	shalt  }
0x45: {  	_ =	shalt  }
0x46: {  	_ =	shalt  }
0x47: {  	_ =	shalt  }
0x48: {  	_ =	shalt  }
0x49: {  	_ =	shalt  }
0x4a: {  	_ =	shalt  }
0x4b: {  	_ =	shalt  }
0x4c: {  	_ =	shalt  }
0x4d: {  	_ =	shalt  }
0x4e: {  	_ =	shalt  }
0x4f: {  	_ =	shalt  }
0x50: {  	_ =	shalt  }
0x51: {  	_ =	shalt  }
0x52: {  	_ =	shalt  }
0x53: {  	_ =	shalt  }
0x54: {  	_ =	shalt  }
0x55: {  	_ =	shalt  }
0x56: {  	_ =	shalt  }
0x57: {  	_ =	shalt  }
0x58: {  	_ =	shalt  }
0x59: {  	_ =	shalt  }
0x5a: {  	_ =	shalt  }
0x5b: {  	_ =	shalt  }
0x5c: {  	_ =	shalt  }
0x5d: {  	_ =	shalt  }
0x5e: {  	_ =	shalt  }
0x5f: {  	_ =	shalt  }
0x60: {  	_ =	shalt  }
0x61: {  	_ =	shalt  }
0x62: {  	_ =	shalt  }
0x63: {  	_ =	shalt  }
0x64: {  	_ =	shalt  }
0x65: {  	_ =	shalt  }
0x66: {  	_ =	shalt  }
0x67: {  	_ =	shalt  }
0x68: {  	_ =	shalt  }
0x69: {  	_ =	shalt  }
0x6a: {  	_ =	shalt  }
0x6b: {  	_ =	shalt  }
0x6c: {  	_ =	shalt  }
0x6d: {  	_ =	shalt  }
0x6e: {  	_ =	shalt  }
0x6f: {  	_ =	shalt  }
0x70: {  	_ =	shalt  }
0x71: {  	_ =	shalt  }
0x72: {  	_ =	shalt  }
0x73: {  	_ =	shalt  }
0x74: {  	_ =	shalt  }
0x75: {  	_ =	shalt  }
0x76: {  	_ =	shalt  }
0x77: {  	_ =	shalt  }
0x78: {  	_ =	shalt  }
0x79: {  	_ =	shalt  }
0x7a: {  	_ =	shalt  }
0x7b: {  	_ =	shalt  }
0x7c: {  	_ =	shalt  }
0x7d: {  	_ =	shalt  }
0x7e: {  	_ =	shalt  }
0x7f: {  	_ =	shalt  }
0x80: {  	_ =	shalt  }
0x81: {  	_ =	shalt  }
0x82: {  	_ =	shalt  }
0x83: {  	_ =	shalt  }
0x84: {  	_ =	shalt  }
0x85: {  	_ =	shalt  }
0x86: {  	_ =	shalt  }
0x87: {  	_ =	shalt  }
.Lfunc_end0:
.L_simem_size_0:
called_computation.2_lowered:
.L_overlay_start_0:
0x88: {  	s2 =	sld [smem:$0x3FD9]  }
0x89: {  	s3 =	sld [smem:$0x3FFE];
	_ =	sdelay $0x1  }
0x8a: {  	s1 =	srdreg.scid  }
0x8b: {  	s0 =	sand.u32 $0x1, s1  }
0x8c: {  	s17 =	sshll.u32 s0, $0xA;
	s2 =	sadd.s32 s3, s2  }
0x8d: {  	s2 =	sadd.s32 s2, s17  }
0x8e: {  	[smem:$0x3FC0] =	sst s2  }
0x8f: {  	_ = 	snop  }
0x90: {  	(tm) =	ssettm $0x1  }
0x91: {  	s18 =	sld [smem:$0x3FFB];
	_ =	sdelay $0x3  }
0x92: {  	_ =	strace s18  }
0x93: {  	s2 =	sld [smem:$0x3FFC];
	_ =	sdelay $0x3  }
0x94: {  	_ =	strace s2  }
0x95: {  	s2 =	sld [smem:$0x3FFD];
	_ =	sdelay $0x3  }
0x96: {  	_ =	strace s2  }
0x97: {  	_ =	strace $0x8FFFFFFF  }
0x98: {  	s19 =	sld [smem:$0x3FDB];
	_ =	sdelay $0x1  }
0x99: {  	s20 =	simm.s32 $_scs_section_size  }
0x9a: {  	s4 =	simm.s32 $_size__tile_overlayer_lowered;
	s5 =	simm.s32 $_tile_overlayer_lowered  }
0x9b: {  	s6 =	simm.s32 $0x1BFF;
	s21 =	sshll.u32 s5, $0x1;
	s3 =	sadd.s32 s20, s19  }
0x9c: {  	s22 =	simm.s32 $0x0;
	s4 =	sshll.u32 s4, $0x1;
	s5 =	sadd.s32 s21, s3  }
0x9d: {  	[timem:s22], [sflag:s6] =	dma.local [hbm:s5], s4  }
0x9e: {  	_ =	swait.ge [sflag:s6], s4  }
0x9f: {  	s4 =	ssub.s32 $0x0, s4;
	[sflag:s6] =	ssyncset.done $0x0  }
0xa0: {  	[sflag:s6] =	ssyncadd.s32 s4;
	_ =	sdelay $0x1  }
0xa1: {  	s23 =	simm.s32 $0x1B8B  }
0xa2: {  	_ =	swait.ge [sflag:s23], $0x1  }
0xa3: {  	[sflag:s23] =	ssyncset.done $0x0  }
0xa4: {  	[sflag:s23] =	ssyncadd.s32 $0xFFFFFFFF  }
0xa5: {  	s4 =	sld [smem:$0x0]  }
0xa6: {  	s5 =	sand.u32 $0xFFFFFFFE, s1  }
0xa7: {  	p0 =	sne.s32 s1, s5  }
0xa8: {  	s5 =	sshll.u32 @p0 s5, $0xE  }
0xa9: {  	s5 =	sadd.s32 @p0 $0x11B8D, s5;
	s6 =	sshll.u32 @p0 s4, $0x11  }
0xaa: {  	s5 =	sor.u32 @p0 s6, s5  }
0xab: {  	[sflag:s5] =	ssyncadd.remote.s32 @p0 $0x1;
	_ =	sdelay $0x1  }
0xac: {  	s5 =	simm.s32 @p0 $0x1B8D  }
0xad: {  	_ =	swait.eq @p0 [sflag:s5], $0x1  }
0xae: {  	[sflag:s5] =	ssyncadd.s32 @p0 $0xFFFFFFFF  }
0xaf: {  	s6 =	sshll.u32 @!p0 s1, $0xE  }
0xb0: {  	s6 =	sor.u32 @!p0 $0x4000, s6;
	s5 =	simm.s32 @!p0 $0x1B8D  }
0xb1: {  	s4 =	sshll.u32 @!p0 s4, $0x11;
	s6 =	sadd.s32 @!p0 $0x11B8D, s6;
	_ =	swait.eq @!p0 [sflag:s5], $0x1  }
0xb2: {  	s4 =	sor.u32 @!p0 s4, s6;
	[sflag:s5] =	ssyncadd.s32 @!p0 $0xFFFFFFFF  }
0xb3: {  	s25 =	simm.s32 $0x1B8E;
	s24 =	sld [smem:$0x3FFE];
	[sflag:s4] =	ssyncadd.remote.s32 @!p0 $0x1  }
0xb4: {  	s26 =	simm.s32 $execute0_lowered;
	[smem:$0x3FD2] =	sst s25  }
0xb5: {  	s5 =	sshll.u32 s26, $0x1;
	_ =	strace $0x8000004C;
	[dreg:$0x1] =	wrdreg $0xFFFFFFFF  }
0xb6: {  	s28 =	simm.s32 $_size_execute0_lowered;
	s3 =	sadd.s32 s3, s5;
	[dreg:$0x0] =	wrdreg $0x0  }
0xb7: {  	s5 =	sshll.u32 s28, $0x1;
	[dreg:$0x2] =	wrdreg s3  }
0xb8: {  	[dreg:$0x3] =	wrdreg s5  }
0xb9: {  	[dreg:$0x4] =	wrdreg $0xC0  }
0xba: {  	_ =	task [dreg:s22], $0x5FFFF  }
0xbb: {  	[dreg:$0x1] =	wrdreg $0xFFFFFFFF  }
0xbc: {  	[dreg:$0x0] =	wrdreg $0x60  }
0xbd: {  	[dreg:$0x2] =	wrdreg s24  }
0xbe: {  	[dreg:$0x3] =	wrdreg $0x54000  }
0xbf: {  	[dreg:$0x4] =	wrdreg $0xA  }
0xc0: {  	_ =	task.clear_ibuf [dreg:s22], $0x5FFFF;
	_ =	strace $0x9000004C  }
0xc1: {  	s29 =	simm.s32 $0xA;
	_ =	strace $0x8000004E  }
0xc2: {  	_ =	swait.ge [sflag:s29], $0x1  }
0xc3: {  	[sflag:s29] =	ssyncadd.s32 $0xFFFFFFFF  }
0xc4: {  	_ =	strace $0x9000004E  }
0xc5: {  	_ =	sfence  }
0xc6: {  	s30 =	sld [smem:$0x0];
	_ =	sdelay $0x2  }
0xc7: {  	s31 =	sshll.u32 s1, $0xD;
	s1 =	sshrl.u32 s1, $0x2  }
0xc8: {  	s4 =	sand.u32 $0x4000, s31;
	s1 =	sadd.s32 s1, s30  }
0xc9: {  	s0 =	sor.u32 s4, s0;
	s1 =	sshll.u32 s1, $0x11  }
0xca: {  	s0 =	sor.u32 s1, s0  }
0xcb: {  	s0 =	sadd.s32 $0x8F2B, s0  }
0xcc: {  	[sflag:s0] =	ssyncadd.remote.s32 $0x1  }
0xcd: {  	_ =	sfence.sel $0xFFFF  }
0xce: {  	[dreg:$0x0] =	wrdreg $0xFFFFFFFF;
	(pc) =	sbr.abs _section_cstart, $3  }
0xcf: {  	[dreg:$0x1] =	wrdreg $0xFFFFFFFF  }
0xd0: {  	_ =	task.clear_ibuf [dreg:s22], $0x2FFFF;
	_ =	strace $0x9FFFFFFF  }
0xd1: {  	(tm) =	ssettm $0x7FFFFFFF  }
tec
execute0_lowered:
.L_overlay_start_1:
0x0: {  	(tag) =	ssettag $0x1  }
0x1: {  	s0 =	srdreg.scid;
	s1 =	rddreg [dreg:$0x0]  }
0x2: {  	s2 =	rddreg [dreg:$0x1];
	s18 =	stileid.u32;
	s3 =	simm.s32 $0x0  }
0x3: {  	s14 =	simm.s32 $0x1400;
	s15 =	simm.s32 $0x80;
	s31 =	simm.s32 $0xE80  }
0x4: {  	s19 =	simm.s32 $0x1180;
	s20 =	simm.s32 $0x1200;
	s21 =	simm.s32 $0x1280  }
0x5: {  	s22 =	simm.s32 $0x1300;
	s23 =	simm.s32 $0x1380;
	s6 =	smul.u32 $0x4F000, s18  }
0x6: {  	s26 =	simm.s32 $0x1;
	s28 =	simm.s32 $0x0;
	s10 =	smul.u32 $0x4E000, s18  }
0x7: {  	s0 =	sand.u32 $0x1, s0;
	[smem:$0x7FF] =	sst s3;
	s13 =	smul.u32 $0x2700, s18  }
0x8: {  	s17 =	sadd.s32 $0x138000, s2;
	p0 =	sne.s32 s18, $0xF;
	s4 =	sshll.u32 s0, $0x4  }
0x9: {  	_ =	strace $0x8000004D;
	s5 =	ssub.s32 $0x2, s0;
	s11 =	smul.u32 $0x27100, s0  }
0xa: {  	s0 =	smul.u32 $0x138800, s0;
	s25 =	sshrl.u32 @!p0 s17, $0x3;
	s17 =	simm.s32 $0x1000  }
0xb: {  	s4 =	sor.u32 s18, s4;
	s7 =	sshrl.u32 s5, $0x1;
	s29 =	sshrl.u32 s6, $0x2  }
0xc: {  	s10 =	sshrl.u32 s10, $0x2;
	s18 =	simm.s32 $0x1100;
	s4 =	smul.u32 $0x280, s4  }
0xd: {  	s12 =	ssub.s32 s5, s7;
	s5 =	sadd.s32 s29, s2;
	s16 =	sadd.s32 s10, s2  }
0xe: {  	s30 =	sadd.s32 s13, s11;
	s0 =	sshrl.u32 s0, $0x3;
	s13 =	simm.s32 $0x2  }
0xf: {  	s6 =	sadd.s32 $0x4000, s5;
	s7 =	sadd.s32 $0x8000, s5;
	s8 =	sadd.s32 $0xC000, s5  }
0x10: {  	s9 =	sadd.s32 $0x10000, s5;
	s12 =	smax.u32 s12, $0x1;
	s24 =	sshrl.u32 s16, $0x3  }
0x11: {  	s16 =	simm.s32 $0xF80;
	s4 =	sadd.s32 s4, s1;
	s1 =	sadd.s32 $0x12A00, s1  }
0x12: {  	s4 =	sadd.s32 $0x8A00, s4;
	s10 =	sadd.s32 s1, s30;
	s0 =	sadd.s32 s1, s0  }
0x13: {  	v0 =	vimm.f32 $0.0e+00;
	v1 =	vimm.f32 $1.000000000e+00;
	s1 =	simm.s32 $0x1080;
	s11 =	sadd.s32 $0x27000, s0;
	s0 =	simm.s32 $0xF00  }
.LBB2_1:
0x14: {  	[tilespmem:s3], [sflag:$0x2] =	stream.linear.gather [hbm4b:s4+s3], $0x1400, $0x38;
	[tilespmem:$0x19000] =	vst v63  }
0x15: {  	_ =	swait.ge [sflag:s13], $0x1400  }
0x16: {  	[sflag:s13] =	ssyncset.done $0x0  }
0x17: {  	s29 =	simm.s32 $0x0;
	s30 =	simm.s32 $0x200;
	[sflag:s13] =	ssyncadd.s32 $0xFFFFEC00  }
.LBB2_2:
0x18: {  	p1 =	sne.s32 s30, $0xFE00;
	[tilespmem:s29+$0x1470] =	vst v0  }
0x19: {  	[tilespmem:s29+$0x1400] =	vst v0  }
0x1a: {  	[tilespmem:s29+$0x1410] =	vst v0  }
.Ltmp0:
0x1b: {  	[tilespmem:s29+$0x1420] =	vst v0;
	(pc) =	sbr.rel @p1 .LBB2_2-.Ltmp0, $4  }
0x1c: {  	[tilespmem:s29+$0x1430] =	vst v0  }
0x1d: {  	[tilespmem:s29+$0x1440] =	vst v0  }
0x1e: {  	[tilespmem:s29+$0x1450] =	vst v0  }
0x1f: {  	[tilespmem:s29+$0x1460] =	vst v0;
	s29 =	sshra.s32 s30, $0x2;
	s30 =	sadd.s32 $0x200, s30  }
0x20: {  	[tilespmem:s29+$0x1470] =	vst v0  }
0x21: {  	[tilespmem:s29+$0x1400] =	vst v0  }
0x22: {  	[tilespmem:s29+$0x1410] =	vst v0  }
0x23: {  	[tilespmem:s29+$0x1420] =	vst v0  }
0x24: {  	[tilespmem:s29+$0x1430] =	vst v0  }
0x25: {  	[tilespmem:s29+$0x1440] =	vst v0  }
0x26: {  	[tilespmem:s29+$0x1450] =	vst v0  }
0x27: {  	[tilespmem:s29+$0x1460] =	vst v0  }
0x28: {  	[spmem:s5] =	stream.linear.scatter [tilespmem:s14], [sflag:$0x2], $0x4000, $0x38;
	[tilespmem:$0x19000] =	vst v63  }
0x29: {  	_ =	swait.ge [sflag:s13], $0x4000  }
0x2a: {  	[sflag:s13] =	ssyncset.done $0x0  }
0x2b: {  	[sflag:s13] =	ssyncadd.s32 $0xFFFFC000  }
0x2c: {  	[spmem:s6] =	stream.linear.scatter [tilespmem:s14], [sflag:$0x2], $0x4000, $0x38;
	[tilespmem:$0x19000] =	vst v63  }
0x2d: {  	_ =	swait.ge [sflag:s13], $0x4000  }
0x2e: {  	[sflag:s13] =	ssyncset.done $0x0  }
0x2f: {  	[sflag:s13] =	ssyncadd.s32 $0xFFFFC000  }
0x30: {  	[spmem:s7] =	stream.linear.scatter [tilespmem:s14], [sflag:$0x2], $0x4000, $0x38;
	[tilespmem:$0x19000] =	vst v63  }
0x31: {  	_ =	swait.ge [sflag:s13], $0x4000  }
0x32: {  	[sflag:s13] =	ssyncset.done $0x0  }
0x33: {  	[sflag:s13] =	ssyncadd.s32 $0xFFFFC000  }
0x34: {  	[spmem:s8] =	stream.linear.scatter [tilespmem:s14], [sflag:$0x2], $0x4000, $0x38;
	[tilespmem:$0x19000] =	vst v63  }
0x35: {  	_ =	swait.ge [sflag:s13], $0x4000  }
0x36: {  	[sflag:s13] =	ssyncset.done $0x0  }
0x37: {  	[sflag:s13] =	ssyncadd.s32 $0xFFFFC000  }
0x38: {  	[spmem:s9] =	stream.linear.scatter [tilespmem:s14], [sflag:$0x2], $0x3C00, $0x38;
	[tilespmem:$0x19000] =	vst v63  }
0x39: {  	_ =	swait.ge [sflag:s13], $0x3C00  }
0x3a: {  	[sflag:s13] =	ssyncset.done $0x0  }
0x3b: {  	s29 =	simm.s32 $0x0;
	s30 =	simm.s32 $0x200;
	[sflag:s13] =	ssyncadd.s32 $0xFFFFC400  }
.LBB2_4:
0x3c: {  	p1 =	sne.s32 s30, $0xFE00;
	[tilespmem:s29+$0x1470] =	vst v1  }
0x3d: {  	[tilespmem:s29+$0x1400] =	vst v1  }
0x3e: {  	[tilespmem:s29+$0x1410] =	vst v1  }
.Ltmp1:
0x3f: {  	[tilespmem:s29+$0x1420] =	vst v1;
	(pc) =	sbr.rel @p1 .LBB2_4-.Ltmp1, $4  }
0x40: {  	[tilespmem:s29+$0x1430] =	vst v1  }
0x41: {  	[tilespmem:s29+$0x1440] =	vst v1  }
0x42: {  	[tilespmem:s29+$0x1450] =	vst v1  }
0x43: {  	[tilespmem:s29+$0x1460] =	vst v1;
	s29 =	sshra.s32 s30, $0x2;
	s30 =	sadd.s32 $0x200, s30  }
0x44: {  	[tilespmem:s29+$0x1470] =	vst v1  }
0x45: {  	[tilespmem:s29+$0x1400] =	vst v1  }
0x46: {  	[tilespmem:s29+$0x1410] =	vst v1  }
0x47: {  	[tilespmem:s29+$0x1420] =	vst v1  }
0x48: {  	[tilespmem:s29+$0x1430] =	vst v1  }
0x49: {  	[tilespmem:s29+$0x1440] =	vst v1  }
0x4a: {  	[tilespmem:s29+$0x1450] =	vst v1  }
0x4b: {  	[tilespmem:s29+$0x1460] =	vst v1  }
0x4c: {  	[bflag:$0x0] =	sbarrier.arrive $0xFFFF  }
0x4d: {  	[spmem:s2] =	stream.indirect.scatter.add.f32 [tilespmem:s14], [sflag:$0x1], $0x80, s3, s15, $0xb8;
	[tilespmem:$0x19000] =	vst v63  }
0x4e: {  	_ = 	snop  }
0x4f: {  	[spmem:s2] =	stream.indirect.scatter.add.f32 [tilespmem:s14], [sflag:$0x1], $0x80, s15, s15, $0xb8;
	[tilespmem:$0x19000] =	vst v63  }
0x50: {  	s29 =	simm.s32 $0x100  }
0x51: {  	[spmem:s2] =	stream.indirect.scatter.add.f32 [tilespmem:s14], [sflag:$0x1], $0x80, s29, s15, $0xb8;
	[tilespmem:$0x19000] =	vst v63  }
0x52: {  	s29 =	simm.s32 $0x180  }
0x53: {  	[spmem:s2] =	stream.indirect.scatter.add.f32 [tilespmem:s14], [sflag:$0x1], $0x80, s29, s15, $0xb8;
	[tilespmem:$0x19000] =	vst v63  }
0x54: {  	s29 =	simm.s32 $0x200  }
0x55: {  	[spmem:s2] =	stream.indirect.scatter.add.f32 [tilespmem:s14], [sflag:$0x1], $0x80, s29, s15, $0xb8;
	[tilespmem:$0x19000] =	vst v63  }
0x56: {  	s29 =	simm.s32 $0x280  }
0x57: {  	[spmem:s2] =	stream.indirect.scatter.add.f32 [tilespmem:s14], [sflag:$0x1], $0x80, s29, s15, $0xb8;
	[tilespmem:$0x19000] =	vst v63  }
0x58: {  	s29 =	simm.s32 $0x300  }
0x59: {  	[spmem:s2] =	stream.indirect.scatter.add.f32 [tilespmem:s14], [sflag:$0x1], $0x80, s29, s15, $0xb8;
	[tilespmem:$0x19000] =	vst v63  }
0x5a: {  	s29 =	simm.s32 $0x380  }
0x5b: {  	[spmem:s2] =	stream.indirect.scatter.add.f32 [tilespmem:s14], [sflag:$0x1], $0x80, s29, s15, $0xb8;
	[tilespmem:$0x19000] =	vst v63  }
0x5c: {  	s29 =	simm.s32 $0x400  }
0x5d: {  	[spmem:s2] =	stream.indirect.scatter.add.f32 [tilespmem:s14], [sflag:$0x1], $0x80, s29, s15, $0xb8;
	[tilespmem:$0x19000] =	vst v63  }
0x5e: {  	s29 =	simm.s32 $0x480  }
0x5f: {  	[spmem:s2] =	stream.indirect.scatter.add.f32 [tilespmem:s14], [sflag:$0x1], $0x80, s29, s15, $0xb8;
	[tilespmem:$0x19000] =	vst v63  }
0x60: {  	s29 =	simm.s32 $0x500  }
0x61: {  	[spmem:s2] =	stream.indirect.scatter.add.f32 [tilespmem:s14], [sflag:$0x1], $0x80, s29, s15, $0xb8;
	[tilespmem:$0x19000] =	vst v63  }
0x62: {  	s29 =	simm.s32 $0x580  }
0x63: {  	[spmem:s2] =	stream.indirect.scatter.add.f32 [tilespmem:s14], [sflag:$0x1], $0x80, s29, s15, $0xb8;
	[tilespmem:$0x19000] =	vst v63  }
0x64: {  	s29 =	simm.s32 $0x600  }
0x65: {  	[spmem:s2] =	stream.indirect.scatter.add.f32 [tilespmem:s14], [sflag:$0x1], $0x80, s29, s15, $0xb8;
	[tilespmem:$0x19000] =	vst v63  }
0x66: {  	s29 =	simm.s32 $0x680  }
0x67: {  	[spmem:s2] =	stream.indirect.scatter.add.f32 [tilespmem:s14], [sflag:$0x1], $0x80, s29, s15, $0xb8;
	[tilespmem:$0x19000] =	vst v63  }
0x68: {  	s29 =	simm.s32 $0x700  }
0x69: {  	[spmem:s2] =	stream.indirect.scatter.add.f32 [tilespmem:s14], [sflag:$0x1], $0x80, s29, s15, $0xb8;
	[tilespmem:$0x19000] =	vst v63  }
0x6a: {  	s29 =	simm.s32 $0x780  }
0x6b: {  	[spmem:s2] =	stream.indirect.scatter.add.f32 [tilespmem:s14], [sflag:$0x1], $0x80, s29, s15, $0xb8;
	[tilespmem:$0x19000] =	vst v63  }
0x6c: {  	s29 =	simm.s32 $0x800  }
0x6d: {  	[spmem:s2] =	stream.indirect.scatter.add.f32 [tilespmem:s14], [sflag:$0x1], $0x80, s29, s15, $0xb8;
	[tilespmem:$0x19000] =	vst v63  }
0x6e: {  	s29 =	simm.s32 $0x880  }
0x6f: {  	[spmem:s2] =	stream.indirect.scatter.add.f32 [tilespmem:s14], [sflag:$0x1], $0x80, s29, s15, $0xb8;
	[tilespmem:$0x19000] =	vst v63  }
0x70: {  	s29 =	simm.s32 $0x900  }
0x71: {  	[spmem:s2] =	stream.indirect.scatter.add.f32 [tilespmem:s14], [sflag:$0x1], $0x80, s29, s15, $0xb8;
	[tilespmem:$0x19000] =	vst v63  }
0x72: {  	s29 =	simm.s32 $0x980  }
0x73: {  	[spmem:s2] =	stream.indirect.scatter.add.f32 [tilespmem:s14], [sflag:$0x1], $0x80, s29, s15, $0xb8;
	[tilespmem:$0x19000] =	vst v63  }
0x74: {  	s29 =	simm.s32 $0xA00  }
0x75: {  	[spmem:s2] =	stream.indirect.scatter.add.f32 [tilespmem:s14], [sflag:$0x1], $0x80, s29, s15, $0xb8;
	[tilespmem:$0x19000] =	vst v63  }
0x76: {  	s29 =	simm.s32 $0xA80  }
0x77: {  	[spmem:s2] =	stream.indirect.scatter.add.f32 [tilespmem:s14], [sflag:$0x1], $0x80, s29, s15, $0xb8;
	[tilespmem:$0x19000] =	vst v63  }
0x78: {  	s29 =	simm.s32 $0xB00  }
0x79: {  	[spmem:s2] =	stream.indirect.scatter.add.f32 [tilespmem:s14], [sflag:$0x1], $0x80, s29, s15, $0xb8;
	[tilespmem:$0x19000] =	vst v63  }
0x7a: {  	s29 =	simm.s32 $0xB80  }
0x7b: {  	[spmem:s2] =	stream.indirect.scatter.add.f32 [tilespmem:s14], [sflag:$0x1], $0x80, s29, s15, $0xb8;
	[tilespmem:$0x19000] =	vst v63  }
0x7c: {  	s29 =	simm.s32 $0xC00  }
0x7d: {  	[spmem:s2] =	stream.indirect.scatter.add.f32 [tilespmem:s14], [sflag:$0x1], $0x80, s29, s15, $0xb8;
	[tilespmem:$0x19000] =	vst v63  }
0x7e: {  	s29 =	simm.s32 $0xC80  }
0x7f: {  	[spmem:s2] =	stream.indirect.scatter.add.f32 [tilespmem:s14], [sflag:$0x1], $0x80, s29, s15, $0xb8;
	[tilespmem:$0x19000] =	vst v63  }
0x80: {  	s29 =	simm.s32 $0xD00  }
0x81: {  	[spmem:s2] =	stream.indirect.scatter.add.f32 [tilespmem:s14], [sflag:$0x1], $0x80, s29, s15, $0xb8;
	[tilespmem:$0x19000] =	vst v63  }
0x82: {  	s29 =	simm.s32 $0xD80  }
0x83: {  	[spmem:s2] =	stream.indirect.scatter.add.f32 [tilespmem:s14], [sflag:$0x1], $0x80, s29, s15, $0xb8;
	[tilespmem:$0x19000] =	vst v63  }
0x84: {  	s29 =	simm.s32 $0xE00  }
0x85: {  	[spmem:s2] =	stream.indirect.scatter.add.f32 [tilespmem:s14], [sflag:$0x1], $0x80, s29, s15, $0xb8;
	[tilespmem:$0x19000] =	vst v63  }
0x86: {  	_ = 	snop  }
0x87: {  	[spmem:s2] =	stream.indirect.scatter.add.f32 [tilespmem:s14], [sflag:$0x1], $0x80, s31, s15, $0xb8;
	[tilespmem:$0x19000] =	vst v63  }
0x88: {  	_ = 	snop  }
0x89: {  	[spmem:s2] =	stream.indirect.scatter.add.f32 [tilespmem:s14], [sflag:$0x1], $0x80, s0, s15, $0xb8;
	[tilespmem:$0x19000] =	vst v63  }
0x8a: {  	_ = 	snop  }
0x8b: {  	[spmem:s2] =	stream.indirect.scatter.add.f32 [tilespmem:s14], [sflag:$0x1], $0x80, s16, s15, $0xb8;
	[tilespmem:$0x19000] =	vst v63  }
0x8c: {  	_ = 	snop  }
0x8d: {  	[spmem:s2] =	stream.indirect.scatter.add.f32 [tilespmem:s14], [sflag:$0x1], $0x80, s17, s15, $0xb8;
	[tilespmem:$0x19000] =	vst v63  }
0x8e: {  	_ = 	snop  }
0x8f: {  	[spmem:s2] =	stream.indirect.scatter.add.f32 [tilespmem:s14], [sflag:$0x1], $0x80, s1, s15, $0xb8;
	[tilespmem:$0x19000] =	vst v63  }
0x90: {  	_ = 	snop  }
0x91: {  	[spmem:s2] =	stream.indirect.scatter.add.f32 [tilespmem:s14], [sflag:$0x1], $0x80, s18, s15, $0xb8;
	[tilespmem:$0x19000] =	vst v63  }
0x92: {  	_ = 	snop  }
0x93: {  	[spmem:s2] =	stream.indirect.scatter.add.f32 [tilespmem:s14], [sflag:$0x1], $0x80, s19, s15, $0xb8;
	[tilespmem:$0x19000] =	vst v63  }
0x94: {  	_ = 	snop  }
0x95: {  	[spmem:s2] =	stream.indirect.scatter.add.f32 [tilespmem:s14], [sflag:$0x1], $0x80, s20, s15, $0xb8;
	[tilespmem:$0x19000] =	vst v63  }
0x96: {  	_ = 	snop  }
0x97: {  	[spmem:s2] =	stream.indirect.scatter.add.f32 [tilespmem:s14], [sflag:$0x1], $0x80, s21, s15, $0xb8;
	[tilespmem:$0x19000] =	vst v63  }
0x98: {  	_ = 	snop  }
0x99: {  	[spmem:s2] =	stream.indirect.scatter.add.f32 [tilespmem:s14], [sflag:$0x1], $0x80, s22, s15, $0xb8;
	[tilespmem:$0x19000] =	vst v63  }
0x9a: {  	_ = 	snop  }
0x9b: {  	[spmem:s2] =	stream.indirect.scatter.add.f32 [tilespmem:s14], [sflag:$0x1], $0x80, s23, s15, $0xb8;
	[tilespmem:$0x19000] =	vst v63  }
0x9c: {  	_ =	swait.ge [sflag:s26], $0x4000  }
0x9d: {  	s29 =	simm.s32 $0x27;
	[sflag:s26] =	ssyncset.done $0x0  }
.LBB2_6:
0x9e: {  	p1 =	sne.s32 s29, $0x1;
	s29 =	sadd.s32 $0xFFFFFFFF, s29;
	[sflag:s26] =	ssyncadd.s32 $0xFFFFC000  }
.Ltmp2:
0x9f: {  	(pc) =	sbr.rel @p1 .LBB2_6-.Ltmp2, $3  }
0xa0: {  	_ =	sdelay $0x1  }
0xa1: {  	_ =	swait.ge [sflag:s26], $0x4000  }
0xa2: {  	[sflag:s26] =	ssyncset.done $0x0  }
0xa3: {  	s29 =	stileid.u32  }
0xa4: {  	[sflag:s26] =	ssyncadd.s32 $0xFFFFC000;
	s29 =	sshll.u32 s29, $0x6  }
0xa5: {  	[bflag:$0x0] =	sbarrier.arrive $0xFFFF;
	s29 =	sor.u32 $0x1C02, s29  }
0xa6: {  	[hbm:s10], [sflag:s29] =	dma.local [spmem:s24], $0x2700  }
0xa7: {  	_ =	swait.ge [sflag:s13], $0x2700  }
0xa8: {  	s28 =	sadd.s32 $0x1, s28;
	[sflag:s13] =	ssyncset.done $0x0  }
0xa9: {  	p1 =	sne.s32 s28, s12;
	[sflag:s13] =	ssyncadd.s32 $0xFFFFD900  }
0xaa: {  	[hbm:s11], [sflag:s29] =	dma.local @!p0 [spmem:s25], $0x100  }
.Ltmp3:
0xab: {  	_ = 	snop;
	(pc) =	sbr.rel @p1 .LBB2_1-.Ltmp3, $4  }
0xac: {  	s29 =	simm.s32 @!p0 $0x2  }
0xad: {  	_ =	swait.ge @!p0 [sflag:s29], $0x100  }
0xae: {  	[sflag:s29] =	ssyncset.done @!p0 $0x0  }
0xaf: {  	[sflag:s29] =	ssyncadd.s32 @!p0 $0xFFFFFF00  }
0xb0: {  	_ =	sfence.sel $0x180000  }
0xb1: {  	[bflag:$0x0] =	sbarrier.arrive $0xFFFF  }
0xb2: {  	_ =	strace $0x9000004D  }
0xb3: {  	s0 =	stileid.u32;
	[bflag:$0x2] =	sbarrier.arrive $0xFFFF  }
0xb4: {  	p0 =	sne.s32 s0, $0x0;
	s0 =	rddreg [dreg:$0x2]  }
0xb5: {  	s0 =	sadd.s32 @!p0 $0x100000, s0  }
0xb6: {  	[sflag:s0] =	ssyncadd.tile.s32 @!p0 $0x1;
	_ =	shalt  }
.Lfunc_end2:
_tile_overlayer_lowered:
.L_overlay_start_2:
0xb7: {  	(tag) =	ssettag $0x2  }
0xb8: {  	s0 =	rddreg [dreg:$0x0];
	s2 =	stileid.u32  }
0xb9: {  	s1 =	rddreg [dreg:$0x1];
	p0 =	sne.s32 s2, $0x0  }
0xba: {  	s3 =	rddreg [dreg:$0x2];
	[bflag:$0x3] =	sbarrier.arrive $0xFFFF;
	s2 =	simm.s32 @!p0 $0x1C02  }
0xbb: {  	[timem:s3], [sflag:s2] =	dma.local @!p0 [hbm:s0], s1  }
0xbc: {  	s0 =	simm.s32 @!p0 $0x2  }
0xbd: {  	_ =	swait.ge @!p0 [sflag:s0], s1  }
0xbe: {  	s1 =	ssub.s32 @!p0 $0x0, s1;
	[sflag:s0] =	ssyncset.done @!p0 $0x0  }
0xbf: {  	[sflag:s0] =	ssyncadd.s32 @!p0 s1  }
0xc0: {  	[bflag:$0x3] =	sbarrier.arrive $0xFFFF  }
0xc1: {  	_ =	shalt  }

// kernel: kernel.14.cloned.1.call-start
scs
__scs_entry_jumppad:
0x0: {  	(pc) =	sbr.rel $0x88, $3  }
0x1: {  	(tag) =	ssettag $0x0;
	lr =	simm.s32 $0x1  }
0x2: {  	[smem:$0x3F99] =	sst lr;
	_ =	strace $0xD0000000  }
0x3: {  	_ = 	snop  }
0x4: {  	_ = 	snop  }
0x5: {  	_ = 	snop  }
0x6: {  	_ = 	snop  }
0x7: {  	_ = 	snop  }
__scs_overlays_trampoline_lowered:
0x8: {  	[smem:$0x3FA8] =	sst s0  }
0x9: {  	[smem:$0x3FA9] =	sst s1  }
0xa: {  	[smem:$0x3FAA] =	sst s2  }
0xb: {  	[smem:$0x3FAB] =	sst s3  }
0xc: {  	[smem:$0x3FAC] =	sst s4  }
0xd: {  	[smem:$0x3FAD] =	sst s5  }
0xe: {  	[smem:$0x3FAE] =	sst s6  }
0xf: {  	[smem:$0x3FAF] =	sst s7  }
0x10: {  	[smem:$0x3FB0] =	sst s8  }
0x11: {  	[smem:$0x3FB1] =	sst s9;
	s0 =	simm.s32 @!p0 $0x0  }
0x12: {  	s1 =	sld [smem:$0x3F97];
	s0 =	simm.s32 @p0 $0x1  }
0x13: {  	[smem:$0x3FB2] =	sst s0;
	s0 =	simm.s32 @!p1 $0x0  }
0x14: {  	s2 =	sld [smem:$0x3F96];
	s0 =	simm.s32 @p1 $0x1  }
0x15: {  	[smem:$0x3FB3] =	sst s0;
	s0 =	simm.s32 @!p2 $0x0  }
0x16: {  	s3 =	sld [smem:$0x3FDB];
	s0 =	simm.s32 @p2 $0x1  }
0x17: {  	s4 =	simm.s32 $0x1BF5;
	[smem:$0x3FB5] =	sst s0  }
0x18: {  	s0 =	sld [smem:$0x3F98];
	_ =	swait.ge [sflag:s4], $0x0  }
0x19: {  	s7 =	sld [smem:$0x3F99]  }
0x1a: {  	s8 =	sadd.s32 $0xFFFFE003, lr  }
0x1b: {  	s9 =	sadd.s32 $0xFFFFFEF7, lr;
	s5 =	simm.s32 $0xFFFFFFFF;
	p2 =	slt.u32 s8, $0xFFFFF086  }
0x1c: {  	p1 =	slt.u32 s9, $0xF7A;
	s5 =	simm.s32 @!p2 $0x0  }
0x1d: {  	s5 =	simm.s32 @p1 $0x1;
	p0 =	seq.s32 s7, s2  }
0x1e: {  	s7 =	smul.u32 @!p0 $0xF7A, s2;
	p2 =	seq.s32 @!p0 s5, $0x0  }
0x1f: {  	s9 =	smul.u32 $0xF7A, s1;
	s8 =	simm.s32 @!p0 $0x1BF5;
	p2 =	por !p2, p0  }
0x20: {  	[sflag:s8] =	ssyncset.s32 @!p0 $0xFFFFF086;
	s6 =	sadd.s32 @!p0 s3, s7;
	s7 =	simm.s32 @!p0 $0x108  }
0x21: {  	s3 =	sadd.s32 s3, s9;
	s6 =	sadd.s32 @!p0 $0x88, s6;
	s7 =	simm.s32 @p2 $0x1082  }
0x22: {  	[simem:s7], [sflag:s8] =	dma.local @!p0 [hbm:s6], $0xF7A  }
0x23: {  	s9 =	sor.u32 $0xD0000000, s2;
	s6 =	simm.s32 $0x108;
	_ =	swait.ge @!p0 [sflag:s8], $0x0  }
0x24: {  	s3 =	sadd.s32 $0x88, s3;
	s6 =	simm.s32 @!p1 $0x1082;
	[sflag:s4] =	ssyncset.s32 $0xFFFFF086  }
0x25: {  	[simem:s6], [sflag:s4] =	dma.local [hbm:s3], $0xF7A  }
0x26: {  	[smem:$0x3F99] =	sst s1;
	(tag) =	ssettag s2;
	_ =	strace s9  }
0x27: {  	s1 =	sld [smem:$0x3FA9]  }
0x28: {  	s2 =	sld [smem:$0x3FAA]  }
0x29: {  	s4 =	sld [smem:$0x3FAC]  }
0x2a: {  	p0 =	seq.s32 s5, $0x0;
	s5 =	sld [smem:$0x3FAD]  }
0x2b: {  	s6 =	sld [smem:$0x3FAE]  }
0x2c: {  	s7 =	sld [smem:$0x3FAF]  }
0x2d: {  	s3 =	simm.s32 $0x108;
	s8 =	sld [smem:$0x3FB0]  }
0x2e: {  	s3 =	simm.s32 @!p0 $0x1082;
	s9 =	sld [smem:$0x3FB1]  }
0x2f: {  	lr =	sadd.s32 s0, s3;
	s0 =	sld [smem:$0x3FA8]  }
0x30: {  	s3 =	sld [smem:$0x3FAB]  }
0x31: {  	[smem:$0x3FB4] =	sst s10  }
0x32: {  	s10 =	sld [smem:$0x3FB2];
	_ =	sdelay $0x3  }
0x33: {  	p0 =	seq.s32 s10, $0x1;
	s10 =	sld [smem:$0x3FB4];
	_ =	sdelay $0x3  }
0x34: {  	[smem:$0x3FB4] =	sst s10  }
0x35: {  	s10 =	sld [smem:$0x3FB3];
	_ =	sdelay $0x3  }
0x36: {  	p1 =	seq.s32 s10, $0x1;
	s10 =	sld [smem:$0x3FB4];
	_ =	sdelay $0x3  }
0x37: {  	[smem:$0x3FB4] =	sst s10  }
0x38: {  	s10 =	sld [smem:$0x3FB5]  }
0x39: {  	_ = 	snop;
	(pc) =	sbr.ind lr, $3  }
0x3a: {  	_ = 	snop  }
0x3b: {  	_ = 	snop  }
0x3c: {  	p2 =	seq.s32 s10, $0x1;
	s10 =	sld [smem:$0x3FB4]  }
0x3d: {  	_ =	shalt  }
0x3e: {  	_ =	shalt  }
0x3f: {  	_ =	shalt  }
0x40: {  	_ =	shalt  }
0x41: {  	_ =	shalt  }
0x42: {  	_ =	shalt  }
0x43: {  	_ =	shalt  }
0x44: {  	_ =	shalt  }
0x45: {  	_ =	shalt  }
0x46: {  	_ =	shalt  }
0x47: {  	_ =	shalt  }
0x48: {  	_ =	shalt  }
0x49: {  	_ =	shalt  }
0x4a: {  	_ =	shalt  }
0x4b: {  	_ =	shalt  }
0x4c: {  	_ =	shalt  }
0x4d: {  	_ =	shalt  }
0x4e: {  	_ =	shalt  }
0x4f: {  	_ =	shalt  }
0x50: {  	_ =	shalt  }
0x51: {  	_ =	shalt  }
0x52: {  	_ =	shalt  }
0x53: {  	_ =	shalt  }
0x54: {  	_ =	shalt  }
0x55: {  	_ =	shalt  }
0x56: {  	_ =	shalt  }
0x57: {  	_ =	shalt  }
0x58: {  	_ =	shalt  }
0x59: {  	_ =	shalt  }
0x5a: {  	_ =	shalt  }
0x5b: {  	_ =	shalt  }
0x5c: {  	_ =	shalt  }
0x5d: {  	_ =	shalt  }
0x5e: {  	_ =	shalt  }
0x5f: {  	_ =	shalt  }
0x60: {  	_ =	shalt  }
0x61: {  	_ =	shalt  }
0x62: {  	_ =	shalt  }
0x63: {  	_ =	shalt  }
0x64: {  	_ =	shalt  }
0x65: {  	_ =	shalt  }
0x66: {  	_ =	shalt  }
0x67: {  	_ =	shalt  }
0x68: {  	_ =	shalt  }
0x69: {  	_ =	shalt  }
0x6a: {  	_ =	shalt  }
0x6b: {  	_ =	shalt  }
0x6c: {  	_ =	shalt  }
0x6d: {  	_ =	shalt  }
0x6e: {  	_ =	shalt  }
0x6f: {  	_ =	shalt  }
0x70: {  	_ =	shalt  }
0x71: {  	_ =	shalt  }
0x72: {  	_ =	shalt  }
0x73: {  	_ =	shalt  }
0x74: {  	_ =	shalt  }
0x75: {  	_ =	shalt  }
0x76: {  	_ =	shalt  }
0x77: {  	_ =	shalt  }
0x78: {  	_ =	shalt  }
0x79: {  	_ =	shalt  }
0x7a: {  	_ =	shalt  }
0x7b: {  	_ =	shalt  }
0x7c: {  	_ =	shalt  }
0x7d: {  	_ =	shalt  }
0x7e: {  	_ =	shalt  }
0x7f: {  	_ =	shalt  }
0x80: {  	_ =	shalt  }
0x81: {  	_ =	shalt  }
0x82: {  	_ =	shalt  }
0x83: {  	_ =	shalt  }
0x84: {  	_ =	shalt  }
0x85: {  	_ =	shalt  }
0x86: {  	_ =	shalt  }
0x87: {  	_ =	shalt  }
.Lfunc_end0:
.L_simem_size_0:
called_computation.3_lowered:
.L_overlay_start_0:
0x88: {  	s2 =	sld [smem:$0x3FD9]  }
0x89: {  	s3 =	sld [smem:$0x3FFE];
	_ =	sdelay $0x1  }
0x8a: {  	s1 =	srdreg.scid  }
0x8b: {  	s0 =	sand.u32 $0x1, s1  }
0x8c: {  	s17 =	sshll.u32 s0, $0xA;
	s2 =	sadd.s32 s3, s2  }
0x8d: {  	s2 =	sadd.s32 s2, s17  }
0x8e: {  	[smem:$0x3FC0] =	sst s2  }
0x8f: {  	_ = 	snop  }
0x90: {  	s2 =	sld [smem:$0x3FD0];
	(tm) =	ssettm $0x1  }
0x91: {  	s18 =	sld [smem:$0x3FFB];
	_ =	sdelay $0x3  }
0x92: {  	_ =	strace s18  }
0x93: {  	s3 =	sld [smem:$0x3FFC];
	_ =	sdelay $0x3  }
0x94: {  	_ =	strace s3  }
0x95: {  	s3 =	sld [smem:$0x3FFD];
	_ =	sdelay $0x3  }
0x96: {  	_ =	strace s3  }
0x97: {  	_ =	strace $0x8FFFFFFF  }
0x98: {  	s19 =	sld [smem:$0x3FDB];
	_ =	sdelay $0x1  }
0x99: {  	s4 =	simm.s32 $_scs_section_size  }
0x9a: {  	s5 =	simm.s32 $_size__tile_overlayer_lowered;
	s6 =	simm.s32 $_tile_overlayer_lowered  }
0x9b: {  	s22 =	simm.s32 $0x1BFF;
	s21 =	sshll.u32 s6, $0x1;
	s3 =	sadd.s32 s4, s19  }
0x9c: {  	s7 =	simm.s32 $0x0;
	s20 =	sshll.u32 s5, $0x1;
	s5 =	sadd.s32 s21, s3  }
0x9d: {  	[timem:s7], [sflag:s22] =	dma.local [hbm:s5], s20  }
0x9e: {  	_ =	swait.ge [sflag:s22], s20  }
0x9f: {  	s4 =	ssub.s32 $0x0, s20;
	[sflag:s22] =	ssyncset.done $0x0  }
0xa0: {  	[sflag:s22] =	ssyncadd.s32 s4;
	_ =	sdelay $0x1  }
0xa1: {  	s23 =	simm.s32 $0x1B8B  }
0xa2: {  	_ =	swait.ge [sflag:s23], $0x1  }
0xa3: {  	[sflag:s23] =	ssyncset.done $0x0  }
0xa4: {  	s25 =	simm.s32 $0x1B8E;
	s24 =	sld [smem:$0x3FFE];
	[sflag:s23] =	ssyncadd.s32 $0xFFFFFFFF  }
0xa5: {  	s26 =	simm.s32 $execute0_lowered;
	[smem:$0x3FD2] =	sst s25  }
0xa6: {  	s5 =	sshll.u32 s26, $0x1;
	_ =	strace $0x8000004F;
	[dreg:$0x1] =	wrdreg $0xFFFFFFFF  }
0xa7: {  	s28 =	simm.s32 $_size_execute0_lowered;
	s3 =	sadd.s32 s3, s5;
	[dreg:$0x0] =	wrdreg $0x0  }
0xa8: {  	s5 =	sshll.u32 s28, $0x1;
	[dreg:$0x2] =	wrdreg s3  }
0xa9: {  	[dreg:$0x3] =	wrdreg s5  }
0xaa: {  	[dreg:$0x4] =	wrdreg $0xC0  }
0xab: {  	_ =	task [dreg:s7], $0x5FFFF  }
0xac: {  	[dreg:$0x1] =	wrdreg $0xFFFFFFFF  }
0xad: {  	[dreg:$0x0] =	wrdreg $0x60  }
0xae: {  	[dreg:$0x2] =	wrdreg s2  }
0xaf: {  	[dreg:$0x3] =	wrdreg s24  }
0xb0: {  	[dreg:$0x4] =	wrdreg $0xA8000  }
0xb1: {  	[dreg:$0x5] =	wrdreg $0x9  }
0xb2: {  	_ =	task.clear_ibuf [dreg:s7], $0x6FFFF;
	_ =	strace $0x9000004F  }
0xb3: {  	s29 =	simm.s32 $0x9;
	_ =	strace $0x80000051  }
0xb4: {  	_ =	swait.ge [sflag:s29], $0x1  }
0xb5: {  	[sflag:s29] =	ssyncadd.s32 $0xFFFFFFFF  }
0xb6: {  	_ =	strace $0x90000051  }
0xb7: {  	_ =	sfence  }
0xb8: {  	s30 =	sld [smem:$0x0];
	_ =	sdelay $0x2  }
0xb9: {  	s31 =	sshll.u32 s1, $0xD;
	s1 =	sshrl.u32 s1, $0x2  }
0xba: {  	s3 =	sand.u32 $0x4000, s31;
	s1 =	sadd.s32 s1, s30  }
0xbb: {  	s0 =	sor.u32 s3, s0;
	s1 =	sshll.u32 s1, $0x11  }
0xbc: {  	s0 =	sor.u32 s1, s0  }
0xbd: {  	s0 =	sadd.s32 $0x8F2B, s0  }
0xbe: {  	[sflag:s0] =	ssyncadd.remote.s32 $0x1  }
0xbf: {  	_ =	sfence.sel $0xFFFF  }
0xc0: {  	[dreg:$0x0] =	wrdreg $0xFFFFFFFF;
	(pc) =	sbr.abs _section_cstart, $3  }
0xc1: {  	[dreg:$0x1] =	wrdreg $0xFFFFFFFF  }
0xc2: {  	_ =	task.clear_ibuf [dreg:s7], $0x2FFFF;
	_ =	strace $0x9FFFFFFF  }
0xc3: {  	(tm) =	ssettm $0x7FFFFFFF  }
tec
execute0_lowered:
.L_overlay_start_1:
0x0: {  	(tag) =	ssettag $0x1  }
0x1: {  	s0 =	rddreg [dreg:$0x0]  }
0x2: {  	s5 =	rddreg [dreg:$0x1]  }
0x3: {  	s1 =	rddreg [dreg:$0x2];
	s2 =	stileid.u32  }
0x4: {  	s3 =	simm.s32 $0x0;
	s6 =	srdreg.scid;
	s7 =	smul.u32 $0x4F000, s2  }
0x5: {  	s19 =	simm.s32 $0x1400;
	s20 =	simm.s32 $0x80;
	s9 =	smul.u32 $0x50, s2  }
0x6: {  	s21 =	simm.s32 $0x6800;
	s22 =	simm.s32 $0x1;
	s11 =	smul.u32 $0x500, s2  }
0x7: {  	s28 =	simm.s32 $0x4;
	s29 =	simm.s32 $0x2700;
	s15 =	smul.u32 $0x2800, s2  }
0x8: {  	s30 =	simm.s32 $0x2780;
	[smem:$0x7FF] =	sst s3;
	s17 =	smul.u32 $0x4E000, s2  }
0x9: {  	s13 =	sadd.s32 $0x8A00, s5;
	s12 =	sand.u32 $0x1, s6;
	s26 =	smul.u32 $0x2700, s2  }
0xa: {  	s4 =	sadd.s32 $0x12A00, s5;
	s14 =	sadd.s32 $0x60C00, s5;
	s8 =	smul.u32 $0x500, s12  }
0xb: {  	p0 =	sne.s32 s2, $0xF;
	_ =	strace $0x80000050;
	s25 =	smul.u32 $0x27100, s12  }
0xc: {  	s6 =	ssub.s32 $0x2, s12;
	s18 =	smul.u32 $0x138800, s12;
	s23 =	sshrl.u32 s7, $0x2  }
0xd: {  	s24 =	sshrl.u32 s6, $0x1;
	s11 =	sadd.s32 s13, s11;
	s15 =	sshrl.u32 s15, $0x3  }
0xe: {  	s17 =	sshrl.u32 s17, $0x2;
	s5 =	sadd.s32 s23, s1;
	s16 =	ssub.s32 s6, s24  }
0xf: {  	s9 =	sadd.s32 s9, s8;
	s13 =	sadd.s32 s13, s15;
	s18 =	sshrl.u32 s18, $0x3  }
0x10: {  	s24 =	sadd.s32 s17, s1;
	s17 =	simm.s32 $0x2800;
	s23 =	simm.s32 $0x2  }
0x11: {  	s6 =	sadd.s32 $0x4000, s5;
	s7 =	sadd.s32 $0x8000, s5;
	s8 =	sadd.s32 $0xC000, s5  }
0x12: {  	s10 =	sshll.u32 s9, $0x4;
	s9 =	sadd.s32 $0x10000, s5;
	s13 =	sadd.s32 $0x280, s13  }
0x13: {  	s31 =	sadd.s32 s14, s18;
	s16 =	smax.u32 s16, $0x1;
	s18 =	simm.s32 $0x5  }
0x14: {  	s24 =	sshrl.u32 s24, $0x3;
	s10 =	sadd.s32 s0, s10;
	s0 =	sadd.s32 s26, s25  }
0x15: {  	s15 =	sadd.s32 $0x27000, s31;
	s14 =	sadd.s32 s14, s0;
	s0 =	sadd.s32 $0x138000, s1  }
0x16: {  	v0 =	vimm.f32 $0.0e+00;
	s26 =	simm.s32 $0x3;
	s12 =	sadd.s32 $0x280, s10;
	s25 =	sshrl.u32 @!p0 s0, $0x3  }
.LBB2_1:
0x17: {  	s31 =	simm.s32 $0x0;
	s0 =	simm.s32 $0x200  }
.LBB2_2:
0x18: {  	p1 =	sne.s32 s0, $0xFE00;
	[tilespmem:s31+$0x2870] =	vst v0  }
0x19: {  	[tilespmem:s31+$0x2800] =	vst v0  }
0x1a: {  	[tilespmem:s31+$0x2810] =	vst v0  }
.Ltmp0:
0x1b: {  	[tilespmem:s31+$0x2820] =	vst v0;
	(pc) =	sbr.rel @p1 .LBB2_2-.Ltmp0, $4  }
0x1c: {  	[tilespmem:s31+$0x2830] =	vst v0  }
0x1d: {  	[tilespmem:s31+$0x2840] =	vst v0  }
0x1e: {  	[tilespmem:s31+$0x2850] =	vst v0  }
0x1f: {  	[tilespmem:s31+$0x2860] =	vst v0;
	s31 =	sshra.s32 s0, $0x2;
	s0 =	sadd.s32 $0x200, s0  }
0x20: {  	[tilespmem:s31+$0x2870] =	vst v0  }
0x21: {  	[tilespmem:s31+$0x2800] =	vst v0  }
0x22: {  	[tilespmem:s31+$0x2810] =	vst v0  }
0x23: {  	[tilespmem:s31+$0x2820] =	vst v0  }
0x24: {  	[tilespmem:s31+$0x2830] =	vst v0  }
0x25: {  	[tilespmem:s31+$0x2840] =	vst v0  }
0x26: {  	[tilespmem:s31+$0x2850] =	vst v0  }
0x27: {  	[tilespmem:s31+$0x2860] =	vst v0  }
0x28: {  	[spmem:s5] =	stream.linear.scatter [tilespmem:s17], [sflag:$0x5], $0x4000, $0x38;
	[tilespmem:$0x1E400] =	vst v63  }
0x29: {  	_ =	swait.ge [sflag:s18], $0x4000  }
0x2a: {  	[sflag:s18] =	ssyncset.done $0x0  }
0x2b: {  	[sflag:s18] =	ssyncadd.s32 $0xFFFFC000  }
0x2c: {  	[spmem:s6] =	stream.linear.scatter [tilespmem:s17], [sflag:$0x5], $0x4000, $0x38;
	[tilespmem:$0x1E400] =	vst v63  }
0x2d: {  	_ =	swait.ge [sflag:s18], $0x4000  }
0x2e: {  	[sflag:s18] =	ssyncset.done $0x0  }
0x2f: {  	[sflag:s18] =	ssyncadd.s32 $0xFFFFC000  }
0x30: {  	[spmem:s7] =	stream.linear.scatter [tilespmem:s17], [sflag:$0x5], $0x4000, $0x38;
	[tilespmem:$0x1E400] =	vst v63  }
0x31: {  	_ =	swait.ge [sflag:s18], $0x4000  }
0x32: {  	[sflag:s18] =	ssyncset.done $0x0  }
0x33: {  	[sflag:s18] =	ssyncadd.s32 $0xFFFFC000  }
0x34: {  	[spmem:s8] =	stream.linear.scatter [tilespmem:s17], [sflag:$0x5], $0x4000, $0x38;
	[tilespmem:$0x1E400] =	vst v63  }
0x35: {  	_ =	swait.ge [sflag:s18], $0x4000  }
0x36: {  	[sflag:s18] =	ssyncset.done $0x0  }
0x37: {  	[sflag:s18] =	ssyncadd.s32 $0xFFFFC000  }
0x38: {  	[spmem:s9] =	stream.linear.scatter [tilespmem:s17], [sflag:$0x5], $0x3C00, $0x38;
	[tilespmem:$0x1E400] =	vst v63  }
0x39: {  	_ =	swait.ge [sflag:s18], $0x3C00  }
0x3a: {  	[sflag:s18] =	ssyncset.done $0x0  }
0x3b: {  	[sflag:s18] =	ssyncadd.s32 $0xFFFFC400  }
0x3c: {  	s0 =	simm.s32 $0x0;
	[bflag:$0x0] =	sbarrier.arrive $0xFFFF  }
0x3d: {  	[tilespmem:s0], [sflag:$0x5] =	stream.linear.gather [hbm4b:s10+s0], $0x1400, $0x38;
	[tilespmem:$0x1E400] =	vst v63  }
0x3e: {  	_ =	swait.ge [sflag:s18], $0x1400  }
0x3f: {  	[sflag:s18] =	ssyncset.done $0x0  }
0x40: {  	[sflag:s18] =	ssyncadd.s32 $0xFFFFEC00  }
0x41: {  	[tilespmem:s19], [sflag:$0x5] =	stream.linear.gather [hbm4b:s11+s0], $0x1400, $0x38;
	[tilespmem:$0x1E400] =	vst v63  }
0x42: {  	_ =	swait.ge [sflag:s18], $0x1400  }
0x43: {  	[sflag:s18] =	ssyncset.done $0x0  }
0x44: {  	[sflag:s18] =	ssyncadd.s32 $0xFFFFEC00  }
0x45: {  	[tilespmem:s17], [sflag:$0x1] =	stream.indirect.gather [hbm4b:s4+s20], $0x80, s0, s20, $0xb8;
	[tilespmem:$0x1E400] =	vst v63  }
0x46: {  	_ = 	snop  }
0x47: {  	[tilespmem:s21], [sflag:$0x2] =	stream.indirect.gather [hbm4b:s4+s20], $0x80, s20, s20, $0xb8;
	[tilespmem:$0x1E400] =	vst v63  }
0x48: {  	_ =	swait.ge [sflag:s22], $0x4000  }
0x49: {  	[sflag:s22] =	ssyncset.done $0x0  }
0x4a: {  	s2 =	simm.s32 $0x1400;
	[sflag:s22] =	ssyncadd.s32 $0xFFFFC000  }
0x4b: {  	[spmem:s1] =	stream.indirect.scatter.add.f32 [tilespmem:s17], [sflag:$0x3], $0x80, s2, s20, $0xb8;
	[tilespmem:$0x1E400] =	vst v63  }
0x4c: {  	_ =	swait.ge [sflag:s23], $0x4000  }
0x4d: {  	[sflag:s23] =	ssyncset.done $0x0  }
0x4e: {  	s2 =	simm.s32 $0x1480;
	[sflag:s23] =	ssyncadd.s32 $0xFFFFC000  }
0x4f: {  	[spmem:s1] =	stream.indirect.scatter.add.f32 [tilespmem:s21], [sflag:$0x4], $0x80, s2, s20, $0xb8;
	[tilespmem:$0x1E400] =	vst v63  }
0x50: {  	_ =	swait.ge [sflag:s26], $0x4000  }
0x51: {  	[sflag:s26] =	ssyncset.done $0x0  }
0x52: {  	s2 =	simm.s32 $0x100;
	[sflag:s26] =	ssyncadd.s32 $0xFFFFC000  }
0x53: {  	[tilespmem:s17], [sflag:$0x1] =	stream.indirect.gather [hbm4b:s4+s20], $0x80, s2, s20, $0xb8;
	[tilespmem:$0x1E400] =	vst v63  }
0x54: {  	_ =	swait.ge [sflag:s28], $0x4000  }
0x55: {  	[sflag:s28] =	ssyncset.done $0x0  }
0x56: {  	s31 =	simm.s32 $0x400;
	s0 =	simm.s32 $0x180;
	[sflag:s28] =	ssyncadd.s32 $0xFFFFC000  }
.LBB2_4:
0x57: {  	[tilespmem:s21], [sflag:$0x2] =	stream.indirect.gather [hbm4b:s4+s20], $0x80, s0, s20, $0xb8;
	[tilespmem:$0x1E400] =	vst v63  }
0x58: {  	s0 =	smov.u32 s31  }
0x59: {  	p1 =	sne.s32 s31, $0x4800;
	s31 =	sadd.s32 $0x400, s31;
	_ =	swait.ge [sflag:s22], $0x4000  }
0x5a: {  	s0 =	sshra.s32 s0, $0x2;
	[sflag:s22] =	ssyncset.done $0x0  }
0x5b: {  	s2 =	sadd.s32 $0x1400, s0;
	[sflag:s22] =	ssyncadd.s32 $0xFFFFC000  }
0x5c: {  	[spmem:s1] =	stream.indirect.scatter.add.f32 [tilespmem:s17], [sflag:$0x3], $0x80, s2, s20, $0xb8;
	[tilespmem:$0x1E400] =	vst v63  }
0x5d: {  	_ =	swait.ge [sflag:s23], $0x4000  }
0x5e: {  	[sflag:s23] =	ssyncset.done $0x0  }
0x5f: {  	s2 =	sadd.s32 $0x1480, s0;
	[sflag:s23] =	ssyncadd.s32 $0xFFFFC000  }
0x60: {  	[spmem:s1] =	stream.indirect.scatter.add.f32 [tilespmem:s21], [sflag:$0x4], $0x80, s2, s20, $0xb8;
	[tilespmem:$0x1E400] =	vst v63  }
0x61: {  	_ =	swait.ge [sflag:s26], $0x4000  }
0x62: {  	[sflag:s26] =	ssyncset.done $0x0  }
.Ltmp1:
0x63: {  	s2 =	sadd.s32 $0x100, s0;
	[sflag:s26] =	ssyncadd.s32 $0xFFFFC000;
	(pc) =	sbr.rel @p1 .LBB2_4-.Ltmp1, $4  }
0x64: {  	[tilespmem:s17], [sflag:$0x1] =	stream.indirect.gather [hbm4b:s4+s20], $0x80, s2, s20, $0xb8;
	[tilespmem:$0x1E400] =	vst v63  }
0x65: {  	_ =	swait.ge [sflag:s28], $0x4000  }
0x66: {  	[sflag:s28] =	ssyncset.done $0x0  }
0x67: {  	s0 =	sadd.s32 $0x180, s0;
	[sflag:s28] =	ssyncadd.s32 $0xFFFFC000  }
0x68: {  	[tilespmem:s21], [sflag:$0x2] =	stream.indirect.gather [hbm4b:s4+s20], $0x80, s0, s20, $0xb8;
	[tilespmem:$0x1E400] =	vst v63  }
0x69: {  	_ =	swait.ge [sflag:s22], $0x4000  }
0x6a: {  	[sflag:s22] =	ssyncset.done $0x0  }
0x6b: {  	[sflag:s22] =	ssyncadd.s32 $0xFFFFC000  }
0x6c: {  	[spmem:s1] =	stream.indirect.scatter.add.f32 [tilespmem:s17], [sflag:$0x3], $0x80, s29, s20, $0xb8;
	[tilespmem:$0x1E400] =	vst v63  }
0x6d: {  	_ =	swait.ge [sflag:s23], $0x4000  }
0x6e: {  	[sflag:s23] =	ssyncset.done $0x0  }
0x6f: {  	[sflag:s23] =	ssyncadd.s32 $0xFFFFC000  }
0x70: {  	[spmem:s1] =	stream.indirect.scatter.add.f32 [tilespmem:s21], [sflag:$0x4], $0x80, s30, s20, $0xb8;
	[tilespmem:$0x1E400] =	vst v63  }
0x71: {  	_ =	swait.ge [sflag:s26], $0x4000  }
0x72: {  	[sflag:s26] =	ssyncset.done $0x0  }
0x73: {  	[sflag:s26] =	ssyncadd.s32 $0xFFFFC000  }
0x74: {  	_ =	swait.ge [sflag:s28], $0x4000  }
0x75: {  	[sflag:s28] =	ssyncset.done $0x0  }
0x76: {  	s2 =	simm.s32 $0x0;
	[sflag:s28] =	ssyncadd.s32 $0xFFFFC000  }
0x77: {  	[tilespmem:s2], [sflag:$0x5] =	stream.linear.gather [hbm4b:s12+s2], $0x1400, $0x38;
	[tilespmem:$0x1E400] =	vst v63  }
0x78: {  	_ =	swait.ge [sflag:s18], $0x1400  }
0x79: {  	[sflag:s18] =	ssyncset.done $0x0  }
0x7a: {  	[sflag:s18] =	ssyncadd.s32 $0xFFFFEC00  }
0x7b: {  	[tilespmem:s19], [sflag:$0x5] =	stream.linear.gather [hbm4b:s13+s2], $0x1400, $0x38;
	[tilespmem:$0x1E400] =	vst v63  }
0x7c: {  	_ =	swait.ge [sflag:s18], $0x1400  }
0x7d: {  	[sflag:s18] =	ssyncset.done $0x0  }
0x7e: {  	[sflag:s18] =	ssyncadd.s32 $0xFFFFEC00  }
0x7f: {  	[tilespmem:s17], [sflag:$0x1] =	stream.indirect.gather [hbm4b:s4+s20], $0x80, s2, s20, $0xb8;
	[tilespmem:$0x1E400] =	vst v63  }
0x80: {  	_ = 	snop  }
0x81: {  	[tilespmem:s21], [sflag:$0x2] =	stream.indirect.gather [hbm4b:s4+s20], $0x80, s20, s20, $0xb8;
	[tilespmem:$0x1E400] =	vst v63  }
0x82: {  	_ =	swait.ge [sflag:s22], $0x4000  }
0x83: {  	[sflag:s22] =	ssyncset.done $0x0  }
0x84: {  	s2 =	simm.s32 $0x1400;
	[sflag:s22] =	ssyncadd.s32 $0xFFFFC000  }
0x85: {  	[spmem:s1] =	stream.indirect.scatter.add.f32 [tilespmem:s17], [sflag:$0x3], $0x80, s2, s20, $0xb8;
	[tilespmem:$0x1E400] =	vst v63  }
0x86: {  	_ =	swait.ge [sflag:s23], $0x4000  }
0x87: {  	[sflag:s23] =	ssyncset.done $0x0  }
0x88: {  	s2 =	simm.s32 $0x1480;
	[sflag:s23] =	ssyncadd.s32 $0xFFFFC000  }
0x89: {  	[spmem:s1] =	stream.indirect.scatter.add.f32 [tilespmem:s21], [sflag:$0x4], $0x80, s2, s20, $0xb8;
	[tilespmem:$0x1E400] =	vst v63  }
0x8a: {  	_ =	swait.ge [sflag:s26], $0x4000  }
0x8b: {  	[sflag:s26] =	ssyncset.done $0x0  }
0x8c: {  	s2 =	simm.s32 $0x100;
	[sflag:s26] =	ssyncadd.s32 $0xFFFFC000  }
0x8d: {  	[tilespmem:s17], [sflag:$0x1] =	stream.indirect.gather [hbm4b:s4+s20], $0x80, s2, s20, $0xb8;
	[tilespmem:$0x1E400] =	vst v63  }
0x8e: {  	_ =	swait.ge [sflag:s28], $0x4000  }
0x8f: {  	[sflag:s28] =	ssyncset.done $0x0  }
0x90: {  	s31 =	simm.s32 $0x400;
	s0 =	simm.s32 $0x180;
	[sflag:s28] =	ssyncadd.s32 $0xFFFFC000  }
.LBB2_6:
0x91: {  	[tilespmem:s21], [sflag:$0x2] =	stream.indirect.gather [hbm4b:s4+s20], $0x80, s0, s20, $0xb8;
	[tilespmem:$0x1E400] =	vst v63  }
0x92: {  	s0 =	smov.u32 s31  }
0x93: {  	p1 =	sne.s32 s31, $0x4800;
	s31 =	sadd.s32 $0x400, s31;
	_ =	swait.ge [sflag:s22], $0x4000  }
0x94: {  	s0 =	sshra.s32 s0, $0x2;
	[sflag:s22] =	ssyncset.done $0x0  }
0x95: {  	s2 =	sadd.s32 $0x1400, s0;
	[sflag:s22] =	ssyncadd.s32 $0xFFFFC000  }
0x96: {  	[spmem:s1] =	stream.indirect.scatter.add.f32 [tilespmem:s17], [sflag:$0x3], $0x80, s2, s20, $0xb8;
	[tilespmem:$0x1E400] =	vst v63  }
0x97: {  	_ =	swait.ge [sflag:s23], $0x4000  }
0x98: {  	[sflag:s23] =	ssyncset.done $0x0  }
0x99: {  	s2 =	sadd.s32 $0x1480, s0;
	[sflag:s23] =	ssyncadd.s32 $0xFFFFC000  }
0x9a: {  	[spmem:s1] =	stream.indirect.scatter.add.f32 [tilespmem:s21], [sflag:$0x4], $0x80, s2, s20, $0xb8;
	[tilespmem:$0x1E400] =	vst v63  }
0x9b: {  	_ =	swait.ge [sflag:s26], $0x4000  }
0x9c: {  	[sflag:s26] =	ssyncset.done $0x0  }
.Ltmp2:
0x9d: {  	s2 =	sadd.s32 $0x100, s0;
	[sflag:s26] =	ssyncadd.s32 $0xFFFFC000;
	(pc) =	sbr.rel @p1 .LBB2_6-.Ltmp2, $4  }
0x9e: {  	[tilespmem:s17], [sflag:$0x1] =	stream.indirect.gather [hbm4b:s4+s20], $0x80, s2, s20, $0xb8;
	[tilespmem:$0x1E400] =	vst v63  }
0x9f: {  	_ =	swait.ge [sflag:s28], $0x4000  }
0xa0: {  	[sflag:s28] =	ssyncset.done $0x0  }
0xa1: {  	s0 =	sadd.s32 $0x180, s0;
	[sflag:s28] =	ssyncadd.s32 $0xFFFFC000  }
0xa2: {  	[tilespmem:s21], [sflag:$0x2] =	stream.indirect.gather [hbm4b:s4+s20], $0x80, s0, s20, $0xb8;
	[tilespmem:$0x1E400] =	vst v63  }
0xa3: {  	_ =	swait.ge [sflag:s22], $0x4000  }
0xa4: {  	[sflag:s22] =	ssyncset.done $0x0  }
0xa5: {  	[sflag:s22] =	ssyncadd.s32 $0xFFFFC000  }
0xa6: {  	[spmem:s1] =	stream.indirect.scatter.add.f32 [tilespmem:s17], [sflag:$0x3], $0x80, s29, s20, $0xb8;
	[tilespmem:$0x1E400] =	vst v63  }
0xa7: {  	_ =	swait.ge [sflag:s23], $0x4000  }
0xa8: {  	[sflag:s23] =	ssyncset.done $0x0  }
0xa9: {  	[sflag:s23] =	ssyncadd.s32 $0xFFFFC000  }
0xaa: {  	[spmem:s1] =	stream.indirect.scatter.add.f32 [tilespmem:s21], [sflag:$0x4], $0x80, s30, s20, $0xb8;
	[tilespmem:$0x1E400] =	vst v63  }
0xab: {  	_ =	swait.ge [sflag:s26], $0x4000  }
0xac: {  	[sflag:s26] =	ssyncset.done $0x0  }
0xad: {  	[sflag:s26] =	ssyncadd.s32 $0xFFFFC000  }
0xae: {  	_ =	swait.ge [sflag:s28], $0x4000  }
0xaf: {  	s31 =	stileid.u32;
	[sflag:s28] =	ssyncset.done $0x0  }
0xb0: {  	s0 =	sshll.u32 s31, $0x6;
	[sflag:s28] =	ssyncadd.s32 $0xFFFFC000  }
0xb1: {  	s0 =	sor.u32 $0x1C05, s0;
	[bflag:$0x0] =	sbarrier.arrive $0xFFFF  }
0xb2: {  	[hbm:s14], [sflag:s0] =	dma.local [spmem:s24], $0x2700  }
0xb3: {  	_ =	swait.ge [sflag:s18], $0x2700  }
0xb4: {  	s3 =	sadd.s32 $0x1, s3;
	[sflag:s18] =	ssyncset.done $0x0  }
0xb5: {  	p1 =	sne.s32 s3, s16;
	[sflag:s18] =	ssyncadd.s32 $0xFFFFD900  }
0xb6: {  	[hbm:s15], [sflag:s0] =	dma.local @!p0 [spmem:s25], $0x100  }
.Ltmp3:
0xb7: {  	_ = 	snop;
	(pc) =	sbr.rel @p1 .LBB2_1-.Ltmp3, $4  }
0xb8: {  	s0 =	simm.s32 @!p0 $0x5  }
0xb9: {  	_ =	swait.ge @!p0 [sflag:s0], $0x100  }
0xba: {  	[sflag:s0] =	ssyncset.done @!p0 $0x0  }
0xbb: {  	[sflag:s0] =	ssyncadd.s32 @!p0 $0xFFFFFF00  }
0xbc: {  	_ =	sfence.sel $0x180000  }
0xbd: {  	[bflag:$0x0] =	sbarrier.arrive $0xFFFF  }
0xbe: {  	_ =	strace $0x90000050  }
0xbf: {  	s0 =	stileid.u32;
	[bflag:$0x2] =	sbarrier.arrive $0xFFFF  }
0xc0: {  	p0 =	sne.s32 s0, $0x0;
	s0 =	rddreg [dreg:$0x3]  }
0xc1: {  	s0 =	sadd.s32 @!p0 $0x100000, s0  }
0xc2: {  	[sflag:s0] =	ssyncadd.tile.s32 @!p0 $0x1;
	_ =	shalt  }
.Lfunc_end2:
_tile_overlayer_lowered:
.L_overlay_start_2:
0xc3: {  	(tag) =	ssettag $0x2  }
0xc4: {  	s0 =	rddreg [dreg:$0x0];
	s2 =	stileid.u32  }
0xc5: {  	s1 =	rddreg [dreg:$0x1];
	p0 =	sne.s32 s2, $0x0  }
0xc6: {  	s3 =	rddreg [dreg:$0x2];
	[bflag:$0x3] =	sbarrier.arrive $0xFFFF;
	s2 =	simm.s32 @!p0 $0x1C05  }
0xc7: {  	[timem:s3], [sflag:s2] =	dma.local @!p0 [hbm:s0], s1  }
0xc8: {  	s0 =	simm.s32 @!p0 $0x5  }
0xc9: {  	_ =	swait.ge @!p0 [sflag:s0], s1  }
0xca: {  	s1 =	ssub.s32 @!p0 $0x0, s1;
	[sflag:s0] =	ssyncset.done @!p0 $0x0  }
0xcb: {  	[sflag:s0] =	ssyncadd.s32 @!p0 s1  }
0xcc: {  	[bflag:$0x3] =	sbarrier.arrive $0xFFFF  }
0xcd: {  	_ =	shalt  }

// kernel: kernel.17.cloned.1.call-start
scs
__scs_entry_jumppad:
0x0: {  	(pc) =	sbr.rel $0x88, $3  }
0x1: {  	(tag) =	ssettag $0x0;
	lr =	simm.s32 $0x1  }
0x2: {  	[smem:$0x3F99] =	sst lr;
	_ =	strace $0xD0000000  }
0x3: {  	_ = 	snop  }
0x4: {  	_ = 	snop  }
0x5: {  	_ = 	snop  }
0x6: {  	_ = 	snop  }
0x7: {  	_ = 	snop  }
__scs_overlays_trampoline_lowered:
0x8: {  	[smem:$0x3FA8] =	sst s0  }
0x9: {  	[smem:$0x3FA9] =	sst s1  }
0xa: {  	[smem:$0x3FAA] =	sst s2  }
0xb: {  	[smem:$0x3FAB] =	sst s3  }
0xc: {  	[smem:$0x3FAC] =	sst s4  }
0xd: {  	[smem:$0x3FAD] =	sst s5  }
0xe: {  	[smem:$0x3FAE] =	sst s6  }
0xf: {  	[smem:$0x3FAF] =	sst s7  }
0x10: {  	[smem:$0x3FB0] =	sst s8  }
0x11: {  	[smem:$0x3FB1] =	sst s9;
	s0 =	simm.s32 @!p0 $0x0  }
0x12: {  	s1 =	sld [smem:$0x3F97];
	s0 =	simm.s32 @p0 $0x1  }
0x13: {  	[smem:$0x3FB2] =	sst s0;
	s0 =	simm.s32 @!p1 $0x0  }
0x14: {  	s2 =	sld [smem:$0x3F96];
	s0 =	simm.s32 @p1 $0x1  }
0x15: {  	[smem:$0x3FB3] =	sst s0;
	s0 =	simm.s32 @!p2 $0x0  }
0x16: {  	s3 =	sld [smem:$0x3FDB];
	s0 =	simm.s32 @p2 $0x1  }
0x17: {  	s4 =	simm.s32 $0x1BF5;
	[smem:$0x3FB5] =	sst s0  }
0x18: {  	s0 =	sld [smem:$0x3F98];
	_ =	swait.ge [sflag:s4], $0x0  }
0x19: {  	s7 =	sld [smem:$0x3F99]  }
0x1a: {  	s8 =	sadd.s32 $0xFFFFE003, lr  }
0x1b: {  	s9 =	sadd.s32 $0xFFFFFEF7, lr;
	s5 =	simm.s32 $0xFFFFFFFF;
	p2 =	slt.u32 s8, $0xFFFFF086  }
0x1c: {  	p1 =	slt.u32 s9, $0xF7A;
	s5 =	simm.s32 @!p2 $0x0  }
0x1d: {  	s5 =	simm.s32 @p1 $0x1;
	p0 =	seq.s32 s7, s2  }
0x1e: {  	s7 =	smul.u32 @!p0 $0xF7A, s2;
	p2 =	seq.s32 @!p0 s5, $0x0  }
0x1f: {  	s9 =	smul.u32 $0xF7A, s1;
	s8 =	simm.s32 @!p0 $0x1BF5;
	p2 =	por !p2, p0  }
0x20: {  	[sflag:s8] =	ssyncset.s32 @!p0 $0xFFFFF086;
	s6 =	sadd.s32 @!p0 s3, s7;
	s7 =	simm.s32 @!p0 $0x108  }
0x21: {  	s3 =	sadd.s32 s3, s9;
	s6 =	sadd.s32 @!p0 $0x88, s6;
	s7 =	simm.s32 @p2 $0x1082  }
0x22: {  	[simem:s7], [sflag:s8] =	dma.local @!p0 [hbm:s6], $0xF7A  }
0x23: {  	s9 =	sor.u32 $0xD0000000, s2;
	s6 =	simm.s32 $0x108;
	_ =	swait.ge @!p0 [sflag:s8], $0x0  }
0x24: {  	s3 =	sadd.s32 $0x88, s3;
	s6 =	simm.s32 @!p1 $0x1082;
	[sflag:s4] =	ssyncset.s32 $0xFFFFF086  }
0x25: {  	[simem:s6], [sflag:s4] =	dma.local [hbm:s3], $0xF7A  }
0x26: {  	[smem:$0x3F99] =	sst s1;
	(tag) =	ssettag s2;
	_ =	strace s9  }
0x27: {  	s1 =	sld [smem:$0x3FA9]  }
0x28: {  	s2 =	sld [smem:$0x3FAA]  }
0x29: {  	s4 =	sld [smem:$0x3FAC]  }
0x2a: {  	p0 =	seq.s32 s5, $0x0;
	s5 =	sld [smem:$0x3FAD]  }
0x2b: {  	s6 =	sld [smem:$0x3FAE]  }
0x2c: {  	s7 =	sld [smem:$0x3FAF]  }
0x2d: {  	s3 =	simm.s32 $0x108;
	s8 =	sld [smem:$0x3FB0]  }
0x2e: {  	s3 =	simm.s32 @!p0 $0x1082;
	s9 =	sld [smem:$0x3FB1]  }
0x2f: {  	lr =	sadd.s32 s0, s3;
	s0 =	sld [smem:$0x3FA8]  }
0x30: {  	s3 =	sld [smem:$0x3FAB]  }
0x31: {  	[smem:$0x3FB4] =	sst s10  }
0x32: {  	s10 =	sld [smem:$0x3FB2];
	_ =	sdelay $0x3  }
0x33: {  	p0 =	seq.s32 s10, $0x1;
	s10 =	sld [smem:$0x3FB4];
	_ =	sdelay $0x3  }
0x34: {  	[smem:$0x3FB4] =	sst s10  }
0x35: {  	s10 =	sld [smem:$0x3FB3];
	_ =	sdelay $0x3  }
0x36: {  	p1 =	seq.s32 s10, $0x1;
	s10 =	sld [smem:$0x3FB4];
	_ =	sdelay $0x3  }
0x37: {  	[smem:$0x3FB4] =	sst s10  }
0x38: {  	s10 =	sld [smem:$0x3FB5]  }
0x39: {  	_ = 	snop;
	(pc) =	sbr.ind lr, $3  }
0x3a: {  	_ = 	snop  }
0x3b: {  	_ = 	snop  }
0x3c: {  	p2 =	seq.s32 s10, $0x1;
	s10 =	sld [smem:$0x3FB4]  }
0x3d: {  	_ =	shalt  }
0x3e: {  	_ =	shalt  }
0x3f: {  	_ =	shalt  }
0x40: {  	_ =	shalt  }
0x41: {  	_ =	shalt  }
0x42: {  	_ =	shalt  }
0x43: {  	_ =	shalt  }
0x44: {  	_ =	shalt  }
0x45: {  	_ =	shalt  }
0x46: {  	_ =	shalt  }
0x47: {  	_ =	shalt  }
0x48: {  	_ =	shalt  }
0x49: {  	_ =	shalt  }
0x4a: {  	_ =	shalt  }
0x4b: {  	_ =	shalt  }
0x4c: {  	_ =	shalt  }
0x4d: {  	_ =	shalt  }
0x4e: {  	_ =	shalt  }
0x4f: {  	_ =	shalt  }
0x50: {  	_ =	shalt  }
0x51: {  	_ =	shalt  }
0x52: {  	_ =	shalt  }
0x53: {  	_ =	shalt  }
0x54: {  	_ =	shalt  }
0x55: {  	_ =	shalt  }
0x56: {  	_ =	shalt  }
0x57: {  	_ =	shalt  }
0x58: {  	_ =	shalt  }
0x59: {  	_ =	shalt  }
0x5a: {  	_ =	shalt  }
0x5b: {  	_ =	shalt  }
0x5c: {  	_ =	shalt  }
0x5d: {  	_ =	shalt  }
0x5e: {  	_ =	shalt  }
0x5f: {  	_ =	shalt  }
0x60: {  	_ =	shalt  }
0x61: {  	_ =	shalt  }
0x62: {  	_ =	shalt  }
0x63: {  	_ =	shalt  }
0x64: {  	_ =	shalt  }
0x65: {  	_ =	shalt  }
0x66: {  	_ =	shalt  }
0x67: {  	_ =	shalt  }
0x68: {  	_ =	shalt  }
0x69: {  	_ =	shalt  }
0x6a: {  	_ =	shalt  }
0x6b: {  	_ =	shalt  }
0x6c: {  	_ =	shalt  }
0x6d: {  	_ =	shalt  }
0x6e: {  	_ =	shalt  }
0x6f: {  	_ =	shalt  }
0x70: {  	_ =	shalt  }
0x71: {  	_ =	shalt  }
0x72: {  	_ =	shalt  }
0x73: {  	_ =	shalt  }
0x74: {  	_ =	shalt  }
0x75: {  	_ =	shalt  }
0x76: {  	_ =	shalt  }
0x77: {  	_ =	shalt  }
0x78: {  	_ =	shalt  }
0x79: {  	_ =	shalt  }
0x7a: {  	_ =	shalt  }
0x7b: {  	_ =	shalt  }
0x7c: {  	_ =	shalt  }
0x7d: {  	_ =	shalt  }
0x7e: {  	_ =	shalt  }
0x7f: {  	_ =	shalt  }
0x80: {  	_ =	shalt  }
0x81: {  	_ =	shalt  }
0x82: {  	_ =	shalt  }
0x83: {  	_ =	shalt  }
0x84: {  	_ =	shalt  }
0x85: {  	_ =	shalt  }
0x86: {  	_ =	shalt  }
0x87: {  	_ =	shalt  }
.Lfunc_end0:
.L_simem_size_0:
called_computation.4_lowered:
.L_overlay_start_0:
0x88: {  	s2 =	sld [smem:$0x3FD9]  }
0x89: {  	s3 =	sld [smem:$0x3FFE];
	_ =	sdelay $0x1  }
0x8a: {  	s1 =	srdreg.scid  }
0x8b: {  	s0 =	sand.u32 $0x1, s1  }
0x8c: {  	s17 =	sshll.u32 s0, $0xA;
	s2 =	sadd.s32 s3, s2  }
0x8d: {  	s2 =	sadd.s32 s2, s17  }
0x8e: {  	[smem:$0x3FC0] =	sst s2  }
0x8f: {  	_ = 	snop  }
0x90: {  	s2 =	sld [smem:$0x3FD0];
	(tm) =	ssettm $0x1  }
0x91: {  	s18 =	sld [smem:$0x3FFB];
	_ =	sdelay $0x3  }
0x92: {  	_ =	strace s18  }
0x93: {  	s3 =	sld [smem:$0x3FFC];
	_ =	sdelay $0x3  }
0x94: {  	_ =	strace s3  }
0x95: {  	s3 =	sld [smem:$0x3FFD];
	_ =	sdelay $0x3  }
0x96: {  	_ =	strace s3  }
0x97: {  	_ =	strace $0x8FFFFFFF  }
0x98: {  	s19 =	sld [smem:$0x3FDB];
	_ =	sdelay $0x1  }
0x99: {  	s4 =	simm.s32 $_scs_section_size  }
0x9a: {  	s5 =	simm.s32 $_size__tile_overlayer_lowered;
	s6 =	simm.s32 $_tile_overlayer_lowered  }
0x9b: {  	s22 =	simm.s32 $0x1BFF;
	s21 =	sshll.u32 s6, $0x1;
	s3 =	sadd.s32 s4, s19  }
0x9c: {  	s7 =	simm.s32 $0x0;
	s20 =	sshll.u32 s5, $0x1;
	s5 =	sadd.s32 s21, s3  }
0x9d: {  	[timem:s7], [sflag:s22] =	dma.local [hbm:s5], s20  }
0x9e: {  	_ =	swait.ge [sflag:s22], s20  }
0x9f: {  	s4 =	ssub.s32 $0x0, s20;
	[sflag:s22] =	ssyncset.done $0x0  }
0xa0: {  	[sflag:s22] =	ssyncadd.s32 s4;
	_ =	sdelay $0x1  }
0xa1: {  	s23 =	simm.s32 $0x1B8B  }
0xa2: {  	_ =	swait.ge [sflag:s23], $0x1  }
0xa3: {  	[sflag:s23] =	ssyncset.done $0x0  }
0xa4: {  	s25 =	simm.s32 $0x1B8E;
	s24 =	sld [smem:$0x3FFE];
	[sflag:s23] =	ssyncadd.s32 $0xFFFFFFFF  }
0xa5: {  	s26 =	simm.s32 $execute0_lowered;
	[smem:$0x3FD2] =	sst s25  }
0xa6: {  	s5 =	sshll.u32 s26, $0x1;
	_ =	strace $0x80000052;
	[dreg:$0x1] =	wrdreg $0xFFFFFFFF  }
0xa7: {  	s28 =	simm.s32 $_size_execute0_lowered;
	s3 =	sadd.s32 s3, s5;
	[dreg:$0x0] =	wrdreg $0x0  }
0xa8: {  	s5 =	sshll.u32 s28, $0x1;
	[dreg:$0x2] =	wrdreg s3  }
0xa9: {  	[dreg:$0x3] =	wrdreg s5  }
0xaa: {  	[dreg:$0x4] =	wrdreg $0xC0  }
0xab: {  	_ =	task [dreg:s7], $0x5FFFF  }
0xac: {  	[dreg:$0x1] =	wrdreg $0xFFFFFFFF  }
0xad: {  	[dreg:$0x0] =	wrdreg $0x60  }
0xae: {  	[dreg:$0x2] =	wrdreg s2  }
0xaf: {  	[dreg:$0x3] =	wrdreg s24  }
0xb0: {  	[dreg:$0x4] =	wrdreg $0xA8000  }
0xb1: {  	[dreg:$0x5] =	wrdreg $0x9  }
0xb2: {  	_ =	task.clear_ibuf [dreg:s7], $0x6FFFF;
	_ =	strace $0x90000052  }
0xb3: {  	s29 =	simm.s32 $0x9;
	_ =	strace $0x80000054  }
0xb4: {  	_ =	swait.ge [sflag:s29], $0x1  }
0xb5: {  	[sflag:s29] =	ssyncadd.s32 $0xFFFFFFFF  }
0xb6: {  	_ =	strace $0x90000054  }
0xb7: {  	_ =	sfence  }
0xb8: {  	s30 =	sld [smem:$0x0];
	_ =	sdelay $0x2  }
0xb9: {  	s31 =	sshll.u32 s1, $0xD;
	s1 =	sshrl.u32 s1, $0x2  }
0xba: {  	s3 =	sand.u32 $0x4000, s31;
	s1 =	sadd.s32 s1, s30  }
0xbb: {  	s0 =	sor.u32 s3, s0;
	s1 =	sshll.u32 s1, $0x11  }
0xbc: {  	s0 =	sor.u32 s1, s0  }
0xbd: {  	s0 =	sadd.s32 $0x8F2B, s0  }
0xbe: {  	[sflag:s0] =	ssyncadd.remote.s32 $0x1  }
0xbf: {  	_ =	sfence.sel $0xFFFF  }
0xc0: {  	[dreg:$0x0] =	wrdreg $0xFFFFFFFF;
	(pc) =	sbr.abs _section_cstart, $3  }
0xc1: {  	[dreg:$0x1] =	wrdreg $0xFFFFFFFF  }
0xc2: {  	_ =	task.clear_ibuf [dreg:s7], $0x2FFFF;
	_ =	strace $0x9FFFFFFF  }
0xc3: {  	(tm) =	ssettm $0x7FFFFFFF  }
tec
execute0_lowered:
.L_overlay_start_1:
0x0: {  	(tag) =	ssettag $0x1  }
0x1: {  	s0 =	rddreg [dreg:$0x0]  }
0x2: {  	s5 =	rddreg [dreg:$0x1]  }
0x3: {  	s1 =	rddreg [dreg:$0x2];
	s2 =	stileid.u32  }
0x4: {  	s3 =	simm.s32 $0x0;
	s6 =	srdreg.scid;
	s7 =	smul.u32 $0x4F000, s2  }
0x5: {  	s19 =	simm.s32 $0x1400;
	s20 =	simm.s32 $0x80;
	s9 =	smul.u32 $0x50, s2  }
0x6: {  	s21 =	simm.s32 $0x6800;
	s22 =	simm.s32 $0x1;
	s11 =	smul.u32 $0x500, s2  }
0x7: {  	s28 =	simm.s32 $0x4;
	s29 =	simm.s32 $0x2700;
	s15 =	smul.u32 $0x2800, s2  }
0x8: {  	s30 =	simm.s32 $0x2780;
	[smem:$0x7FF] =	sst s3;
	s17 =	smul.u32 $0x4E000, s2  }
0x9: {  	s13 =	sadd.s32 $0x8A00, s5;
	s12 =	sand.u32 $0x1, s6;
	s26 =	smul.u32 $0x2700, s2  }
0xa: {  	s4 =	sadd.s32 $0x12A00, s5;
	s14 =	sadd.s32 $0x60C00, s5;
	s8 =	smul.u32 $0x500, s12  }
0xb: {  	p0 =	sne.s32 s2, $0xF;
	_ =	strace $0x80000053;
	s25 =	smul.u32 $0x27100, s12  }
0xc: {  	s6 =	ssub.s32 $0x2, s12;
	s18 =	smul.u32 $0x138800, s12;
	s23 =	sshrl.u32 s7, $0x2  }
0xd: {  	s24 =	sshrl.u32 s6, $0x1;
	s11 =	sadd.s32 s13, s11;
	s15 =	sshrl.u32 s15, $0x3  }
0xe: {  	s17 =	sshrl.u32 s17, $0x2;
	s5 =	sadd.s32 s23, s1;
	s16 =	ssub.s32 s6, s24  }
0xf: {  	s9 =	sadd.s32 s9, s8;
	s13 =	sadd.s32 s13, s15;
	s18 =	sshrl.u32 s18, $0x3  }
0x10: {  	s24 =	sadd.s32 s17, s1;
	s17 =	simm.s32 $0x2800;
	s23 =	simm.s32 $0x2  }
0x11: {  	s6 =	sadd.s32 $0x4000, s5;
	s7 =	sadd.s32 $0x8000, s5;
	s8 =	sadd.s32 $0xC000, s5  }
0x12: {  	s10 =	sshll.u32 s9, $0x4;
	s9 =	sadd.s32 $0x10000, s5;
	s13 =	sadd.s32 $0x280, s13  }
0x13: {  	s31 =	sadd.s32 s14, s18;
	s16 =	smax.u32 s16, $0x1;
	s18 =	simm.s32 $0x5  }
0x14: {  	s24 =	sshrl.u32 s24, $0x3;
	s10 =	sadd.s32 s0, s10;
	s0 =	sadd.s32 s26, s25  }
0x15: {  	s15 =	sadd.s32 $0x27000, s31;
	s14 =	sadd.s32 s14, s0;
	s0 =	sadd.s32 $0x138000, s1  }
0x16: {  	v0 =	vimm.f32 $0.0e+00;
	s26 =	simm.s32 $0x3;
	s12 =	sadd.s32 $0x280, s10;
	s25 =	sshrl.u32 @!p0 s0, $0x3  }
.LBB2_1:
0x17: {  	s31 =	simm.s32 $0x0;
	s0 =	simm.s32 $0x200  }
.LBB2_2:
0x18: {  	p1 =	sne.s32 s0, $0xFE00;
	[tilespmem:s31+$0x2870] =	vst v0  }
0x19: {  	[tilespmem:s31+$0x2800] =	vst v0  }
0x1a: {  	[tilespmem:s31+$0x2810] =	vst v0  }
.Ltmp0:
0x1b: {  	[tilespmem:s31+$0x2820] =	vst v0;
	(pc) =	sbr.rel @p1 .LBB2_2-.Ltmp0, $4  }
0x1c: {  	[tilespmem:s31+$0x2830] =	vst v0  }
0x1d: {  	[tilespmem:s31+$0x2840] =	vst v0  }
0x1e: {  	[tilespmem:s31+$0x2850] =	vst v0  }
0x1f: {  	[tilespmem:s31+$0x2860] =	vst v0;
	s31 =	sshra.s32 s0, $0x2;
	s0 =	sadd.s32 $0x200, s0  }
0x20: {  	[tilespmem:s31+$0x2870] =	vst v0  }
0x21: {  	[tilespmem:s31+$0x2800] =	vst v0  }
0x22: {  	[tilespmem:s31+$0x2810] =	vst v0  }
0x23: {  	[tilespmem:s31+$0x2820] =	vst v0  }
0x24: {  	[tilespmem:s31+$0x2830] =	vst v0  }
0x25: {  	[tilespmem:s31+$0x2840] =	vst v0  }
0x26: {  	[tilespmem:s31+$0x2850] =	vst v0  }
0x27: {  	[tilespmem:s31+$0x2860] =	vst v0  }
0x28: {  	[spmem:s5] =	stream.linear.scatter [tilespmem:s17], [sflag:$0x5], $0x4000, $0x38;
	[tilespmem:$0x1E400] =	vst v63  }
0x29: {  	_ =	swait.ge [sflag:s18], $0x4000  }
0x2a: {  	[sflag:s18] =	ssyncset.done $0x0  }
0x2b: {  	[sflag:s18] =	ssyncadd.s32 $0xFFFFC000  }
0x2c: {  	[spmem:s6] =	stream.linear.scatter [tilespmem:s17], [sflag:$0x5], $0x4000, $0x38;
	[tilespmem:$0x1E400] =	vst v63  }
0x2d: {  	_ =	swait.ge [sflag:s18], $0x4000  }
0x2e: {  	[sflag:s18] =	ssyncset.done $0x0  }
0x2f: {  	[sflag:s18] =	ssyncadd.s32 $0xFFFFC000  }
0x30: {  	[spmem:s7] =	stream.linear.scatter [tilespmem:s17], [sflag:$0x5], $0x4000, $0x38;
	[tilespmem:$0x1E400] =	vst v63  }
0x31: {  	_ =	swait.ge [sflag:s18], $0x4000  }
0x32: {  	[sflag:s18] =	ssyncset.done $0x0  }
0x33: {  	[sflag:s18] =	ssyncadd.s32 $0xFFFFC000  }
0x34: {  	[spmem:s8] =	stream.linear.scatter [tilespmem:s17], [sflag:$0x5], $0x4000, $0x38;
	[tilespmem:$0x1E400] =	vst v63  }
0x35: {  	_ =	swait.ge [sflag:s18], $0x4000  }
0x36: {  	[sflag:s18] =	ssyncset.done $0x0  }
0x37: {  	[sflag:s18] =	ssyncadd.s32 $0xFFFFC000  }
0x38: {  	[spmem:s9] =	stream.linear.scatter [tilespmem:s17], [sflag:$0x5], $0x3C00, $0x38;
	[tilespmem:$0x1E400] =	vst v63  }
0x39: {  	_ =	swait.ge [sflag:s18], $0x3C00  }
0x3a: {  	[sflag:s18] =	ssyncset.done $0x0  }
0x3b: {  	[sflag:s18] =	ssyncadd.s32 $0xFFFFC400  }
0x3c: {  	s0 =	simm.s32 $0x0;
	[bflag:$0x0] =	sbarrier.arrive $0xFFFF  }
0x3d: {  	[tilespmem:s0], [sflag:$0x5] =	stream.linear.gather [hbm4b:s10+s0], $0x1400, $0x38;
	[tilespmem:$0x1E400] =	vst v63  }
0x3e: {  	_ =	swait.ge [sflag:s18], $0x1400  }
0x3f: {  	[sflag:s18] =	ssyncset.done $0x0  }
0x40: {  	[sflag:s18] =	ssyncadd.s32 $0xFFFFEC00  }
0x41: {  	[tilespmem:s19], [sflag:$0x5] =	stream.linear.gather [hbm4b:s11+s0], $0x1400, $0x38;
	[tilespmem:$0x1E400] =	vst v63  }
0x42: {  	_ =	swait.ge [sflag:s18], $0x1400  }
0x43: {  	[sflag:s18] =	ssyncset.done $0x0  }
0x44: {  	[sflag:s18] =	ssyncadd.s32 $0xFFFFEC00  }
0x45: {  	[tilespmem:s17], [sflag:$0x1] =	stream.indirect.gather [hbm4b:s4+s20], $0x80, s0, s20, $0xb8;
	[tilespmem:$0x1E400] =	vst v63  }
0x46: {  	_ = 	snop  }
0x47: {  	[tilespmem:s21], [sflag:$0x2] =	stream.indirect.gather [hbm4b:s4+s20], $0x80, s20, s20, $0xb8;
	[tilespmem:$0x1E400] =	vst v63  }
0x48: {  	_ =	swait.ge [sflag:s22], $0x4000  }
0x49: {  	[sflag:s22] =	ssyncset.done $0x0  }
0x4a: {  	s2 =	simm.s32 $0x1400;
	[sflag:s22] =	ssyncadd.s32 $0xFFFFC000  }
0x4b: {  	[spmem:s1] =	stream.indirect.scatter.add.f32 [tilespmem:s17], [sflag:$0x3], $0x80, s2, s20, $0xb8;
	[tilespmem:$0x1E400] =	vst v63  }
0x4c: {  	_ =	swait.ge [sflag:s23], $0x4000  }
0x4d: {  	[sflag:s23] =	ssyncset.done $0x0  }
0x4e: {  	s2 =	simm.s32 $0x1480;
	[sflag:s23] =	ssyncadd.s32 $0xFFFFC000  }
0x4f: {  	[spmem:s1] =	stream.indirect.scatter.add.f32 [tilespmem:s21], [sflag:$0x4], $0x80, s2, s20, $0xb8;
	[tilespmem:$0x1E400] =	vst v63  }
0x50: {  	_ =	swait.ge [sflag:s26], $0x4000  }
0x51: {  	[sflag:s26] =	ssyncset.done $0x0  }
0x52: {  	s2 =	simm.s32 $0x100;
	[sflag:s26] =	ssyncadd.s32 $0xFFFFC000  }
0x53: {  	[tilespmem:s17], [sflag:$0x1] =	stream.indirect.gather [hbm4b:s4+s20], $0x80, s2, s20, $0xb8;
	[tilespmem:$0x1E400] =	vst v63  }
0x54: {  	_ =	swait.ge [sflag:s28], $0x4000  }
0x55: {  	[sflag:s28] =	ssyncset.done $0x0  }
0x56: {  	s31 =	simm.s32 $0x400;
	s0 =	simm.s32 $0x180;
	[sflag:s28] =	ssyncadd.s32 $0xFFFFC000  }
.LBB2_4:
0x57: {  	[tilespmem:s21], [sflag:$0x2] =	stream.indirect.gather [hbm4b:s4+s20], $0x80, s0, s20, $0xb8;
	[tilespmem:$0x1E400] =	vst v63  }
0x58: {  	s0 =	smov.u32 s31  }
0x59: {  	p1 =	sne.s32 s31, $0x4800;
	s31 =	sadd.s32 $0x400, s31;
	_ =	swait.ge [sflag:s22], $0x4000  }
0x5a: {  	s0 =	sshra.s32 s0, $0x2;
	[sflag:s22] =	ssyncset.done $0x0  }
0x5b: {  	s2 =	sadd.s32 $0x1400, s0;
	[sflag:s22] =	ssyncadd.s32 $0xFFFFC000  }
0x5c: {  	[spmem:s1] =	stream.indirect.scatter.add.f32 [tilespmem:s17], [sflag:$0x3], $0x80, s2, s20, $0xb8;
	[tilespmem:$0x1E400] =	vst v63  }
0x5d: {  	_ =	swait.ge [sflag:s23], $0x4000  }
0x5e: {  	[sflag:s23] =	ssyncset.done $0x0  }
0x5f: {  	s2 =	sadd.s32 $0x1480, s0;
	[sflag:s23] =	ssyncadd.s32 $0xFFFFC000  }
0x60: {  	[spmem:s1] =	stream.indirect.scatter.add.f32 [tilespmem:s21], [sflag:$0x4], $0x80, s2, s20, $0xb8;
	[tilespmem:$0x1E400] =	vst v63  }
0x61: {  	_ =	swait.ge [sflag:s26], $0x4000  }
0x62: {  	[sflag:s26] =	ssyncset.done $0x0  }
.Ltmp1:
0x63: {  	s2 =	sadd.s32 $0x100, s0;
	[sflag:s26] =	ssyncadd.s32 $0xFFFFC000;
	(pc) =	sbr.rel @p1 .LBB2_4-.Ltmp1, $4  }
0x64: {  	[tilespmem:s17], [sflag:$0x1] =	stream.indirect.gather [hbm4b:s4+s20], $0x80, s2, s20, $0xb8;
	[tilespmem:$0x1E400] =	vst v63  }
0x65: {  	_ =	swait.ge [sflag:s28], $0x4000  }
0x66: {  	[sflag:s28] =	ssyncset.done $0x0  }
0x67: {  	s0 =	sadd.s32 $0x180, s0;
	[sflag:s28] =	ssyncadd.s32 $0xFFFFC000  }
0x68: {  	[tilespmem:s21], [sflag:$0x2] =	stream.indirect.gather [hbm4b:s4+s20], $0x80, s0, s20, $0xb8;
	[tilespmem:$0x1E400] =	vst v63  }
0x69: {  	_ =	swait.ge [sflag:s22], $0x4000  }
0x6a: {  	[sflag:s22] =	ssyncset.done $0x0  }
0x6b: {  	[sflag:s22] =	ssyncadd.s32 $0xFFFFC000  }
0x6c: {  	[spmem:s1] =	stream.indirect.scatter.add.f32 [tilespmem:s17], [sflag:$0x3], $0x80, s29, s20, $0xb8;
	[tilespmem:$0x1E400] =	vst v63  }
0x6d: {  	_ =	swait.ge [sflag:s23], $0x4000  }
0x6e: {  	[sflag:s23] =	ssyncset.done $0x0  }
0x6f: {  	[sflag:s23] =	ssyncadd.s32 $0xFFFFC000  }
0x70: {  	[spmem:s1] =	stream.indirect.scatter.add.f32 [tilespmem:s21], [sflag:$0x4], $0x80, s30, s20, $0xb8;
	[tilespmem:$0x1E400] =	vst v63  }
0x71: {  	_ =	swait.ge [sflag:s26], $0x4000  }
0x72: {  	[sflag:s26] =	ssyncset.done $0x0  }
0x73: {  	[sflag:s26] =	ssyncadd.s32 $0xFFFFC000  }
0x74: {  	_ =	swait.ge [sflag:s28], $0x4000  }
0x75: {  	[sflag:s28] =	ssyncset.done $0x0  }
0x76: {  	s2 =	simm.s32 $0x0;
	[sflag:s28] =	ssyncadd.s32 $0xFFFFC000  }
0x77: {  	[tilespmem:s2], [sflag:$0x5] =	stream.linear.gather [hbm4b:s12+s2], $0x1400, $0x38;
	[tilespmem:$0x1E400] =	vst v63  }
0x78: {  	_ =	swait.ge [sflag:s18], $0x1400  }
0x79: {  	[sflag:s18] =	ssyncset.done $0x0  }
0x7a: {  	[sflag:s18] =	ssyncadd.s32 $0xFFFFEC00  }
0x7b: {  	[tilespmem:s19], [sflag:$0x5] =	stream.linear.gather [hbm4b:s13+s2], $0x1400, $0x38;
	[tilespmem:$0x1E400] =	vst v63  }
0x7c: {  	_ =	swait.ge [sflag:s18], $0x1400  }
0x7d: {  	[sflag:s18] =	ssyncset.done $0x0  }
0x7e: {  	[sflag:s18] =	ssyncadd.s32 $0xFFFFEC00  }
0x7f: {  	[tilespmem:s17], [sflag:$0x1] =	stream.indirect.gather [hbm4b:s4+s20], $0x80, s2, s20, $0xb8;
	[tilespmem:$0x1E400] =	vst v63  }
0x80: {  	_ = 	snop  }
0x81: {  	[tilespmem:s21], [sflag:$0x2] =	stream.indirect.gather [hbm4b:s4+s20], $0x80, s20, s20, $0xb8;
	[tilespmem:$0x1E400] =	vst v63  }
0x82: {  	_ =	swait.ge [sflag:s22], $0x4000  }
0x83: {  	[sflag:s22] =	ssyncset.done $0x0  }
0x84: {  	s2 =	simm.s32 $0x1400;
	[sflag:s22] =	ssyncadd.s32 $0xFFFFC000  }
0x85: {  	[spmem:s1] =	stream.indirect.scatter.add.f32 [tilespmem:s17], [sflag:$0x3], $0x80, s2, s20, $0xb8;
	[tilespmem:$0x1E400] =	vst v63  }
0x86: {  	_ =	swait.ge [sflag:s23], $0x4000  }
0x87: {  	[sflag:s23] =	ssyncset.done $0x0  }
0x88: {  	s2 =	simm.s32 $0x1480;
	[sflag:s23] =	ssyncadd.s32 $0xFFFFC000  }
0x89: {  	[spmem:s1] =	stream.indirect.scatter.add.f32 [tilespmem:s21], [sflag:$0x4], $0x80, s2, s20, $0xb8;
	[tilespmem:$0x1E400] =	vst v63  }
0x8a: {  	_ =	swait.ge [sflag:s26], $0x4000  }
0x8b: {  	[sflag:s26] =	ssyncset.done $0x0  }
0x8c: {  	s2 =	simm.s32 $0x100;
	[sflag:s26] =	ssyncadd.s32 $0xFFFFC000  }
0x8d: {  	[tilespmem:s17], [sflag:$0x1] =	stream.indirect.gather [hbm4b:s4+s20], $0x80, s2, s20, $0xb8;
	[tilespmem:$0x1E400] =	vst v63  }
0x8e: {  	_ =	swait.ge [sflag:s28], $0x4000  }
0x8f: {  	[sflag:s28] =	ssyncset.done $0x0  }
0x90: {  	s31 =	simm.s32 $0x400;
	s0 =	simm.s32 $0x180;
	[sflag:s28] =	ssyncadd.s32 $0xFFFFC000  }
.LBB2_6:
0x91: {  	[tilespmem:s21], [sflag:$0x2] =	stream.indirect.gather [hbm4b:s4+s20], $0x80, s0, s20, $0xb8;
	[tilespmem:$0x1E400] =	vst v63  }
0x92: {  	s0 =	smov.u32 s31  }
0x93: {  	p1 =	sne.s32 s31, $0x4800;
	s31 =	sadd.s32 $0x400, s31;
	_ =	swait.ge [sflag:s22], $0x4000  }
0x94: {  	s0 =	sshra.s32 s0, $0x2;
	[sflag:s22] =	ssyncset.done $0x0  }
0x95: {  	s2 =	sadd.s32 $0x1400, s0;
	[sflag:s22] =	ssyncadd.s32 $0xFFFFC000  }
0x96: {  	[spmem:s1] =	stream.indirect.scatter.add.f32 [tilespmem:s17], [sflag:$0x3], $0x80, s2, s20, $0xb8;
	[tilespmem:$0x1E400] =	vst v63  }
0x97: {  	_ =	swait.ge [sflag:s23], $0x4000  }
0x98: {  	[sflag:s23] =	ssyncset.done $0x0  }
0x99: {  	s2 =	sadd.s32 $0x1480, s0;
	[sflag:s23] =	ssyncadd.s32 $0xFFFFC000  }
0x9a: {  	[spmem:s1] =	stream.indirect.scatter.add.f32 [tilespmem:s21], [sflag:$0x4], $0x80, s2, s20, $0xb8;
	[tilespmem:$0x1E400] =	vst v63  }
0x9b: {  	_ =	swait.ge [sflag:s26], $0x4000  }
0x9c: {  	[sflag:s26] =	ssyncset.done $0x0  }
.Ltmp2:
0x9d: {  	s2 =	sadd.s32 $0x100, s0;
	[sflag:s26] =	ssyncadd.s32 $0xFFFFC000;
	(pc) =	sbr.rel @p1 .LBB2_6-.Ltmp2, $4  }
0x9e: {  	[tilespmem:s17], [sflag:$0x1] =	stream.indirect.gather [hbm4b:s4+s20], $0x80, s2, s20, $0xb8;
	[tilespmem:$0x1E400] =	vst v63  }
0x9f: {  	_ =	swait.ge [sflag:s28], $0x4000  }
0xa0: {  	[sflag:s28] =	ssyncset.done $0x0  }
0xa1: {  	s0 =	sadd.s32 $0x180, s0;
	[sflag:s28] =	ssyncadd.s32 $0xFFFFC000  }
0xa2: {  	[tilespmem:s21], [sflag:$0x2] =	stream.indirect.gather [hbm4b:s4+s20], $0x80, s0, s20, $0xb8;
	[tilespmem:$0x1E400] =	vst v63  }
0xa3: {  	_ =	swait.ge [sflag:s22], $0x4000  }
0xa4: {  	[sflag:s22] =	ssyncset.done $0x0  }
0xa5: {  	[sflag:s22] =	ssyncadd.s32 $0xFFFFC000  }
0xa6: {  	[spmem:s1] =	stream.indirect.scatter.add.f32 [tilespmem:s17], [sflag:$0x3], $0x80, s29, s20, $0xb8;
	[tilespmem:$0x1E400] =	vst v63  }
0xa7: {  	_ =	swait.ge [sflag:s23], $0x4000  }
0xa8: {  	[sflag:s23] =	ssyncset.done $0x0  }
0xa9: {  	[sflag:s23] =	ssyncadd.s32 $0xFFFFC000  }
0xaa: {  	[spmem:s1] =	stream.indirect.scatter.add.f32 [tilespmem:s21], [sflag:$0x4], $0x80, s30, s20, $0xb8;
	[tilespmem:$0x1E400] =	vst v63  }
0xab: {  	_ =	swait.ge [sflag:s26], $0x4000  }
0xac: {  	[sflag:s26] =	ssyncset.done $0x0  }
0xad: {  	[sflag:s26] =	ssyncadd.s32 $0xFFFFC000  }
0xae: {  	_ =	swait.ge [sflag:s28], $0x4000  }
0xaf: {  	s31 =	stileid.u32;
	[sflag:s28] =	ssyncset.done $0x0  }
0xb0: {  	s0 =	sshll.u32 s31, $0x6;
	[sflag:s28] =	ssyncadd.s32 $0xFFFFC000  }
0xb1: {  	s0 =	sor.u32 $0x1C05, s0;
	[bflag:$0x0] =	sbarrier.arrive $0xFFFF  }
0xb2: {  	[hbm:s14], [sflag:s0] =	dma.local [spmem:s24], $0x2700  }
0xb3: {  	_ =	swait.ge [sflag:s18], $0x2700  }
0xb4: {  	s3 =	sadd.s32 $0x1, s3;
	[sflag:s18] =	ssyncset.done $0x0  }
0xb5: {  	p1 =	sne.s32 s3, s16;
	[sflag:s18] =	ssyncadd.s32 $0xFFFFD900  }
0xb6: {  	[hbm:s15], [sflag:s0] =	dma.local @!p0 [spmem:s25], $0x100  }
.Ltmp3:
0xb7: {  	_ = 	snop;
	(pc) =	sbr.rel @p1 .LBB2_1-.Ltmp3, $4  }
0xb8: {  	s0 =	simm.s32 @!p0 $0x5  }
0xb9: {  	_ =	swait.ge @!p0 [sflag:s0], $0x100  }
0xba: {  	[sflag:s0] =	ssyncset.done @!p0 $0x0  }
0xbb: {  	[sflag:s0] =	ssyncadd.s32 @!p0 $0xFFFFFF00  }
0xbc: {  	_ =	sfence.sel $0x180000  }
0xbd: {  	[bflag:$0x0] =	sbarrier.arrive $0xFFFF  }
0xbe: {  	_ =	strace $0x90000053  }
0xbf: {  	s0 =	stileid.u32;
	[bflag:$0x2] =	sbarrier.arrive $0xFFFF  }
0xc0: {  	p0 =	sne.s32 s0, $0x0;
	s0 =	rddreg [dreg:$0x3]  }
0xc1: {  	s0 =	sadd.s32 @!p0 $0x100000, s0  }
0xc2: {  	[sflag:s0] =	ssyncadd.tile.s32 @!p0 $0x1;
	_ =	shalt  }
.Lfunc_end2:
_tile_overlayer_lowered:
.L_overlay_start_2:
0xc3: {  	(tag) =	ssettag $0x2  }
0xc4: {  	s0 =	rddreg [dreg:$0x0];
	s2 =	stileid.u32  }
0xc5: {  	s1 =	rddreg [dreg:$0x1];
	p0 =	sne.s32 s2, $0x0  }
0xc6: {  	s3 =	rddreg [dreg:$0x2];
	[bflag:$0x3] =	sbarrier.arrive $0xFFFF;
	s2 =	simm.s32 @!p0 $0x1C05  }
0xc7: {  	[timem:s3], [sflag:s2] =	dma.local @!p0 [hbm:s0], s1  }
0xc8: {  	s0 =	simm.s32 @!p0 $0x5  }
0xc9: {  	_ =	swait.ge @!p0 [sflag:s0], s1  }
0xca: {  	s1 =	ssub.s32 @!p0 $0x0, s1;
	[sflag:s0] =	ssyncset.done @!p0 $0x0  }
0xcb: {  	[sflag:s0] =	ssyncadd.s32 @!p0 s1  }
0xcc: {  	[bflag:$0x3] =	sbarrier.arrive $0xFFFF  }
0xcd: {  	_ =	shalt  }

// kernel: kernel.20.cloned.1.call-start
scs
__scs_entry_jumppad:
0x0: {  	(pc) =	sbr.rel $0x88, $3  }
0x1: {  	(tag) =	ssettag $0x0;
	lr =	simm.s32 $0x1  }
0x2: {  	[smem:$0x3F99] =	sst lr;
	_ =	strace $0xD0000000  }
0x3: {  	_ = 	snop  }
0x4: {  	_ = 	snop  }
0x5: {  	_ = 	snop  }
0x6: {  	_ = 	snop  }
0x7: {  	_ = 	snop  }
__scs_overlays_trampoline_lowered:
0x8: {  	[smem:$0x3FA8] =	sst s0  }
0x9: {  	[smem:$0x3FA9] =	sst s1  }
0xa: {  	[smem:$0x3FAA] =	sst s2  }
0xb: {  	[smem:$0x3FAB] =	sst s3  }
0xc: {  	[smem:$0x3FAC] =	sst s4  }
0xd: {  	[smem:$0x3FAD] =	sst s5  }
0xe: {  	[smem:$0x3FAE] =	sst s6  }
0xf: {  	[smem:$0x3FAF] =	sst s7  }
0x10: {  	[smem:$0x3FB0] =	sst s8  }
0x11: {  	[smem:$0x3FB1] =	sst s9;
	s0 =	simm.s32 @!p0 $0x0  }
0x12: {  	s1 =	sld [smem:$0x3F97];
	s0 =	simm.s32 @p0 $0x1  }
0x13: {  	[smem:$0x3FB2] =	sst s0;
	s0 =	simm.s32 @!p1 $0x0  }
0x14: {  	s2 =	sld [smem:$0x3F96];
	s0 =	simm.s32 @p1 $0x1  }
0x15: {  	[smem:$0x3FB3] =	sst s0;
	s0 =	simm.s32 @!p2 $0x0  }
0x16: {  	s3 =	sld [smem:$0x3FDB];
	s0 =	simm.s32 @p2 $0x1  }
0x17: {  	s4 =	simm.s32 $0x1BF5;
	[smem:$0x3FB5] =	sst s0  }
0x18: {  	s0 =	sld [smem:$0x3F98];
	_ =	swait.ge [sflag:s4], $0x0  }
0x19: {  	s7 =	sld [smem:$0x3F99]  }
0x1a: {  	s8 =	sadd.s32 $0xFFFFE003, lr  }
0x1b: {  	s9 =	sadd.s32 $0xFFFFFEF7, lr;
	s5 =	simm.s32 $0xFFFFFFFF;
	p2 =	slt.u32 s8, $0xFFFFF086  }
0x1c: {  	p1 =	slt.u32 s9, $0xF7A;
	s5 =	simm.s32 @!p2 $0x0  }
0x1d: {  	s5 =	simm.s32 @p1 $0x1;
	p0 =	seq.s32 s7, s2  }
0x1e: {  	s7 =	smul.u32 @!p0 $0xF7A, s2;
	p2 =	seq.s32 @!p0 s5, $0x0  }
0x1f: {  	s9 =	smul.u32 $0xF7A, s1;
	s8 =	simm.s32 @!p0 $0x1BF5;
	p2 =	por !p2, p0  }
0x20: {  	[sflag:s8] =	ssyncset.s32 @!p0 $0xFFFFF086;
	s6 =	sadd.s32 @!p0 s3, s7;
	s7 =	simm.s32 @!p0 $0x108  }
0x21: {  	s3 =	sadd.s32 s3, s9;
	s6 =	sadd.s32 @!p0 $0x88, s6;
	s7 =	simm.s32 @p2 $0x1082  }
0x22: {  	[simem:s7], [sflag:s8] =	dma.local @!p0 [hbm:s6], $0xF7A  }
0x23: {  	s9 =	sor.u32 $0xD0000000, s2;
	s6 =	simm.s32 $0x108;
	_ =	swait.ge @!p0 [sflag:s8], $0x0  }
0x24: {  	s3 =	sadd.s32 $0x88, s3;
	s6 =	simm.s32 @!p1 $0x1082;
	[sflag:s4] =	ssyncset.s32 $0xFFFFF086  }
0x25: {  	[simem:s6], [sflag:s4] =	dma.local [hbm:s3], $0xF7A  }
0x26: {  	[smem:$0x3F99] =	sst s1;
	(tag) =	ssettag s2;
	_ =	strace s9  }
0x27: {  	s1 =	sld [smem:$0x3FA9]  }
0x28: {  	s2 =	sld [smem:$0x3FAA]  }
0x29: {  	s4 =	sld [smem:$0x3FAC]  }
0x2a: {  	p0 =	seq.s32 s5, $0x0;
	s5 =	sld [smem:$0x3FAD]  }
0x2b: {  	s6 =	sld [smem:$0x3FAE]  }
0x2c: {  	s7 =	sld [smem:$0x3FAF]  }
0x2d: {  	s3 =	simm.s32 $0x108;
	s8 =	sld [smem:$0x3FB0]  }
0x2e: {  	s3 =	simm.s32 @!p0 $0x1082;
	s9 =	sld [smem:$0x3FB1]  }
0x2f: {  	lr =	sadd.s32 s0, s3;
	s0 =	sld [smem:$0x3FA8]  }
0x30: {  	s3 =	sld [smem:$0x3FAB]  }
0x31: {  	[smem:$0x3FB4] =	sst s10  }
0x32: {  	s10 =	sld [smem:$0x3FB2];
	_ =	sdelay $0x3  }
0x33: {  	p0 =	seq.s32 s10, $0x1;
	s10 =	sld [smem:$0x3FB4];
	_ =	sdelay $0x3  }
0x34: {  	[smem:$0x3FB4] =	sst s10  }
0x35: {  	s10 =	sld [smem:$0x3FB3];
	_ =	sdelay $0x3  }
0x36: {  	p1 =	seq.s32 s10, $0x1;
	s10 =	sld [smem:$0x3FB4];
	_ =	sdelay $0x3  }
0x37: {  	[smem:$0x3FB4] =	sst s10  }
0x38: {  	s10 =	sld [smem:$0x3FB5]  }
0x39: {  	_ = 	snop;
	(pc) =	sbr.ind lr, $3  }
0x3a: {  	_ = 	snop  }
0x3b: {  	_ = 	snop  }
0x3c: {  	p2 =	seq.s32 s10, $0x1;
	s10 =	sld [smem:$0x3FB4]  }
0x3d: {  	_ =	shalt  }
0x3e: {  	_ =	shalt  }
0x3f: {  	_ =	shalt  }
0x40: {  	_ =	shalt  }
0x41: {  	_ =	shalt  }
0x42: {  	_ =	shalt  }
0x43: {  	_ =	shalt  }
0x44: {  	_ =	shalt  }
0x45: {  	_ =	shalt  }
0x46: {  	_ =	shalt  }
0x47: {  	_ =	shalt  }
0x48: {  	_ =	shalt  }
0x49: {  	_ =	shalt  }
0x4a: {  	_ =	shalt  }
0x4b: {  	_ =	shalt  }
0x4c: {  	_ =	shalt  }
0x4d: {  	_ =	shalt  }
0x4e: {  	_ =	shalt  }
0x4f: {  	_ =	shalt  }
0x50: {  	_ =	shalt  }
0x51: {  	_ =	shalt  }
0x52: {  	_ =	shalt  }
0x53: {  	_ =	shalt  }
0x54: {  	_ =	shalt  }
0x55: {  	_ =	shalt  }
0x56: {  	_ =	shalt  }
0x57: {  	_ =	shalt  }
0x58: {  	_ =	shalt  }
0x59: {  	_ =	shalt  }
0x5a: {  	_ =	shalt  }
0x5b: {  	_ =	shalt  }
0x5c: {  	_ =	shalt  }
0x5d: {  	_ =	shalt  }
0x5e: {  	_ =	shalt  }
0x5f: {  	_ =	shalt  }
0x60: {  	_ =	shalt  }
0x61: {  	_ =	shalt  }
0x62: {  	_ =	shalt  }
0x63: {  	_ =	shalt  }
0x64: {  	_ =	shalt  }
0x65: {  	_ =	shalt  }
0x66: {  	_ =	shalt  }
0x67: {  	_ =	shalt  }
0x68: {  	_ =	shalt  }
0x69: {  	_ =	shalt  }
0x6a: {  	_ =	shalt  }
0x6b: {  	_ =	shalt  }
0x6c: {  	_ =	shalt  }
0x6d: {  	_ =	shalt  }
0x6e: {  	_ =	shalt  }
0x6f: {  	_ =	shalt  }
0x70: {  	_ =	shalt  }
0x71: {  	_ =	shalt  }
0x72: {  	_ =	shalt  }
0x73: {  	_ =	shalt  }
0x74: {  	_ =	shalt  }
0x75: {  	_ =	shalt  }
0x76: {  	_ =	shalt  }
0x77: {  	_ =	shalt  }
0x78: {  	_ =	shalt  }
0x79: {  	_ =	shalt  }
0x7a: {  	_ =	shalt  }
0x7b: {  	_ =	shalt  }
0x7c: {  	_ =	shalt  }
0x7d: {  	_ =	shalt  }
0x7e: {  	_ =	shalt  }
0x7f: {  	_ =	shalt  }
0x80: {  	_ =	shalt  }
0x81: {  	_ =	shalt  }
0x82: {  	_ =	shalt  }
0x83: {  	_ =	shalt  }
0x84: {  	_ =	shalt  }
0x85: {  	_ =	shalt  }
0x86: {  	_ =	shalt  }
0x87: {  	_ =	shalt  }
.Lfunc_end0:
.L_simem_size_0:
called_computation.5_lowered:
.L_overlay_start_0:
0x88: {  	s2 =	sld [smem:$0x3FD9]  }
0x89: {  	s3 =	sld [smem:$0x3FFE];
	_ =	sdelay $0x1  }
0x8a: {  	s1 =	srdreg.scid  }
0x8b: {  	s0 =	sand.u32 $0x1, s1  }
0x8c: {  	s16 =	sshll.u32 s0, $0xA;
	s2 =	sadd.s32 s3, s2  }
0x8d: {  	s2 =	sadd.s32 s2, s16  }
0x8e: {  	[smem:$0x3FC0] =	sst s2  }
0x8f: {  	_ = 	snop  }
0x90: {  	(tm) =	ssettm $0x1  }
0x91: {  	s17 =	sld [smem:$0x3FFB];
	_ =	sdelay $0x3  }
0x92: {  	_ =	strace s17  }
0x93: {  	s2 =	sld [smem:$0x3FFC];
	_ =	sdelay $0x3  }
0x94: {  	_ =	strace s2  }
0x95: {  	s2 =	sld [smem:$0x3FFD];
	_ =	sdelay $0x3  }
0x96: {  	_ =	strace s2  }
0x97: {  	_ =	strace $0x8FFFFFFF  }
0x98: {  	s18 =	sld [smem:$0x3FDB];
	_ =	sdelay $0x1  }
0x99: {  	s19 =	simm.s32 $_scs_section_size  }
0x9a: {  	s4 =	simm.s32 $_size__tile_overlayer_lowered;
	s5 =	simm.s32 $_tile_overlayer_lowered  }
0x9b: {  	s22 =	simm.s32 $0x1BFF;
	s21 =	sshll.u32 s5, $0x1;
	s2 =	sadd.s32 s19, s18  }
0x9c: {  	s6 =	simm.s32 $0x0;
	s20 =	sshll.u32 s4, $0x1;
	s4 =	sadd.s32 s21, s2  }
0x9d: {  	[timem:s6], [sflag:s22] =	dma.local [hbm:s4], s20  }
0x9e: {  	_ =	swait.ge [sflag:s22], s20  }
0x9f: {  	s3 =	ssub.s32 $0x0, s20;
	[sflag:s22] =	ssyncset.done $0x0  }
0xa0: {  	[sflag:s22] =	ssyncadd.s32 s3;
	_ =	sdelay $0x1  }
0xa1: {  	s23 =	simm.s32 $0x1B8B  }
0xa2: {  	_ =	swait.ge [sflag:s23], $0x1  }
0xa3: {  	[sflag:s23] =	ssyncset.done $0x0  }
0xa4: {  	s25 =	simm.s32 $0x1B8E;
	s24 =	sld [smem:$0x3FFE];
	[sflag:s23] =	ssyncadd.s32 $0xFFFFFFFF  }
0xa5: {  	s26 =	simm.s32 $execute0_lowered;
	[smem:$0x3FD2] =	sst s25  }
0xa6: {  	s4 =	sshll.u32 s26, $0x1;
	_ =	strace $0x80000055;
	[dreg:$0x1] =	wrdreg $0xFFFFFFFF  }
0xa7: {  	s28 =	simm.s32 $_size_execute0_lowered;
	s2 =	sadd.s32 s2, s4;
	[dreg:$0x0] =	wrdreg $0x0  }
0xa8: {  	s4 =	sshll.u32 s28, $0x1;
	[dreg:$0x2] =	wrdreg s2  }
0xa9: {  	[dreg:$0x3] =	wrdreg s4  }
0xaa: {  	[dreg:$0x4] =	wrdreg $0xC0  }
0xab: {  	_ =	task [dreg:s6], $0x5FFFF  }
0xac: {  	[dreg:$0x1] =	wrdreg $0xFFFFFFFF  }
0xad: {  	[dreg:$0x0] =	wrdreg $0x60  }
0xae: {  	[dreg:$0x2] =	wrdreg s24  }
0xaf: {  	[dreg:$0x3] =	wrdreg $0xA8000  }
0xb0: {  	[dreg:$0x4] =	wrdreg $0x9  }
0xb1: {  	_ =	task.clear_ibuf [dreg:s6], $0x5FFFF;
	_ =	strace $0x90000055  }
0xb2: {  	s29 =	simm.s32 $0x9;
	_ =	strace $0x80000057  }
0xb3: {  	_ =	swait.ge [sflag:s29], $0x1  }
0xb4: {  	[sflag:s29] =	ssyncadd.s32 $0xFFFFFFFF  }
0xb5: {  	_ =	strace $0x90000057  }
0xb6: {  	_ =	sfence  }
0xb7: {  	s30 =	sld [smem:$0x0];
	_ =	sdelay $0x2  }
0xb8: {  	s31 =	sshll.u32 s1, $0xD;
	s1 =	sshrl.u32 s1, $0x2  }
0xb9: {  	s3 =	sand.u32 $0x4000, s31;
	s1 =	sadd.s32 s1, s30  }
0xba: {  	s0 =	sor.u32 s3, s0;
	s1 =	sshll.u32 s1, $0x11  }
0xbb: {  	s0 =	sor.u32 s1, s0  }
0xbc: {  	s0 =	sadd.s32 $0x8F2B, s0  }
0xbd: {  	[sflag:s0] =	ssyncadd.remote.s32 $0x1  }
0xbe: {  	_ =	sfence.sel $0xFFFF  }
0xbf: {  	[dreg:$0x0] =	wrdreg $0xFFFFFFFF;
	(pc) =	sbr.abs _section_cstart, $3  }
0xc0: {  	[dreg:$0x1] =	wrdreg $0xFFFFFFFF  }
0xc1: {  	_ =	task.clear_ibuf [dreg:s6], $0x2FFFF;
	_ =	strace $0x9FFFFFFF  }
0xc2: {  	(tm) =	ssettm $0x7FFFFFFF  }
0xc3: {  	_ =	shalt  }
tec
execute0_lowered:
.L_overlay_start_1:
0x0: {  	(tag) =	ssettag $0x1  }
0x1: {  	s5 =	rddreg [dreg:$0x0]  }
0x2: {  	s0 =	srdreg.scid;
	s2 =	rddreg [dreg:$0x1]  }
0x3: {  	s3 =	simm.s32 $0x0;
	s18 =	simm.s32 $0x80;
	s19 =	simm.s32 $0x6800  }
0x4: {  	s20 =	simm.s32 $0x1;
	s21 =	simm.s32 $0x2;
	s22 =	simm.s32 $0x3  }
0x5: {  	s23 =	simm.s32 $0x4;
	s9 =	sand.u32 $0x1, s0;
	s0 =	stileid.u32  }
0x6: {  	s28 =	simm.s32 $0x2780;
	s29 =	simm.s32 $0x0;
	s8 =	smul.u32 $0x4F000, s0  }
0x7: {  	[smem:$0x7FF] =	sst s3;
	s13 =	sadd.s32 $0x39C00, s5;
	s12 =	smul.u32 $0x4E000, s0  }
0x8: {  	s25 =	sadd.s32 $0x138000, s2;
	s1 =	sshll.u32 s9, $0x4;
	s15 =	smul.u32 $0x27100, s9  }
0x9: {  	_ =	strace $0x80000056;
	s6 =	ssub.s32 $0x2, s9;
	s16 =	smul.u32 $0x2700, s0  }
0xa: {  	s17 =	smul.u32 $0x138800, s9;
	p0 =	sne.s32 s0, $0xF;
	s4 =	sor.u32 s0, s1  }
0xb: {  	s26 =	sshrl.u32 s6, $0x1;
	s25 =	sshrl.u32 @!p0 s25, $0x3;
	s4 =	smul.u32 $0x280, s4  }
0xc: {  	s14 =	ssub.s32 s6, s26;
	s30 =	sshrl.u32 s8, $0x2;
	s12 =	sshrl.u32 s12, $0x2  }
0xd: {  	s15 =	sadd.s32 s16, s15;
	s31 =	sshrl.u32 s17, $0x3;
	s16 =	simm.s32 $0x1400  }
0xe: {  	s17 =	simm.s32 $0x2800;
	s26 =	simm.s32 $0x2700;
	s6 =	sadd.s32 s30, s2  }
0xf: {  	s24 =	sadd.s32 s12, s2;
	s12 =	sadd.s32 s13, s15;
	s13 =	sadd.s32 s13, s31  }
0x10: {  	s14 =	smax.u32 s14, $0x1;
	s15 =	simm.s32 $0x5;
	s7 =	sadd.s32 s4, s5  }
0x11: {  	s4 =	sadd.s32 $0x12A00, s5;
	s8 =	sadd.s32 $0x4000, s6;
	s9 =	sadd.s32 $0x8000, s6  }
0x12: {  	s10 =	sadd.s32 $0xC000, s6;
	s11 =	sadd.s32 $0x10000, s6;
	s13 =	sadd.s32 $0x27000, s13  }
0x13: {  	v0 =	vimm.f32 $0.0e+00;
	s24 =	sshrl.u32 s24, $0x3;
	s5 =	sadd.s32 $0xDA00, s7;
	s7 =	sadd.s32 $0x8A00, s7  }
.LBB2_1:
0x14: {  	[tilespmem:s3], [sflag:$0x5] =	stream.linear.gather [hbm4b:s5+s3], $0x1400, $0x38;
	[tilespmem:$0x1E400] =	vst v63  }
0x15: {  	_ =	swait.ge [sflag:s15], $0x1400  }
0x16: {  	[sflag:s15] =	ssyncset.done $0x0  }
0x17: {  	[sflag:s15] =	ssyncadd.s32 $0xFFFFEC00  }
0x18: {  	[tilespmem:s16], [sflag:$0x5] =	stream.linear.gather [hbm4b:s7+s3], $0x1400, $0x38;
	[tilespmem:$0x1E400] =	vst v63  }
0x19: {  	_ =	swait.ge [sflag:s15], $0x1400  }
0x1a: {  	[sflag:s15] =	ssyncset.done $0x0  }
0x1b: {  	s30 =	simm.s32 $0x0;
	s31 =	simm.s32 $0x200;
	[sflag:s15] =	ssyncadd.s32 $0xFFFFEC00  }
.LBB2_2:
0x1c: {  	p1 =	sne.s32 s31, $0xFE00;
	[tilespmem:s30+$0x2870] =	vst v0  }
0x1d: {  	[tilespmem:s30+$0x2800] =	vst v0  }
0x1e: {  	[tilespmem:s30+$0x2810] =	vst v0  }
.Ltmp0:
0x1f: {  	[tilespmem:s30+$0x2820] =	vst v0;
	(pc) =	sbr.rel @p1 .LBB2_2-.Ltmp0, $4  }
0x20: {  	[tilespmem:s30+$0x2830] =	vst v0  }
0x21: {  	[tilespmem:s30+$0x2840] =	vst v0  }
0x22: {  	[tilespmem:s30+$0x2850] =	vst v0  }
0x23: {  	[tilespmem:s30+$0x2860] =	vst v0;
	s30 =	sshra.s32 s31, $0x2;
	s31 =	sadd.s32 $0x200, s31  }
0x24: {  	[tilespmem:s30+$0x2870] =	vst v0  }
0x25: {  	[tilespmem:s30+$0x2800] =	vst v0  }
0x26: {  	[tilespmem:s30+$0x2810] =	vst v0  }
0x27: {  	[tilespmem:s30+$0x2820] =	vst v0  }
0x28: {  	[tilespmem:s30+$0x2830] =	vst v0  }
0x29: {  	[tilespmem:s30+$0x2840] =	vst v0  }
0x2a: {  	[tilespmem:s30+$0x2850] =	vst v0  }
0x2b: {  	[tilespmem:s30+$0x2860] =	vst v0  }
0x2c: {  	[spmem:s6] =	stream.linear.scatter [tilespmem:s17], [sflag:$0x5], $0x4000, $0x38;
	[tilespmem:$0x1E400] =	vst v63  }
0x2d: {  	_ =	swait.ge [sflag:s15], $0x4000  }
0x2e: {  	[sflag:s15] =	ssyncset.done $0x0  }
0x2f: {  	[sflag:s15] =	ssyncadd.s32 $0xFFFFC000  }
0x30: {  	[spmem:s8] =	stream.linear.scatter [tilespmem:s17], [sflag:$0x5], $0x4000, $0x38;
	[tilespmem:$0x1E400] =	vst v63  }
0x31: {  	_ =	swait.ge [sflag:s15], $0x4000  }
0x32: {  	[sflag:s15] =	ssyncset.done $0x0  }
0x33: {  	[sflag:s15] =	ssyncadd.s32 $0xFFFFC000  }
0x34: {  	[spmem:s9] =	stream.linear.scatter [tilespmem:s17], [sflag:$0x5], $0x4000, $0x38;
	[tilespmem:$0x1E400] =	vst v63  }
0x35: {  	_ =	swait.ge [sflag:s15], $0x4000  }
0x36: {  	[sflag:s15] =	ssyncset.done $0x0  }
0x37: {  	[sflag:s15] =	ssyncadd.s32 $0xFFFFC000  }
0x38: {  	[spmem:s10] =	stream.linear.scatter [tilespmem:s17], [sflag:$0x5], $0x4000, $0x38;
	[tilespmem:$0x1E400] =	vst v63  }
0x39: {  	_ =	swait.ge [sflag:s15], $0x4000  }
0x3a: {  	[sflag:s15] =	ssyncset.done $0x0  }
0x3b: {  	[sflag:s15] =	ssyncadd.s32 $0xFFFFC000  }
0x3c: {  	[spmem:s11] =	stream.linear.scatter [tilespmem:s17], [sflag:$0x5], $0x3C00, $0x38;
	[tilespmem:$0x1E400] =	vst v63  }
0x3d: {  	_ =	swait.ge [sflag:s15], $0x3C00  }
0x3e: {  	[sflag:s15] =	ssyncset.done $0x0  }
0x3f: {  	[sflag:s15] =	ssyncadd.s32 $0xFFFFC400  }
0x40: {  	s30 =	simm.s32 $0x0;
	[bflag:$0x0] =	sbarrier.arrive $0xFFFF  }
0x41: {  	[tilespmem:s17], [sflag:$0x1] =	stream.indirect.gather [hbm4b:s4+s18], $0x80, s30, s18, $0xb8;
	[tilespmem:$0x1E400] =	vst v63  }
0x42: {  	_ = 	snop  }
0x43: {  	[tilespmem:s19], [sflag:$0x2] =	stream.indirect.gather [hbm4b:s4+s18], $0x80, s18, s18, $0xb8;
	[tilespmem:$0x1E400] =	vst v63  }
0x44: {  	_ =	swait.ge [sflag:s20], $0x4000  }
0x45: {  	[sflag:s20] =	ssyncset.done $0x0  }
0x46: {  	s30 =	simm.s32 $0x1400;
	[sflag:s20] =	ssyncadd.s32 $0xFFFFC000  }
0x47: {  	[spmem:s2] =	stream.indirect.scatter.add.f32 [tilespmem:s17], [sflag:$0x3], $0x80, s30, s18, $0xb8;
	[tilespmem:$0x1E400] =	vst v63  }
0x48: {  	_ =	swait.ge [sflag:s21], $0x4000  }
0x49: {  	[sflag:s21] =	ssyncset.done $0x0  }
0x4a: {  	s30 =	simm.s32 $0x1480;
	[sflag:s21] =	ssyncadd.s32 $0xFFFFC000  }
0x4b: {  	[spmem:s2] =	stream.indirect.scatter.add.f32 [tilespmem:s19], [sflag:$0x4], $0x80, s30, s18, $0xb8;
	[tilespmem:$0x1E400] =	vst v63  }
0x4c: {  	_ =	swait.ge [sflag:s22], $0x4000  }
0x4d: {  	[sflag:s22] =	ssyncset.done $0x0  }
0x4e: {  	s30 =	simm.s32 $0x100;
	[sflag:s22] =	ssyncadd.s32 $0xFFFFC000  }
0x4f: {  	[tilespmem:s17], [sflag:$0x1] =	stream.indirect.gather [hbm4b:s4+s18], $0x80, s30, s18, $0xb8;
	[tilespmem:$0x1E400] =	vst v63  }
0x50: {  	_ =	swait.ge [sflag:s23], $0x4000  }
0x51: {  	[sflag:s23] =	ssyncset.done $0x0  }
0x52: {  	s31 =	simm.s32 $0x180;
	s30 =	simm.s32 $0x400;
	[sflag:s23] =	ssyncadd.s32 $0xFFFFC000  }
.LBB2_4:
0x53: {  	[tilespmem:s19], [sflag:$0x2] =	stream.indirect.gather [hbm4b:s4+s18], $0x80, s31, s18, $0xb8;
	[tilespmem:$0x1E400] =	vst v63  }
0x54: {  	s31 =	smov.u32 s30  }
0x55: {  	p1 =	sne.s32 s30, $0x4800;
	s30 =	sadd.s32 $0x400, s30;
	_ =	swait.ge [sflag:s20], $0x4000  }
0x56: {  	s31 =	sshra.s32 s31, $0x2;
	[sflag:s20] =	ssyncset.done $0x0  }
0x57: {  	s1 =	sadd.s32 $0x1400, s31;
	[sflag:s20] =	ssyncadd.s32 $0xFFFFC000  }
0x58: {  	[spmem:s2] =	stream.indirect.scatter.add.f32 [tilespmem:s17], [sflag:$0x3], $0x80, s1, s18, $0xb8;
	[tilespmem:$0x1E400] =	vst v63  }
0x59: {  	_ =	swait.ge [sflag:s21], $0x4000  }
0x5a: {  	[sflag:s21] =	ssyncset.done $0x0  }
0x5b: {  	s1 =	sadd.s32 $0x1480, s31;
	[sflag:s21] =	ssyncadd.s32 $0xFFFFC000  }
0x5c: {  	[spmem:s2] =	stream.indirect.scatter.add.f32 [tilespmem:s19], [sflag:$0x4], $0x80, s1, s18, $0xb8;
	[tilespmem:$0x1E400] =	vst v63  }
0x5d: {  	_ =	swait.ge [sflag:s22], $0x4000  }
0x5e: {  	[sflag:s22] =	ssyncset.done $0x0  }
.Ltmp1:
0x5f: {  	s1 =	sadd.s32 $0x100, s31;
	[sflag:s22] =	ssyncadd.s32 $0xFFFFC000;
	(pc) =	sbr.rel @p1 .LBB2_4-.Ltmp1, $4  }
0x60: {  	[tilespmem:s17], [sflag:$0x1] =	stream.indirect.gather [hbm4b:s4+s18], $0x80, s1, s18, $0xb8;
	[tilespmem:$0x1E400] =	vst v63  }
0x61: {  	_ =	swait.ge [sflag:s23], $0x4000  }
0x62: {  	[sflag:s23] =	ssyncset.done $0x0  }
0x63: {  	s31 =	sadd.s32 $0x180, s31;
	[sflag:s23] =	ssyncadd.s32 $0xFFFFC000  }
0x64: {  	[tilespmem:s19], [sflag:$0x2] =	stream.indirect.gather [hbm4b:s4+s18], $0x80, s31, s18, $0xb8;
	[tilespmem:$0x1E400] =	vst v63  }
0x65: {  	_ =	swait.ge [sflag:s20], $0x4000  }
0x66: {  	[sflag:s20] =	ssyncset.done $0x0  }
0x67: {  	[sflag:s20] =	ssyncadd.s32 $0xFFFFC000  }
0x68: {  	[spmem:s2] =	stream.indirect.scatter.add.f32 [tilespmem:s17], [sflag:$0x3], $0x80, s26, s18, $0xb8;
	[tilespmem:$0x1E400] =	vst v63  }
0x69: {  	_ =	swait.ge [sflag:s21], $0x4000  }
0x6a: {  	[sflag:s21] =	ssyncset.done $0x0  }
0x6b: {  	[sflag:s21] =	ssyncadd.s32 $0xFFFFC000  }
0x6c: {  	[spmem:s2] =	stream.indirect.scatter.add.f32 [tilespmem:s19], [sflag:$0x4], $0x80, s28, s18, $0xb8;
	[tilespmem:$0x1E400] =	vst v63  }
0x6d: {  	_ =	swait.ge [sflag:s22], $0x4000  }
0x6e: {  	[sflag:s22] =	ssyncset.done $0x0  }
0x6f: {  	[sflag:s22] =	ssyncadd.s32 $0xFFFFC000  }
0x70: {  	_ =	swait.ge [sflag:s23], $0x4000  }
0x71: {  	[sflag:s23] =	ssyncset.done $0x0  }
0x72: {  	s1 =	sshll.u32 s0, $0x6;
	[sflag:s23] =	ssyncadd.s32 $0xFFFFC000  }
0x73: {  	s1 =	sor.u32 $0x1C05, s1;
	[bflag:$0x0] =	sbarrier.arrive $0xFFFF  }
0x74: {  	[hbm:s12], [sflag:s1] =	dma.local [spmem:s24], $0x2700  }
0x75: {  	_ =	swait.ge [sflag:s15], $0x2700  }
0x76: {  	s29 =	sadd.s32 $0x1, s29;
	[sflag:s15] =	ssyncset.done $0x0  }
0x77: {  	p1 =	sne.s32 s29, s14;
	[sflag:s15] =	ssyncadd.s32 $0xFFFFD900  }
0x78: {  	[hbm:s13], [sflag:s1] =	dma.local @!p0 [spmem:s25], $0x100  }
.Ltmp2:
0x79: {  	_ = 	snop;
	(pc) =	sbr.rel @p1 .LBB2_1-.Ltmp2, $4  }
0x7a: {  	s1 =	simm.s32 @!p0 $0x5  }
0x7b: {  	_ =	swait.ge @!p0 [sflag:s1], $0x100  }
0x7c: {  	[sflag:s1] =	ssyncset.done @!p0 $0x0  }
0x7d: {  	[sflag:s1] =	ssyncadd.s32 @!p0 $0xFFFFFF00  }
0x7e: {  	_ =	sfence.sel $0x180000  }
0x7f: {  	[bflag:$0x0] =	sbarrier.arrive $0xFFFF  }
0x80: {  	_ =	strace $0x90000056  }
0x81: {  	[bflag:$0x2] =	sbarrier.arrive $0xFFFF  }
0x82: {  	p0 =	sne.s32 s0, $0x0;
	s0 =	rddreg [dreg:$0x2]  }
0x83: {  	s0 =	sadd.s32 @!p0 $0x100000, s0  }
0x84: {  	[sflag:s0] =	ssyncadd.tile.s32 @!p0 $0x1;
	_ =	shalt  }
.Lfunc_end2:
_tile_overlayer_lowered:
.L_overlay_start_2:
0x85: {  	(tag) =	ssettag $0x2  }
0x86: {  	s0 =	rddreg [dreg:$0x0];
	s2 =	stileid.u32  }
0x87: {  	s1 =	rddreg [dreg:$0x1];
	p0 =	sne.s32 s2, $0x0  }
0x88: {  	s3 =	rddreg [dreg:$0x2];
	[bflag:$0x3] =	sbarrier.arrive $0xFFFF;
	s2 =	simm.s32 @!p0 $0x1C05  }
0x89: {  	[timem:s3], [sflag:s2] =	dma.local @!p0 [hbm:s0], s1  }
0x8a: {  	s0 =	simm.s32 @!p0 $0x5  }
0x8b: {  	_ =	swait.ge @!p0 [sflag:s0], s1  }
0x8c: {  	s1 =	ssub.s32 @!p0 $0x0, s1;
	[sflag:s0] =	ssyncset.done @!p0 $0x0  }
0x8d: {  	[sflag:s0] =	ssyncadd.s32 @!p0 s1  }
0x8e: {  	[bflag:$0x3] =	sbarrier.arrive $0xFFFF  }
0x8f: {  	_ =	shalt  }

</sc_bundles>
